<compile_context>
chip_gen: v7x
topology: tpu7x:2x2x1
jax: 0.10.2.dev20260603
libtpu: 0.0.44.dev20260713+nightly
codegen_flags: <defaults>
</compile_context>

<pallas_src>
import functools

import jax
import jax.numpy as jnp
from jax import lax
from jax.experimental import pallas as pl
from jax.experimental.pallas import tpu as pltpu
from jax.experimental.pallas import tpu_sc as plsc

_ROWS = 128
_COLS = 32768
_K = 16384
_ROW_BLOCK = 32

_NC = 2
_NS = 16
_NW = _NC * _NS
_RPW = _ROWS // _NW
_NB1 = 1024
_NB2 = 64
_U = 8
_CAP1 = 4096
_CAP2 = 512


def _keys_body(z_ref, eps_ref, keys_ref):
    eps = jnp.clip(eps_ref[...], 1e-6, 1.0 - 1e-6)
    s = z_ref[...] - jnp.log(-jnp.log(eps))
    b = lax.bitcast_convert_type(s, jnp.int32)
    keys_ref[...] = b ^ ((b >> 31) & jnp.int32(0x7FFFFFFF))


def _tc_keys(z, eps):
    spec = pl.BlockSpec((_ROW_BLOCK, _COLS), lambda i: (i, 0))
    return pl.pallas_call(
        _keys_body,
        grid=(_ROWS // _ROW_BLOCK,),
        in_specs=[spec, spec],
        out_specs=spec,
        out_shape=jax.ShapeDtypeStruct((_ROWS, _COLS), jnp.int32),
    )(z, eps)


_mesh = plsc.VectorSubcoreMesh(core_axis_name="c", subcore_axis_name="s")


@functools.partial(
    pl.kernel,
    out_type=jax.ShapeDtypeStruct((_ROWS, _COLS), jnp.float32),
    mesh=_mesh,
    scratch_types=[
        pltpu.VMEM((_COLS,), jnp.int32),
        pltpu.VMEM((_COLS,), jnp.int32),
        pltpu.VMEM((_COLS,), jnp.float32),
        pltpu.VMEM((_NB1,), jnp.int32),
        pltpu.VMEM((_NB2,), jnp.int32),
        pltpu.VMEM((_CAP1,), jnp.int32),
        pltpu.VMEM((_CAP2,), jnp.int32),
        pltpu.SemaphoreType.DMA,
        pltpu.SemaphoreType.DMA,
    ],
    compiler_params=pltpu.CompilerParams(needs_layout_passes=False),
)
def _sc_select(keys_hbm, out_hbm, kv0, kv1, out_v, h1_v, h2_v, s1_v, s2_v,
               sem_in, sem_out):
    wid = lax.axis_index("s") * _NC + lax.axis_index("c")
    zeros16 = jnp.zeros((16,), jnp.int32)
    ones16 = jnp.ones((16,), jnp.int32)
    lanes = lax.iota(jnp.int32, 16)

    def scan_hist(h_ref, nb, kk):
        def sbody(i, carry):
            ge_acc, ab_acc, tot = carry
            c = (nb // 16 - 1) - i
            t16 = h_ref[pl.ds(c * 16, 16)]
            t_rev = lax.rev(t16, (0,))
            s_rev = plsc.cumsum(t_rev) + tot
            ge = s_rev >= kk
            ge_acc = ge_acc + ge.astype(jnp.int32)
            ab_acc = ab_acc + jnp.where(ge, 0, t_rev)
            tot = tot + jnp.sum(t16)
            return ge_acc, ab_acc, tot
        zv = jnp.zeros((16,), jnp.int32)
        ge_acc, ab_acc, _ = lax.fori_loop(
            0, nb // 16, sbody, (zv, zv, jnp.int32(0)))
        return jnp.sum(ge_acc) - 1, jnp.sum(ab_acc)

    def row_body(r, keys_v, out_ready):
        @plsc.parallel_loop(0, _NB1 // 16, unroll=4)
        def _pz(i):
            h1_v[pl.ds(i * 16, 16)] = zeros16
        for c in range(_NB2 // 16):
            h2_v[pl.ds(c * 16, 16)] = zeros16

        @plsc.parallel_loop(0, _COLS // 16, unroll=_U)
        def _p1(i):
            v = keys_v[pl.ds(i * 16, 16)]
            plsc.addupdate_scatter(h1_v, [(v >> 22) + 512], ones16)
        b1, ca1 = scan_hist(h1_v, _NB1, _K)
        k2 = _K - ca1

        @plsc.parallel_loop(0, _COLS // 16, unroll=_U,
                            carry=jnp.zeros((16,), jnp.int32))
        def _p2(i, off_vec):
            v = keys_v[pl.ds(i * 16, 16)]
            pred = ((v >> 22) + 512) == b1
            plsc.addupdate_scatter(h2_v, [(v >> 16) & 0x3F], ones16, mask=pred)
            pos = off_vec + plsc.cumsum(pred.astype(jnp.int32)) - 1
            pos = jnp.minimum(pos, _CAP1 - 1)
            plsc.store_scatter(s1_v, [pos], v, mask=pred)
            return off_vec + plsc.all_reduce_population_count(pred)
        n1 = jnp.minimum(jnp.max(_p2), _CAP1)
        b2, ca2 = scan_hist(h2_v, _NB2, k2)
        k3 = k2 - ca2
        t_hi = ((b1 - 512) << 6) | b2

        def pc(ci, off_vec):
            v = s1_v[pl.ds(ci * 16, 16)]
            pred = ((v >> 16) == t_hi) & ((ci * 16 + lanes) < n1)
            pos = off_vec + plsc.cumsum(pred.astype(jnp.int32)) - 1
            pos = jnp.minimum(pos, _CAP2 - 1)
            plsc.store_scatter(s2_v, [pos], v, mask=pred)
            return off_vec + plsc.all_reduce_population_count(pred)
        n2 = jnp.minimum(
            jnp.max(lax.fori_loop(0, (n1 + 15) // 16, pc,
                                  jnp.zeros((16,), jnp.int32))),
            _CAP2)
        nch2 = (n2 + 15) // 16

        def sb(i, tlo):
            cand_lo = tlo | (jnp.int32(1) << (15 - i))
            cand = (t_hi << 16) | cand_lo

            def cb(ci, acc):
                v = s2_v[pl.ds(ci * 16, 16)]
                valid = (ci * 16 + lanes) < n2
                return acc + jnp.where(valid & (v >= cand), 1, 0)
            cnt = jnp.sum(lax.fori_loop(0, nch2, cb, jnp.zeros((16,), jnp.int32)))
            return jnp.where(cnt >= k3, cand_lo, tlo)
        tlo = lax.fori_loop(0, 16, sb, jnp.int32(0))
        t = (t_hi << 16) | tlo

        if out_ready is not None:
            out_ready.wait()

        @plsc.parallel_loop(0, _COLS // 16, unroll=_U)
        def _pm(i):
            sl = pl.ds(i * 16, 16)
            out_v[sl] = jnp.where(keys_v[sl] >= t, 1.0, 0.0)
        return pltpu.async_copy(out_v, out_hbm.at[wid * _RPW + r], sem_out)

    kbufs = (kv0, kv1)
    inflight = pltpu.async_copy(keys_hbm.at[wid * _RPW], kbufs[0], sem_in)
    out_ready = None
    for r in range(_RPW):
        inflight.wait()
        if r + 1 < _RPW:
            nxt = pltpu.async_copy(
                keys_hbm.at[wid * _RPW + r + 1], kbufs[(r + 1) % 2], sem_in)
        out_ready = row_body(r, kbufs[r % 2], out_ready)
        if r + 1 < _RPW:
            inflight = nxt
    out_ready.wait()


@jax.jit
def kernel(step, z_loga, eps):
    del step
    keys = _tc_keys(z_loga, eps)
    return _sc_select(keys)

# --- scband reference (transcript-rebuilt; emitter-appended) ---
"""Pipeline reference for scband-mask-30683246362706 (READ-ONLY COPY).

The authoritative reference and input builder live on the scoring server;
editing this copy changes nothing except your own understanding.
"""

import jax, jax.numpy as jnp
import numpy as np

MASK_SHAPE = (128, 32768)
MASK_OUTPUT_SHAPE = (128, 32768)
TARGET_MASK_SIZE = 16384
TEMPERATURE = 2.0 / 3.0
MAGICAL_NUMBER = 0.8


def setup_inputs(seed: int = 0) -> dict:
    key = jax.random.key(seed)
    k1, k2 = jax.random.split(key)
    # z_loga parameter: initialized N(mean, 0.01) with mean = log(1-0.5) - log(0.5) = 0 in the
    # original; here we use standard normal noise per input_specs (fill=randn) which exercises
    # the same code path.
    z_loga = jax.random.normal(k1, MASK_SHAPE, dtype=jnp.float32)
    # eps: the uniform noise that torch draws internally via torch.rand_like; materialized here
    # as an explicit input so the computation is deterministic.
    eps = jax.random.uniform(k2, MASK_SHAPE, dtype=jnp.float32)
    step = 0
    return {"step": step, "z_loga": z_loga, "eps": eps}


def reference(step, z_loga, eps) -> jnp.ndarray:
    # Faithful translation of Mask.sample_z in training mode (nn.Module default).
    # soft_mask computed in torch but unused on the training path; omitted from the graph output.
    eps_c = jnp.clip(eps, 1e-06, 1.0 - 1e-06)
    gumbel = -jnp.log(-jnp.log(eps_c))
    gumbel_mask = jax.nn.sigmoid((z_loga + gumbel) / TEMPERATURE)
    # target_mask_size > 0, gumbel_mask is 2D -> per-row top-k hard selection
    k = min(TARGET_MASK_SIZE, gumbel_mask.shape[1])
    _, indices = jax.lax.top_k(gumbel_mask, k)
    row_idx = jnp.arange(gumbel_mask.shape[0])[:, None]
    hard = jnp.zeros_like(gumbel_mask).at[row_idx, indices].set(1.0)
    # straight-through estimator
    st = hard - jax.lax.stop_gradient(gumbel_mask) + gumbel_mask
    return st.reshape(MASK_OUTPUT_SHAPE)

if __name__ == "__main__":
    import jax
    _d = setup_inputs()
    print(jax.jit(kernel)(*tuple(_d.values())))

</pallas_src>

<mosaic_0001>
#map = affine_map<(d0, d1) -> (0, 0)>
module attributes {stable_mosaic.version = 14 : i64} {
  func.func @_sc_select(%arg0: i32, %arg1: i32, %arg2: memref<128x32768xi32, #tpu.memory_space<hbm>>, %arg3: memref<128x32768xf32, #tpu.memory_space<hbm>>, %arg4: memref<32768xi32, #tpu.memory_space<vmem>>, %arg5: memref<32768xi32, #tpu.memory_space<vmem>>, %arg6: memref<32768xf32, #tpu.memory_space<vmem>>, %arg7: memref<1024xi32, #tpu.memory_space<vmem>>, %arg8: memref<64xi32, #tpu.memory_space<vmem>>, %arg9: memref<4096xi32, #tpu.memory_space<vmem>>, %arg10: memref<512xi32, #tpu.memory_space<vmem>>, %arg11: memref<!tpu.dma_semaphore, #tpu.memory_space<semaphore_mem>>, %arg12: memref<!tpu.dma_semaphore, #tpu.memory_space<semaphore_mem>>) attributes {dimension_semantics = [#tpu.dimension_semantics<core_parallel>, #tpu.dimension_semantics<subcore_parallel>], iteration_bounds = array<i64: 2, 16>, scalar_prefetch = 0 : i64, scratch_operands = 9 : i64, tpu.core_type = #tpu.core_type<sc_vector_subcore>, window_params = [{transform_indices = #map}, {transform_indices = #map}]} {
    %mul3A = arith.constant 2 : i32
    %mul3A_0 = arith.muli %arg1, %mul3A : i32
    %add3A = arith.addi %mul3A_0, %arg0 : i32
    %broadcast_in_dim3A = arith.constant 0 : i32
    %broadcast_in_dim3A_1 = vector.broadcast %broadcast_in_dim3A : i32 to vector<16xi32>
    %broadcast_in_dim3A_2 = arith.constant 1 : i32
    %broadcast_in_dim3A_3 = vector.broadcast %broadcast_in_dim3A_2 : i32 to vector<16xi32>
    %iota3A = tpu.iota {dimensions = array<i32: 0>} : vector<16xi32>
    %mul3A_4 = arith.constant 4 : i32
    %mul3A_5 = arith.muli %add3A, %mul3A_4 : i32
    %dma_start3A = arith.constant 0 : i32
    %dma_start3A_6 = tpu.memref_slice %arg2[%mul3A_5, %dma_start3A] : memref<128x32768xi32, #tpu.memory_space<hbm>> -> memref<1x32768xi32, #tpu.memory_space<hbm>>
    %dma_start3A_7 = tpu.memref_squeeze %dma_start3A_6 : memref<1x32768xi32, #tpu.memory_space<hbm>> -> memref<32768xi32, #tpu.memory_space<hbm>>
    %dma_start3A_8 = arith.constant 0 : i32
    %dma_start3A_9 = tpu.memref_slice %arg2[%mul3A_5, %dma_start3A_8] : memref<128x32768xi32, #tpu.memory_space<hbm>> -> memref<1x32768xi32, #tpu.memory_space<hbm>>
    %dma_start3A_10 = tpu.memref_squeeze %dma_start3A_9 : memref<1x32768xi32, #tpu.memory_space<hbm>> -> memref<32768xi32, #tpu.memory_space<hbm>>
    tpu.enqueue_dma source(%dma_start3A_10 : memref<32768xi32, #tpu.memory_space<hbm>>) target(%arg4 : memref<32768xi32, #tpu.memory_space<vmem>>) target_semaphore(%arg11 : memref<!tpu.dma_semaphore, #tpu.memory_space<semaphore_mem>>)
    %dma_wait3A = arith.constant 0 : i32
    %dma_wait3A_11 = tpu.memref_slice %arg2[%mul3A_5, %dma_wait3A] : memref<128x32768xi32, #tpu.memory_space<hbm>> -> memref<1x32768xi32, #tpu.memory_space<hbm>>
    %dma_wait3A_12 = tpu.memref_squeeze %dma_wait3A_11 : memref<1x32768xi32, #tpu.memory_space<hbm>> -> memref<32768xi32, #tpu.memory_space<hbm>>
    %dma_wait3A_13 = arith.constant 0 : i32
    %dma_wait3A_14 = tpu.memref_slice %arg2[%mul3A_5, %dma_wait3A_13] : memref<128x32768xi32, #tpu.memory_space<hbm>> -> memref<1x32768xi32, #tpu.memory_space<hbm>>
    %dma_wait3A_15 = tpu.memref_squeeze %dma_wait3A_14 : memref<1x32768xi32, #tpu.memory_space<hbm>> -> memref<32768xi32, #tpu.memory_space<hbm>>
    tpu.wait_dma2 semaphore(%arg11 : memref<!tpu.dma_semaphore, #tpu.memory_space<semaphore_mem>>) src(%dma_wait3A_15 : memref<32768xi32, #tpu.memory_space<hbm>>) dst(%arg4 : memref<32768xi32, #tpu.memory_space<vmem>>)
    %mul3A_16 = arith.constant 4 : i32
    %mul3A_17 = arith.muli %add3A, %mul3A_16 : i32
    %add3A_18 = arith.constant 0 : i32
    %add3A_19 = arith.addi %mul3A_17, %add3A_18 : i32
    %add3A_20 = arith.constant 1 : i32
    %add3A_21 = arith.addi %add3A_19, %add3A_20 : i32
    %dma_start3A_22 = arith.constant 0 : i32
    %dma_start3A_23 = tpu.memref_slice %arg2[%add3A_21, %dma_start3A_22] : memref<128x32768xi32, #tpu.memory_space<hbm>> -> memref<1x32768xi32, #tpu.memory_space<hbm>>
    %dma_start3A_24 = tpu.memref_squeeze %dma_start3A_23 : memref<1x32768xi32, #tpu.memory_space<hbm>> -> memref<32768xi32, #tpu.memory_space<hbm>>
    %dma_start3A_25 = arith.constant 0 : i32
    %dma_start3A_26 = tpu.memref_slice %arg2[%add3A_21, %dma_start3A_25] : memref<128x32768xi32, #tpu.memory_space<hbm>> -> memref<1x32768xi32, #tpu.memory_space<hbm>>
    %dma_start3A_27 = tpu.memref_squeeze %dma_start3A_26 : memref<1x32768xi32, #tpu.memory_space<hbm>> -> memref<32768xi32, #tpu.memory_space<hbm>>
    tpu.enqueue_dma source(%dma_start3A_27 : memref<32768xi32, #tpu.memory_space<hbm>>) target(%arg5 : memref<32768xi32, #tpu.memory_space<vmem>>) target_semaphore(%arg11 : memref<!tpu.dma_semaphore, #tpu.memory_space<semaphore_mem>>)
    %parallel_loop3A = arith.constant 0 : i32
    %parallel_loop3A_28 = arith.constant 64 : i32
    %parallel_loop3A_29 = arith.constant 1 : i32
    scf.for %parallel_loop3A_773 = %parallel_loop3A to %parallel_loop3A_28 step %parallel_loop3A_29  : i32 {
      %parallel_loop3A_774 = arith.constant 16 : i32
      %parallel_loop3A_775 = arith.muli %parallel_loop3A_773, %parallel_loop3A_774 : i32
      %parallel_loop3A_776 = arith.index_cast %parallel_loop3A_775 : i32 to index
      %parallel_loop3A_777 = tpu.vector_load %arg7[%parallel_loop3A_776] {strides = array<i32>} : memref<1024xi32, #tpu.memory_space<vmem>>, vector<16xi32>,
      tpu.vector_store %arg7[%parallel_loop3A_776], %broadcast_in_dim3A_1 {strides = array<i32>} : memref<1024xi32, #tpu.memory_space<vmem>>, vector<16xi32>,
    } {sc.loop_unroll_factor = 4 : i64, sc.parallel_access}
    %swap3A = arith.constant 0 : index
    %swap3A_30 = tpu.vector_load %arg8[%swap3A] {strides = array<i32>} : memref<64xi32, #tpu.memory_space<vmem>>, vector<16xi32>,
    tpu.vector_store %arg8[%swap3A], %broadcast_in_dim3A_1 {strides = array<i32>} : memref<64xi32, #tpu.memory_space<vmem>>, vector<16xi32>,
    %swap3A_31 = arith.constant 16 : index
    %swap3A_32 = tpu.vector_load %arg8[%swap3A_31] {strides = array<i32>} : memref<64xi32, #tpu.memory_space<vmem>>, vector<16xi32>,
    tpu.vector_store %arg8[%swap3A_31], %broadcast_in_dim3A_1 {strides = array<i32>} : memref<64xi32, #tpu.memory_space<vmem>>, vector<16xi32>,
    %swap3A_33 = arith.constant 32 : index
    %swap3A_34 = tpu.vector_load %arg8[%swap3A_33] {strides = array<i32>} : memref<64xi32, #tpu.memory_space<vmem>>, vector<16xi32>,
    tpu.vector_store %arg8[%swap3A_33], %broadcast_in_dim3A_1 {strides = array<i32>} : memref<64xi32, #tpu.memory_space<vmem>>, vector<16xi32>,
    %swap3A_35 = arith.constant 48 : index
    %swap3A_36 = tpu.vector_load %arg8[%swap3A_35] {strides = array<i32>} : memref<64xi32, #tpu.memory_space<vmem>>, vector<16xi32>,
    tpu.vector_store %arg8[%swap3A_35], %broadcast_in_dim3A_1 {strides = array<i32>} : memref<64xi32, #tpu.memory_space<vmem>>, vector<16xi32>,
    %parallel_loop3A_37 = arith.constant 0 : i32
    %parallel_loop3A_38 = arith.constant 2048 : i32
    %parallel_loop3A_39 = arith.constant 1 : i32
    scf.for %parallel_loop3A_773 = %parallel_loop3A_37 to %parallel_loop3A_38 step %parallel_loop3A_39  : i32 {
      %parallel_loop3A_774 = arith.constant 16 : i32
      %parallel_loop3A_775 = arith.muli %parallel_loop3A_773, %parallel_loop3A_774 : i32
      %parallel_loop3A_776 = arith.index_cast %parallel_loop3A_775 : i32 to index
      %parallel_loop3A_777 = tpu.vector_load %arg4[%parallel_loop3A_776] {strides = array<i32>} : memref<32768xi32, #tpu.memory_space<vmem>>, vector<16xi32>,
      %parallel_loop3A_778 = arith.constant 22 : i32
      %parallel_loop3A_779 = vector.broadcast %parallel_loop3A_778 : i32 to vector<16xi32>
      %parallel_loop3A_780 = arith.shrsi %parallel_loop3A_777, %parallel_loop3A_779 : vector<16xi32>
      %parallel_loop3A_781 = arith.constant 512 : i32
      %parallel_loop3A_782 = vector.broadcast %parallel_loop3A_781 : i32 to vector<16xi32>
      %parallel_loop3A_783 = arith.addi %parallel_loop3A_780, %parallel_loop3A_782 : vector<16xi32>
      tpu.vector_store_idx %arg7[%parallel_loop3A_783], %broadcast_in_dim3A_3 {add = true} : memref<1024xi32, #tpu.memory_space<vmem>>[vector<16xi32>], vector<16xi32>,
    } {sc.loop_unroll_factor = 8 : i64, sc.parallel_access}
    %broadcast_in_dim3A_40 = arith.constant 0 : i32
    %broadcast_in_dim3A_41 = vector.broadcast %broadcast_in_dim3A_40 : i32 to vector<16xi32>
    %scan3A = arith.constant 0 : i32
    %scan3A_42 = arith.constant 0 : i32
    %scan3A_43 = arith.constant 64 : i32
    %scan3A_44 = arith.addi %scan3A_42, %scan3A_43 : i32
    %scan3A_45 = arith.constant 1 : i32
    %scan3A_46:3 = scf.for %scan3A_773 = %scan3A_42 to %scan3A_44 step %scan3A_45 iter_args(%scan3A_774 = %broadcast_in_dim3A_41, %scan3A_775 = %broadcast_in_dim3A_41, %scan3A_776 = %scan3A) -> (vector<16xi32>, vector<16xi32>, i32)  : i32 {
      %sub3A_777 = arith.constant 63 : i32
      %sub3A_778 = arith.subi %sub3A_777, %scan3A_773 : i32
      %mul3A_779 = arith.constant 16 : i32
      %mul3A_780 = arith.muli %sub3A_778, %mul3A_779 : i32
      %get3A = arith.index_cast %mul3A_780 : i32 to index
      %get3A_781 = tpu.vector_load %arg7[%get3A] {strides = array<i32>} : memref<1024xi32, #tpu.memory_space<vmem>>, vector<16xi32>,
      %rev3A = arith.constant 15 : i32
      %rev3A_782 = vector.broadcast %rev3A : i32 to vector<16xi32>
      %rev3A_783 = tpu.iota {dimensions = array<i32: 0>} : vector<16xi32>
      %rev3A_784 = arith.subi %rev3A_782, %rev3A_783 : vector<16xi32>
      %rev3A_785 = tpu.dynamic_gather %get3A_781[%rev3A_784] in [0] : vector<16xi32>, vector<16xi32> -> vector<16xi32>
      %broadcast_in_dim3A_786 = arith.constant true
      %broadcast_in_dim3A_787 = vector.broadcast %broadcast_in_dim3A_786 : i1 to vector<16xi1>
      %masked_cumsum3A = tpu.scan <sum>, %rev3A_785 masked %broadcast_in_dim3A_787 : vector<16xi32>, vector<16xi1> -> vector<16xi32>
      %add3A_788 = vector.broadcast %scan3A_776 : i32 to vector<16xi32>
      %add3A_789 = arith.addi %masked_cumsum3A, %add3A_788 : vector<16xi32>
      %ge3A = arith.constant 16384 : i32
      %ge3A_790 = vector.broadcast %ge3A : i32 to vector<16xi32>
      %ge3A_791 = arith.cmpi sge, %add3A_789, %ge3A_790 : vector<16xi32>
      %convert_element_type3A = arith.extui %ge3A_791 : vector<16xi1> to vector<16xi32>
      %add3A_792 = arith.addi %scan3A_774, %convert_element_type3A : vector<16xi32>
      %jit3A_793 = arith.constant 0 : i32
      %broadcast_in_dim3A_794 = vector.broadcast %jit3A_793 : i32 to vector<16xi32>
      %select_n3A_795 = arith.select %ge3A_791, %broadcast_in_dim3A_794, %rev3A_785 : vector<16xi1>, vector<16xi32>
      %add3A_796 = arith.addi %scan3A_775, %select_n3A_795 : vector<16xi32>
      %reduce_sum3A_797 = arith.constant true
      %reduce_sum3A_798 = vector.broadcast %reduce_sum3A_797 : i1 to vector<16xi1>
      %reduce_sum3A_799 = tpu.scan <sum>, %get3A_781 masked %reduce_sum3A_798 : vector<16xi32>, vector<16xi1> -> vector<16xi32>
      %reduce_sum3A_800 = vector.extract %reduce_sum3A_799[15] : i32 from vector<16xi32>
      %add3A_801 = arith.addi %scan3A_776, %reduce_sum3A_800 : i32
      scf.yield %add3A_792, %add3A_796, %add3A_801 : vector<16xi32>, vector<16xi32>, i32
    }
    %scan3A_47 = arith.constant 64 : i32
    %reduce_sum3A = arith.constant true
    %reduce_sum3A_48 = vector.broadcast %reduce_sum3A : i1 to vector<16xi1>
    %reduce_sum3A_49 = tpu.scan <sum>, %scan3A_46#0 masked %reduce_sum3A_48 : vector<16xi32>, vector<16xi1> -> vector<16xi32>
    %reduce_sum3A_50 = vector.extract %reduce_sum3A_49[15] : i32 from vector<16xi32>
    %sub3A = arith.constant 1 : i32
    %sub3A_51 = arith.subi %reduce_sum3A_50, %sub3A : i32
    %reduce_sum3A_52 = arith.constant true
    %reduce_sum3A_53 = vector.broadcast %reduce_sum3A_52 : i1 to vector<16xi1>
    %reduce_sum3A_54 = tpu.scan <sum>, %scan3A_46#1 masked %reduce_sum3A_53 : vector<16xi32>, vector<16xi1> -> vector<16xi32>
    %reduce_sum3A_55 = vector.extract %reduce_sum3A_54[15] : i32 from vector<16xi32>
    %sub3A_56 = arith.constant 16384 : i32
    %sub3A_57 = arith.subi %sub3A_56, %reduce_sum3A_55 : i32
    %broadcast_in_dim3A_58 = arith.constant 0 : i32
    %broadcast_in_dim3A_59 = vector.broadcast %broadcast_in_dim3A_58 : i32 to vector<16xi32>
    %parallel_loop3A_60 = arith.constant 0 : i32
    %parallel_loop3A_61 = arith.constant 2048 : i32
    %parallel_loop3A_62 = arith.constant 1 : i32
    %parallel_loop3A_63 = scf.for %parallel_loop3A_773 = %parallel_loop3A_60 to %parallel_loop3A_61 step %parallel_loop3A_62 iter_args(%parallel_loop3A_774 = %broadcast_in_dim3A_59) -> (vector<16xi32>)  : i32 {
      %parallel_loop3A_775 = arith.constant 16 : i32
      %parallel_loop3A_776 = arith.muli %parallel_loop3A_773, %parallel_loop3A_775 : i32
      %parallel_loop3A_777 = arith.index_cast %parallel_loop3A_776 : i32 to index
      %parallel_loop3A_778 = tpu.vector_load %arg4[%parallel_loop3A_777] {strides = array<i32>} : memref<32768xi32, #tpu.memory_space<vmem>>, vector<16xi32>,
      %parallel_loop3A_779 = arith.constant 22 : i32
      %parallel_loop3A_780 = vector.broadcast %parallel_loop3A_779 : i32 to vector<16xi32>
      %parallel_loop3A_781 = arith.shrsi %parallel_loop3A_778, %parallel_loop3A_780 : vector<16xi32>
      %parallel_loop3A_782 = arith.constant 512 : i32
      %parallel_loop3A_783 = vector.broadcast %parallel_loop3A_782 : i32 to vector<16xi32>
      %parallel_loop3A_784 = arith.addi %parallel_loop3A_781, %parallel_loop3A_783 : vector<16xi32>
      %parallel_loop3A_785 = vector.broadcast %sub3A_51 : i32 to vector<16xi32>
      %parallel_loop3A_786 = arith.cmpi eq, %parallel_loop3A_784, %parallel_loop3A_785 : vector<16xi32>
      %parallel_loop3A_787 = arith.constant 16 : i32
      %parallel_loop3A_788 = vector.broadcast %parallel_loop3A_787 : i32 to vector<16xi32>
      %parallel_loop3A_789 = arith.shrsi %parallel_loop3A_778, %parallel_loop3A_788 : vector<16xi32>
      %parallel_loop3A_790 = arith.constant 63 : i32
      %parallel_loop3A_791 = vector.broadcast %parallel_loop3A_790 : i32 to vector<16xi32>
      %parallel_loop3A_792 = arith.andi %parallel_loop3A_789, %parallel_loop3A_791 : vector<16xi32>
      tpu.vector_store_idx %arg8[%parallel_loop3A_792], %broadcast_in_dim3A_3 masked %parallel_loop3A_786 {add = true} : memref<64xi32, #tpu.memory_space<vmem>>[vector<16xi32>], vector<16xi32>, vector<16xi1>
      %parallel_loop3A_793 = arith.extui %parallel_loop3A_786 : vector<16xi1> to vector<16xi32>
      %parallel_loop3A_794 = arith.constant true
      %parallel_loop3A_795 = vector.broadcast %parallel_loop3A_794 : i1 to vector<16xi1>
      %parallel_loop3A_796 = tpu.scan <sum>, %parallel_loop3A_793 masked %parallel_loop3A_795 : vector<16xi32>, vector<16xi1> -> vector<16xi32>
      %parallel_loop3A_797 = arith.addi %parallel_loop3A_774, %parallel_loop3A_796 : vector<16xi32>
      %parallel_loop3A_798 = arith.constant 1 : i32
      %parallel_loop3A_799 = vector.broadcast %parallel_loop3A_798 : i32 to vector<16xi32>
      %parallel_loop3A_800 = arith.subi %parallel_loop3A_797, %parallel_loop3A_799 : vector<16xi32>
      %parallel_loop3A_801 = arith.constant 4095 : i32
      %parallel_loop3A_802 = vector.broadcast %parallel_loop3A_801 : i32 to vector<16xi32>
      %parallel_loop3A_803 = arith.minsi %parallel_loop3A_800, %parallel_loop3A_802 : vector<16xi32>
      tpu.vector_store_idx %arg9[%parallel_loop3A_803], %parallel_loop3A_778 masked %parallel_loop3A_786 : memref<4096xi32, #tpu.memory_space<vmem>>[vector<16xi32>], vector<16xi32>, vector<16xi1>
      %parallel_loop3A_804 = tpu.all_reduce %parallel_loop3A_786 {dim = 0 : i64, kind = #tpu.reduction_kind<sum>} : vector<16xi1> -> vector<16xi32>
      %parallel_loop3A_805 = arith.addi %parallel_loop3A_774, %parallel_loop3A_804 : vector<16xi32>
      scf.yield %parallel_loop3A_805 : vector<16xi32>
    } {sc.loop_unroll_factor = 8 : i64, sc.parallel_access}
    %reduce_max3A = arith.constant true
    %reduce_max3A_64 = vector.broadcast %reduce_max3A : i1 to vector<16xi1>
    %reduce_max3A_65 = arith.constant -2147483648 : i32
    %reduce_max3A_66 = vector.broadcast %reduce_max3A_65 : i32 to vector<16xi32>
    %reduce_max3A_67 = arith.xori %parallel_loop3A_63, %reduce_max3A_66 : vector<16xi32>
    %reduce_max3A_68 = tpu.scan <max>, %reduce_max3A_67 masked %reduce_max3A_64 : vector<16xi32>, vector<16xi1> -> vector<16xi32>
    %reduce_max3A_69 = arith.xori %reduce_max3A_68, %reduce_max3A_66 : vector<16xi32>
    %reduce_max3A_70 = vector.extract %reduce_max3A_69[15] : i32 from vector<16xi32>
    %min3A = arith.constant 4096 : i32
    %min3A_71 = arith.minsi %reduce_max3A_70, %min3A : i32
    %broadcast_in_dim3A_72 = arith.constant 0 : i32
    %broadcast_in_dim3A_73 = vector.broadcast %broadcast_in_dim3A_72 : i32 to vector<16xi32>
    %scan3A_74 = arith.constant 0 : i32
    %scan3A_75 = arith.constant 0 : i32
    %scan3A_76 = arith.constant 4 : i32
    %scan3A_77 = arith.addi %scan3A_75, %scan3A_76 : i32
    %scan3A_78 = arith.constant 1 : i32
    %scan3A_79:3 = scf.for %scan3A_773 = %scan3A_75 to %scan3A_77 step %scan3A_78 iter_args(%scan3A_774 = %broadcast_in_dim3A_73, %scan3A_775 = %broadcast_in_dim3A_73, %scan3A_776 = %scan3A_74) -> (vector<16xi32>, vector<16xi32>, i32)  : i32 {
      %sub3A_777 = arith.constant 3 : i32
      %sub3A_778 = arith.subi %sub3A_777, %scan3A_773 : i32
      %mul3A_779 = arith.constant 16 : i32
      %mul3A_780 = arith.muli %sub3A_778, %mul3A_779 : i32
      %get3A = arith.index_cast %mul3A_780 : i32 to index
      %get3A_781 = tpu.vector_load %arg8[%get3A] {strides = array<i32>} : memref<64xi32, #tpu.memory_space<vmem>>, vector<16xi32>,
      %rev3A = arith.constant 15 : i32
      %rev3A_782 = vector.broadcast %rev3A : i32 to vector<16xi32>
      %rev3A_783 = tpu.iota {dimensions = array<i32: 0>} : vector<16xi32>
      %rev3A_784 = arith.subi %rev3A_782, %rev3A_783 : vector<16xi32>
      %rev3A_785 = tpu.dynamic_gather %get3A_781[%rev3A_784] in [0] : vector<16xi32>, vector<16xi32> -> vector<16xi32>
      %broadcast_in_dim3A_786 = arith.constant true
      %broadcast_in_dim3A_787 = vector.broadcast %broadcast_in_dim3A_786 : i1 to vector<16xi1>
      %masked_cumsum3A = tpu.scan <sum>, %rev3A_785 masked %broadcast_in_dim3A_787 : vector<16xi32>, vector<16xi1> -> vector<16xi32>
      %add3A_788 = vector.broadcast %scan3A_776 : i32 to vector<16xi32>
      %add3A_789 = arith.addi %masked_cumsum3A, %add3A_788 : vector<16xi32>
      %ge3A = vector.broadcast %sub3A_57 : i32 to vector<16xi32>
      %ge3A_790 = arith.cmpi sge, %add3A_789, %ge3A : vector<16xi32>
      %convert_element_type3A = arith.extui %ge3A_790 : vector<16xi1> to vector<16xi32>
      %add3A_791 = arith.addi %scan3A_774, %convert_element_type3A : vector<16xi32>
      %jit3A_792 = arith.constant 0 : i32
      %broadcast_in_dim3A_793 = vector.broadcast %jit3A_792 : i32 to vector<16xi32>
      %select_n3A_794 = arith.select %ge3A_790, %broadcast_in_dim3A_793, %rev3A_785 : vector<16xi1>, vector<16xi32>
      %add3A_795 = arith.addi %scan3A_775, %select_n3A_794 : vector<16xi32>
      %reduce_sum3A_796 = arith.constant true
      %reduce_sum3A_797 = vector.broadcast %reduce_sum3A_796 : i1 to vector<16xi1>
      %reduce_sum3A_798 = tpu.scan <sum>, %get3A_781 masked %reduce_sum3A_797 : vector<16xi32>, vector<16xi1> -> vector<16xi32>
      %reduce_sum3A_799 = vector.extract %reduce_sum3A_798[15] : i32 from vector<16xi32>
      %add3A_800 = arith.addi %scan3A_776, %reduce_sum3A_799 : i32
      scf.yield %add3A_791, %add3A_795, %add3A_800 : vector<16xi32>, vector<16xi32>, i32
    }
    %scan3A_80 = arith.constant 4 : i32
    %reduce_sum3A_81 = arith.constant true
    %reduce_sum3A_82 = vector.broadcast %reduce_sum3A_81 : i1 to vector<16xi1>
    %reduce_sum3A_83 = tpu.scan <sum>, %scan3A_79#0 masked %reduce_sum3A_82 : vector<16xi32>, vector<16xi1> -> vector<16xi32>
    %reduce_sum3A_84 = vector.extract %reduce_sum3A_83[15] : i32 from vector<16xi32>
    %sub3A_85 = arith.constant 1 : i32
    %sub3A_86 = arith.subi %reduce_sum3A_84, %sub3A_85 : i32
    %reduce_sum3A_87 = arith.constant true
    %reduce_sum3A_88 = vector.broadcast %reduce_sum3A_87 : i1 to vector<16xi1>
    %reduce_sum3A_89 = tpu.scan <sum>, %scan3A_79#1 masked %reduce_sum3A_88 : vector<16xi32>, vector<16xi1> -> vector<16xi32>
    %reduce_sum3A_90 = vector.extract %reduce_sum3A_89[15] : i32 from vector<16xi32>
    %sub3A_91 = arith.subi %sub3A_57, %reduce_sum3A_90 : i32
    %sub3A_92 = arith.constant 512 : i32
    %sub3A_93 = arith.subi %sub3A_51, %sub3A_92 : i32
    %shift_left3A = arith.constant 6 : i32
    %shift_left3A_94 = arith.shli %sub3A_93, %shift_left3A : i32
    %or3A = arith.ori %shift_left3A_94, %sub3A_86 : i32
    %add3A_95 = arith.constant 15 : i32
    %add3A_96 = arith.addi %min3A_71, %add3A_95 : i32
    %jit3A = arith.constant 16 : i32
    %div3A = arith.divsi %add3A_96, %jit3A : i32
    %sign3A = arith.constant 0 : i32
    %sign3A_97 = arith.cmpi sgt, %add3A_96, %sign3A : i32
    %sign3A_98 = arith.extui %sign3A_97 : i1 to i32
    %sign3A_99 = arith.constant 0 : i32
    %sign3A_100 = arith.cmpi slt, %add3A_96, %sign3A_99 : i32
    %sign3A_101 = arith.extui %sign3A_100 : i1 to i32
    %sign3A_102 = arith.subi %sign3A_98, %sign3A_101 : i32
    %sign3A_103 = arith.constant 0 : i32
    %sign3A_104 = arith.cmpi sgt, %jit3A, %sign3A_103 : i32
    %sign3A_105 = arith.extui %sign3A_104 : i1 to i32
    %sign3A_106 = arith.constant 0 : i32
    %sign3A_107 = arith.cmpi slt, %jit3A, %sign3A_106 : i32
    %sign3A_108 = arith.extui %sign3A_107 : i1 to i32
    %sign3A_109 = arith.subi %sign3A_105, %sign3A_108 : i32
    %ne3A = arith.cmpi ne, %sign3A_102, %sign3A_109 : i32
    %rem3A = arith.remsi %add3A_96, %jit3A : i32
    %ne3A_110 = arith.constant 0 : i32
    %ne3A_111 = arith.cmpi ne, %rem3A, %ne3A_110 : i32
    %and3A = arith.andi %ne3A, %ne3A_111 : i1
    %sub3A_112 = arith.constant 1 : i32
    %sub3A_113 = arith.subi %div3A, %sub3A_112 : i32
    %select_n3A = arith.select %and3A, %sub3A_113, %div3A : i32
    %broadcast_in_dim3A_114 = arith.constant 0 : i32
    %broadcast_in_dim3A_115 = vector.broadcast %broadcast_in_dim3A_114 : i32 to vector<16xi32>
    %while3A = arith.constant 0 : i32
    %while3A_116 = arith.subi %select_n3A, %while3A : i32
    %while3A_117 = arith.addi %while3A, %while3A_116 : i32
    %while3A_118 = arith.constant 1 : i32
    %while3A_119 = arith.divsi %while3A_116, %while3A_118 : i32
    %while3A_120 = arith.muli %while3A_119, %while3A_118 : i32
    %while3A_121 = arith.addi %while3A, %while3A_120 : i32
    %while3A_122 = arith.constant 1 : i32
    %while3A_123 = scf.for %while3A_773 = %while3A to %while3A_121 step %while3A_122 iter_args(%while3A_774 = %broadcast_in_dim3A_115) -> (vector<16xi32>)  : i32 {
      %mul3A_775 = arith.constant 16 : i32
      %mul3A_776 = arith.muli %while3A_773, %mul3A_775 : i32
      %get3A = arith.index_cast %mul3A_776 : i32 to index
      %get3A_777 = tpu.vector_load %arg9[%get3A] {strides = array<i32>} : memref<4096xi32, #tpu.memory_space<vmem>>, vector<16xi32>,
      %shift_right_arithmetic3A = arith.constant 16 : i32
      %shift_right_arithmetic3A_778 = vector.broadcast %shift_right_arithmetic3A : i32 to vector<16xi32>
      %shift_right_arithmetic3A_779 = arith.shrsi %get3A_777, %shift_right_arithmetic3A_778 : vector<16xi32>
      %eq3A = vector.broadcast %or3A : i32 to vector<16xi32>
      %eq3A_780 = arith.cmpi eq, %shift_right_arithmetic3A_779, %eq3A : vector<16xi32>
      %mul3A_781 = arith.constant 16 : i32
      %mul3A_782 = arith.muli %while3A_773, %mul3A_781 : i32
      %add3A_783 = vector.broadcast %mul3A_782 : i32 to vector<16xi32>
      %add3A_784 = arith.addi %add3A_783, %iota3A : vector<16xi32>
      %lt3A = vector.broadcast %min3A_71 : i32 to vector<16xi32>
      %lt3A_785 = arith.cmpi slt, %add3A_784, %lt3A : vector<16xi32>
      %and3A_786 = arith.andi %eq3A_780, %lt3A_785 : vector<16xi1>
      %convert_element_type3A = arith.extui %and3A_786 : vector<16xi1> to vector<16xi32>
      %broadcast_in_dim3A_787 = arith.constant true
      %broadcast_in_dim3A_788 = vector.broadcast %broadcast_in_dim3A_787 : i1 to vector<16xi1>
      %masked_cumsum3A = tpu.scan <sum>, %convert_element_type3A masked %broadcast_in_dim3A_788 : vector<16xi32>, vector<16xi1> -> vector<16xi32>
      %add3A_789 = arith.addi %while3A_774, %masked_cumsum3A : vector<16xi32>
      %sub3A_790 = arith.constant 1 : i32
      %sub3A_791 = vector.broadcast %sub3A_790 : i32 to vector<16xi32>
      %sub3A_792 = arith.subi %add3A_789, %sub3A_791 : vector<16xi32>
      %min3A_793 = arith.constant 511 : i32
      %min3A_794 = vector.broadcast %min3A_793 : i32 to vector<16xi32>
      %min3A_795 = arith.minsi %sub3A_792, %min3A_794 : vector<16xi32>
      tpu.vector_store_idx %arg10[%min3A_795], %get3A_777 masked %and3A_786 : memref<512xi32, #tpu.memory_space<vmem>>[vector<16xi32>], vector<16xi32>, vector<16xi1>
      %all_reduce_population_count3A = tpu.all_reduce %and3A_786 {dim = 0 : i64, kind = #tpu.reduction_kind<sum>} : vector<16xi1> -> vector<16xi32>
      %add3A_796 = arith.addi %while3A_774, %all_reduce_population_count3A : vector<16xi32>
      scf.yield %add3A_796 : vector<16xi32>
    }
    %while3A_124 = arith.constant 1 : i32
    %while3A_125 = scf.for %while3A_773 = %while3A_121 to %while3A_117 step %while3A_124 iter_args(%while3A_774 = %while3A_123) -> (vector<16xi32>)  : i32 {
      %mul3A_775 = arith.constant 16 : i32
      %mul3A_776 = arith.muli %while3A_773, %mul3A_775 : i32
      %get3A = arith.index_cast %mul3A_776 : i32 to index
      %get3A_777 = tpu.vector_load %arg9[%get3A] {strides = array<i32>} : memref<4096xi32, #tpu.memory_space<vmem>>, vector<16xi32>,
      %shift_right_arithmetic3A = arith.constant 16 : i32
      %shift_right_arithmetic3A_778 = vector.broadcast %shift_right_arithmetic3A : i32 to vector<16xi32>
      %shift_right_arithmetic3A_779 = arith.shrsi %get3A_777, %shift_right_arithmetic3A_778 : vector<16xi32>
      %eq3A = vector.broadcast %or3A : i32 to vector<16xi32>
      %eq3A_780 = arith.cmpi eq, %shift_right_arithmetic3A_779, %eq3A : vector<16xi32>
      %mul3A_781 = arith.constant 16 : i32
      %mul3A_782 = arith.muli %while3A_773, %mul3A_781 : i32
      %add3A_783 = vector.broadcast %mul3A_782 : i32 to vector<16xi32>
      %add3A_784 = arith.addi %add3A_783, %iota3A : vector<16xi32>
      %lt3A = vector.broadcast %min3A_71 : i32 to vector<16xi32>
      %lt3A_785 = arith.cmpi slt, %add3A_784, %lt3A : vector<16xi32>
      %and3A_786 = arith.andi %eq3A_780, %lt3A_785 : vector<16xi1>
      %convert_element_type3A = arith.extui %and3A_786 : vector<16xi1> to vector<16xi32>
      %broadcast_in_dim3A_787 = arith.constant true
      %broadcast_in_dim3A_788 = vector.broadcast %broadcast_in_dim3A_787 : i1 to vector<16xi1>
      %masked_cumsum3A = tpu.scan <sum>, %convert_element_type3A masked %broadcast_in_dim3A_788 : vector<16xi32>, vector<16xi1> -> vector<16xi32>
      %add3A_789 = arith.addi %while3A_774, %masked_cumsum3A : vector<16xi32>
      %sub3A_790 = arith.constant 1 : i32
      %sub3A_791 = vector.broadcast %sub3A_790 : i32 to vector<16xi32>
      %sub3A_792 = arith.subi %add3A_789, %sub3A_791 : vector<16xi32>
      %min3A_793 = arith.constant 511 : i32
      %min3A_794 = vector.broadcast %min3A_793 : i32 to vector<16xi32>
      %min3A_795 = arith.minsi %sub3A_792, %min3A_794 : vector<16xi32>
      tpu.vector_store_idx %arg10[%min3A_795], %get3A_777 masked %and3A_786 : memref<512xi32, #tpu.memory_space<vmem>>[vector<16xi32>], vector<16xi32>, vector<16xi1>
      %all_reduce_population_count3A = tpu.all_reduce %and3A_786 {dim = 0 : i64, kind = #tpu.reduction_kind<sum>} : vector<16xi1> -> vector<16xi32>
      %add3A_796 = arith.addi %while3A_774, %all_reduce_population_count3A : vector<16xi32>
      scf.yield %add3A_796 : vector<16xi32>
    }
    %reduce_max3A_126 = arith.constant true
    %reduce_max3A_127 = vector.broadcast %reduce_max3A_126 : i1 to vector<16xi1>
    %reduce_max3A_128 = arith.constant -2147483648 : i32
    %reduce_max3A_129 = vector.broadcast %reduce_max3A_128 : i32 to vector<16xi32>
    %reduce_max3A_130 = arith.xori %while3A_125, %reduce_max3A_129 : vector<16xi32>
    %reduce_max3A_131 = tpu.scan <max>, %reduce_max3A_130 masked %reduce_max3A_127 : vector<16xi32>, vector<16xi1> -> vector<16xi32>
    %reduce_max3A_132 = arith.xori %reduce_max3A_131, %reduce_max3A_129 : vector<16xi32>
    %reduce_max3A_133 = vector.extract %reduce_max3A_132[15] : i32 from vector<16xi32>
    %min3A_134 = arith.constant 512 : i32
    %min3A_135 = arith.minsi %reduce_max3A_133, %min3A_134 : i32
    %add3A_136 = arith.constant 15 : i32
    %add3A_137 = arith.addi %min3A_135, %add3A_136 : i32
    %jit3A_138 = arith.constant 16 : i32
    %div3A_139 = arith.divsi %add3A_137, %jit3A_138 : i32
    %sign3A_140 = arith.constant 0 : i32
    %sign3A_141 = arith.cmpi sgt, %add3A_137, %sign3A_140 : i32
    %sign3A_142 = arith.extui %sign3A_141 : i1 to i32
    %sign3A_143 = arith.constant 0 : i32
    %sign3A_144 = arith.cmpi slt, %add3A_137, %sign3A_143 : i32
    %sign3A_145 = arith.extui %sign3A_144 : i1 to i32
    %sign3A_146 = arith.subi %sign3A_142, %sign3A_145 : i32
    %sign3A_147 = arith.constant 0 : i32
    %sign3A_148 = arith.cmpi sgt, %jit3A_138, %sign3A_147 : i32
    %sign3A_149 = arith.extui %sign3A_148 : i1 to i32
    %sign3A_150 = arith.constant 0 : i32
    %sign3A_151 = arith.cmpi slt, %jit3A_138, %sign3A_150 : i32
    %sign3A_152 = arith.extui %sign3A_151 : i1 to i32
    %sign3A_153 = arith.subi %sign3A_149, %sign3A_152 : i32
    %ne3A_154 = arith.cmpi ne, %sign3A_146, %sign3A_153 : i32
    %rem3A_155 = arith.remsi %add3A_137, %jit3A_138 : i32
    %ne3A_156 = arith.constant 0 : i32
    %ne3A_157 = arith.cmpi ne, %rem3A_155, %ne3A_156 : i32
    %and3A_158 = arith.andi %ne3A_154, %ne3A_157 : i1
    %sub3A_159 = arith.constant 1 : i32
    %sub3A_160 = arith.subi %div3A_139, %sub3A_159 : i32
    %select_n3A_161 = arith.select %and3A_158, %sub3A_160, %div3A_139 : i32
    %scan3A_162 = arith.constant 0 : i32
    %scan3A_163 = arith.constant 0 : i32
    %scan3A_164 = arith.constant 16 : i32
    %scan3A_165 = arith.addi %scan3A_163, %scan3A_164 : i32
    %scan3A_166 = arith.constant 1 : i32
    %scan3A_167 = scf.for %scan3A_773 = %scan3A_163 to %scan3A_165 step %scan3A_166 iter_args(%scan3A_774 = %scan3A_162) -> (i32)  : i32 {
      %sub3A_775 = arith.constant 15 : i32
      %sub3A_776 = arith.subi %sub3A_775, %scan3A_773 : i32
      %shift_left3A_777 = arith.constant 1 : i32
      %shift_left3A_778 = arith.shli %shift_left3A_777, %sub3A_776 : i32
      %or3A_779 = arith.ori %scan3A_774, %shift_left3A_778 : i32
      %shift_left3A_780 = arith.constant 16 : i32
      %shift_left3A_781 = arith.shli %or3A, %shift_left3A_780 : i32
      %or3A_782 = arith.ori %shift_left3A_781, %or3A_779 : i32
      %broadcast_in_dim3A_783 = arith.constant 0 : i32
      %broadcast_in_dim3A_784 = vector.broadcast %broadcast_in_dim3A_783 : i32 to vector<16xi32>
      %while3A_785 = arith.constant 0 : i32
      %while3A_786 = arith.subi %select_n3A_161, %while3A_785 : i32
      %while3A_787 = arith.addi %while3A_785, %while3A_786 : i32
      %while3A_788 = arith.constant 1 : i32
      %while3A_789 = arith.divsi %while3A_786, %while3A_788 : i32
      %while3A_790 = arith.muli %while3A_789, %while3A_788 : i32
      %while3A_791 = arith.addi %while3A_785, %while3A_790 : i32
      %while3A_792 = arith.constant 1 : i32
      %while3A_793 = scf.for %while3A_801 = %while3A_785 to %while3A_791 step %while3A_792 iter_args(%while3A_802 = %broadcast_in_dim3A_784) -> (vector<16xi32>)  : i32 {
        %mul3A_803 = arith.constant 16 : i32
        %mul3A_804 = arith.muli %while3A_801, %mul3A_803 : i32
        %get3A = arith.index_cast %mul3A_804 : i32 to index
        %get3A_805 = tpu.vector_load %arg10[%get3A] {strides = array<i32>} : memref<512xi32, #tpu.memory_space<vmem>>, vector<16xi32>,
        %mul3A_806 = arith.constant 16 : i32
        %mul3A_807 = arith.muli %while3A_801, %mul3A_806 : i32
        %add3A_808 = vector.broadcast %mul3A_807 : i32 to vector<16xi32>
        %add3A_809 = arith.addi %add3A_808, %iota3A : vector<16xi32>
        %lt3A = vector.broadcast %min3A_135 : i32 to vector<16xi32>
        %lt3A_810 = arith.cmpi slt, %add3A_809, %lt3A : vector<16xi32>
        %ge3A_811 = vector.broadcast %or3A_782 : i32 to vector<16xi32>
        %ge3A_812 = arith.cmpi sge, %get3A_805, %ge3A_811 : vector<16xi32>
        %and3A_813 = arith.andi %lt3A_810, %ge3A_812 : vector<16xi1>
        %jit3A_814 = arith.constant 1 : i32
        %jit3A_815 = arith.constant 0 : i32
        %broadcast_in_dim3A_816 = vector.broadcast %jit3A_814 : i32 to vector<16xi32>
        %broadcast_in_dim3A_817 = vector.broadcast %jit3A_815 : i32 to vector<16xi32>
        %select_n3A_818 = arith.select %and3A_813, %broadcast_in_dim3A_816, %broadcast_in_dim3A_817 : vector<16xi1>, vector<16xi32>
        %add3A_819 = arith.addi %while3A_802, %select_n3A_818 : vector<16xi32>
        scf.yield %add3A_819 : vector<16xi32>
      }
      %while3A_794 = arith.constant 1 : i32
      %while3A_795 = scf.for %while3A_801 = %while3A_791 to %while3A_787 step %while3A_794 iter_args(%while3A_802 = %while3A_793) -> (vector<16xi32>)  : i32 {
        %mul3A_803 = arith.constant 16 : i32
        %mul3A_804 = arith.muli %while3A_801, %mul3A_803 : i32
        %get3A = arith.index_cast %mul3A_804 : i32 to index
        %get3A_805 = tpu.vector_load %arg10[%get3A] {strides = array<i32>} : memref<512xi32, #tpu.memory_space<vmem>>, vector<16xi32>,
        %mul3A_806 = arith.constant 16 : i32
        %mul3A_807 = arith.muli %while3A_801, %mul3A_806 : i32
        %add3A_808 = vector.broadcast %mul3A_807 : i32 to vector<16xi32>
        %add3A_809 = arith.addi %add3A_808, %iota3A : vector<16xi32>
        %lt3A = vector.broadcast %min3A_135 : i32 to vector<16xi32>
        %lt3A_810 = arith.cmpi slt, %add3A_809, %lt3A : vector<16xi32>
        %ge3A_811 = vector.broadcast %or3A_782 : i32 to vector<16xi32>
        %ge3A_812 = arith.cmpi sge, %get3A_805, %ge3A_811 : vector<16xi32>
        %and3A_813 = arith.andi %lt3A_810, %ge3A_812 : vector<16xi1>
        %jit3A_814 = arith.constant 1 : i32
        %jit3A_815 = arith.constant 0 : i32
        %broadcast_in_dim3A_816 = vector.broadcast %jit3A_814 : i32 to vector<16xi32>
        %broadcast_in_dim3A_817 = vector.broadcast %jit3A_815 : i32 to vector<16xi32>
        %select_n3A_818 = arith.select %and3A_813, %broadcast_in_dim3A_816, %broadcast_in_dim3A_817 : vector<16xi1>, vector<16xi32>
        %add3A_819 = arith.addi %while3A_802, %select_n3A_818 : vector<16xi32>
        scf.yield %add3A_819 : vector<16xi32>
      }
      %reduce_sum3A_796 = arith.constant true
      %reduce_sum3A_797 = vector.broadcast %reduce_sum3A_796 : i1 to vector<16xi1>
      %reduce_sum3A_798 = tpu.scan <sum>, %while3A_795 masked %reduce_sum3A_797 : vector<16xi32>, vector<16xi1> -> vector<16xi32>
      %reduce_sum3A_799 = vector.extract %reduce_sum3A_798[15] : i32 from vector<16xi32>
      %ge3A = arith.cmpi sge, %reduce_sum3A_799, %sub3A_91 : i32
      %select_n3A_800 = arith.select %ge3A, %or3A_779, %scan3A_774 : i32
      scf.yield %select_n3A_800 : i32
    }
    %scan3A_168 = arith.constant 16 : i32
    %shift_left3A_169 = arith.constant 16 : i32
    %shift_left3A_170 = arith.shli %or3A, %shift_left3A_169 : i32
    %or3A_171 = arith.ori %shift_left3A_170, %scan3A_167 : i32
    %parallel_loop3A_172 = arith.constant 0 : i32
    %parallel_loop3A_173 = arith.constant 2048 : i32
    %parallel_loop3A_174 = arith.constant 1 : i32
    scf.for %parallel_loop3A_773 = %parallel_loop3A_172 to %parallel_loop3A_173 step %parallel_loop3A_174  : i32 {
      %parallel_loop3A_774 = arith.constant 16 : i32
      %parallel_loop3A_775 = arith.muli %parallel_loop3A_773, %parallel_loop3A_774 : i32
      %parallel_loop3A_776 = arith.index_cast %parallel_loop3A_775 : i32 to index
      %parallel_loop3A_777 = tpu.vector_load %arg4[%parallel_loop3A_776] {strides = array<i32>} : memref<32768xi32, #tpu.memory_space<vmem>>, vector<16xi32>,
      %parallel_loop3A_778 = vector.broadcast %or3A_171 : i32 to vector<16xi32>
      %parallel_loop3A_779 = arith.cmpi sge, %parallel_loop3A_777, %parallel_loop3A_778 : vector<16xi32>
      %parallel_loop3A_780 = arith.constant 1.000000e+00 : f32
      %parallel_loop3A_781 = arith.constant 0.000000e+00 : f32
      %parallel_loop3A_782 = vector.broadcast %parallel_loop3A_780 : f32 to vector<16xf32>
      %parallel_loop3A_783 = vector.broadcast %parallel_loop3A_781 : f32 to vector<16xf32>
      %parallel_loop3A_784 = arith.select %parallel_loop3A_779, %parallel_loop3A_782, %parallel_loop3A_783 : vector<16xi1>, vector<16xf32>
      %parallel_loop3A_785 = arith.index_cast %parallel_loop3A_775 : i32 to index
      %parallel_loop3A_786 = tpu.vector_load %arg6[%parallel_loop3A_785] {strides = array<i32>} : memref<32768xf32, #tpu.memory_space<vmem>>, vector<16xf32>,
      tpu.vector_store %arg6[%parallel_loop3A_785], %parallel_loop3A_784 {strides = array<i32>} : memref<32768xf32, #tpu.memory_space<vmem>>, vector<16xf32>,
    } {sc.loop_unroll_factor = 8 : i64, sc.parallel_access}
    %mul3A_175 = arith.constant 4 : i32
    %mul3A_176 = arith.muli %add3A, %mul3A_175 : i32
    %add3A_177 = arith.constant 0 : i32
    %add3A_178 = arith.addi %mul3A_176, %add3A_177 : i32
    %dma_start3A_179 = arith.constant 0 : i32
    %dma_start3A_180 = tpu.memref_slice %arg3[%add3A_178, %dma_start3A_179] : memref<128x32768xf32, #tpu.memory_space<hbm>> -> memref<1x32768xf32, #tpu.memory_space<hbm>>
    %dma_start3A_181 = tpu.memref_squeeze %dma_start3A_180 : memref<1x32768xf32, #tpu.memory_space<hbm>> -> memref<32768xf32, #tpu.memory_space<hbm>>
    %dma_start3A_182 = arith.constant 0 : i32
    %dma_start3A_183 = tpu.memref_slice %arg3[%add3A_178, %dma_start3A_182] : memref<128x32768xf32, #tpu.memory_space<hbm>> -> memref<1x32768xf32, #tpu.memory_space<hbm>>
    %dma_start3A_184 = tpu.memref_squeeze %dma_start3A_183 : memref<1x32768xf32, #tpu.memory_space<hbm>> -> memref<32768xf32, #tpu.memory_space<hbm>>
    tpu.enqueue_dma source(%arg6 : memref<32768xf32, #tpu.memory_space<vmem>>) target(%dma_start3A_184 : memref<32768xf32, #tpu.memory_space<hbm>>) target_semaphore(%arg12 : memref<!tpu.dma_semaphore, #tpu.memory_space<semaphore_mem>>)
    %dma_wait3A_185 = arith.constant 0 : i32
    %dma_wait3A_186 = tpu.memref_slice %arg2[%add3A_21, %dma_wait3A_185] : memref<128x32768xi32, #tpu.memory_space<hbm>> -> memref<1x32768xi32, #tpu.memory_space<hbm>>
    %dma_wait3A_187 = tpu.memref_squeeze %dma_wait3A_186 : memref<1x32768xi32, #tpu.memory_space<hbm>> -> memref<32768xi32, #tpu.memory_space<hbm>>
    %dma_wait3A_188 = arith.constant 0 : i32
    %dma_wait3A_189 = tpu.memref_slice %arg2[%add3A_21, %dma_wait3A_188] : memref<128x32768xi32, #tpu.memory_space<hbm>> -> memref<1x32768xi32, #tpu.memory_space<hbm>>
    %dma_wait3A_190 = tpu.memref_squeeze %dma_wait3A_189 : memref<1x32768xi32, #tpu.memory_space<hbm>> -> memref<32768xi32, #tpu.memory_space<hbm>>
    tpu.wait_dma2 semaphore(%arg11 : memref<!tpu.dma_semaphore, #tpu.memory_space<semaphore_mem>>) src(%dma_wait3A_190 : memref<32768xi32, #tpu.memory_space<hbm>>) dst(%arg5 : memref<32768xi32, #tpu.memory_space<vmem>>)
    %mul3A_191 = arith.constant 4 : i32
    %mul3A_192 = arith.muli %add3A, %mul3A_191 : i32
    %add3A_193 = arith.constant 1 : i32
    %add3A_194 = arith.addi %mul3A_192, %add3A_193 : i32
    %add3A_195 = arith.constant 1 : i32
    %add3A_196 = arith.addi %add3A_194, %add3A_195 : i32
    %dma_start3A_197 = arith.constant 0 : i32
    %dma_start3A_198 = tpu.memref_slice %arg2[%add3A_196, %dma_start3A_197] : memref<128x32768xi32, #tpu.memory_space<hbm>> -> memref<1x32768xi32, #tpu.memory_space<hbm>>
    %dma_start3A_199 = tpu.memref_squeeze %dma_start3A_198 : memref<1x32768xi32, #tpu.memory_space<hbm>> -> memref<32768xi32, #tpu.memory_space<hbm>>
    %dma_start3A_200 = arith.constant 0 : i32
    %dma_start3A_201 = tpu.memref_slice %arg2[%add3A_196, %dma_start3A_200] : memref<128x32768xi32, #tpu.memory_space<hbm>> -> memref<1x32768xi32, #tpu.memory_space<hbm>>
    %dma_start3A_202 = tpu.memref_squeeze %dma_start3A_201 : memref<1x32768xi32, #tpu.memory_space<hbm>> -> memref<32768xi32, #tpu.memory_space<hbm>>
    tpu.enqueue_dma source(%dma_start3A_202 : memref<32768xi32, #tpu.memory_space<hbm>>) target(%arg4 : memref<32768xi32, #tpu.memory_space<vmem>>) target_semaphore(%arg11 : memref<!tpu.dma_semaphore, #tpu.memory_space<semaphore_mem>>)
    %parallel_loop3A_203 = arith.constant 0 : i32
    %parallel_loop3A_204 = arith.constant 64 : i32
    %parallel_loop3A_205 = arith.constant 1 : i32
    scf.for %parallel_loop3A_773 = %parallel_loop3A_203 to %parallel_loop3A_204 step %parallel_loop3A_205  : i32 {
      %parallel_loop3A_774 = arith.constant 16 : i32
      %parallel_loop3A_775 = arith.muli %parallel_loop3A_773, %parallel_loop3A_774 : i32
      %parallel_loop3A_776 = arith.index_cast %parallel_loop3A_775 : i32 to index
      %parallel_loop3A_777 = tpu.vector_load %arg7[%parallel_loop3A_776] {strides = array<i32>} : memref<1024xi32, #tpu.memory_space<vmem>>, vector<16xi32>,
      tpu.vector_store %arg7[%parallel_loop3A_776], %broadcast_in_dim3A_1 {strides = array<i32>} : memref<1024xi32, #tpu.memory_space<vmem>>, vector<16xi32>,
    } {sc.loop_unroll_factor = 4 : i64, sc.parallel_access}
    %swap3A_206 = arith.constant 0 : index
    %swap3A_207 = tpu.vector_load %arg8[%swap3A_206] {strides = array<i32>} : memref<64xi32, #tpu.memory_space<vmem>>, vector<16xi32>,
    tpu.vector_store %arg8[%swap3A_206], %broadcast_in_dim3A_1 {strides = array<i32>} : memref<64xi32, #tpu.memory_space<vmem>>, vector<16xi32>,
    %swap3A_208 = arith.constant 16 : index
    %swap3A_209 = tpu.vector_load %arg8[%swap3A_208] {strides = array<i32>} : memref<64xi32, #tpu.memory_space<vmem>>, vector<16xi32>,
    tpu.vector_store %arg8[%swap3A_208], %broadcast_in_dim3A_1 {strides = array<i32>} : memref<64xi32, #tpu.memory_space<vmem>>, vector<16xi32>,
    %swap3A_210 = arith.constant 32 : index
    %swap3A_211 = tpu.vector_load %arg8[%swap3A_210] {strides = array<i32>} : memref<64xi32, #tpu.memory_space<vmem>>, vector<16xi32>,
    tpu.vector_store %arg8[%swap3A_210], %broadcast_in_dim3A_1 {strides = array<i32>} : memref<64xi32, #tpu.memory_space<vmem>>, vector<16xi32>,
    %swap3A_212 = arith.constant 48 : index
    %swap3A_213 = tpu.vector_load %arg8[%swap3A_212] {strides = array<i32>} : memref<64xi32, #tpu.memory_space<vmem>>, vector<16xi32>,
    tpu.vector_store %arg8[%swap3A_212], %broadcast_in_dim3A_1 {strides = array<i32>} : memref<64xi32, #tpu.memory_space<vmem>>, vector<16xi32>,
    %parallel_loop3A_214 = arith.constant 0 : i32
    %parallel_loop3A_215 = arith.constant 2048 : i32
    %parallel_loop3A_216 = arith.constant 1 : i32
    scf.for %parallel_loop3A_773 = %parallel_loop3A_214 to %parallel_loop3A_215 step %parallel_loop3A_216  : i32 {
      %parallel_loop3A_774 = arith.constant 16 : i32
      %parallel_loop3A_775 = arith.muli %parallel_loop3A_773, %parallel_loop3A_774 : i32
      %parallel_loop3A_776 = arith.index_cast %parallel_loop3A_775 : i32 to index
      %parallel_loop3A_777 = tpu.vector_load %arg5[%parallel_loop3A_776] {strides = array<i32>} : memref<32768xi32, #tpu.memory_space<vmem>>, vector<16xi32>,
      %parallel_loop3A_778 = arith.constant 22 : i32
      %parallel_loop3A_779 = vector.broadcast %parallel_loop3A_778 : i32 to vector<16xi32>
      %parallel_loop3A_780 = arith.shrsi %parallel_loop3A_777, %parallel_loop3A_779 : vector<16xi32>
      %parallel_loop3A_781 = arith.constant 512 : i32
      %parallel_loop3A_782 = vector.broadcast %parallel_loop3A_781 : i32 to vector<16xi32>
      %parallel_loop3A_783 = arith.addi %parallel_loop3A_780, %parallel_loop3A_782 : vector<16xi32>
      tpu.vector_store_idx %arg7[%parallel_loop3A_783], %broadcast_in_dim3A_3 {add = true} : memref<1024xi32, #tpu.memory_space<vmem>>[vector<16xi32>], vector<16xi32>,
    } {sc.loop_unroll_factor = 8 : i64, sc.parallel_access}
    %broadcast_in_dim3A_217 = arith.constant 0 : i32
    %broadcast_in_dim3A_218 = vector.broadcast %broadcast_in_dim3A_217 : i32 to vector<16xi32>
    %scan3A_219 = arith.constant 0 : i32
    %scan3A_220 = arith.constant 0 : i32
    %scan3A_221 = arith.constant 64 : i32
    %scan3A_222 = arith.addi %scan3A_220, %scan3A_221 : i32
    %scan3A_223 = arith.constant 1 : i32
    %scan3A_224:3 = scf.for %scan3A_773 = %scan3A_220 to %scan3A_222 step %scan3A_223 iter_args(%scan3A_774 = %broadcast_in_dim3A_218, %scan3A_775 = %broadcast_in_dim3A_218, %scan3A_776 = %scan3A_219) -> (vector<16xi32>, vector<16xi32>, i32)  : i32 {
      %sub3A_777 = arith.constant 63 : i32
      %sub3A_778 = arith.subi %sub3A_777, %scan3A_773 : i32
      %mul3A_779 = arith.constant 16 : i32
      %mul3A_780 = arith.muli %sub3A_778, %mul3A_779 : i32
      %get3A = arith.index_cast %mul3A_780 : i32 to index
      %get3A_781 = tpu.vector_load %arg7[%get3A] {strides = array<i32>} : memref<1024xi32, #tpu.memory_space<vmem>>, vector<16xi32>,
      %rev3A = arith.constant 15 : i32
      %rev3A_782 = vector.broadcast %rev3A : i32 to vector<16xi32>
      %rev3A_783 = tpu.iota {dimensions = array<i32: 0>} : vector<16xi32>
      %rev3A_784 = arith.subi %rev3A_782, %rev3A_783 : vector<16xi32>
      %rev3A_785 = tpu.dynamic_gather %get3A_781[%rev3A_784] in [0] : vector<16xi32>, vector<16xi32> -> vector<16xi32>
      %broadcast_in_dim3A_786 = arith.constant true
      %broadcast_in_dim3A_787 = vector.broadcast %broadcast_in_dim3A_786 : i1 to vector<16xi1>
      %masked_cumsum3A = tpu.scan <sum>, %rev3A_785 masked %broadcast_in_dim3A_787 : vector<16xi32>, vector<16xi1> -> vector<16xi32>
      %add3A_788 = vector.broadcast %scan3A_776 : i32 to vector<16xi32>
      %add3A_789 = arith.addi %masked_cumsum3A, %add3A_788 : vector<16xi32>
      %ge3A = arith.constant 16384 : i32
      %ge3A_790 = vector.broadcast %ge3A : i32 to vector<16xi32>
      %ge3A_791 = arith.cmpi sge, %add3A_789, %ge3A_790 : vector<16xi32>
      %convert_element_type3A = arith.extui %ge3A_791 : vector<16xi1> to vector<16xi32>
      %add3A_792 = arith.addi %scan3A_774, %convert_element_type3A : vector<16xi32>
      %jit3A_793 = arith.constant 0 : i32
      %broadcast_in_dim3A_794 = vector.broadcast %jit3A_793 : i32 to vector<16xi32>
      %select_n3A_795 = arith.select %ge3A_791, %broadcast_in_dim3A_794, %rev3A_785 : vector<16xi1>, vector<16xi32>
      %add3A_796 = arith.addi %scan3A_775, %select_n3A_795 : vector<16xi32>
      %reduce_sum3A_797 = arith.constant true
      %reduce_sum3A_798 = vector.broadcast %reduce_sum3A_797 : i1 to vector<16xi1>
      %reduce_sum3A_799 = tpu.scan <sum>, %get3A_781 masked %reduce_sum3A_798 : vector<16xi32>, vector<16xi1> -> vector<16xi32>
      %reduce_sum3A_800 = vector.extract %reduce_sum3A_799[15] : i32 from vector<16xi32>
      %add3A_801 = arith.addi %scan3A_776, %reduce_sum3A_800 : i32
      scf.yield %add3A_792, %add3A_796, %add3A_801 : vector<16xi32>, vector<16xi32>, i32
    }
    %scan3A_225 = arith.constant 64 : i32
    %reduce_sum3A_226 = arith.constant true
    %reduce_sum3A_227 = vector.broadcast %reduce_sum3A_226 : i1 to vector<16xi1>
    %reduce_sum3A_228 = tpu.scan <sum>, %scan3A_224#0 masked %reduce_sum3A_227 : vector<16xi32>, vector<16xi1> -> vector<16xi32>
    %reduce_sum3A_229 = vector.extract %reduce_sum3A_228[15] : i32 from vector<16xi32>
    %sub3A_230 = arith.constant 1 : i32
    %sub3A_231 = arith.subi %reduce_sum3A_229, %sub3A_230 : i32
    %reduce_sum3A_232 = arith.constant true
    %reduce_sum3A_233 = vector.broadcast %reduce_sum3A_232 : i1 to vector<16xi1>
    %reduce_sum3A_234 = tpu.scan <sum>, %scan3A_224#1 masked %reduce_sum3A_233 : vector<16xi32>, vector<16xi1> -> vector<16xi32>
    %reduce_sum3A_235 = vector.extract %reduce_sum3A_234[15] : i32 from vector<16xi32>
    %sub3A_236 = arith.constant 16384 : i32
    %sub3A_237 = arith.subi %sub3A_236, %reduce_sum3A_235 : i32
    %broadcast_in_dim3A_238 = arith.constant 0 : i32
    %broadcast_in_dim3A_239 = vector.broadcast %broadcast_in_dim3A_238 : i32 to vector<16xi32>
    %parallel_loop3A_240 = arith.constant 0 : i32
    %parallel_loop3A_241 = arith.constant 2048 : i32
    %parallel_loop3A_242 = arith.constant 1 : i32
    %parallel_loop3A_243 = scf.for %parallel_loop3A_773 = %parallel_loop3A_240 to %parallel_loop3A_241 step %parallel_loop3A_242 iter_args(%parallel_loop3A_774 = %broadcast_in_dim3A_239) -> (vector<16xi32>)  : i32 {
      %parallel_loop3A_775 = arith.constant 16 : i32
      %parallel_loop3A_776 = arith.muli %parallel_loop3A_773, %parallel_loop3A_775 : i32
      %parallel_loop3A_777 = arith.index_cast %parallel_loop3A_776 : i32 to index
      %parallel_loop3A_778 = tpu.vector_load %arg5[%parallel_loop3A_777] {strides = array<i32>} : memref<32768xi32, #tpu.memory_space<vmem>>, vector<16xi32>,
      %parallel_loop3A_779 = arith.constant 22 : i32
      %parallel_loop3A_780 = vector.broadcast %parallel_loop3A_779 : i32 to vector<16xi32>
      %parallel_loop3A_781 = arith.shrsi %parallel_loop3A_778, %parallel_loop3A_780 : vector<16xi32>
      %parallel_loop3A_782 = arith.constant 512 : i32
      %parallel_loop3A_783 = vector.broadcast %parallel_loop3A_782 : i32 to vector<16xi32>
      %parallel_loop3A_784 = arith.addi %parallel_loop3A_781, %parallel_loop3A_783 : vector<16xi32>
      %parallel_loop3A_785 = vector.broadcast %sub3A_231 : i32 to vector<16xi32>
      %parallel_loop3A_786 = arith.cmpi eq, %parallel_loop3A_784, %parallel_loop3A_785 : vector<16xi32>
      %parallel_loop3A_787 = arith.constant 16 : i32
      %parallel_loop3A_788 = vector.broadcast %parallel_loop3A_787 : i32 to vector<16xi32>
      %parallel_loop3A_789 = arith.shrsi %parallel_loop3A_778, %parallel_loop3A_788 : vector<16xi32>
      %parallel_loop3A_790 = arith.constant 63 : i32
      %parallel_loop3A_791 = vector.broadcast %parallel_loop3A_790 : i32 to vector<16xi32>
      %parallel_loop3A_792 = arith.andi %parallel_loop3A_789, %parallel_loop3A_791 : vector<16xi32>
      tpu.vector_store_idx %arg8[%parallel_loop3A_792], %broadcast_in_dim3A_3 masked %parallel_loop3A_786 {add = true} : memref<64xi32, #tpu.memory_space<vmem>>[vector<16xi32>], vector<16xi32>, vector<16xi1>
      %parallel_loop3A_793 = arith.extui %parallel_loop3A_786 : vector<16xi1> to vector<16xi32>
      %parallel_loop3A_794 = arith.constant true
      %parallel_loop3A_795 = vector.broadcast %parallel_loop3A_794 : i1 to vector<16xi1>
      %parallel_loop3A_796 = tpu.scan <sum>, %parallel_loop3A_793 masked %parallel_loop3A_795 : vector<16xi32>, vector<16xi1> -> vector<16xi32>
      %parallel_loop3A_797 = arith.addi %parallel_loop3A_774, %parallel_loop3A_796 : vector<16xi32>
      %parallel_loop3A_798 = arith.constant 1 : i32
      %parallel_loop3A_799 = vector.broadcast %parallel_loop3A_798 : i32 to vector<16xi32>
      %parallel_loop3A_800 = arith.subi %parallel_loop3A_797, %parallel_loop3A_799 : vector<16xi32>
      %parallel_loop3A_801 = arith.constant 4095 : i32
      %parallel_loop3A_802 = vector.broadcast %parallel_loop3A_801 : i32 to vector<16xi32>
      %parallel_loop3A_803 = arith.minsi %parallel_loop3A_800, %parallel_loop3A_802 : vector<16xi32>
      tpu.vector_store_idx %arg9[%parallel_loop3A_803], %parallel_loop3A_778 masked %parallel_loop3A_786 : memref<4096xi32, #tpu.memory_space<vmem>>[vector<16xi32>], vector<16xi32>, vector<16xi1>
      %parallel_loop3A_804 = tpu.all_reduce %parallel_loop3A_786 {dim = 0 : i64, kind = #tpu.reduction_kind<sum>} : vector<16xi1> -> vector<16xi32>
      %parallel_loop3A_805 = arith.addi %parallel_loop3A_774, %parallel_loop3A_804 : vector<16xi32>
      scf.yield %parallel_loop3A_805 : vector<16xi32>
    } {sc.loop_unroll_factor = 8 : i64, sc.parallel_access}
    %reduce_max3A_244 = arith.constant true
    %reduce_max3A_245 = vector.broadcast %reduce_max3A_244 : i1 to vector<16xi1>
    %reduce_max3A_246 = arith.constant -2147483648 : i32
    %reduce_max3A_247 = vector.broadcast %reduce_max3A_246 : i32 to vector<16xi32>
    %reduce_max3A_248 = arith.xori %parallel_loop3A_243, %reduce_max3A_247 : vector<16xi32>
    %reduce_max3A_249 = tpu.scan <max>, %reduce_max3A_248 masked %reduce_max3A_245 : vector<16xi32>, vector<16xi1> -> vector<16xi32>
    %reduce_max3A_250 = arith.xori %reduce_max3A_249, %reduce_max3A_247 : vector<16xi32>
    %reduce_max3A_251 = vector.extract %reduce_max3A_250[15] : i32 from vector<16xi32>
    %min3A_252 = arith.constant 4096 : i32
    %min3A_253 = arith.minsi %reduce_max3A_251, %min3A_252 : i32
    %broadcast_in_dim3A_254 = arith.constant 0 : i32
    %broadcast_in_dim3A_255 = vector.broadcast %broadcast_in_dim3A_254 : i32 to vector<16xi32>
    %scan3A_256 = arith.constant 0 : i32
    %scan3A_257 = arith.constant 0 : i32
    %scan3A_258 = arith.constant 4 : i32
    %scan3A_259 = arith.addi %scan3A_257, %scan3A_258 : i32
    %scan3A_260 = arith.constant 1 : i32
    %scan3A_261:3 = scf.for %scan3A_773 = %scan3A_257 to %scan3A_259 step %scan3A_260 iter_args(%scan3A_774 = %broadcast_in_dim3A_255, %scan3A_775 = %broadcast_in_dim3A_255, %scan3A_776 = %scan3A_256) -> (vector<16xi32>, vector<16xi32>, i32)  : i32 {
      %sub3A_777 = arith.constant 3 : i32
      %sub3A_778 = arith.subi %sub3A_777, %scan3A_773 : i32
      %mul3A_779 = arith.constant 16 : i32
      %mul3A_780 = arith.muli %sub3A_778, %mul3A_779 : i32
      %get3A = arith.index_cast %mul3A_780 : i32 to index
      %get3A_781 = tpu.vector_load %arg8[%get3A] {strides = array<i32>} : memref<64xi32, #tpu.memory_space<vmem>>, vector<16xi32>,
      %rev3A = arith.constant 15 : i32
      %rev3A_782 = vector.broadcast %rev3A : i32 to vector<16xi32>
      %rev3A_783 = tpu.iota {dimensions = array<i32: 0>} : vector<16xi32>
      %rev3A_784 = arith.subi %rev3A_782, %rev3A_783 : vector<16xi32>
      %rev3A_785 = tpu.dynamic_gather %get3A_781[%rev3A_784] in [0] : vector<16xi32>, vector<16xi32> -> vector<16xi32>
      %broadcast_in_dim3A_786 = arith.constant true
      %broadcast_in_dim3A_787 = vector.broadcast %broadcast_in_dim3A_786 : i1 to vector<16xi1>
      %masked_cumsum3A = tpu.scan <sum>, %rev3A_785 masked %broadcast_in_dim3A_787 : vector<16xi32>, vector<16xi1> -> vector<16xi32>
      %add3A_788 = vector.broadcast %scan3A_776 : i32 to vector<16xi32>
      %add3A_789 = arith.addi %masked_cumsum3A, %add3A_788 : vector<16xi32>
      %ge3A = vector.broadcast %sub3A_237 : i32 to vector<16xi32>
      %ge3A_790 = arith.cmpi sge, %add3A_789, %ge3A : vector<16xi32>
      %convert_element_type3A = arith.extui %ge3A_790 : vector<16xi1> to vector<16xi32>
      %add3A_791 = arith.addi %scan3A_774, %convert_element_type3A : vector<16xi32>
      %jit3A_792 = arith.constant 0 : i32
      %broadcast_in_dim3A_793 = vector.broadcast %jit3A_792 : i32 to vector<16xi32>
      %select_n3A_794 = arith.select %ge3A_790, %broadcast_in_dim3A_793, %rev3A_785 : vector<16xi1>, vector<16xi32>
      %add3A_795 = arith.addi %scan3A_775, %select_n3A_794 : vector<16xi32>
      %reduce_sum3A_796 = arith.constant true
      %reduce_sum3A_797 = vector.broadcast %reduce_sum3A_796 : i1 to vector<16xi1>
      %reduce_sum3A_798 = tpu.scan <sum>, %get3A_781 masked %reduce_sum3A_797 : vector<16xi32>, vector<16xi1> -> vector<16xi32>
      %reduce_sum3A_799 = vector.extract %reduce_sum3A_798[15] : i32 from vector<16xi32>
      %add3A_800 = arith.addi %scan3A_776, %reduce_sum3A_799 : i32
      scf.yield %add3A_791, %add3A_795, %add3A_800 : vector<16xi32>, vector<16xi32>, i32
    }
    %scan3A_262 = arith.constant 4 : i32
    %reduce_sum3A_263 = arith.constant true
    %reduce_sum3A_264 = vector.broadcast %reduce_sum3A_263 : i1 to vector<16xi1>
    %reduce_sum3A_265 = tpu.scan <sum>, %scan3A_261#0 masked %reduce_sum3A_264 : vector<16xi32>, vector<16xi1> -> vector<16xi32>
    %reduce_sum3A_266 = vector.extract %reduce_sum3A_265[15] : i32 from vector<16xi32>
    %sub3A_267 = arith.constant 1 : i32
    %sub3A_268 = arith.subi %reduce_sum3A_266, %sub3A_267 : i32
    %reduce_sum3A_269 = arith.constant true
    %reduce_sum3A_270 = vector.broadcast %reduce_sum3A_269 : i1 to vector<16xi1>
    %reduce_sum3A_271 = tpu.scan <sum>, %scan3A_261#1 masked %reduce_sum3A_270 : vector<16xi32>, vector<16xi1> -> vector<16xi32>
    %reduce_sum3A_272 = vector.extract %reduce_sum3A_271[15] : i32 from vector<16xi32>
    %sub3A_273 = arith.subi %sub3A_237, %reduce_sum3A_272 : i32
    %sub3A_274 = arith.constant 512 : i32
    %sub3A_275 = arith.subi %sub3A_231, %sub3A_274 : i32
    %shift_left3A_276 = arith.constant 6 : i32
    %shift_left3A_277 = arith.shli %sub3A_275, %shift_left3A_276 : i32
    %or3A_278 = arith.ori %shift_left3A_277, %sub3A_268 : i32
    %add3A_279 = arith.constant 15 : i32
    %add3A_280 = arith.addi %min3A_253, %add3A_279 : i32
    %jit3A_281 = arith.constant 16 : i32
    %div3A_282 = arith.divsi %add3A_280, %jit3A_281 : i32
    %sign3A_283 = arith.constant 0 : i32
    %sign3A_284 = arith.cmpi sgt, %add3A_280, %sign3A_283 : i32
    %sign3A_285 = arith.extui %sign3A_284 : i1 to i32
    %sign3A_286 = arith.constant 0 : i32
    %sign3A_287 = arith.cmpi slt, %add3A_280, %sign3A_286 : i32
    %sign3A_288 = arith.extui %sign3A_287 : i1 to i32
    %sign3A_289 = arith.subi %sign3A_285, %sign3A_288 : i32
    %sign3A_290 = arith.constant 0 : i32
    %sign3A_291 = arith.cmpi sgt, %jit3A_281, %sign3A_290 : i32
    %sign3A_292 = arith.extui %sign3A_291 : i1 to i32
    %sign3A_293 = arith.constant 0 : i32
    %sign3A_294 = arith.cmpi slt, %jit3A_281, %sign3A_293 : i32
    %sign3A_295 = arith.extui %sign3A_294 : i1 to i32
    %sign3A_296 = arith.subi %sign3A_292, %sign3A_295 : i32
    %ne3A_297 = arith.cmpi ne, %sign3A_289, %sign3A_296 : i32
    %rem3A_298 = arith.remsi %add3A_280, %jit3A_281 : i32
    %ne3A_299 = arith.constant 0 : i32
    %ne3A_300 = arith.cmpi ne, %rem3A_298, %ne3A_299 : i32
    %and3A_301 = arith.andi %ne3A_297, %ne3A_300 : i1
    %sub3A_302 = arith.constant 1 : i32
    %sub3A_303 = arith.subi %div3A_282, %sub3A_302 : i32
    %select_n3A_304 = arith.select %and3A_301, %sub3A_303, %div3A_282 : i32
    %broadcast_in_dim3A_305 = arith.constant 0 : i32
    %broadcast_in_dim3A_306 = vector.broadcast %broadcast_in_dim3A_305 : i32 to vector<16xi32>
    %while3A_307 = arith.constant 0 : i32
    %while3A_308 = arith.subi %select_n3A_304, %while3A_307 : i32
    %while3A_309 = arith.addi %while3A_307, %while3A_308 : i32
    %while3A_310 = arith.constant 1 : i32
    %while3A_311 = arith.divsi %while3A_308, %while3A_310 : i32
    %while3A_312 = arith.muli %while3A_311, %while3A_310 : i32
    %while3A_313 = arith.addi %while3A_307, %while3A_312 : i32
    %while3A_314 = arith.constant 1 : i32
    %while3A_315 = scf.for %while3A_773 = %while3A_307 to %while3A_313 step %while3A_314 iter_args(%while3A_774 = %broadcast_in_dim3A_306) -> (vector<16xi32>)  : i32 {
      %mul3A_775 = arith.constant 16 : i32
      %mul3A_776 = arith.muli %while3A_773, %mul3A_775 : i32
      %get3A = arith.index_cast %mul3A_776 : i32 to index
      %get3A_777 = tpu.vector_load %arg9[%get3A] {strides = array<i32>} : memref<4096xi32, #tpu.memory_space<vmem>>, vector<16xi32>,
      %shift_right_arithmetic3A = arith.constant 16 : i32
      %shift_right_arithmetic3A_778 = vector.broadcast %shift_right_arithmetic3A : i32 to vector<16xi32>
      %shift_right_arithmetic3A_779 = arith.shrsi %get3A_777, %shift_right_arithmetic3A_778 : vector<16xi32>
      %eq3A = vector.broadcast %or3A_278 : i32 to vector<16xi32>
      %eq3A_780 = arith.cmpi eq, %shift_right_arithmetic3A_779, %eq3A : vector<16xi32>
      %mul3A_781 = arith.constant 16 : i32
      %mul3A_782 = arith.muli %while3A_773, %mul3A_781 : i32
      %add3A_783 = vector.broadcast %mul3A_782 : i32 to vector<16xi32>
      %add3A_784 = arith.addi %add3A_783, %iota3A : vector<16xi32>
      %lt3A = vector.broadcast %min3A_253 : i32 to vector<16xi32>
      %lt3A_785 = arith.cmpi slt, %add3A_784, %lt3A : vector<16xi32>
      %and3A_786 = arith.andi %eq3A_780, %lt3A_785 : vector<16xi1>
      %convert_element_type3A = arith.extui %and3A_786 : vector<16xi1> to vector<16xi32>
      %broadcast_in_dim3A_787 = arith.constant true
      %broadcast_in_dim3A_788 = vector.broadcast %broadcast_in_dim3A_787 : i1 to vector<16xi1>
      %masked_cumsum3A = tpu.scan <sum>, %convert_element_type3A masked %broadcast_in_dim3A_788 : vector<16xi32>, vector<16xi1> -> vector<16xi32>
      %add3A_789 = arith.addi %while3A_774, %masked_cumsum3A : vector<16xi32>
      %sub3A_790 = arith.constant 1 : i32
      %sub3A_791 = vector.broadcast %sub3A_790 : i32 to vector<16xi32>
      %sub3A_792 = arith.subi %add3A_789, %sub3A_791 : vector<16xi32>
      %min3A_793 = arith.constant 511 : i32
      %min3A_794 = vector.broadcast %min3A_793 : i32 to vector<16xi32>
      %min3A_795 = arith.minsi %sub3A_792, %min3A_794 : vector<16xi32>
      tpu.vector_store_idx %arg10[%min3A_795], %get3A_777 masked %and3A_786 : memref<512xi32, #tpu.memory_space<vmem>>[vector<16xi32>], vector<16xi32>, vector<16xi1>
      %all_reduce_population_count3A = tpu.all_reduce %and3A_786 {dim = 0 : i64, kind = #tpu.reduction_kind<sum>} : vector<16xi1> -> vector<16xi32>
      %add3A_796 = arith.addi %while3A_774, %all_reduce_population_count3A : vector<16xi32>
      scf.yield %add3A_796 : vector<16xi32>
    }
    %while3A_316 = arith.constant 1 : i32
    %while3A_317 = scf.for %while3A_773 = %while3A_313 to %while3A_309 step %while3A_316 iter_args(%while3A_774 = %while3A_315) -> (vector<16xi32>)  : i32 {
      %mul3A_775 = arith.constant 16 : i32
      %mul3A_776 = arith.muli %while3A_773, %mul3A_775 : i32
      %get3A = arith.index_cast %mul3A_776 : i32 to index
      %get3A_777 = tpu.vector_load %arg9[%get3A] {strides = array<i32>} : memref<4096xi32, #tpu.memory_space<vmem>>, vector<16xi32>,
      %shift_right_arithmetic3A = arith.constant 16 : i32
      %shift_right_arithmetic3A_778 = vector.broadcast %shift_right_arithmetic3A : i32 to vector<16xi32>
      %shift_right_arithmetic3A_779 = arith.shrsi %get3A_777, %shift_right_arithmetic3A_778 : vector<16xi32>
      %eq3A = vector.broadcast %or3A_278 : i32 to vector<16xi32>
      %eq3A_780 = arith.cmpi eq, %shift_right_arithmetic3A_779, %eq3A : vector<16xi32>
      %mul3A_781 = arith.constant 16 : i32
      %mul3A_782 = arith.muli %while3A_773, %mul3A_781 : i32
      %add3A_783 = vector.broadcast %mul3A_782 : i32 to vector<16xi32>
      %add3A_784 = arith.addi %add3A_783, %iota3A : vector<16xi32>
      %lt3A = vector.broadcast %min3A_253 : i32 to vector<16xi32>
      %lt3A_785 = arith.cmpi slt, %add3A_784, %lt3A : vector<16xi32>
      %and3A_786 = arith.andi %eq3A_780, %lt3A_785 : vector<16xi1>
      %convert_element_type3A = arith.extui %and3A_786 : vector<16xi1> to vector<16xi32>
      %broadcast_in_dim3A_787 = arith.constant true
      %broadcast_in_dim3A_788 = vector.broadcast %broadcast_in_dim3A_787 : i1 to vector<16xi1>
      %masked_cumsum3A = tpu.scan <sum>, %convert_element_type3A masked %broadcast_in_dim3A_788 : vector<16xi32>, vector<16xi1> -> vector<16xi32>
      %add3A_789 = arith.addi %while3A_774, %masked_cumsum3A : vector<16xi32>
      %sub3A_790 = arith.constant 1 : i32
      %sub3A_791 = vector.broadcast %sub3A_790 : i32 to vector<16xi32>
      %sub3A_792 = arith.subi %add3A_789, %sub3A_791 : vector<16xi32>
      %min3A_793 = arith.constant 511 : i32
      %min3A_794 = vector.broadcast %min3A_793 : i32 to vector<16xi32>
      %min3A_795 = arith.minsi %sub3A_792, %min3A_794 : vector<16xi32>
      tpu.vector_store_idx %arg10[%min3A_795], %get3A_777 masked %and3A_786 : memref<512xi32, #tpu.memory_space<vmem>>[vector<16xi32>], vector<16xi32>, vector<16xi1>
      %all_reduce_population_count3A = tpu.all_reduce %and3A_786 {dim = 0 : i64, kind = #tpu.reduction_kind<sum>} : vector<16xi1> -> vector<16xi32>
      %add3A_796 = arith.addi %while3A_774, %all_reduce_population_count3A : vector<16xi32>
      scf.yield %add3A_796 : vector<16xi32>
    }
    %reduce_max3A_318 = arith.constant true
    %reduce_max3A_319 = vector.broadcast %reduce_max3A_318 : i1 to vector<16xi1>
    %reduce_max3A_320 = arith.constant -2147483648 : i32
    %reduce_max3A_321 = vector.broadcast %reduce_max3A_320 : i32 to vector<16xi32>
    %reduce_max3A_322 = arith.xori %while3A_317, %reduce_max3A_321 : vector<16xi32>
    %reduce_max3A_323 = tpu.scan <max>, %reduce_max3A_322 masked %reduce_max3A_319 : vector<16xi32>, vector<16xi1> -> vector<16xi32>
    %reduce_max3A_324 = arith.xori %reduce_max3A_323, %reduce_max3A_321 : vector<16xi32>
    %reduce_max3A_325 = vector.extract %reduce_max3A_324[15] : i32 from vector<16xi32>
    %min3A_326 = arith.constant 512 : i32
    %min3A_327 = arith.minsi %reduce_max3A_325, %min3A_326 : i32
    %add3A_328 = arith.constant 15 : i32
    %add3A_329 = arith.addi %min3A_327, %add3A_328 : i32
    %jit3A_330 = arith.constant 16 : i32
    %div3A_331 = arith.divsi %add3A_329, %jit3A_330 : i32
    %sign3A_332 = arith.constant 0 : i32
    %sign3A_333 = arith.cmpi sgt, %add3A_329, %sign3A_332 : i32
    %sign3A_334 = arith.extui %sign3A_333 : i1 to i32
    %sign3A_335 = arith.constant 0 : i32
    %sign3A_336 = arith.cmpi slt, %add3A_329, %sign3A_335 : i32
    %sign3A_337 = arith.extui %sign3A_336 : i1 to i32
    %sign3A_338 = arith.subi %sign3A_334, %sign3A_337 : i32
    %sign3A_339 = arith.constant 0 : i32
    %sign3A_340 = arith.cmpi sgt, %jit3A_330, %sign3A_339 : i32
    %sign3A_341 = arith.extui %sign3A_340 : i1 to i32
    %sign3A_342 = arith.constant 0 : i32
    %sign3A_343 = arith.cmpi slt, %jit3A_330, %sign3A_342 : i32
    %sign3A_344 = arith.extui %sign3A_343 : i1 to i32
    %sign3A_345 = arith.subi %sign3A_341, %sign3A_344 : i32
    %ne3A_346 = arith.cmpi ne, %sign3A_338, %sign3A_345 : i32
    %rem3A_347 = arith.remsi %add3A_329, %jit3A_330 : i32
    %ne3A_348 = arith.constant 0 : i32
    %ne3A_349 = arith.cmpi ne, %rem3A_347, %ne3A_348 : i32
    %and3A_350 = arith.andi %ne3A_346, %ne3A_349 : i1
    %sub3A_351 = arith.constant 1 : i32
    %sub3A_352 = arith.subi %div3A_331, %sub3A_351 : i32
    %select_n3A_353 = arith.select %and3A_350, %sub3A_352, %div3A_331 : i32
    %scan3A_354 = arith.constant 0 : i32
    %scan3A_355 = arith.constant 0 : i32
    %scan3A_356 = arith.constant 16 : i32
    %scan3A_357 = arith.addi %scan3A_355, %scan3A_356 : i32
    %scan3A_358 = arith.constant 1 : i32
    %scan3A_359 = scf.for %scan3A_773 = %scan3A_355 to %scan3A_357 step %scan3A_358 iter_args(%scan3A_774 = %scan3A_354) -> (i32)  : i32 {
      %sub3A_775 = arith.constant 15 : i32
      %sub3A_776 = arith.subi %sub3A_775, %scan3A_773 : i32
      %shift_left3A_777 = arith.constant 1 : i32
      %shift_left3A_778 = arith.shli %shift_left3A_777, %sub3A_776 : i32
      %or3A_779 = arith.ori %scan3A_774, %shift_left3A_778 : i32
      %shift_left3A_780 = arith.constant 16 : i32
      %shift_left3A_781 = arith.shli %or3A_278, %shift_left3A_780 : i32
      %or3A_782 = arith.ori %shift_left3A_781, %or3A_779 : i32
      %broadcast_in_dim3A_783 = arith.constant 0 : i32
      %broadcast_in_dim3A_784 = vector.broadcast %broadcast_in_dim3A_783 : i32 to vector<16xi32>
      %while3A_785 = arith.constant 0 : i32
      %while3A_786 = arith.subi %select_n3A_353, %while3A_785 : i32
      %while3A_787 = arith.addi %while3A_785, %while3A_786 : i32
      %while3A_788 = arith.constant 1 : i32
      %while3A_789 = arith.divsi %while3A_786, %while3A_788 : i32
      %while3A_790 = arith.muli %while3A_789, %while3A_788 : i32
      %while3A_791 = arith.addi %while3A_785, %while3A_790 : i32
      %while3A_792 = arith.constant 1 : i32
      %while3A_793 = scf.for %while3A_801 = %while3A_785 to %while3A_791 step %while3A_792 iter_args(%while3A_802 = %broadcast_in_dim3A_784) -> (vector<16xi32>)  : i32 {
        %mul3A_803 = arith.constant 16 : i32
        %mul3A_804 = arith.muli %while3A_801, %mul3A_803 : i32
        %get3A = arith.index_cast %mul3A_804 : i32 to index
        %get3A_805 = tpu.vector_load %arg10[%get3A] {strides = array<i32>} : memref<512xi32, #tpu.memory_space<vmem>>, vector<16xi32>,
        %mul3A_806 = arith.constant 16 : i32
        %mul3A_807 = arith.muli %while3A_801, %mul3A_806 : i32
        %add3A_808 = vector.broadcast %mul3A_807 : i32 to vector<16xi32>
        %add3A_809 = arith.addi %add3A_808, %iota3A : vector<16xi32>
        %lt3A = vector.broadcast %min3A_327 : i32 to vector<16xi32>
        %lt3A_810 = arith.cmpi slt, %add3A_809, %lt3A : vector<16xi32>
        %ge3A_811 = vector.broadcast %or3A_782 : i32 to vector<16xi32>
        %ge3A_812 = arith.cmpi sge, %get3A_805, %ge3A_811 : vector<16xi32>
        %and3A_813 = arith.andi %lt3A_810, %ge3A_812 : vector<16xi1>
        %jit3A_814 = arith.constant 1 : i32
        %jit3A_815 = arith.constant 0 : i32
        %broadcast_in_dim3A_816 = vector.broadcast %jit3A_814 : i32 to vector<16xi32>
        %broadcast_in_dim3A_817 = vector.broadcast %jit3A_815 : i32 to vector<16xi32>
        %select_n3A_818 = arith.select %and3A_813, %broadcast_in_dim3A_816, %broadcast_in_dim3A_817 : vector<16xi1>, vector<16xi32>
        %add3A_819 = arith.addi %while3A_802, %select_n3A_818 : vector<16xi32>
        scf.yield %add3A_819 : vector<16xi32>
      }
      %while3A_794 = arith.constant 1 : i32
      %while3A_795 = scf.for %while3A_801 = %while3A_791 to %while3A_787 step %while3A_794 iter_args(%while3A_802 = %while3A_793) -> (vector<16xi32>)  : i32 {
        %mul3A_803 = arith.constant 16 : i32
        %mul3A_804 = arith.muli %while3A_801, %mul3A_803 : i32
        %get3A = arith.index_cast %mul3A_804 : i32 to index
        %get3A_805 = tpu.vector_load %arg10[%get3A] {strides = array<i32>} : memref<512xi32, #tpu.memory_space<vmem>>, vector<16xi32>,
        %mul3A_806 = arith.constant 16 : i32
        %mul3A_807 = arith.muli %while3A_801, %mul3A_806 : i32
        %add3A_808 = vector.broadcast %mul3A_807 : i32 to vector<16xi32>
        %add3A_809 = arith.addi %add3A_808, %iota3A : vector<16xi32>
        %lt3A = vector.broadcast %min3A_327 : i32 to vector<16xi32>
        %lt3A_810 = arith.cmpi slt, %add3A_809, %lt3A : vector<16xi32>
        %ge3A_811 = vector.broadcast %or3A_782 : i32 to vector<16xi32>
        %ge3A_812 = arith.cmpi sge, %get3A_805, %ge3A_811 : vector<16xi32>
        %and3A_813 = arith.andi %lt3A_810, %ge3A_812 : vector<16xi1>
        %jit3A_814 = arith.constant 1 : i32
        %jit3A_815 = arith.constant 0 : i32
        %broadcast_in_dim3A_816 = vector.broadcast %jit3A_814 : i32 to vector<16xi32>
        %broadcast_in_dim3A_817 = vector.broadcast %jit3A_815 : i32 to vector<16xi32>
        %select_n3A_818 = arith.select %and3A_813, %broadcast_in_dim3A_816, %broadcast_in_dim3A_817 : vector<16xi1>, vector<16xi32>
        %add3A_819 = arith.addi %while3A_802, %select_n3A_818 : vector<16xi32>
        scf.yield %add3A_819 : vector<16xi32>
      }
      %reduce_sum3A_796 = arith.constant true
      %reduce_sum3A_797 = vector.broadcast %reduce_sum3A_796 : i1 to vector<16xi1>
      %reduce_sum3A_798 = tpu.scan <sum>, %while3A_795 masked %reduce_sum3A_797 : vector<16xi32>, vector<16xi1> -> vector<16xi32>
      %reduce_sum3A_799 = vector.extract %reduce_sum3A_798[15] : i32 from vector<16xi32>
      %ge3A = arith.cmpi sge, %reduce_sum3A_799, %sub3A_273 : i32
      %select_n3A_800 = arith.select %ge3A, %or3A_779, %scan3A_774 : i32
      scf.yield %select_n3A_800 : i32
    }
    %scan3A_360 = arith.constant 16 : i32
    %shift_left3A_361 = arith.constant 16 : i32
    %shift_left3A_362 = arith.shli %or3A_278, %shift_left3A_361 : i32
    %or3A_363 = arith.ori %shift_left3A_362, %scan3A_359 : i32
    %dma_wait3A_364 = arith.constant 0 : i32
    %dma_wait3A_365 = tpu.memref_slice %arg3[%add3A_178, %dma_wait3A_364] : memref<128x32768xf32, #tpu.memory_space<hbm>> -> memref<1x32768xf32, #tpu.memory_space<hbm>>
    %dma_wait3A_366 = tpu.memref_squeeze %dma_wait3A_365 : memref<1x32768xf32, #tpu.memory_space<hbm>> -> memref<32768xf32, #tpu.memory_space<hbm>>
    %dma_wait3A_367 = arith.constant 0 : i32
    %dma_wait3A_368 = tpu.memref_slice %arg3[%add3A_178, %dma_wait3A_367] : memref<128x32768xf32, #tpu.memory_space<hbm>> -> memref<1x32768xf32, #tpu.memory_space<hbm>>
    %dma_wait3A_369 = tpu.memref_squeeze %dma_wait3A_368 : memref<1x32768xf32, #tpu.memory_space<hbm>> -> memref<32768xf32, #tpu.memory_space<hbm>>
    tpu.wait_dma2 semaphore(%arg12 : memref<!tpu.dma_semaphore, #tpu.memory_space<semaphore_mem>>) src(%arg6 : memref<32768xf32, #tpu.memory_space<vmem>>) dst(%dma_wait3A_369 : memref<32768xf32, #tpu.memory_space<hbm>>)
    %parallel_loop3A_370 = arith.constant 0 : i32
    %parallel_loop3A_371 = arith.constant 2048 : i32
    %parallel_loop3A_372 = arith.constant 1 : i32
    scf.for %parallel_loop3A_773 = %parallel_loop3A_370 to %parallel_loop3A_371 step %parallel_loop3A_372  : i32 {
      %parallel_loop3A_774 = arith.constant 16 : i32
      %parallel_loop3A_775 = arith.muli %parallel_loop3A_773, %parallel_loop3A_774 : i32
      %parallel_loop3A_776 = arith.index_cast %parallel_loop3A_775 : i32 to index
      %parallel_loop3A_777 = tpu.vector_load %arg5[%parallel_loop3A_776] {strides = array<i32>} : memref<32768xi32, #tpu.memory_space<vmem>>, vector<16xi32>,
      %parallel_loop3A_778 = vector.broadcast %or3A_363 : i32 to vector<16xi32>
      %parallel_loop3A_779 = arith.cmpi sge, %parallel_loop3A_777, %parallel_loop3A_778 : vector<16xi32>
      %parallel_loop3A_780 = arith.constant 1.000000e+00 : f32
      %parallel_loop3A_781 = arith.constant 0.000000e+00 : f32
      %parallel_loop3A_782 = vector.broadcast %parallel_loop3A_780 : f32 to vector<16xf32>
      %parallel_loop3A_783 = vector.broadcast %parallel_loop3A_781 : f32 to vector<16xf32>
      %parallel_loop3A_784 = arith.select %parallel_loop3A_779, %parallel_loop3A_782, %parallel_loop3A_783 : vector<16xi1>, vector<16xf32>
      %parallel_loop3A_785 = arith.index_cast %parallel_loop3A_775 : i32 to index
      %parallel_loop3A_786 = tpu.vector_load %arg6[%parallel_loop3A_785] {strides = array<i32>} : memref<32768xf32, #tpu.memory_space<vmem>>, vector<16xf32>,
      tpu.vector_store %arg6[%parallel_loop3A_785], %parallel_loop3A_784 {strides = array<i32>} : memref<32768xf32, #tpu.memory_space<vmem>>, vector<16xf32>,
    } {sc.loop_unroll_factor = 8 : i64, sc.parallel_access}
    %mul3A_373 = arith.constant 4 : i32
    %mul3A_374 = arith.muli %add3A, %mul3A_373 : i32
    %add3A_375 = arith.constant 1 : i32
    %add3A_376 = arith.addi %mul3A_374, %add3A_375 : i32
    %dma_start3A_377 = arith.constant 0 : i32
    %dma_start3A_378 = tpu.memref_slice %arg3[%add3A_376, %dma_start3A_377] : memref<128x32768xf32, #tpu.memory_space<hbm>> -> memref<1x32768xf32, #tpu.memory_space<hbm>>
    %dma_start3A_379 = tpu.memref_squeeze %dma_start3A_378 : memref<1x32768xf32, #tpu.memory_space<hbm>> -> memref<32768xf32, #tpu.memory_space<hbm>>
    %dma_start3A_380 = arith.constant 0 : i32
    %dma_start3A_381 = tpu.memref_slice %arg3[%add3A_376, %dma_start3A_380] : memref<128x32768xf32, #tpu.memory_space<hbm>> -> memref<1x32768xf32, #tpu.memory_space<hbm>>
    %dma_start3A_382 = tpu.memref_squeeze %dma_start3A_381 : memref<1x32768xf32, #tpu.memory_space<hbm>> -> memref<32768xf32, #tpu.memory_space<hbm>>
    tpu.enqueue_dma source(%arg6 : memref<32768xf32, #tpu.memory_space<vmem>>) target(%dma_start3A_382 : memref<32768xf32, #tpu.memory_space<hbm>>) target_semaphore(%arg12 : memref<!tpu.dma_semaphore, #tpu.memory_space<semaphore_mem>>)
    %dma_wait3A_383 = arith.constant 0 : i32
    %dma_wait3A_384 = tpu.memref_slice %arg2[%add3A_196, %dma_wait3A_383] : memref<128x32768xi32, #tpu.memory_space<hbm>> -> memref<1x32768xi32, #tpu.memory_space<hbm>>
    %dma_wait3A_385 = tpu.memref_squeeze %dma_wait3A_384 : memref<1x32768xi32, #tpu.memory_space<hbm>> -> memref<32768xi32, #tpu.memory_space<hbm>>
    %dma_wait3A_386 = arith.constant 0 : i32
    %dma_wait3A_387 = tpu.memref_slice %arg2[%add3A_196, %dma_wait3A_386] : memref<128x32768xi32, #tpu.memory_space<hbm>> -> memref<1x32768xi32, #tpu.memory_space<hbm>>
    %dma_wait3A_388 = tpu.memref_squeeze %dma_wait3A_387 : memref<1x32768xi32, #tpu.memory_space<hbm>> -> memref<32768xi32, #tpu.memory_space<hbm>>
    tpu.wait_dma2 semaphore(%arg11 : memref<!tpu.dma_semaphore, #tpu.memory_space<semaphore_mem>>) src(%dma_wait3A_388 : memref<32768xi32, #tpu.memory_space<hbm>>) dst(%arg4 : memref<32768xi32, #tpu.memory_space<vmem>>)
    %mul3A_389 = arith.constant 4 : i32
    %mul3A_390 = arith.muli %add3A, %mul3A_389 : i32
    %add3A_391 = arith.constant 2 : i32
    %add3A_392 = arith.addi %mul3A_390, %add3A_391 : i32
    %add3A_393 = arith.constant 1 : i32
    %add3A_394 = arith.addi %add3A_392, %add3A_393 : i32
    %dma_start3A_395 = arith.constant 0 : i32
    %dma_start3A_396 = tpu.memref_slice %arg2[%add3A_394, %dma_start3A_395] : memref<128x32768xi32, #tpu.memory_space<hbm>> -> memref<1x32768xi32, #tpu.memory_space<hbm>>
    %dma_start3A_397 = tpu.memref_squeeze %dma_start3A_396 : memref<1x32768xi32, #tpu.memory_space<hbm>> -> memref<32768xi32, #tpu.memory_space<hbm>>
    %dma_start3A_398 = arith.constant 0 : i32
    %dma_start3A_399 = tpu.memref_slice %arg2[%add3A_394, %dma_start3A_398] : memref<128x32768xi32, #tpu.memory_space<hbm>> -> memref<1x32768xi32, #tpu.memory_space<hbm>>
    %dma_start3A_400 = tpu.memref_squeeze %dma_start3A_399 : memref<1x32768xi32, #tpu.memory_space<hbm>> -> memref<32768xi32, #tpu.memory_space<hbm>>
    tpu.enqueue_dma source(%dma_start3A_400 : memref<32768xi32, #tpu.memory_space<hbm>>) target(%arg5 : memref<32768xi32, #tpu.memory_space<vmem>>) target_semaphore(%arg11 : memref<!tpu.dma_semaphore, #tpu.memory_space<semaphore_mem>>)
    %parallel_loop3A_401 = arith.constant 0 : i32
    %parallel_loop3A_402 = arith.constant 64 : i32
    %parallel_loop3A_403 = arith.constant 1 : i32
    scf.for %parallel_loop3A_773 = %parallel_loop3A_401 to %parallel_loop3A_402 step %parallel_loop3A_403  : i32 {
      %parallel_loop3A_774 = arith.constant 16 : i32
      %parallel_loop3A_775 = arith.muli %parallel_loop3A_773, %parallel_loop3A_774 : i32
      %parallel_loop3A_776 = arith.index_cast %parallel_loop3A_775 : i32 to index
      %parallel_loop3A_777 = tpu.vector_load %arg7[%parallel_loop3A_776] {strides = array<i32>} : memref<1024xi32, #tpu.memory_space<vmem>>, vector<16xi32>,
      tpu.vector_store %arg7[%parallel_loop3A_776], %broadcast_in_dim3A_1 {strides = array<i32>} : memref<1024xi32, #tpu.memory_space<vmem>>, vector<16xi32>,
    } {sc.loop_unroll_factor = 4 : i64, sc.parallel_access}
    %swap3A_404 = arith.constant 0 : index
    %swap3A_405 = tpu.vector_load %arg8[%swap3A_404] {strides = array<i32>} : memref<64xi32, #tpu.memory_space<vmem>>, vector<16xi32>,
    tpu.vector_store %arg8[%swap3A_404], %broadcast_in_dim3A_1 {strides = array<i32>} : memref<64xi32, #tpu.memory_space<vmem>>, vector<16xi32>,
    %swap3A_406 = arith.constant 16 : index
    %swap3A_407 = tpu.vector_load %arg8[%swap3A_406] {strides = array<i32>} : memref<64xi32, #tpu.memory_space<vmem>>, vector<16xi32>,
    tpu.vector_store %arg8[%swap3A_406], %broadcast_in_dim3A_1 {strides = array<i32>} : memref<64xi32, #tpu.memory_space<vmem>>, vector<16xi32>,
    %swap3A_408 = arith.constant 32 : index
    %swap3A_409 = tpu.vector_load %arg8[%swap3A_408] {strides = array<i32>} : memref<64xi32, #tpu.memory_space<vmem>>, vector<16xi32>,
    tpu.vector_store %arg8[%swap3A_408], %broadcast_in_dim3A_1 {strides = array<i32>} : memref<64xi32, #tpu.memory_space<vmem>>, vector<16xi32>,
    %swap3A_410 = arith.constant 48 : index
    %swap3A_411 = tpu.vector_load %arg8[%swap3A_410] {strides = array<i32>} : memref<64xi32, #tpu.memory_space<vmem>>, vector<16xi32>,
    tpu.vector_store %arg8[%swap3A_410], %broadcast_in_dim3A_1 {strides = array<i32>} : memref<64xi32, #tpu.memory_space<vmem>>, vector<16xi32>,
    %parallel_loop3A_412 = arith.constant 0 : i32
    %parallel_loop3A_413 = arith.constant 2048 : i32
    %parallel_loop3A_414 = arith.constant 1 : i32
    scf.for %parallel_loop3A_773 = %parallel_loop3A_412 to %parallel_loop3A_413 step %parallel_loop3A_414  : i32 {
      %parallel_loop3A_774 = arith.constant 16 : i32
      %parallel_loop3A_775 = arith.muli %parallel_loop3A_773, %parallel_loop3A_774 : i32
      %parallel_loop3A_776 = arith.index_cast %parallel_loop3A_775 : i32 to index
      %parallel_loop3A_777 = tpu.vector_load %arg4[%parallel_loop3A_776] {strides = array<i32>} : memref<32768xi32, #tpu.memory_space<vmem>>, vector<16xi32>,
      %parallel_loop3A_778 = arith.constant 22 : i32
      %parallel_loop3A_779 = vector.broadcast %parallel_loop3A_778 : i32 to vector<16xi32>
      %parallel_loop3A_780 = arith.shrsi %parallel_loop3A_777, %parallel_loop3A_779 : vector<16xi32>
      %parallel_loop3A_781 = arith.constant 512 : i32
      %parallel_loop3A_782 = vector.broadcast %parallel_loop3A_781 : i32 to vector<16xi32>
      %parallel_loop3A_783 = arith.addi %parallel_loop3A_780, %parallel_loop3A_782 : vector<16xi32>
      tpu.vector_store_idx %arg7[%parallel_loop3A_783], %broadcast_in_dim3A_3 {add = true} : memref<1024xi32, #tpu.memory_space<vmem>>[vector<16xi32>], vector<16xi32>,
    } {sc.loop_unroll_factor = 8 : i64, sc.parallel_access}
    %broadcast_in_dim3A_415 = arith.constant 0 : i32
    %broadcast_in_dim3A_416 = vector.broadcast %broadcast_in_dim3A_415 : i32 to vector<16xi32>
    %scan3A_417 = arith.constant 0 : i32
    %scan3A_418 = arith.constant 0 : i32
    %scan3A_419 = arith.constant 64 : i32
    %scan3A_420 = arith.addi %scan3A_418, %scan3A_419 : i32
    %scan3A_421 = arith.constant 1 : i32
    %scan3A_422:3 = scf.for %scan3A_773 = %scan3A_418 to %scan3A_420 step %scan3A_421 iter_args(%scan3A_774 = %broadcast_in_dim3A_416, %scan3A_775 = %broadcast_in_dim3A_416, %scan3A_776 = %scan3A_417) -> (vector<16xi32>, vector<16xi32>, i32)  : i32 {
      %sub3A_777 = arith.constant 63 : i32
      %sub3A_778 = arith.subi %sub3A_777, %scan3A_773 : i32
      %mul3A_779 = arith.constant 16 : i32
      %mul3A_780 = arith.muli %sub3A_778, %mul3A_779 : i32
      %get3A = arith.index_cast %mul3A_780 : i32 to index
      %get3A_781 = tpu.vector_load %arg7[%get3A] {strides = array<i32>} : memref<1024xi32, #tpu.memory_space<vmem>>, vector<16xi32>,
      %rev3A = arith.constant 15 : i32
      %rev3A_782 = vector.broadcast %rev3A : i32 to vector<16xi32>
      %rev3A_783 = tpu.iota {dimensions = array<i32: 0>} : vector<16xi32>
      %rev3A_784 = arith.subi %rev3A_782, %rev3A_783 : vector<16xi32>
      %rev3A_785 = tpu.dynamic_gather %get3A_781[%rev3A_784] in [0] : vector<16xi32>, vector<16xi32> -> vector<16xi32>
      %broadcast_in_dim3A_786 = arith.constant true
      %broadcast_in_dim3A_787 = vector.broadcast %broadcast_in_dim3A_786 : i1 to vector<16xi1>
      %masked_cumsum3A = tpu.scan <sum>, %rev3A_785 masked %broadcast_in_dim3A_787 : vector<16xi32>, vector<16xi1> -> vector<16xi32>
      %add3A_788 = vector.broadcast %scan3A_776 : i32 to vector<16xi32>
      %add3A_789 = arith.addi %masked_cumsum3A, %add3A_788 : vector<16xi32>
      %ge3A = arith.constant 16384 : i32
      %ge3A_790 = vector.broadcast %ge3A : i32 to vector<16xi32>
      %ge3A_791 = arith.cmpi sge, %add3A_789, %ge3A_790 : vector<16xi32>
      %convert_element_type3A = arith.extui %ge3A_791 : vector<16xi1> to vector<16xi32>
      %add3A_792 = arith.addi %scan3A_774, %convert_element_type3A : vector<16xi32>
      %jit3A_793 = arith.constant 0 : i32
      %broadcast_in_dim3A_794 = vector.broadcast %jit3A_793 : i32 to vector<16xi32>
      %select_n3A_795 = arith.select %ge3A_791, %broadcast_in_dim3A_794, %rev3A_785 : vector<16xi1>, vector<16xi32>
      %add3A_796 = arith.addi %scan3A_775, %select_n3A_795 : vector<16xi32>
      %reduce_sum3A_797 = arith.constant true
      %reduce_sum3A_798 = vector.broadcast %reduce_sum3A_797 : i1 to vector<16xi1>
      %reduce_sum3A_799 = tpu.scan <sum>, %get3A_781 masked %reduce_sum3A_798 : vector<16xi32>, vector<16xi1> -> vector<16xi32>
      %reduce_sum3A_800 = vector.extract %reduce_sum3A_799[15] : i32 from vector<16xi32>
      %add3A_801 = arith.addi %scan3A_776, %reduce_sum3A_800 : i32
      scf.yield %add3A_792, %add3A_796, %add3A_801 : vector<16xi32>, vector<16xi32>, i32
    }
    %scan3A_423 = arith.constant 64 : i32
    %reduce_sum3A_424 = arith.constant true
    %reduce_sum3A_425 = vector.broadcast %reduce_sum3A_424 : i1 to vector<16xi1>
    %reduce_sum3A_426 = tpu.scan <sum>, %scan3A_422#0 masked %reduce_sum3A_425 : vector<16xi32>, vector<16xi1> -> vector<16xi32>
    %reduce_sum3A_427 = vector.extract %reduce_sum3A_426[15] : i32 from vector<16xi32>
    %sub3A_428 = arith.constant 1 : i32
    %sub3A_429 = arith.subi %reduce_sum3A_427, %sub3A_428 : i32
    %reduce_sum3A_430 = arith.constant true
    %reduce_sum3A_431 = vector.broadcast %reduce_sum3A_430 : i1 to vector<16xi1>
    %reduce_sum3A_432 = tpu.scan <sum>, %scan3A_422#1 masked %reduce_sum3A_431 : vector<16xi32>, vector<16xi1> -> vector<16xi32>
    %reduce_sum3A_433 = vector.extract %reduce_sum3A_432[15] : i32 from vector<16xi32>
    %sub3A_434 = arith.constant 16384 : i32
    %sub3A_435 = arith.subi %sub3A_434, %reduce_sum3A_433 : i32
    %broadcast_in_dim3A_436 = arith.constant 0 : i32
    %broadcast_in_dim3A_437 = vector.broadcast %broadcast_in_dim3A_436 : i32 to vector<16xi32>
    %parallel_loop3A_438 = arith.constant 0 : i32
    %parallel_loop3A_439 = arith.constant 2048 : i32
    %parallel_loop3A_440 = arith.constant 1 : i32
    %parallel_loop3A_441 = scf.for %parallel_loop3A_773 = %parallel_loop3A_438 to %parallel_loop3A_439 step %parallel_loop3A_440 iter_args(%parallel_loop3A_774 = %broadcast_in_dim3A_437) -> (vector<16xi32>)  : i32 {
      %parallel_loop3A_775 = arith.constant 16 : i32
      %parallel_loop3A_776 = arith.muli %parallel_loop3A_773, %parallel_loop3A_775 : i32
      %parallel_loop3A_777 = arith.index_cast %parallel_loop3A_776 : i32 to index
      %parallel_loop3A_778 = tpu.vector_load %arg4[%parallel_loop3A_777] {strides = array<i32>} : memref<32768xi32, #tpu.memory_space<vmem>>, vector<16xi32>,
      %parallel_loop3A_779 = arith.constant 22 : i32
      %parallel_loop3A_780 = vector.broadcast %parallel_loop3A_779 : i32 to vector<16xi32>
      %parallel_loop3A_781 = arith.shrsi %parallel_loop3A_778, %parallel_loop3A_780 : vector<16xi32>
      %parallel_loop3A_782 = arith.constant 512 : i32
      %parallel_loop3A_783 = vector.broadcast %parallel_loop3A_782 : i32 to vector<16xi32>
      %parallel_loop3A_784 = arith.addi %parallel_loop3A_781, %parallel_loop3A_783 : vector<16xi32>
      %parallel_loop3A_785 = vector.broadcast %sub3A_429 : i32 to vector<16xi32>
      %parallel_loop3A_786 = arith.cmpi eq, %parallel_loop3A_784, %parallel_loop3A_785 : vector<16xi32>
      %parallel_loop3A_787 = arith.constant 16 : i32
      %parallel_loop3A_788 = vector.broadcast %parallel_loop3A_787 : i32 to vector<16xi32>
      %parallel_loop3A_789 = arith.shrsi %parallel_loop3A_778, %parallel_loop3A_788 : vector<16xi32>
      %parallel_loop3A_790 = arith.constant 63 : i32
      %parallel_loop3A_791 = vector.broadcast %parallel_loop3A_790 : i32 to vector<16xi32>
      %parallel_loop3A_792 = arith.andi %parallel_loop3A_789, %parallel_loop3A_791 : vector<16xi32>
      tpu.vector_store_idx %arg8[%parallel_loop3A_792], %broadcast_in_dim3A_3 masked %parallel_loop3A_786 {add = true} : memref<64xi32, #tpu.memory_space<vmem>>[vector<16xi32>], vector<16xi32>, vector<16xi1>
      %parallel_loop3A_793 = arith.extui %parallel_loop3A_786 : vector<16xi1> to vector<16xi32>
      %parallel_loop3A_794 = arith.constant true
      %parallel_loop3A_795 = vector.broadcast %parallel_loop3A_794 : i1 to vector<16xi1>
      %parallel_loop3A_796 = tpu.scan <sum>, %parallel_loop3A_793 masked %parallel_loop3A_795 : vector<16xi32>, vector<16xi1> -> vector<16xi32>
      %parallel_loop3A_797 = arith.addi %parallel_loop3A_774, %parallel_loop3A_796 : vector<16xi32>
      %parallel_loop3A_798 = arith.constant 1 : i32
      %parallel_loop3A_799 = vector.broadcast %parallel_loop3A_798 : i32 to vector<16xi32>
      %parallel_loop3A_800 = arith.subi %parallel_loop3A_797, %parallel_loop3A_799 : vector<16xi32>
      %parallel_loop3A_801 = arith.constant 4095 : i32
      %parallel_loop3A_802 = vector.broadcast %parallel_loop3A_801 : i32 to vector<16xi32>
      %parallel_loop3A_803 = arith.minsi %parallel_loop3A_800, %parallel_loop3A_802 : vector<16xi32>
      tpu.vector_store_idx %arg9[%parallel_loop3A_803], %parallel_loop3A_778 masked %parallel_loop3A_786 : memref<4096xi32, #tpu.memory_space<vmem>>[vector<16xi32>], vector<16xi32>, vector<16xi1>
      %parallel_loop3A_804 = tpu.all_reduce %parallel_loop3A_786 {dim = 0 : i64, kind = #tpu.reduction_kind<sum>} : vector<16xi1> -> vector<16xi32>
      %parallel_loop3A_805 = arith.addi %parallel_loop3A_774, %parallel_loop3A_804 : vector<16xi32>
      scf.yield %parallel_loop3A_805 : vector<16xi32>
    } {sc.loop_unroll_factor = 8 : i64, sc.parallel_access}
    %reduce_max3A_442 = arith.constant true
    %reduce_max3A_443 = vector.broadcast %reduce_max3A_442 : i1 to vector<16xi1>
    %reduce_max3A_444 = arith.constant -2147483648 : i32
    %reduce_max3A_445 = vector.broadcast %reduce_max3A_444 : i32 to vector<16xi32>
    %reduce_max3A_446 = arith.xori %parallel_loop3A_441, %reduce_max3A_445 : vector<16xi32>
    %reduce_max3A_447 = tpu.scan <max>, %reduce_max3A_446 masked %reduce_max3A_443 : vector<16xi32>, vector<16xi1> -> vector<16xi32>
    %reduce_max3A_448 = arith.xori %reduce_max3A_447, %reduce_max3A_445 : vector<16xi32>
    %reduce_max3A_449 = vector.extract %reduce_max3A_448[15] : i32 from vector<16xi32>
    %min3A_450 = arith.constant 4096 : i32
    %min3A_451 = arith.minsi %reduce_max3A_449, %min3A_450 : i32
    %broadcast_in_dim3A_452 = arith.constant 0 : i32
    %broadcast_in_dim3A_453 = vector.broadcast %broadcast_in_dim3A_452 : i32 to vector<16xi32>
    %scan3A_454 = arith.constant 0 : i32
    %scan3A_455 = arith.constant 0 : i32
    %scan3A_456 = arith.constant 4 : i32
    %scan3A_457 = arith.addi %scan3A_455, %scan3A_456 : i32
    %scan3A_458 = arith.constant 1 : i32
    %scan3A_459:3 = scf.for %scan3A_773 = %scan3A_455 to %scan3A_457 step %scan3A_458 iter_args(%scan3A_774 = %broadcast_in_dim3A_453, %scan3A_775 = %broadcast_in_dim3A_453, %scan3A_776 = %scan3A_454) -> (vector<16xi32>, vector<16xi32>, i32)  : i32 {
      %sub3A_777 = arith.constant 3 : i32
      %sub3A_778 = arith.subi %sub3A_777, %scan3A_773 : i32
      %mul3A_779 = arith.constant 16 : i32
      %mul3A_780 = arith.muli %sub3A_778, %mul3A_779 : i32
      %get3A = arith.index_cast %mul3A_780 : i32 to index
      %get3A_781 = tpu.vector_load %arg8[%get3A] {strides = array<i32>} : memref<64xi32, #tpu.memory_space<vmem>>, vector<16xi32>,
      %rev3A = arith.constant 15 : i32
      %rev3A_782 = vector.broadcast %rev3A : i32 to vector<16xi32>
      %rev3A_783 = tpu.iota {dimensions = array<i32: 0>} : vector<16xi32>
      %rev3A_784 = arith.subi %rev3A_782, %rev3A_783 : vector<16xi32>
      %rev3A_785 = tpu.dynamic_gather %get3A_781[%rev3A_784] in [0] : vector<16xi32>, vector<16xi32> -> vector<16xi32>
      %broadcast_in_dim3A_786 = arith.constant true
      %broadcast_in_dim3A_787 = vector.broadcast %broadcast_in_dim3A_786 : i1 to vector<16xi1>
      %masked_cumsum3A = tpu.scan <sum>, %rev3A_785 masked %broadcast_in_dim3A_787 : vector<16xi32>, vector<16xi1> -> vector<16xi32>
      %add3A_788 = vector.broadcast %scan3A_776 : i32 to vector<16xi32>
      %add3A_789 = arith.addi %masked_cumsum3A, %add3A_788 : vector<16xi32>
      %ge3A = vector.broadcast %sub3A_435 : i32 to vector<16xi32>
      %ge3A_790 = arith.cmpi sge, %add3A_789, %ge3A : vector<16xi32>
      %convert_element_type3A = arith.extui %ge3A_790 : vector<16xi1> to vector<16xi32>
      %add3A_791 = arith.addi %scan3A_774, %convert_element_type3A : vector<16xi32>
      %jit3A_792 = arith.constant 0 : i32
      %broadcast_in_dim3A_793 = vector.broadcast %jit3A_792 : i32 to vector<16xi32>
      %select_n3A_794 = arith.select %ge3A_790, %broadcast_in_dim3A_793, %rev3A_785 : vector<16xi1>, vector<16xi32>
      %add3A_795 = arith.addi %scan3A_775, %select_n3A_794 : vector<16xi32>
      %reduce_sum3A_796 = arith.constant true
      %reduce_sum3A_797 = vector.broadcast %reduce_sum3A_796 : i1 to vector<16xi1>
      %reduce_sum3A_798 = tpu.scan <sum>, %get3A_781 masked %reduce_sum3A_797 : vector<16xi32>, vector<16xi1> -> vector<16xi32>
      %reduce_sum3A_799 = vector.extract %reduce_sum3A_798[15] : i32 from vector<16xi32>
      %add3A_800 = arith.addi %scan3A_776, %reduce_sum3A_799 : i32
      scf.yield %add3A_791, %add3A_795, %add3A_800 : vector<16xi32>, vector<16xi32>, i32
    }
    %scan3A_460 = arith.constant 4 : i32
    %reduce_sum3A_461 = arith.constant true
    %reduce_sum3A_462 = vector.broadcast %reduce_sum3A_461 : i1 to vector<16xi1>
    %reduce_sum3A_463 = tpu.scan <sum>, %scan3A_459#0 masked %reduce_sum3A_462 : vector<16xi32>, vector<16xi1> -> vector<16xi32>
    %reduce_sum3A_464 = vector.extract %reduce_sum3A_463[15] : i32 from vector<16xi32>
    %sub3A_465 = arith.constant 1 : i32
    %sub3A_466 = arith.subi %reduce_sum3A_464, %sub3A_465 : i32
    %reduce_sum3A_467 = arith.constant true
    %reduce_sum3A_468 = vector.broadcast %reduce_sum3A_467 : i1 to vector<16xi1>
    %reduce_sum3A_469 = tpu.scan <sum>, %scan3A_459#1 masked %reduce_sum3A_468 : vector<16xi32>, vector<16xi1> -> vector<16xi32>
    %reduce_sum3A_470 = vector.extract %reduce_sum3A_469[15] : i32 from vector<16xi32>
    %sub3A_471 = arith.subi %sub3A_435, %reduce_sum3A_470 : i32
    %sub3A_472 = arith.constant 512 : i32
    %sub3A_473 = arith.subi %sub3A_429, %sub3A_472 : i32
    %shift_left3A_474 = arith.constant 6 : i32
    %shift_left3A_475 = arith.shli %sub3A_473, %shift_left3A_474 : i32
    %or3A_476 = arith.ori %shift_left3A_475, %sub3A_466 : i32
    %add3A_477 = arith.constant 15 : i32
    %add3A_478 = arith.addi %min3A_451, %add3A_477 : i32
    %jit3A_479 = arith.constant 16 : i32
    %div3A_480 = arith.divsi %add3A_478, %jit3A_479 : i32
    %sign3A_481 = arith.constant 0 : i32
    %sign3A_482 = arith.cmpi sgt, %add3A_478, %sign3A_481 : i32
    %sign3A_483 = arith.extui %sign3A_482 : i1 to i32
    %sign3A_484 = arith.constant 0 : i32
    %sign3A_485 = arith.cmpi slt, %add3A_478, %sign3A_484 : i32
    %sign3A_486 = arith.extui %sign3A_485 : i1 to i32
    %sign3A_487 = arith.subi %sign3A_483, %sign3A_486 : i32
    %sign3A_488 = arith.constant 0 : i32
    %sign3A_489 = arith.cmpi sgt, %jit3A_479, %sign3A_488 : i32
    %sign3A_490 = arith.extui %sign3A_489 : i1 to i32
    %sign3A_491 = arith.constant 0 : i32
    %sign3A_492 = arith.cmpi slt, %jit3A_479, %sign3A_491 : i32
    %sign3A_493 = arith.extui %sign3A_492 : i1 to i32
    %sign3A_494 = arith.subi %sign3A_490, %sign3A_493 : i32
    %ne3A_495 = arith.cmpi ne, %sign3A_487, %sign3A_494 : i32
    %rem3A_496 = arith.remsi %add3A_478, %jit3A_479 : i32
    %ne3A_497 = arith.constant 0 : i32
    %ne3A_498 = arith.cmpi ne, %rem3A_496, %ne3A_497 : i32
    %and3A_499 = arith.andi %ne3A_495, %ne3A_498 : i1
    %sub3A_500 = arith.constant 1 : i32
    %sub3A_501 = arith.subi %div3A_480, %sub3A_500 : i32
    %select_n3A_502 = arith.select %and3A_499, %sub3A_501, %div3A_480 : i32
    %broadcast_in_dim3A_503 = arith.constant 0 : i32
    %broadcast_in_dim3A_504 = vector.broadcast %broadcast_in_dim3A_503 : i32 to vector<16xi32>
    %while3A_505 = arith.constant 0 : i32
    %while3A_506 = arith.subi %select_n3A_502, %while3A_505 : i32
    %while3A_507 = arith.addi %while3A_505, %while3A_506 : i32
    %while3A_508 = arith.constant 1 : i32
    %while3A_509 = arith.divsi %while3A_506, %while3A_508 : i32
    %while3A_510 = arith.muli %while3A_509, %while3A_508 : i32
    %while3A_511 = arith.addi %while3A_505, %while3A_510 : i32
    %while3A_512 = arith.constant 1 : i32
    %while3A_513 = scf.for %while3A_773 = %while3A_505 to %while3A_511 step %while3A_512 iter_args(%while3A_774 = %broadcast_in_dim3A_504) -> (vector<16xi32>)  : i32 {
      %mul3A_775 = arith.constant 16 : i32
      %mul3A_776 = arith.muli %while3A_773, %mul3A_775 : i32
      %get3A = arith.index_cast %mul3A_776 : i32 to index
      %get3A_777 = tpu.vector_load %arg9[%get3A] {strides = array<i32>} : memref<4096xi32, #tpu.memory_space<vmem>>, vector<16xi32>,
      %shift_right_arithmetic3A = arith.constant 16 : i32
      %shift_right_arithmetic3A_778 = vector.broadcast %shift_right_arithmetic3A : i32 to vector<16xi32>
      %shift_right_arithmetic3A_779 = arith.shrsi %get3A_777, %shift_right_arithmetic3A_778 : vector<16xi32>
      %eq3A = vector.broadcast %or3A_476 : i32 to vector<16xi32>
      %eq3A_780 = arith.cmpi eq, %shift_right_arithmetic3A_779, %eq3A : vector<16xi32>
      %mul3A_781 = arith.constant 16 : i32
      %mul3A_782 = arith.muli %while3A_773, %mul3A_781 : i32
      %add3A_783 = vector.broadcast %mul3A_782 : i32 to vector<16xi32>
      %add3A_784 = arith.addi %add3A_783, %iota3A : vector<16xi32>
      %lt3A = vector.broadcast %min3A_451 : i32 to vector<16xi32>
      %lt3A_785 = arith.cmpi slt, %add3A_784, %lt3A : vector<16xi32>
      %and3A_786 = arith.andi %eq3A_780, %lt3A_785 : vector<16xi1>
      %convert_element_type3A = arith.extui %and3A_786 : vector<16xi1> to vector<16xi32>
      %broadcast_in_dim3A_787 = arith.constant true
      %broadcast_in_dim3A_788 = vector.broadcast %broadcast_in_dim3A_787 : i1 to vector<16xi1>
      %masked_cumsum3A = tpu.scan <sum>, %convert_element_type3A masked %broadcast_in_dim3A_788 : vector<16xi32>, vector<16xi1> -> vector<16xi32>
      %add3A_789 = arith.addi %while3A_774, %masked_cumsum3A : vector<16xi32>
      %sub3A_790 = arith.constant 1 : i32
      %sub3A_791 = vector.broadcast %sub3A_790 : i32 to vector<16xi32>
      %sub3A_792 = arith.subi %add3A_789, %sub3A_791 : vector<16xi32>
      %min3A_793 = arith.constant 511 : i32
      %min3A_794 = vector.broadcast %min3A_793 : i32 to vector<16xi32>
      %min3A_795 = arith.minsi %sub3A_792, %min3A_794 : vector<16xi32>
      tpu.vector_store_idx %arg10[%min3A_795], %get3A_777 masked %and3A_786 : memref<512xi32, #tpu.memory_space<vmem>>[vector<16xi32>], vector<16xi32>, vector<16xi1>
      %all_reduce_population_count3A = tpu.all_reduce %and3A_786 {dim = 0 : i64, kind = #tpu.reduction_kind<sum>} : vector<16xi1> -> vector<16xi32>
      %add3A_796 = arith.addi %while3A_774, %all_reduce_population_count3A : vector<16xi32>
      scf.yield %add3A_796 : vector<16xi32>
    }
    %while3A_514 = arith.constant 1 : i32
    %while3A_515 = scf.for %while3A_773 = %while3A_511 to %while3A_507 step %while3A_514 iter_args(%while3A_774 = %while3A_513) -> (vector<16xi32>)  : i32 {
      %mul3A_775 = arith.constant 16 : i32
      %mul3A_776 = arith.muli %while3A_773, %mul3A_775 : i32
      %get3A = arith.index_cast %mul3A_776 : i32 to index
      %get3A_777 = tpu.vector_load %arg9[%get3A] {strides = array<i32>} : memref<4096xi32, #tpu.memory_space<vmem>>, vector<16xi32>,
      %shift_right_arithmetic3A = arith.constant 16 : i32
      %shift_right_arithmetic3A_778 = vector.broadcast %shift_right_arithmetic3A : i32 to vector<16xi32>
      %shift_right_arithmetic3A_779 = arith.shrsi %get3A_777, %shift_right_arithmetic3A_778 : vector<16xi32>
      %eq3A = vector.broadcast %or3A_476 : i32 to vector<16xi32>
      %eq3A_780 = arith.cmpi eq, %shift_right_arithmetic3A_779, %eq3A : vector<16xi32>
      %mul3A_781 = arith.constant 16 : i32
      %mul3A_782 = arith.muli %while3A_773, %mul3A_781 : i32
      %add3A_783 = vector.broadcast %mul3A_782 : i32 to vector<16xi32>
      %add3A_784 = arith.addi %add3A_783, %iota3A : vector<16xi32>
      %lt3A = vector.broadcast %min3A_451 : i32 to vector<16xi32>
      %lt3A_785 = arith.cmpi slt, %add3A_784, %lt3A : vector<16xi32>
      %and3A_786 = arith.andi %eq3A_780, %lt3A_785 : vector<16xi1>
      %convert_element_type3A = arith.extui %and3A_786 : vector<16xi1> to vector<16xi32>
      %broadcast_in_dim3A_787 = arith.constant true
      %broadcast_in_dim3A_788 = vector.broadcast %broadcast_in_dim3A_787 : i1 to vector<16xi1>
      %masked_cumsum3A = tpu.scan <sum>, %convert_element_type3A masked %broadcast_in_dim3A_788 : vector<16xi32>, vector<16xi1> -> vector<16xi32>
      %add3A_789 = arith.addi %while3A_774, %masked_cumsum3A : vector<16xi32>
      %sub3A_790 = arith.constant 1 : i32
      %sub3A_791 = vector.broadcast %sub3A_790 : i32 to vector<16xi32>
      %sub3A_792 = arith.subi %add3A_789, %sub3A_791 : vector<16xi32>
      %min3A_793 = arith.constant 511 : i32
      %min3A_794 = vector.broadcast %min3A_793 : i32 to vector<16xi32>
      %min3A_795 = arith.minsi %sub3A_792, %min3A_794 : vector<16xi32>
      tpu.vector_store_idx %arg10[%min3A_795], %get3A_777 masked %and3A_786 : memref<512xi32, #tpu.memory_space<vmem>>[vector<16xi32>], vector<16xi32>, vector<16xi1>
      %all_reduce_population_count3A = tpu.all_reduce %and3A_786 {dim = 0 : i64, kind = #tpu.reduction_kind<sum>} : vector<16xi1> -> vector<16xi32>
      %add3A_796 = arith.addi %while3A_774, %all_reduce_population_count3A : vector<16xi32>
      scf.yield %add3A_796 : vector<16xi32>
    }
    %reduce_max3A_516 = arith.constant true
    %reduce_max3A_517 = vector.broadcast %reduce_max3A_516 : i1 to vector<16xi1>
    %reduce_max3A_518 = arith.constant -2147483648 : i32
    %reduce_max3A_519 = vector.broadcast %reduce_max3A_518 : i32 to vector<16xi32>
    %reduce_max3A_520 = arith.xori %while3A_515, %reduce_max3A_519 : vector<16xi32>
    %reduce_max3A_521 = tpu.scan <max>, %reduce_max3A_520 masked %reduce_max3A_517 : vector<16xi32>, vector<16xi1> -> vector<16xi32>
    %reduce_max3A_522 = arith.xori %reduce_max3A_521, %reduce_max3A_519 : vector<16xi32>
    %reduce_max3A_523 = vector.extract %reduce_max3A_522[15] : i32 from vector<16xi32>
    %min3A_524 = arith.constant 512 : i32
    %min3A_525 = arith.minsi %reduce_max3A_523, %min3A_524 : i32
    %add3A_526 = arith.constant 15 : i32
    %add3A_527 = arith.addi %min3A_525, %add3A_526 : i32
    %jit3A_528 = arith.constant 16 : i32
    %div3A_529 = arith.divsi %add3A_527, %jit3A_528 : i32
    %sign3A_530 = arith.constant 0 : i32
    %sign3A_531 = arith.cmpi sgt, %add3A_527, %sign3A_530 : i32
    %sign3A_532 = arith.extui %sign3A_531 : i1 to i32
    %sign3A_533 = arith.constant 0 : i32
    %sign3A_534 = arith.cmpi slt, %add3A_527, %sign3A_533 : i32
    %sign3A_535 = arith.extui %sign3A_534 : i1 to i32
    %sign3A_536 = arith.subi %sign3A_532, %sign3A_535 : i32
    %sign3A_537 = arith.constant 0 : i32
    %sign3A_538 = arith.cmpi sgt, %jit3A_528, %sign3A_537 : i32
    %sign3A_539 = arith.extui %sign3A_538 : i1 to i32
    %sign3A_540 = arith.constant 0 : i32
    %sign3A_541 = arith.cmpi slt, %jit3A_528, %sign3A_540 : i32
    %sign3A_542 = arith.extui %sign3A_541 : i1 to i32
    %sign3A_543 = arith.subi %sign3A_539, %sign3A_542 : i32
    %ne3A_544 = arith.cmpi ne, %sign3A_536, %sign3A_543 : i32
    %rem3A_545 = arith.remsi %add3A_527, %jit3A_528 : i32
    %ne3A_546 = arith.constant 0 : i32
    %ne3A_547 = arith.cmpi ne, %rem3A_545, %ne3A_546 : i32
    %and3A_548 = arith.andi %ne3A_544, %ne3A_547 : i1
    %sub3A_549 = arith.constant 1 : i32
    %sub3A_550 = arith.subi %div3A_529, %sub3A_549 : i32
    %select_n3A_551 = arith.select %and3A_548, %sub3A_550, %div3A_529 : i32
    %scan3A_552 = arith.constant 0 : i32
    %scan3A_553 = arith.constant 0 : i32
    %scan3A_554 = arith.constant 16 : i32
    %scan3A_555 = arith.addi %scan3A_553, %scan3A_554 : i32
    %scan3A_556 = arith.constant 1 : i32
    %scan3A_557 = scf.for %scan3A_773 = %scan3A_553 to %scan3A_555 step %scan3A_556 iter_args(%scan3A_774 = %scan3A_552) -> (i32)  : i32 {
      %sub3A_775 = arith.constant 15 : i32
      %sub3A_776 = arith.subi %sub3A_775, %scan3A_773 : i32
      %shift_left3A_777 = arith.constant 1 : i32
      %shift_left3A_778 = arith.shli %shift_left3A_777, %sub3A_776 : i32
      %or3A_779 = arith.ori %scan3A_774, %shift_left3A_778 : i32
      %shift_left3A_780 = arith.constant 16 : i32
      %shift_left3A_781 = arith.shli %or3A_476, %shift_left3A_780 : i32
      %or3A_782 = arith.ori %shift_left3A_781, %or3A_779 : i32
      %broadcast_in_dim3A_783 = arith.constant 0 : i32
      %broadcast_in_dim3A_784 = vector.broadcast %broadcast_in_dim3A_783 : i32 to vector<16xi32>
      %while3A_785 = arith.constant 0 : i32
      %while3A_786 = arith.subi %select_n3A_551, %while3A_785 : i32
      %while3A_787 = arith.addi %while3A_785, %while3A_786 : i32
      %while3A_788 = arith.constant 1 : i32
      %while3A_789 = arith.divsi %while3A_786, %while3A_788 : i32
      %while3A_790 = arith.muli %while3A_789, %while3A_788 : i32
      %while3A_791 = arith.addi %while3A_785, %while3A_790 : i32
      %while3A_792 = arith.constant 1 : i32
      %while3A_793 = scf.for %while3A_801 = %while3A_785 to %while3A_791 step %while3A_792 iter_args(%while3A_802 = %broadcast_in_dim3A_784) -> (vector<16xi32>)  : i32 {
        %mul3A_803 = arith.constant 16 : i32
        %mul3A_804 = arith.muli %while3A_801, %mul3A_803 : i32
        %get3A = arith.index_cast %mul3A_804 : i32 to index
        %get3A_805 = tpu.vector_load %arg10[%get3A] {strides = array<i32>} : memref<512xi32, #tpu.memory_space<vmem>>, vector<16xi32>,
        %mul3A_806 = arith.constant 16 : i32
        %mul3A_807 = arith.muli %while3A_801, %mul3A_806 : i32
        %add3A_808 = vector.broadcast %mul3A_807 : i32 to vector<16xi32>
        %add3A_809 = arith.addi %add3A_808, %iota3A : vector<16xi32>
        %lt3A = vector.broadcast %min3A_525 : i32 to vector<16xi32>
        %lt3A_810 = arith.cmpi slt, %add3A_809, %lt3A : vector<16xi32>
        %ge3A_811 = vector.broadcast %or3A_782 : i32 to vector<16xi32>
        %ge3A_812 = arith.cmpi sge, %get3A_805, %ge3A_811 : vector<16xi32>
        %and3A_813 = arith.andi %lt3A_810, %ge3A_812 : vector<16xi1>
        %jit3A_814 = arith.constant 1 : i32
        %jit3A_815 = arith.constant 0 : i32
        %broadcast_in_dim3A_816 = vector.broadcast %jit3A_814 : i32 to vector<16xi32>
        %broadcast_in_dim3A_817 = vector.broadcast %jit3A_815 : i32 to vector<16xi32>
        %select_n3A_818 = arith.select %and3A_813, %broadcast_in_dim3A_816, %broadcast_in_dim3A_817 : vector<16xi1>, vector<16xi32>
        %add3A_819 = arith.addi %while3A_802, %select_n3A_818 : vector<16xi32>
        scf.yield %add3A_819 : vector<16xi32>
      }
      %while3A_794 = arith.constant 1 : i32
      %while3A_795 = scf.for %while3A_801 = %while3A_791 to %while3A_787 step %while3A_794 iter_args(%while3A_802 = %while3A_793) -> (vector<16xi32>)  : i32 {
        %mul3A_803 = arith.constant 16 : i32
        %mul3A_804 = arith.muli %while3A_801, %mul3A_803 : i32
        %get3A = arith.index_cast %mul3A_804 : i32 to index
        %get3A_805 = tpu.vector_load %arg10[%get3A] {strides = array<i32>} : memref<512xi32, #tpu.memory_space<vmem>>, vector<16xi32>,
        %mul3A_806 = arith.constant 16 : i32
        %mul3A_807 = arith.muli %while3A_801, %mul3A_806 : i32
        %add3A_808 = vector.broadcast %mul3A_807 : i32 to vector<16xi32>
        %add3A_809 = arith.addi %add3A_808, %iota3A : vector<16xi32>
        %lt3A = vector.broadcast %min3A_525 : i32 to vector<16xi32>
        %lt3A_810 = arith.cmpi slt, %add3A_809, %lt3A : vector<16xi32>
        %ge3A_811 = vector.broadcast %or3A_782 : i32 to vector<16xi32>
        %ge3A_812 = arith.cmpi sge, %get3A_805, %ge3A_811 : vector<16xi32>
        %and3A_813 = arith.andi %lt3A_810, %ge3A_812 : vector<16xi1>
        %jit3A_814 = arith.constant 1 : i32
        %jit3A_815 = arith.constant 0 : i32
        %broadcast_in_dim3A_816 = vector.broadcast %jit3A_814 : i32 to vector<16xi32>
        %broadcast_in_dim3A_817 = vector.broadcast %jit3A_815 : i32 to vector<16xi32>
        %select_n3A_818 = arith.select %and3A_813, %broadcast_in_dim3A_816, %broadcast_in_dim3A_817 : vector<16xi1>, vector<16xi32>
        %add3A_819 = arith.addi %while3A_802, %select_n3A_818 : vector<16xi32>
        scf.yield %add3A_819 : vector<16xi32>
      }
      %reduce_sum3A_796 = arith.constant true
      %reduce_sum3A_797 = vector.broadcast %reduce_sum3A_796 : i1 to vector<16xi1>
      %reduce_sum3A_798 = tpu.scan <sum>, %while3A_795 masked %reduce_sum3A_797 : vector<16xi32>, vector<16xi1> -> vector<16xi32>
      %reduce_sum3A_799 = vector.extract %reduce_sum3A_798[15] : i32 from vector<16xi32>
      %ge3A = arith.cmpi sge, %reduce_sum3A_799, %sub3A_471 : i32
      %select_n3A_800 = arith.select %ge3A, %or3A_779, %scan3A_774 : i32
      scf.yield %select_n3A_800 : i32
    }
    %scan3A_558 = arith.constant 16 : i32
    %shift_left3A_559 = arith.constant 16 : i32
    %shift_left3A_560 = arith.shli %or3A_476, %shift_left3A_559 : i32
    %or3A_561 = arith.ori %shift_left3A_560, %scan3A_557 : i32
    %dma_wait3A_562 = arith.constant 0 : i32
    %dma_wait3A_563 = tpu.memref_slice %arg3[%add3A_376, %dma_wait3A_562] : memref<128x32768xf32, #tpu.memory_space<hbm>> -> memref<1x32768xf32, #tpu.memory_space<hbm>>
    %dma_wait3A_564 = tpu.memref_squeeze %dma_wait3A_563 : memref<1x32768xf32, #tpu.memory_space<hbm>> -> memref<32768xf32, #tpu.memory_space<hbm>>
    %dma_wait3A_565 = arith.constant 0 : i32
    %dma_wait3A_566 = tpu.memref_slice %arg3[%add3A_376, %dma_wait3A_565] : memref<128x32768xf32, #tpu.memory_space<hbm>> -> memref<1x32768xf32, #tpu.memory_space<hbm>>
    %dma_wait3A_567 = tpu.memref_squeeze %dma_wait3A_566 : memref<1x32768xf32, #tpu.memory_space<hbm>> -> memref<32768xf32, #tpu.memory_space<hbm>>
    tpu.wait_dma2 semaphore(%arg12 : memref<!tpu.dma_semaphore, #tpu.memory_space<semaphore_mem>>) src(%arg6 : memref<32768xf32, #tpu.memory_space<vmem>>) dst(%dma_wait3A_567 : memref<32768xf32, #tpu.memory_space<hbm>>)
    %parallel_loop3A_568 = arith.constant 0 : i32
    %parallel_loop3A_569 = arith.constant 2048 : i32
    %parallel_loop3A_570 = arith.constant 1 : i32
    scf.for %parallel_loop3A_773 = %parallel_loop3A_568 to %parallel_loop3A_569 step %parallel_loop3A_570  : i32 {
      %parallel_loop3A_774 = arith.constant 16 : i32
      %parallel_loop3A_775 = arith.muli %parallel_loop3A_773, %parallel_loop3A_774 : i32
      %parallel_loop3A_776 = arith.index_cast %parallel_loop3A_775 : i32 to index
      %parallel_loop3A_777 = tpu.vector_load %arg4[%parallel_loop3A_776] {strides = array<i32>} : memref<32768xi32, #tpu.memory_space<vmem>>, vector<16xi32>,
      %parallel_loop3A_778 = vector.broadcast %or3A_561 : i32 to vector<16xi32>
      %parallel_loop3A_779 = arith.cmpi sge, %parallel_loop3A_777, %parallel_loop3A_778 : vector<16xi32>
      %parallel_loop3A_780 = arith.constant 1.000000e+00 : f32
      %parallel_loop3A_781 = arith.constant 0.000000e+00 : f32
      %parallel_loop3A_782 = vector.broadcast %parallel_loop3A_780 : f32 to vector<16xf32>
      %parallel_loop3A_783 = vector.broadcast %parallel_loop3A_781 : f32 to vector<16xf32>
      %parallel_loop3A_784 = arith.select %parallel_loop3A_779, %parallel_loop3A_782, %parallel_loop3A_783 : vector<16xi1>, vector<16xf32>
      %parallel_loop3A_785 = arith.index_cast %parallel_loop3A_775 : i32 to index
      %parallel_loop3A_786 = tpu.vector_load %arg6[%parallel_loop3A_785] {strides = array<i32>} : memref<32768xf32, #tpu.memory_space<vmem>>, vector<16xf32>,
      tpu.vector_store %arg6[%parallel_loop3A_785], %parallel_loop3A_784 {strides = array<i32>} : memref<32768xf32, #tpu.memory_space<vmem>>, vector<16xf32>,
    } {sc.loop_unroll_factor = 8 : i64, sc.parallel_access}
    %mul3A_571 = arith.constant 4 : i32
    %mul3A_572 = arith.muli %add3A, %mul3A_571 : i32
    %add3A_573 = arith.constant 2 : i32
    %add3A_574 = arith.addi %mul3A_572, %add3A_573 : i32
    %dma_start3A_575 = arith.constant 0 : i32
    %dma_start3A_576 = tpu.memref_slice %arg3[%add3A_574, %dma_start3A_575] : memref<128x32768xf32, #tpu.memory_space<hbm>> -> memref<1x32768xf32, #tpu.memory_space<hbm>>
    %dma_start3A_577 = tpu.memref_squeeze %dma_start3A_576 : memref<1x32768xf32, #tpu.memory_space<hbm>> -> memref<32768xf32, #tpu.memory_space<hbm>>
    %dma_start3A_578 = arith.constant 0 : i32
    %dma_start3A_579 = tpu.memref_slice %arg3[%add3A_574, %dma_start3A_578] : memref<128x32768xf32, #tpu.memory_space<hbm>> -> memref<1x32768xf32, #tpu.memory_space<hbm>>
    %dma_start3A_580 = tpu.memref_squeeze %dma_start3A_579 : memref<1x32768xf32, #tpu.memory_space<hbm>> -> memref<32768xf32, #tpu.memory_space<hbm>>
    tpu.enqueue_dma source(%arg6 : memref<32768xf32, #tpu.memory_space<vmem>>) target(%dma_start3A_580 : memref<32768xf32, #tpu.memory_space<hbm>>) target_semaphore(%arg12 : memref<!tpu.dma_semaphore, #tpu.memory_space<semaphore_mem>>)
    %dma_wait3A_581 = arith.constant 0 : i32
    %dma_wait3A_582 = tpu.memref_slice %arg2[%add3A_394, %dma_wait3A_581] : memref<128x32768xi32, #tpu.memory_space<hbm>> -> memref<1x32768xi32, #tpu.memory_space<hbm>>
    %dma_wait3A_583 = tpu.memref_squeeze %dma_wait3A_582 : memref<1x32768xi32, #tpu.memory_space<hbm>> -> memref<32768xi32, #tpu.memory_space<hbm>>
    %dma_wait3A_584 = arith.constant 0 : i32
    %dma_wait3A_585 = tpu.memref_slice %arg2[%add3A_394, %dma_wait3A_584] : memref<128x32768xi32, #tpu.memory_space<hbm>> -> memref<1x32768xi32, #tpu.memory_space<hbm>>
    %dma_wait3A_586 = tpu.memref_squeeze %dma_wait3A_585 : memref<1x32768xi32, #tpu.memory_space<hbm>> -> memref<32768xi32, #tpu.memory_space<hbm>>
    tpu.wait_dma2 semaphore(%arg11 : memref<!tpu.dma_semaphore, #tpu.memory_space<semaphore_mem>>) src(%dma_wait3A_586 : memref<32768xi32, #tpu.memory_space<hbm>>) dst(%arg5 : memref<32768xi32, #tpu.memory_space<vmem>>)
    %parallel_loop3A_587 = arith.constant 0 : i32
    %parallel_loop3A_588 = arith.constant 64 : i32
    %parallel_loop3A_589 = arith.constant 1 : i32
    scf.for %parallel_loop3A_773 = %parallel_loop3A_587 to %parallel_loop3A_588 step %parallel_loop3A_589  : i32 {
      %parallel_loop3A_774 = arith.constant 16 : i32
      %parallel_loop3A_775 = arith.muli %parallel_loop3A_773, %parallel_loop3A_774 : i32
      %parallel_loop3A_776 = arith.index_cast %parallel_loop3A_775 : i32 to index
      %parallel_loop3A_777 = tpu.vector_load %arg7[%parallel_loop3A_776] {strides = array<i32>} : memref<1024xi32, #tpu.memory_space<vmem>>, vector<16xi32>,
      tpu.vector_store %arg7[%parallel_loop3A_776], %broadcast_in_dim3A_1 {strides = array<i32>} : memref<1024xi32, #tpu.memory_space<vmem>>, vector<16xi32>,
    } {sc.loop_unroll_factor = 4 : i64, sc.parallel_access}
    %swap3A_590 = arith.constant 0 : index
    %swap3A_591 = tpu.vector_load %arg8[%swap3A_590] {strides = array<i32>} : memref<64xi32, #tpu.memory_space<vmem>>, vector<16xi32>,
    tpu.vector_store %arg8[%swap3A_590], %broadcast_in_dim3A_1 {strides = array<i32>} : memref<64xi32, #tpu.memory_space<vmem>>, vector<16xi32>,
    %swap3A_592 = arith.constant 16 : index
    %swap3A_593 = tpu.vector_load %arg8[%swap3A_592] {strides = array<i32>} : memref<64xi32, #tpu.memory_space<vmem>>, vector<16xi32>,
    tpu.vector_store %arg8[%swap3A_592], %broadcast_in_dim3A_1 {strides = array<i32>} : memref<64xi32, #tpu.memory_space<vmem>>, vector<16xi32>,
    %swap3A_594 = arith.constant 32 : index
    %swap3A_595 = tpu.vector_load %arg8[%swap3A_594] {strides = array<i32>} : memref<64xi32, #tpu.memory_space<vmem>>, vector<16xi32>,
    tpu.vector_store %arg8[%swap3A_594], %broadcast_in_dim3A_1 {strides = array<i32>} : memref<64xi32, #tpu.memory_space<vmem>>, vector<16xi32>,
    %swap3A_596 = arith.constant 48 : index
    %swap3A_597 = tpu.vector_load %arg8[%swap3A_596] {strides = array<i32>} : memref<64xi32, #tpu.memory_space<vmem>>, vector<16xi32>,
    tpu.vector_store %arg8[%swap3A_596], %broadcast_in_dim3A_1 {strides = array<i32>} : memref<64xi32, #tpu.memory_space<vmem>>, vector<16xi32>,
    %parallel_loop3A_598 = arith.constant 0 : i32
    %parallel_loop3A_599 = arith.constant 2048 : i32
    %parallel_loop3A_600 = arith.constant 1 : i32
    scf.for %parallel_loop3A_773 = %parallel_loop3A_598 to %parallel_loop3A_599 step %parallel_loop3A_600  : i32 {
      %parallel_loop3A_774 = arith.constant 16 : i32
      %parallel_loop3A_775 = arith.muli %parallel_loop3A_773, %parallel_loop3A_774 : i32
      %parallel_loop3A_776 = arith.index_cast %parallel_loop3A_775 : i32 to index
      %parallel_loop3A_777 = tpu.vector_load %arg5[%parallel_loop3A_776] {strides = array<i32>} : memref<32768xi32, #tpu.memory_space<vmem>>, vector<16xi32>,
      %parallel_loop3A_778 = arith.constant 22 : i32
      %parallel_loop3A_779 = vector.broadcast %parallel_loop3A_778 : i32 to vector<16xi32>
      %parallel_loop3A_780 = arith.shrsi %parallel_loop3A_777, %parallel_loop3A_779 : vector<16xi32>
      %parallel_loop3A_781 = arith.constant 512 : i32
      %parallel_loop3A_782 = vector.broadcast %parallel_loop3A_781 : i32 to vector<16xi32>
      %parallel_loop3A_783 = arith.addi %parallel_loop3A_780, %parallel_loop3A_782 : vector<16xi32>
      tpu.vector_store_idx %arg7[%parallel_loop3A_783], %broadcast_in_dim3A_3 {add = true} : memref<1024xi32, #tpu.memory_space<vmem>>[vector<16xi32>], vector<16xi32>,
    } {sc.loop_unroll_factor = 8 : i64, sc.parallel_access}
    %broadcast_in_dim3A_601 = arith.constant 0 : i32
    %broadcast_in_dim3A_602 = vector.broadcast %broadcast_in_dim3A_601 : i32 to vector<16xi32>
    %scan3A_603 = arith.constant 0 : i32
    %scan3A_604 = arith.constant 0 : i32
    %scan3A_605 = arith.constant 64 : i32
    %scan3A_606 = arith.addi %scan3A_604, %scan3A_605 : i32
    %scan3A_607 = arith.constant 1 : i32
    %scan3A_608:3 = scf.for %scan3A_773 = %scan3A_604 to %scan3A_606 step %scan3A_607 iter_args(%scan3A_774 = %broadcast_in_dim3A_602, %scan3A_775 = %broadcast_in_dim3A_602, %scan3A_776 = %scan3A_603) -> (vector<16xi32>, vector<16xi32>, i32)  : i32 {
      %sub3A_777 = arith.constant 63 : i32
      %sub3A_778 = arith.subi %sub3A_777, %scan3A_773 : i32
      %mul3A_779 = arith.constant 16 : i32
      %mul3A_780 = arith.muli %sub3A_778, %mul3A_779 : i32
      %get3A = arith.index_cast %mul3A_780 : i32 to index
      %get3A_781 = tpu.vector_load %arg7[%get3A] {strides = array<i32>} : memref<1024xi32, #tpu.memory_space<vmem>>, vector<16xi32>,
      %rev3A = arith.constant 15 : i32
      %rev3A_782 = vector.broadcast %rev3A : i32 to vector<16xi32>
      %rev3A_783 = tpu.iota {dimensions = array<i32: 0>} : vector<16xi32>
      %rev3A_784 = arith.subi %rev3A_782, %rev3A_783 : vector<16xi32>
      %rev3A_785 = tpu.dynamic_gather %get3A_781[%rev3A_784] in [0] : vector<16xi32>, vector<16xi32> -> vector<16xi32>
      %broadcast_in_dim3A_786 = arith.constant true
      %broadcast_in_dim3A_787 = vector.broadcast %broadcast_in_dim3A_786 : i1 to vector<16xi1>
      %masked_cumsum3A = tpu.scan <sum>, %rev3A_785 masked %broadcast_in_dim3A_787 : vector<16xi32>, vector<16xi1> -> vector<16xi32>
      %add3A_788 = vector.broadcast %scan3A_776 : i32 to vector<16xi32>
      %add3A_789 = arith.addi %masked_cumsum3A, %add3A_788 : vector<16xi32>
      %ge3A = arith.constant 16384 : i32
      %ge3A_790 = vector.broadcast %ge3A : i32 to vector<16xi32>
      %ge3A_791 = arith.cmpi sge, %add3A_789, %ge3A_790 : vector<16xi32>
      %convert_element_type3A = arith.extui %ge3A_791 : vector<16xi1> to vector<16xi32>
      %add3A_792 = arith.addi %scan3A_774, %convert_element_type3A : vector<16xi32>
      %jit3A_793 = arith.constant 0 : i32
      %broadcast_in_dim3A_794 = vector.broadcast %jit3A_793 : i32 to vector<16xi32>
      %select_n3A_795 = arith.select %ge3A_791, %broadcast_in_dim3A_794, %rev3A_785 : vector<16xi1>, vector<16xi32>
      %add3A_796 = arith.addi %scan3A_775, %select_n3A_795 : vector<16xi32>
      %reduce_sum3A_797 = arith.constant true
      %reduce_sum3A_798 = vector.broadcast %reduce_sum3A_797 : i1 to vector<16xi1>
      %reduce_sum3A_799 = tpu.scan <sum>, %get3A_781 masked %reduce_sum3A_798 : vector<16xi32>, vector<16xi1> -> vector<16xi32>
      %reduce_sum3A_800 = vector.extract %reduce_sum3A_799[15] : i32 from vector<16xi32>
      %add3A_801 = arith.addi %scan3A_776, %reduce_sum3A_800 : i32
      scf.yield %add3A_792, %add3A_796, %add3A_801 : vector<16xi32>, vector<16xi32>, i32
    }
    %scan3A_609 = arith.constant 64 : i32
    %reduce_sum3A_610 = arith.constant true
    %reduce_sum3A_611 = vector.broadcast %reduce_sum3A_610 : i1 to vector<16xi1>
    %reduce_sum3A_612 = tpu.scan <sum>, %scan3A_608#0 masked %reduce_sum3A_611 : vector<16xi32>, vector<16xi1> -> vector<16xi32>
    %reduce_sum3A_613 = vector.extract %reduce_sum3A_612[15] : i32 from vector<16xi32>
    %sub3A_614 = arith.constant 1 : i32
    %sub3A_615 = arith.subi %reduce_sum3A_613, %sub3A_614 : i32
    %reduce_sum3A_616 = arith.constant true
    %reduce_sum3A_617 = vector.broadcast %reduce_sum3A_616 : i1 to vector<16xi1>
    %reduce_sum3A_618 = tpu.scan <sum>, %scan3A_608#1 masked %reduce_sum3A_617 : vector<16xi32>, vector<16xi1> -> vector<16xi32>
    %reduce_sum3A_619 = vector.extract %reduce_sum3A_618[15] : i32 from vector<16xi32>
    %sub3A_620 = arith.constant 16384 : i32
    %sub3A_621 = arith.subi %sub3A_620, %reduce_sum3A_619 : i32
    %broadcast_in_dim3A_622 = arith.constant 0 : i32
    %broadcast_in_dim3A_623 = vector.broadcast %broadcast_in_dim3A_622 : i32 to vector<16xi32>
    %parallel_loop3A_624 = arith.constant 0 : i32
    %parallel_loop3A_625 = arith.constant 2048 : i32
    %parallel_loop3A_626 = arith.constant 1 : i32
    %parallel_loop3A_627 = scf.for %parallel_loop3A_773 = %parallel_loop3A_624 to %parallel_loop3A_625 step %parallel_loop3A_626 iter_args(%parallel_loop3A_774 = %broadcast_in_dim3A_623) -> (vector<16xi32>)  : i32 {
      %parallel_loop3A_775 = arith.constant 16 : i32
      %parallel_loop3A_776 = arith.muli %parallel_loop3A_773, %parallel_loop3A_775 : i32
      %parallel_loop3A_777 = arith.index_cast %parallel_loop3A_776 : i32 to index
      %parallel_loop3A_778 = tpu.vector_load %arg5[%parallel_loop3A_777] {strides = array<i32>} : memref<32768xi32, #tpu.memory_space<vmem>>, vector<16xi32>,
      %parallel_loop3A_779 = arith.constant 22 : i32
      %parallel_loop3A_780 = vector.broadcast %parallel_loop3A_779 : i32 to vector<16xi32>
      %parallel_loop3A_781 = arith.shrsi %parallel_loop3A_778, %parallel_loop3A_780 : vector<16xi32>
      %parallel_loop3A_782 = arith.constant 512 : i32
      %parallel_loop3A_783 = vector.broadcast %parallel_loop3A_782 : i32 to vector<16xi32>
      %parallel_loop3A_784 = arith.addi %parallel_loop3A_781, %parallel_loop3A_783 : vector<16xi32>
      %parallel_loop3A_785 = vector.broadcast %sub3A_615 : i32 to vector<16xi32>
      %parallel_loop3A_786 = arith.cmpi eq, %parallel_loop3A_784, %parallel_loop3A_785 : vector<16xi32>
      %parallel_loop3A_787 = arith.constant 16 : i32
      %parallel_loop3A_788 = vector.broadcast %parallel_loop3A_787 : i32 to vector<16xi32>
      %parallel_loop3A_789 = arith.shrsi %parallel_loop3A_778, %parallel_loop3A_788 : vector<16xi32>
      %parallel_loop3A_790 = arith.constant 63 : i32
      %parallel_loop3A_791 = vector.broadcast %parallel_loop3A_790 : i32 to vector<16xi32>
      %parallel_loop3A_792 = arith.andi %parallel_loop3A_789, %parallel_loop3A_791 : vector<16xi32>
      tpu.vector_store_idx %arg8[%parallel_loop3A_792], %broadcast_in_dim3A_3 masked %parallel_loop3A_786 {add = true} : memref<64xi32, #tpu.memory_space<vmem>>[vector<16xi32>], vector<16xi32>, vector<16xi1>
      %parallel_loop3A_793 = arith.extui %parallel_loop3A_786 : vector<16xi1> to vector<16xi32>
      %parallel_loop3A_794 = arith.constant true
      %parallel_loop3A_795 = vector.broadcast %parallel_loop3A_794 : i1 to vector<16xi1>
      %parallel_loop3A_796 = tpu.scan <sum>, %parallel_loop3A_793 masked %parallel_loop3A_795 : vector<16xi32>, vector<16xi1> -> vector<16xi32>
      %parallel_loop3A_797 = arith.addi %parallel_loop3A_774, %parallel_loop3A_796 : vector<16xi32>
      %parallel_loop3A_798 = arith.constant 1 : i32
      %parallel_loop3A_799 = vector.broadcast %parallel_loop3A_798 : i32 to vector<16xi32>
      %parallel_loop3A_800 = arith.subi %parallel_loop3A_797, %parallel_loop3A_799 : vector<16xi32>
      %parallel_loop3A_801 = arith.constant 4095 : i32
      %parallel_loop3A_802 = vector.broadcast %parallel_loop3A_801 : i32 to vector<16xi32>
      %parallel_loop3A_803 = arith.minsi %parallel_loop3A_800, %parallel_loop3A_802 : vector<16xi32>
      tpu.vector_store_idx %arg9[%parallel_loop3A_803], %parallel_loop3A_778 masked %parallel_loop3A_786 : memref<4096xi32, #tpu.memory_space<vmem>>[vector<16xi32>], vector<16xi32>, vector<16xi1>
      %parallel_loop3A_804 = tpu.all_reduce %parallel_loop3A_786 {dim = 0 : i64, kind = #tpu.reduction_kind<sum>} : vector<16xi1> -> vector<16xi32>
      %parallel_loop3A_805 = arith.addi %parallel_loop3A_774, %parallel_loop3A_804 : vector<16xi32>
      scf.yield %parallel_loop3A_805 : vector<16xi32>
    } {sc.loop_unroll_factor = 8 : i64, sc.parallel_access}
    %reduce_max3A_628 = arith.constant true
    %reduce_max3A_629 = vector.broadcast %reduce_max3A_628 : i1 to vector<16xi1>
    %reduce_max3A_630 = arith.constant -2147483648 : i32
    %reduce_max3A_631 = vector.broadcast %reduce_max3A_630 : i32 to vector<16xi32>
    %reduce_max3A_632 = arith.xori %parallel_loop3A_627, %reduce_max3A_631 : vector<16xi32>
    %reduce_max3A_633 = tpu.scan <max>, %reduce_max3A_632 masked %reduce_max3A_629 : vector<16xi32>, vector<16xi1> -> vector<16xi32>
    %reduce_max3A_634 = arith.xori %reduce_max3A_633, %reduce_max3A_631 : vector<16xi32>
    %reduce_max3A_635 = vector.extract %reduce_max3A_634[15] : i32 from vector<16xi32>
    %min3A_636 = arith.constant 4096 : i32
    %min3A_637 = arith.minsi %reduce_max3A_635, %min3A_636 : i32
    %broadcast_in_dim3A_638 = arith.constant 0 : i32
    %broadcast_in_dim3A_639 = vector.broadcast %broadcast_in_dim3A_638 : i32 to vector<16xi32>
    %scan3A_640 = arith.constant 0 : i32
    %scan3A_641 = arith.constant 0 : i32
    %scan3A_642 = arith.constant 4 : i32
    %scan3A_643 = arith.addi %scan3A_641, %scan3A_642 : i32
    %scan3A_644 = arith.constant 1 : i32
    %scan3A_645:3 = scf.for %scan3A_773 = %scan3A_641 to %scan3A_643 step %scan3A_644 iter_args(%scan3A_774 = %broadcast_in_dim3A_639, %scan3A_775 = %broadcast_in_dim3A_639, %scan3A_776 = %scan3A_640) -> (vector<16xi32>, vector<16xi32>, i32)  : i32 {
      %sub3A_777 = arith.constant 3 : i32
      %sub3A_778 = arith.subi %sub3A_777, %scan3A_773 : i32
      %mul3A_779 = arith.constant 16 : i32
      %mul3A_780 = arith.muli %sub3A_778, %mul3A_779 : i32
      %get3A = arith.index_cast %mul3A_780 : i32 to index
      %get3A_781 = tpu.vector_load %arg8[%get3A] {strides = array<i32>} : memref<64xi32, #tpu.memory_space<vmem>>, vector<16xi32>,
      %rev3A = arith.constant 15 : i32
      %rev3A_782 = vector.broadcast %rev3A : i32 to vector<16xi32>
      %rev3A_783 = tpu.iota {dimensions = array<i32: 0>} : vector<16xi32>
      %rev3A_784 = arith.subi %rev3A_782, %rev3A_783 : vector<16xi32>
      %rev3A_785 = tpu.dynamic_gather %get3A_781[%rev3A_784] in [0] : vector<16xi32>, vector<16xi32> -> vector<16xi32>
      %broadcast_in_dim3A_786 = arith.constant true
      %broadcast_in_dim3A_787 = vector.broadcast %broadcast_in_dim3A_786 : i1 to vector<16xi1>
      %masked_cumsum3A = tpu.scan <sum>, %rev3A_785 masked %broadcast_in_dim3A_787 : vector<16xi32>, vector<16xi1> -> vector<16xi32>
      %add3A_788 = vector.broadcast %scan3A_776 : i32 to vector<16xi32>
      %add3A_789 = arith.addi %masked_cumsum3A, %add3A_788 : vector<16xi32>
      %ge3A = vector.broadcast %sub3A_621 : i32 to vector<16xi32>
      %ge3A_790 = arith.cmpi sge, %add3A_789, %ge3A : vector<16xi32>
      %convert_element_type3A = arith.extui %ge3A_790 : vector<16xi1> to vector<16xi32>
      %add3A_791 = arith.addi %scan3A_774, %convert_element_type3A : vector<16xi32>
      %jit3A_792 = arith.constant 0 : i32
      %broadcast_in_dim3A_793 = vector.broadcast %jit3A_792 : i32 to vector<16xi32>
      %select_n3A_794 = arith.select %ge3A_790, %broadcast_in_dim3A_793, %rev3A_785 : vector<16xi1>, vector<16xi32>
      %add3A_795 = arith.addi %scan3A_775, %select_n3A_794 : vector<16xi32>
      %reduce_sum3A_796 = arith.constant true
      %reduce_sum3A_797 = vector.broadcast %reduce_sum3A_796 : i1 to vector<16xi1>
      %reduce_sum3A_798 = tpu.scan <sum>, %get3A_781 masked %reduce_sum3A_797 : vector<16xi32>, vector<16xi1> -> vector<16xi32>
      %reduce_sum3A_799 = vector.extract %reduce_sum3A_798[15] : i32 from vector<16xi32>
      %add3A_800 = arith.addi %scan3A_776, %reduce_sum3A_799 : i32
      scf.yield %add3A_791, %add3A_795, %add3A_800 : vector<16xi32>, vector<16xi32>, i32
    }
    %scan3A_646 = arith.constant 4 : i32
    %reduce_sum3A_647 = arith.constant true
    %reduce_sum3A_648 = vector.broadcast %reduce_sum3A_647 : i1 to vector<16xi1>
    %reduce_sum3A_649 = tpu.scan <sum>, %scan3A_645#0 masked %reduce_sum3A_648 : vector<16xi32>, vector<16xi1> -> vector<16xi32>
    %reduce_sum3A_650 = vector.extract %reduce_sum3A_649[15] : i32 from vector<16xi32>
    %sub3A_651 = arith.constant 1 : i32
    %sub3A_652 = arith.subi %reduce_sum3A_650, %sub3A_651 : i32
    %reduce_sum3A_653 = arith.constant true
    %reduce_sum3A_654 = vector.broadcast %reduce_sum3A_653 : i1 to vector<16xi1>
    %reduce_sum3A_655 = tpu.scan <sum>, %scan3A_645#1 masked %reduce_sum3A_654 : vector<16xi32>, vector<16xi1> -> vector<16xi32>
    %reduce_sum3A_656 = vector.extract %reduce_sum3A_655[15] : i32 from vector<16xi32>
    %sub3A_657 = arith.subi %sub3A_621, %reduce_sum3A_656 : i32
    %sub3A_658 = arith.constant 512 : i32
    %sub3A_659 = arith.subi %sub3A_615, %sub3A_658 : i32
    %shift_left3A_660 = arith.constant 6 : i32
    %shift_left3A_661 = arith.shli %sub3A_659, %shift_left3A_660 : i32
    %or3A_662 = arith.ori %shift_left3A_661, %sub3A_652 : i32
    %add3A_663 = arith.constant 15 : i32
    %add3A_664 = arith.addi %min3A_637, %add3A_663 : i32
    %jit3A_665 = arith.constant 16 : i32
    %div3A_666 = arith.divsi %add3A_664, %jit3A_665 : i32
    %sign3A_667 = arith.constant 0 : i32
    %sign3A_668 = arith.cmpi sgt, %add3A_664, %sign3A_667 : i32
    %sign3A_669 = arith.extui %sign3A_668 : i1 to i32
    %sign3A_670 = arith.constant 0 : i32
    %sign3A_671 = arith.cmpi slt, %add3A_664, %sign3A_670 : i32
    %sign3A_672 = arith.extui %sign3A_671 : i1 to i32
    %sign3A_673 = arith.subi %sign3A_669, %sign3A_672 : i32
    %sign3A_674 = arith.constant 0 : i32
    %sign3A_675 = arith.cmpi sgt, %jit3A_665, %sign3A_674 : i32
    %sign3A_676 = arith.extui %sign3A_675 : i1 to i32
    %sign3A_677 = arith.constant 0 : i32
    %sign3A_678 = arith.cmpi slt, %jit3A_665, %sign3A_677 : i32
    %sign3A_679 = arith.extui %sign3A_678 : i1 to i32
    %sign3A_680 = arith.subi %sign3A_676, %sign3A_679 : i32
    %ne3A_681 = arith.cmpi ne, %sign3A_673, %sign3A_680 : i32
    %rem3A_682 = arith.remsi %add3A_664, %jit3A_665 : i32
    %ne3A_683 = arith.constant 0 : i32
    %ne3A_684 = arith.cmpi ne, %rem3A_682, %ne3A_683 : i32
    %and3A_685 = arith.andi %ne3A_681, %ne3A_684 : i1
    %sub3A_686 = arith.constant 1 : i32
    %sub3A_687 = arith.subi %div3A_666, %sub3A_686 : i32
    %select_n3A_688 = arith.select %and3A_685, %sub3A_687, %div3A_666 : i32
    %broadcast_in_dim3A_689 = arith.constant 0 : i32
    %broadcast_in_dim3A_690 = vector.broadcast %broadcast_in_dim3A_689 : i32 to vector<16xi32>
    %while3A_691 = arith.constant 0 : i32
    %while3A_692 = arith.subi %select_n3A_688, %while3A_691 : i32
    %while3A_693 = arith.addi %while3A_691, %while3A_692 : i32
    %while3A_694 = arith.constant 1 : i32
    %while3A_695 = arith.divsi %while3A_692, %while3A_694 : i32
    %while3A_696 = arith.muli %while3A_695, %while3A_694 : i32
    %while3A_697 = arith.addi %while3A_691, %while3A_696 : i32
    %while3A_698 = arith.constant 1 : i32
    %while3A_699 = scf.for %while3A_773 = %while3A_691 to %while3A_697 step %while3A_698 iter_args(%while3A_774 = %broadcast_in_dim3A_690) -> (vector<16xi32>)  : i32 {
      %mul3A_775 = arith.constant 16 : i32
      %mul3A_776 = arith.muli %while3A_773, %mul3A_775 : i32
      %get3A = arith.index_cast %mul3A_776 : i32 to index
      %get3A_777 = tpu.vector_load %arg9[%get3A] {strides = array<i32>} : memref<4096xi32, #tpu.memory_space<vmem>>, vector<16xi32>,
      %shift_right_arithmetic3A = arith.constant 16 : i32
      %shift_right_arithmetic3A_778 = vector.broadcast %shift_right_arithmetic3A : i32 to vector<16xi32>
      %shift_right_arithmetic3A_779 = arith.shrsi %get3A_777, %shift_right_arithmetic3A_778 : vector<16xi32>
      %eq3A = vector.broadcast %or3A_662 : i32 to vector<16xi32>
      %eq3A_780 = arith.cmpi eq, %shift_right_arithmetic3A_779, %eq3A : vector<16xi32>
      %mul3A_781 = arith.constant 16 : i32
      %mul3A_782 = arith.muli %while3A_773, %mul3A_781 : i32
      %add3A_783 = vector.broadcast %mul3A_782 : i32 to vector<16xi32>
      %add3A_784 = arith.addi %add3A_783, %iota3A : vector<16xi32>
      %lt3A = vector.broadcast %min3A_637 : i32 to vector<16xi32>
      %lt3A_785 = arith.cmpi slt, %add3A_784, %lt3A : vector<16xi32>
      %and3A_786 = arith.andi %eq3A_780, %lt3A_785 : vector<16xi1>
      %convert_element_type3A = arith.extui %and3A_786 : vector<16xi1> to vector<16xi32>
      %broadcast_in_dim3A_787 = arith.constant true
      %broadcast_in_dim3A_788 = vector.broadcast %broadcast_in_dim3A_787 : i1 to vector<16xi1>
      %masked_cumsum3A = tpu.scan <sum>, %convert_element_type3A masked %broadcast_in_dim3A_788 : vector<16xi32>, vector<16xi1> -> vector<16xi32>
      %add3A_789 = arith.addi %while3A_774, %masked_cumsum3A : vector<16xi32>
      %sub3A_790 = arith.constant 1 : i32
      %sub3A_791 = vector.broadcast %sub3A_790 : i32 to vector<16xi32>
      %sub3A_792 = arith.subi %add3A_789, %sub3A_791 : vector<16xi32>
      %min3A_793 = arith.constant 511 : i32
      %min3A_794 = vector.broadcast %min3A_793 : i32 to vector<16xi32>
      %min3A_795 = arith.minsi %sub3A_792, %min3A_794 : vector<16xi32>
      tpu.vector_store_idx %arg10[%min3A_795], %get3A_777 masked %and3A_786 : memref<512xi32, #tpu.memory_space<vmem>>[vector<16xi32>], vector<16xi32>, vector<16xi1>
      %all_reduce_population_count3A = tpu.all_reduce %and3A_786 {dim = 0 : i64, kind = #tpu.reduction_kind<sum>} : vector<16xi1> -> vector<16xi32>
      %add3A_796 = arith.addi %while3A_774, %all_reduce_population_count3A : vector<16xi32>
      scf.yield %add3A_796 : vector<16xi32>
    }
    %while3A_700 = arith.constant 1 : i32
    %while3A_701 = scf.for %while3A_773 = %while3A_697 to %while3A_693 step %while3A_700 iter_args(%while3A_774 = %while3A_699) -> (vector<16xi32>)  : i32 {
      %mul3A_775 = arith.constant 16 : i32
      %mul3A_776 = arith.muli %while3A_773, %mul3A_775 : i32
      %get3A = arith.index_cast %mul3A_776 : i32 to index
      %get3A_777 = tpu.vector_load %arg9[%get3A] {strides = array<i32>} : memref<4096xi32, #tpu.memory_space<vmem>>, vector<16xi32>,
      %shift_right_arithmetic3A = arith.constant 16 : i32
      %shift_right_arithmetic3A_778 = vector.broadcast %shift_right_arithmetic3A : i32 to vector<16xi32>
      %shift_right_arithmetic3A_779 = arith.shrsi %get3A_777, %shift_right_arithmetic3A_778 : vector<16xi32>
      %eq3A = vector.broadcast %or3A_662 : i32 to vector<16xi32>
      %eq3A_780 = arith.cmpi eq, %shift_right_arithmetic3A_779, %eq3A : vector<16xi32>
      %mul3A_781 = arith.constant 16 : i32
      %mul3A_782 = arith.muli %while3A_773, %mul3A_781 : i32
      %add3A_783 = vector.broadcast %mul3A_782 : i32 to vector<16xi32>
      %add3A_784 = arith.addi %add3A_783, %iota3A : vector<16xi32>
      %lt3A = vector.broadcast %min3A_637 : i32 to vector<16xi32>
      %lt3A_785 = arith.cmpi slt, %add3A_784, %lt3A : vector<16xi32>
      %and3A_786 = arith.andi %eq3A_780, %lt3A_785 : vector<16xi1>
      %convert_element_type3A = arith.extui %and3A_786 : vector<16xi1> to vector<16xi32>
      %broadcast_in_dim3A_787 = arith.constant true
      %broadcast_in_dim3A_788 = vector.broadcast %broadcast_in_dim3A_787 : i1 to vector<16xi1>
      %masked_cumsum3A = tpu.scan <sum>, %convert_element_type3A masked %broadcast_in_dim3A_788 : vector<16xi32>, vector<16xi1> -> vector<16xi32>
      %add3A_789 = arith.addi %while3A_774, %masked_cumsum3A : vector<16xi32>
      %sub3A_790 = arith.constant 1 : i32
      %sub3A_791 = vector.broadcast %sub3A_790 : i32 to vector<16xi32>
      %sub3A_792 = arith.subi %add3A_789, %sub3A_791 : vector<16xi32>
      %min3A_793 = arith.constant 511 : i32
      %min3A_794 = vector.broadcast %min3A_793 : i32 to vector<16xi32>
      %min3A_795 = arith.minsi %sub3A_792, %min3A_794 : vector<16xi32>
      tpu.vector_store_idx %arg10[%min3A_795], %get3A_777 masked %and3A_786 : memref<512xi32, #tpu.memory_space<vmem>>[vector<16xi32>], vector<16xi32>, vector<16xi1>
      %all_reduce_population_count3A = tpu.all_reduce %and3A_786 {dim = 0 : i64, kind = #tpu.reduction_kind<sum>} : vector<16xi1> -> vector<16xi32>
      %add3A_796 = arith.addi %while3A_774, %all_reduce_population_count3A : vector<16xi32>
      scf.yield %add3A_796 : vector<16xi32>
    }
    %reduce_max3A_702 = arith.constant true
    %reduce_max3A_703 = vector.broadcast %reduce_max3A_702 : i1 to vector<16xi1>
    %reduce_max3A_704 = arith.constant -2147483648 : i32
    %reduce_max3A_705 = vector.broadcast %reduce_max3A_704 : i32 to vector<16xi32>
    %reduce_max3A_706 = arith.xori %while3A_701, %reduce_max3A_705 : vector<16xi32>
    %reduce_max3A_707 = tpu.scan <max>, %reduce_max3A_706 masked %reduce_max3A_703 : vector<16xi32>, vector<16xi1> -> vector<16xi32>
    %reduce_max3A_708 = arith.xori %reduce_max3A_707, %reduce_max3A_705 : vector<16xi32>
    %reduce_max3A_709 = vector.extract %reduce_max3A_708[15] : i32 from vector<16xi32>
    %min3A_710 = arith.constant 512 : i32
    %min3A_711 = arith.minsi %reduce_max3A_709, %min3A_710 : i32
    %add3A_712 = arith.constant 15 : i32
    %add3A_713 = arith.addi %min3A_711, %add3A_712 : i32
    %jit3A_714 = arith.constant 16 : i32
    %div3A_715 = arith.divsi %add3A_713, %jit3A_714 : i32
    %sign3A_716 = arith.constant 0 : i32
    %sign3A_717 = arith.cmpi sgt, %add3A_713, %sign3A_716 : i32
    %sign3A_718 = arith.extui %sign3A_717 : i1 to i32
    %sign3A_719 = arith.constant 0 : i32
    %sign3A_720 = arith.cmpi slt, %add3A_713, %sign3A_719 : i32
    %sign3A_721 = arith.extui %sign3A_720 : i1 to i32
    %sign3A_722 = arith.subi %sign3A_718, %sign3A_721 : i32
    %sign3A_723 = arith.constant 0 : i32
    %sign3A_724 = arith.cmpi sgt, %jit3A_714, %sign3A_723 : i32
    %sign3A_725 = arith.extui %sign3A_724 : i1 to i32
    %sign3A_726 = arith.constant 0 : i32
    %sign3A_727 = arith.cmpi slt, %jit3A_714, %sign3A_726 : i32
    %sign3A_728 = arith.extui %sign3A_727 : i1 to i32
    %sign3A_729 = arith.subi %sign3A_725, %sign3A_728 : i32
    %ne3A_730 = arith.cmpi ne, %sign3A_722, %sign3A_729 : i32
    %rem3A_731 = arith.remsi %add3A_713, %jit3A_714 : i32
    %ne3A_732 = arith.constant 0 : i32
    %ne3A_733 = arith.cmpi ne, %rem3A_731, %ne3A_732 : i32
    %and3A_734 = arith.andi %ne3A_730, %ne3A_733 : i1
    %sub3A_735 = arith.constant 1 : i32
    %sub3A_736 = arith.subi %div3A_715, %sub3A_735 : i32
    %select_n3A_737 = arith.select %and3A_734, %sub3A_736, %div3A_715 : i32
    %scan3A_738 = arith.constant 0 : i32
    %scan3A_739 = arith.constant 0 : i32
    %scan3A_740 = arith.constant 16 : i32
    %scan3A_741 = arith.addi %scan3A_739, %scan3A_740 : i32
    %scan3A_742 = arith.constant 1 : i32
    %scan3A_743 = scf.for %scan3A_773 = %scan3A_739 to %scan3A_741 step %scan3A_742 iter_args(%scan3A_774 = %scan3A_738) -> (i32)  : i32 {
      %sub3A_775 = arith.constant 15 : i32
      %sub3A_776 = arith.subi %sub3A_775, %scan3A_773 : i32
      %shift_left3A_777 = arith.constant 1 : i32
      %shift_left3A_778 = arith.shli %shift_left3A_777, %sub3A_776 : i32
      %or3A_779 = arith.ori %scan3A_774, %shift_left3A_778 : i32
      %shift_left3A_780 = arith.constant 16 : i32
      %shift_left3A_781 = arith.shli %or3A_662, %shift_left3A_780 : i32
      %or3A_782 = arith.ori %shift_left3A_781, %or3A_779 : i32
      %broadcast_in_dim3A_783 = arith.constant 0 : i32
      %broadcast_in_dim3A_784 = vector.broadcast %broadcast_in_dim3A_783 : i32 to vector<16xi32>
      %while3A_785 = arith.constant 0 : i32
      %while3A_786 = arith.subi %select_n3A_737, %while3A_785 : i32
      %while3A_787 = arith.addi %while3A_785, %while3A_786 : i32
      %while3A_788 = arith.constant 1 : i32
      %while3A_789 = arith.divsi %while3A_786, %while3A_788 : i32
      %while3A_790 = arith.muli %while3A_789, %while3A_788 : i32
      %while3A_791 = arith.addi %while3A_785, %while3A_790 : i32
      %while3A_792 = arith.constant 1 : i32
      %while3A_793 = scf.for %while3A_801 = %while3A_785 to %while3A_791 step %while3A_792 iter_args(%while3A_802 = %broadcast_in_dim3A_784) -> (vector<16xi32>)  : i32 {
        %mul3A_803 = arith.constant 16 : i32
        %mul3A_804 = arith.muli %while3A_801, %mul3A_803 : i32
        %get3A = arith.index_cast %mul3A_804 : i32 to index
        %get3A_805 = tpu.vector_load %arg10[%get3A] {strides = array<i32>} : memref<512xi32, #tpu.memory_space<vmem>>, vector<16xi32>,
        %mul3A_806 = arith.constant 16 : i32
        %mul3A_807 = arith.muli %while3A_801, %mul3A_806 : i32
        %add3A_808 = vector.broadcast %mul3A_807 : i32 to vector<16xi32>
        %add3A_809 = arith.addi %add3A_808, %iota3A : vector<16xi32>
        %lt3A = vector.broadcast %min3A_711 : i32 to vector<16xi32>
        %lt3A_810 = arith.cmpi slt, %add3A_809, %lt3A : vector<16xi32>
        %ge3A_811 = vector.broadcast %or3A_782 : i32 to vector<16xi32>
        %ge3A_812 = arith.cmpi sge, %get3A_805, %ge3A_811 : vector<16xi32>
        %and3A_813 = arith.andi %lt3A_810, %ge3A_812 : vector<16xi1>
        %jit3A_814 = arith.constant 1 : i32
        %jit3A_815 = arith.constant 0 : i32
        %broadcast_in_dim3A_816 = vector.broadcast %jit3A_814 : i32 to vector<16xi32>
        %broadcast_in_dim3A_817 = vector.broadcast %jit3A_815 : i32 to vector<16xi32>
        %select_n3A_818 = arith.select %and3A_813, %broadcast_in_dim3A_816, %broadcast_in_dim3A_817 : vector<16xi1>, vector<16xi32>
        %add3A_819 = arith.addi %while3A_802, %select_n3A_818 : vector<16xi32>
        scf.yield %add3A_819 : vector<16xi32>
      }
      %while3A_794 = arith.constant 1 : i32
      %while3A_795 = scf.for %while3A_801 = %while3A_791 to %while3A_787 step %while3A_794 iter_args(%while3A_802 = %while3A_793) -> (vector<16xi32>)  : i32 {
        %mul3A_803 = arith.constant 16 : i32
        %mul3A_804 = arith.muli %while3A_801, %mul3A_803 : i32
        %get3A = arith.index_cast %mul3A_804 : i32 to index
        %get3A_805 = tpu.vector_load %arg10[%get3A] {strides = array<i32>} : memref<512xi32, #tpu.memory_space<vmem>>, vector<16xi32>,
        %mul3A_806 = arith.constant 16 : i32
        %mul3A_807 = arith.muli %while3A_801, %mul3A_806 : i32
        %add3A_808 = vector.broadcast %mul3A_807 : i32 to vector<16xi32>
        %add3A_809 = arith.addi %add3A_808, %iota3A : vector<16xi32>
        %lt3A = vector.broadcast %min3A_711 : i32 to vector<16xi32>
        %lt3A_810 = arith.cmpi slt, %add3A_809, %lt3A : vector<16xi32>
        %ge3A_811 = vector.broadcast %or3A_782 : i32 to vector<16xi32>
        %ge3A_812 = arith.cmpi sge, %get3A_805, %ge3A_811 : vector<16xi32>
        %and3A_813 = arith.andi %lt3A_810, %ge3A_812 : vector<16xi1>
        %jit3A_814 = arith.constant 1 : i32
        %jit3A_815 = arith.constant 0 : i32
        %broadcast_in_dim3A_816 = vector.broadcast %jit3A_814 : i32 to vector<16xi32>
        %broadcast_in_dim3A_817 = vector.broadcast %jit3A_815 : i32 to vector<16xi32>
        %select_n3A_818 = arith.select %and3A_813, %broadcast_in_dim3A_816, %broadcast_in_dim3A_817 : vector<16xi1>, vector<16xi32>
        %add3A_819 = arith.addi %while3A_802, %select_n3A_818 : vector<16xi32>
        scf.yield %add3A_819 : vector<16xi32>
      }
      %reduce_sum3A_796 = arith.constant true
      %reduce_sum3A_797 = vector.broadcast %reduce_sum3A_796 : i1 to vector<16xi1>
      %reduce_sum3A_798 = tpu.scan <sum>, %while3A_795 masked %reduce_sum3A_797 : vector<16xi32>, vector<16xi1> -> vector<16xi32>
      %reduce_sum3A_799 = vector.extract %reduce_sum3A_798[15] : i32 from vector<16xi32>
      %ge3A = arith.cmpi sge, %reduce_sum3A_799, %sub3A_657 : i32
      %select_n3A_800 = arith.select %ge3A, %or3A_779, %scan3A_774 : i32
      scf.yield %select_n3A_800 : i32
    }
    %scan3A_744 = arith.constant 16 : i32
    %shift_left3A_745 = arith.constant 16 : i32
    %shift_left3A_746 = arith.shli %or3A_662, %shift_left3A_745 : i32
    %or3A_747 = arith.ori %shift_left3A_746, %scan3A_743 : i32
    %dma_wait3A_748 = arith.constant 0 : i32
    %dma_wait3A_749 = tpu.memref_slice %arg3[%add3A_574, %dma_wait3A_748] : memref<128x32768xf32, #tpu.memory_space<hbm>> -> memref<1x32768xf32, #tpu.memory_space<hbm>>
    %dma_wait3A_750 = tpu.memref_squeeze %dma_wait3A_749 : memref<1x32768xf32, #tpu.memory_space<hbm>> -> memref<32768xf32, #tpu.memory_space<hbm>>
    %dma_wait3A_751 = arith.constant 0 : i32
    %dma_wait3A_752 = tpu.memref_slice %arg3[%add3A_574, %dma_wait3A_751] : memref<128x32768xf32, #tpu.memory_space<hbm>> -> memref<1x32768xf32, #tpu.memory_space<hbm>>
    %dma_wait3A_753 = tpu.memref_squeeze %dma_wait3A_752 : memref<1x32768xf32, #tpu.memory_space<hbm>> -> memref<32768xf32, #tpu.memory_space<hbm>>
    tpu.wait_dma2 semaphore(%arg12 : memref<!tpu.dma_semaphore, #tpu.memory_space<semaphore_mem>>) src(%arg6 : memref<32768xf32, #tpu.memory_space<vmem>>) dst(%dma_wait3A_753 : memref<32768xf32, #tpu.memory_space<hbm>>)
    %parallel_loop3A_754 = arith.constant 0 : i32
    %parallel_loop3A_755 = arith.constant 2048 : i32
    %parallel_loop3A_756 = arith.constant 1 : i32
    scf.for %parallel_loop3A_773 = %parallel_loop3A_754 to %parallel_loop3A_755 step %parallel_loop3A_756  : i32 {
      %parallel_loop3A_774 = arith.constant 16 : i32
      %parallel_loop3A_775 = arith.muli %parallel_loop3A_773, %parallel_loop3A_774 : i32
      %parallel_loop3A_776 = arith.index_cast %parallel_loop3A_775 : i32 to index
      %parallel_loop3A_777 = tpu.vector_load %arg5[%parallel_loop3A_776] {strides = array<i32>} : memref<32768xi32, #tpu.memory_space<vmem>>, vector<16xi32>,
      %parallel_loop3A_778 = vector.broadcast %or3A_747 : i32 to vector<16xi32>
      %parallel_loop3A_779 = arith.cmpi sge, %parallel_loop3A_777, %parallel_loop3A_778 : vector<16xi32>
      %parallel_loop3A_780 = arith.constant 1.000000e+00 : f32
      %parallel_loop3A_781 = arith.constant 0.000000e+00 : f32
      %parallel_loop3A_782 = vector.broadcast %parallel_loop3A_780 : f32 to vector<16xf32>
      %parallel_loop3A_783 = vector.broadcast %parallel_loop3A_781 : f32 to vector<16xf32>
      %parallel_loop3A_784 = arith.select %parallel_loop3A_779, %parallel_loop3A_782, %parallel_loop3A_783 : vector<16xi1>, vector<16xf32>
      %parallel_loop3A_785 = arith.index_cast %parallel_loop3A_775 : i32 to index
      %parallel_loop3A_786 = tpu.vector_load %arg6[%parallel_loop3A_785] {strides = array<i32>} : memref<32768xf32, #tpu.memory_space<vmem>>, vector<16xf32>,
      tpu.vector_store %arg6[%parallel_loop3A_785], %parallel_loop3A_784 {strides = array<i32>} : memref<32768xf32, #tpu.memory_space<vmem>>, vector<16xf32>,
    } {sc.loop_unroll_factor = 8 : i64, sc.parallel_access}
    %mul3A_757 = arith.constant 4 : i32
    %mul3A_758 = arith.muli %add3A, %mul3A_757 : i32
    %add3A_759 = arith.constant 3 : i32
    %add3A_760 = arith.addi %mul3A_758, %add3A_759 : i32
    %dma_start3A_761 = arith.constant 0 : i32
    %dma_start3A_762 = tpu.memref_slice %arg3[%add3A_760, %dma_start3A_761] : memref<128x32768xf32, #tpu.memory_space<hbm>> -> memref<1x32768xf32, #tpu.memory_space<hbm>>
    %dma_start3A_763 = tpu.memref_squeeze %dma_start3A_762 : memref<1x32768xf32, #tpu.memory_space<hbm>> -> memref<32768xf32, #tpu.memory_space<hbm>>
    %dma_start3A_764 = arith.constant 0 : i32
    %dma_start3A_765 = tpu.memref_slice %arg3[%add3A_760, %dma_start3A_764] : memref<128x32768xf32, #tpu.memory_space<hbm>> -> memref<1x32768xf32, #tpu.memory_space<hbm>>
    %dma_start3A_766 = tpu.memref_squeeze %dma_start3A_765 : memref<1x32768xf32, #tpu.memory_space<hbm>> -> memref<32768xf32, #tpu.memory_space<hbm>>
    tpu.enqueue_dma source(%arg6 : memref<32768xf32, #tpu.memory_space<vmem>>) target(%dma_start3A_766 : memref<32768xf32, #tpu.memory_space<hbm>>) target_semaphore(%arg12 : memref<!tpu.dma_semaphore, #tpu.memory_space<semaphore_mem>>)
    %dma_wait3A_767 = arith.constant 0 : i32
    %dma_wait3A_768 = tpu.memref_slice %arg3[%add3A_760, %dma_wait3A_767] : memref<128x32768xf32, #tpu.memory_space<hbm>> -> memref<1x32768xf32, #tpu.memory_space<hbm>>
    %dma_wait3A_769 = tpu.memref_squeeze %dma_wait3A_768 : memref<1x32768xf32, #tpu.memory_space<hbm>> -> memref<32768xf32, #tpu.memory_space<hbm>>
    %dma_wait3A_770 = arith.constant 0 : i32
    %dma_wait3A_771 = tpu.memref_slice %arg3[%add3A_760, %dma_wait3A_770] : memref<128x32768xf32, #tpu.memory_space<hbm>> -> memref<1x32768xf32, #tpu.memory_space<hbm>>
    %dma_wait3A_772 = tpu.memref_squeeze %dma_wait3A_771 : memref<1x32768xf32, #tpu.memory_space<hbm>> -> memref<32768xf32, #tpu.memory_space<hbm>>
    tpu.wait_dma2 semaphore(%arg12 : memref<!tpu.dma_semaphore, #tpu.memory_space<semaphore_mem>>) src(%arg6 : memref<32768xf32, #tpu.memory_space<vmem>>) dst(%dma_wait3A_772 : memref<32768xf32, #tpu.memory_space<hbm>>)
    return
  }
}

module attributes {stable_mosaic.version = 14 : i64} {
  func.func @_keys_body(%arg0: i32, %arg1: memref<32x32768xf32, #tpu.memory_space<vmem>>, %arg2: memref<32x32768xf32, #tpu.memory_space<vmem>>, %arg3: memref<32x32768xi32, #tpu.memory_space<vmem>>) attributes {dimension_semantics = [#tpu.dimension_semantics<arbitrary>], iteration_bounds = array<i64: 4>, scalar_prefetch = 0 : i64, scratch_operands = 0 : i64, tpu.core_type = #tpu.core_type<tc>, window_params = [{transform_indices = @transform_0, window_bounds = array<i64: 32, 32768>}, {transform_indices = @transform_1, window_bounds = array<i64: 32, 32768>}, {transform_indices = @transform_2, window_bounds = array<i64: 32, 32768>}]} {
    %get3A = arith.constant 0 : index
    %get3A_0 = arith.constant 0 : index
    %get3A_1 = vector.load %arg2[%get3A, %get3A_0] : memref<32x32768xf32, #tpu.memory_space<vmem>>, vector<32x32768xf32>
    %jit3A = arith.constant 9.99999997E-7 : f32
    %jit3A_2 = arith.constant 0.999998986 : f32
    %max3A = vector.broadcast %jit3A : f32 to vector<32x32768xf32>
    %max3A_3 = arith.maximumf %max3A, %get3A_1 : vector<32x32768xf32>
    %min3A = vector.broadcast %jit3A_2 : f32 to vector<32x32768xf32>
    %min3A_4 = arith.minimumf %min3A, %max3A_3 : vector<32x32768xf32>
    %get3A_5 = arith.constant 0 : index
    %get3A_6 = arith.constant 0 : index
    %get3A_7 = vector.load %arg1[%get3A_5, %get3A_6] : memref<32x32768xf32, #tpu.memory_space<vmem>>, vector<32x32768xf32>
    %log3A = math.log %min3A_4 : vector<32x32768xf32>
    %neg3A = arith.constant 0.000000e+00 : f32
    %neg3A_8 = vector.broadcast %neg3A : f32 to vector<32x32768xf32>
    %neg3A_9 = arith.subf %neg3A_8, %log3A : vector<32x32768xf32>
    %log3A_10 = math.log %neg3A_9 : vector<32x32768xf32>
    %sub3A = arith.subf %get3A_7, %log3A_10 : vector<32x32768xf32>
    %bitcast_convert_type3A = tpu.bitcast %sub3A : vector<32x32768xf32> -> vector<32x32768xi32>
    %shift_right_arithmetic3A = arith.constant 31 : i32
    %shift_right_arithmetic3A_11 = vector.broadcast %shift_right_arithmetic3A : i32 to vector<32x32768xi32>
    %shift_right_arithmetic3A_12 = arith.shrsi %bitcast_convert_type3A, %shift_right_arithmetic3A_11 : vector<32x32768xi32>
    %and3A = arith.constant 2147483647 : i32
    %and3A_13 = vector.broadcast %and3A : i32 to vector<32x32768xi32>
    %and3A_14 = arith.andi %shift_right_arithmetic3A_12, %and3A_13 : vector<32x32768xi32>
    %xor3A = arith.xori %bitcast_convert_type3A, %and3A_14 : vector<32x32768xi32>
    %swap3A = arith.constant 0 : index
    %swap3A_15 = arith.constant 0 : index
    %swap3A_16 = vector.load %arg3[%swap3A, %swap3A_15] : memref<32x32768xi32, #tpu.memory_space<vmem>>, vector<32x32768xi32>
    tpu.vector_store %arg3[%swap3A, %swap3A_15], %xor3A {strides = array<i32>} : memref<32x32768xi32, #tpu.memory_space<vmem>>, vector<32x32768xi32>,
    return
  }
  func.func @transform_0(%arg0: i32) -> (i32, i32) {
    %c0_i32 = arith.constant 0 : i32
    %c0_i32_0 = arith.constant 0 : i32
    return %arg0, %c0_i32 : i32, i32
  }
  func.func @transform_1(%arg0: i32) -> (i32, i32) {
    %c0_i32 = arith.constant 0 : i32
    %c0_i32_0 = arith.constant 0 : i32
    return %arg0, %c0_i32 : i32, i32
  }
  func.func @transform_2(%arg0: i32) -> (i32, i32) {
    %c0_i32 = arith.constant 0 : i32
    %c0_i32_0 = arith.constant 0 : i32
    return %arg0, %c0_i32 : i32, i32
  }
}

</mosaic_0001>

<sc_bundles>
// kernel: kernel.4.cloned.1.call-start
scs
__scs_entry_jumppad:
0x0: {  	(pc) =	sbr.rel $0x88, $3  }
0x1: {  	(tag) =	ssettag $0x0;
	lr =	simm.s32 $0x1  }
0x2: {  	[smem:$0x3F9F] =	sst lr;
	_ =	strace $0xD0000000  }
0x3: {  	_ = 	snop  }
0x4: {  	_ = 	snop  }
0x5: {  	_ = 	snop  }
0x6: {  	_ = 	snop  }
0x7: {  	_ = 	snop  }
__scs_overlays_trampoline_lowered:
0x8: {  	[smem:$0x3FAE] =	sst s0  }
0x9: {  	[smem:$0x3FAF] =	sst s1  }
0xa: {  	[smem:$0x3FB0] =	sst s2  }
0xb: {  	[smem:$0x3FB1] =	sst s3  }
0xc: {  	[smem:$0x3FB2] =	sst s4  }
0xd: {  	[smem:$0x3FB3] =	sst s5  }
0xe: {  	[smem:$0x3FB4] =	sst s6  }
0xf: {  	[smem:$0x3FB5] =	sst s7  }
0x10: {  	[smem:$0x3FB6] =	sst s8  }
0x11: {  	[smem:$0x3FB7] =	sst s9;
	s0 =	simm.s32 @!p0 $0x0  }
0x12: {  	s1 =	sld [smem:$0x3F9D];
	s0 =	simm.s32 @p0 $0x1  }
0x13: {  	[smem:$0x3FB8] =	sst s0;
	s0 =	simm.s32 @!p1 $0x0  }
0x14: {  	s2 =	sld [smem:$0x3F9C];
	s0 =	simm.s32 @p1 $0x1  }
0x15: {  	[smem:$0x3FB9] =	sst s0;
	s0 =	simm.s32 @!p2 $0x0  }
0x16: {  	s3 =	sld [smem:$0x3FDB];
	s0 =	simm.s32 @p2 $0x1  }
0x17: {  	s4 =	simm.s32 $0x1BF5;
	[smem:$0x3FBB] =	sst s0  }
0x18: {  	s0 =	sld [smem:$0x3F9E];
	_ =	swait.ge [sflag:s4], $0x0  }
0x19: {  	s7 =	sld [smem:$0x3F9F]  }
0x1a: {  	s8 =	sadd.s32 $0xFFFFE003, lr  }
0x1b: {  	s9 =	sadd.s32 $0xFFFFFEF7, lr;
	s5 =	simm.s32 $0xFFFFFFFF;
	p2 =	slt.u32 s8, $0xFFFFF086  }
0x1c: {  	p1 =	slt.u32 s9, $0xF7A;
	s5 =	simm.s32 @!p2 $0x0  }
0x1d: {  	s5 =	simm.s32 @p1 $0x1;
	p0 =	seq.s32 s7, s2  }
0x1e: {  	s7 =	smul.u32 @!p0 $0xF7A, s2;
	p2 =	seq.s32 @!p0 s5, $0x0  }
0x1f: {  	s9 =	smul.u32 $0xF7A, s1;
	s8 =	simm.s32 @!p0 $0x1BF5;
	p2 =	por !p2, p0  }
0x20: {  	[sflag:s8] =	ssyncset.s32 @!p0 $0xFFFFF086;
	s6 =	sadd.s32 @!p0 s3, s7;
	s7 =	simm.s32 @!p0 $0x108  }
0x21: {  	s3 =	sadd.s32 s3, s9;
	s6 =	sadd.s32 @!p0 $0x88, s6;
	s7 =	simm.s32 @p2 $0x1082  }
0x22: {  	[simem:s7], [sflag:s8] =	dma.local @!p0 [hbm:s6], $0xF7A  }
0x23: {  	s9 =	sor.u32 $0xD0000000, s2;
	s6 =	simm.s32 $0x108;
	_ =	swait.ge @!p0 [sflag:s8], $0x0  }
0x24: {  	s3 =	sadd.s32 $0x88, s3;
	s6 =	simm.s32 @!p1 $0x1082;
	[sflag:s4] =	ssyncset.s32 $0xFFFFF086  }
0x25: {  	[simem:s6], [sflag:s4] =	dma.local [hbm:s3], $0xF7A  }
0x26: {  	[smem:$0x3F9F] =	sst s1;
	(tag) =	ssettag s2;
	_ =	strace s9  }
0x27: {  	s1 =	sld [smem:$0x3FAF]  }
0x28: {  	s2 =	sld [smem:$0x3FB0]  }
0x29: {  	s4 =	sld [smem:$0x3FB2]  }
0x2a: {  	p0 =	seq.s32 s5, $0x0;
	s5 =	sld [smem:$0x3FB3]  }
0x2b: {  	s6 =	sld [smem:$0x3FB4]  }
0x2c: {  	s7 =	sld [smem:$0x3FB5]  }
0x2d: {  	s3 =	simm.s32 $0x108;
	s8 =	sld [smem:$0x3FB6]  }
0x2e: {  	s3 =	simm.s32 @!p0 $0x1082;
	s9 =	sld [smem:$0x3FB7]  }
0x2f: {  	lr =	sadd.s32 s0, s3;
	s0 =	sld [smem:$0x3FAE]  }
0x30: {  	s3 =	sld [smem:$0x3FB1]  }
0x31: {  	[smem:$0x3FBA] =	sst s10  }
0x32: {  	s10 =	sld [smem:$0x3FB8];
	_ =	sdelay $0x3  }
0x33: {  	p0 =	seq.s32 s10, $0x1;
	s10 =	sld [smem:$0x3FBA];
	_ =	sdelay $0x3  }
0x34: {  	[smem:$0x3FBA] =	sst s10  }
0x35: {  	s10 =	sld [smem:$0x3FB9];
	_ =	sdelay $0x3  }
0x36: {  	p1 =	seq.s32 s10, $0x1;
	s10 =	sld [smem:$0x3FBA];
	_ =	sdelay $0x3  }
0x37: {  	[smem:$0x3FBA] =	sst s10  }
0x38: {  	s10 =	sld [smem:$0x3FBB]  }
0x39: {  	_ = 	snop;
	(pc) =	sbr.ind lr, $3  }
0x3a: {  	_ = 	snop  }
0x3b: {  	_ = 	snop  }
0x3c: {  	p2 =	seq.s32 s10, $0x1;
	s10 =	sld [smem:$0x3FBA]  }
0x3d: {  	_ =	shalt  }
0x3e: {  	_ =	shalt  }
0x3f: {  	_ =	shalt  }
0x40: {  	_ =	shalt  }
0x41: {  	_ =	shalt  }
0x42: {  	_ =	shalt  }
0x43: {  	_ =	shalt  }
0x44: {  	_ =	shalt  }
0x45: {  	_ =	shalt  }
0x46: {  	_ =	shalt  }
0x47: {  	_ =	shalt  }
0x48: {  	_ =	shalt  }
0x49: {  	_ =	shalt  }
0x4a: {  	_ =	shalt  }
0x4b: {  	_ =	shalt  }
0x4c: {  	_ =	shalt  }
0x4d: {  	_ =	shalt  }
0x4e: {  	_ =	shalt  }
0x4f: {  	_ =	shalt  }
0x50: {  	_ =	shalt  }
0x51: {  	_ =	shalt  }
0x52: {  	_ =	shalt  }
0x53: {  	_ =	shalt  }
0x54: {  	_ =	shalt  }
0x55: {  	_ =	shalt  }
0x56: {  	_ =	shalt  }
0x57: {  	_ =	shalt  }
0x58: {  	_ =	shalt  }
0x59: {  	_ =	shalt  }
0x5a: {  	_ =	shalt  }
0x5b: {  	_ =	shalt  }
0x5c: {  	_ =	shalt  }
0x5d: {  	_ =	shalt  }
0x5e: {  	_ =	shalt  }
0x5f: {  	_ =	shalt  }
0x60: {  	_ =	shalt  }
0x61: {  	_ =	shalt  }
0x62: {  	_ =	shalt  }
0x63: {  	_ =	shalt  }
0x64: {  	_ =	shalt  }
0x65: {  	_ =	shalt  }
0x66: {  	_ =	shalt  }
0x67: {  	_ =	shalt  }
0x68: {  	_ =	shalt  }
0x69: {  	_ =	shalt  }
0x6a: {  	_ =	shalt  }
0x6b: {  	_ =	shalt  }
0x6c: {  	_ =	shalt  }
0x6d: {  	_ =	shalt  }
0x6e: {  	_ =	shalt  }
0x6f: {  	_ =	shalt  }
0x70: {  	_ =	shalt  }
0x71: {  	_ =	shalt  }
0x72: {  	_ =	shalt  }
0x73: {  	_ =	shalt  }
0x74: {  	_ =	shalt  }
0x75: {  	_ =	shalt  }
0x76: {  	_ =	shalt  }
0x77: {  	_ =	shalt  }
0x78: {  	_ =	shalt  }
0x79: {  	_ =	shalt  }
0x7a: {  	_ =	shalt  }
0x7b: {  	_ =	shalt  }
0x7c: {  	_ =	shalt  }
0x7d: {  	_ =	shalt  }
0x7e: {  	_ =	shalt  }
0x7f: {  	_ =	shalt  }
0x80: {  	_ =	shalt  }
0x81: {  	_ =	shalt  }
0x82: {  	_ =	shalt  }
0x83: {  	_ =	shalt  }
0x84: {  	_ =	shalt  }
0x85: {  	_ =	shalt  }
0x86: {  	_ =	shalt  }
0x87: {  	_ =	shalt  }
.Lfunc_end0:
.L_simem_size_0:
called_computation_lowered:
.L_overlay_start_0:
0x88: {  	s2 =	sld [smem:$0x3FD9]  }
0x89: {  	s3 =	sld [smem:$0x3FFE];
	_ =	sdelay $0x1  }
0x8a: {  	s1 =	srdreg.scid  }
0x8b: {  	s0 =	sand.u32 $0x1, s1  }
0x8c: {  	s17 =	sshll.u32 s0, $0xA;
	s2 =	sadd.s32 s3, s2  }
0x8d: {  	s2 =	sadd.s32 s2, s17  }
0x8e: {  	[smem:$0x3FC6] =	sst s2  }
0x8f: {  	_ = 	snop  }
0x90: {  	s2 =	sld [smem:$0x3FD0];
	(tm) =	ssettm $0x1  }
0x91: {  	s18 =	sld [smem:$0x3FFB];
	_ =	sdelay $0x3  }
0x92: {  	_ =	strace s18  }
0x93: {  	s3 =	sld [smem:$0x3FFC];
	_ =	sdelay $0x3  }
0x94: {  	_ =	strace s3  }
0x95: {  	s3 =	sld [smem:$0x3FFD];
	_ =	sdelay $0x3  }
0x96: {  	_ =	strace s3  }
0x97: {  	_ =	strace $0x8FFFFFFF  }
0x98: {  	s19 =	sld [smem:$0x3FDB];
	_ =	sdelay $0x1  }
0x99: {  	s4 =	simm.s32 $_scs_section_size  }
0x9a: {  	s5 =	simm.s32 $_size__tile_overlayer_lowered;
	s6 =	simm.s32 $_tile_overlayer_lowered  }
0x9b: {  	s22 =	simm.s32 $0x1BFF;
	s21 =	sshll.u32 s6, $0x1;
	s3 =	sadd.s32 s4, s19  }
0x9c: {  	s7 =	simm.s32 $0x0;
	s20 =	sshll.u32 s5, $0x1;
	s5 =	sadd.s32 s21, s3  }
0x9d: {  	[timem:s7], [sflag:s22] =	dma.local [hbm:s5], s20  }
0x9e: {  	_ =	swait.ge [sflag:s22], s20  }
0x9f: {  	s4 =	ssub.s32 $0x0, s20;
	[sflag:s22] =	ssyncset.done $0x0  }
0xa0: {  	[sflag:s22] =	ssyncadd.s32 s4;
	_ =	sdelay $0x1  }
0xa1: {  	s23 =	simm.s32 $0x1B8B  }
0xa2: {  	_ =	swait.ge [sflag:s23], $0x1  }
0xa3: {  	[sflag:s23] =	ssyncset.done $0x0  }
0xa4: {  	s25 =	simm.s32 $0x1B8E;
	s24 =	sld [smem:$0x3FFE];
	[sflag:s23] =	ssyncadd.s32 $0xFFFFFFFF  }
0xa5: {  	s26 =	simm.s32 $execute0_lowered;
	[smem:$0x3FD2] =	sst s25  }
0xa6: {  	s5 =	sshll.u32 s26, $0x1;
	_ =	strace $0x80000046;
	[dreg:$0x1] =	wrdreg $0xFFFFFFFF  }
0xa7: {  	s28 =	simm.s32 $_size_execute0_lowered;
	s3 =	sadd.s32 s3, s5;
	[dreg:$0x0] =	wrdreg $0x0  }
0xa8: {  	s5 =	sshll.u32 s28, $0x1;
	[dreg:$0x2] =	wrdreg s3  }
0xa9: {  	[dreg:$0x3] =	wrdreg s5  }
0xaa: {  	[dreg:$0x4] =	wrdreg $0xC0  }
0xab: {  	_ =	task [dreg:s7], $0x5FFFF  }
0xac: {  	[dreg:$0x1] =	wrdreg $0xFFFFFFFF  }
0xad: {  	[dreg:$0x0] =	wrdreg $0x60  }
0xae: {  	[dreg:$0x2] =	wrdreg s24  }
0xaf: {  	[dreg:$0x3] =	wrdreg s2  }
0xb0: {  	[dreg:$0x4] =	wrdreg $0x9  }
0xb1: {  	_ =	task.clear_ibuf [dreg:s7], $0x5FFFF;
	_ =	strace $0x90000046  }
0xb2: {  	s29 =	simm.s32 $0x9;
	_ =	strace $0x80000048  }
0xb3: {  	_ =	swait.ge [sflag:s29], $0x1  }
0xb4: {  	[sflag:s29] =	ssyncadd.s32 $0xFFFFFFFF  }
0xb5: {  	_ =	strace $0x90000048  }
0xb6: {  	_ =	sfence  }
0xb7: {  	s30 =	sld [smem:$0x0];
	_ =	sdelay $0x2  }
0xb8: {  	s31 =	sshll.u32 s1, $0xD;
	s1 =	sshrl.u32 s1, $0x2  }
0xb9: {  	s3 =	sand.u32 $0x4000, s31;
	s1 =	sadd.s32 s1, s30  }
0xba: {  	s0 =	sor.u32 s3, s0;
	s1 =	sshll.u32 s1, $0x11  }
0xbb: {  	s0 =	sor.u32 s1, s0  }
0xbc: {  	s0 =	sadd.s32 $0x8F2B, s0  }
0xbd: {  	[sflag:s0] =	ssyncadd.remote.s32 $0x1  }
0xbe: {  	_ =	sfence.sel $0xFFFF  }
0xbf: {  	[dreg:$0x0] =	wrdreg $0xFFFFFFFF;
	(pc) =	sbr.abs _section_cstart, $3  }
0xc0: {  	[dreg:$0x1] =	wrdreg $0xFFFFFFFF  }
0xc1: {  	_ =	task.clear_ibuf [dreg:s7], $0x2FFFF;
	_ =	strace $0x9FFFFFFF  }
0xc2: {  	(tm) =	ssettm $0x7FFFFFFF  }
0xc3: {  	_ =	shalt  }
tec
execute0_lowered:
.L_overlay_start_1:
0x0: {  	(tag) =	ssettag $0x1  }
0x1: {  	s0 =	rddreg [dreg:$0x0]  }
0x2: {  	s10 =	rddreg [dreg:$0x1]  }
0x3: {  	s2 =	simm.s32 $0x0;
	s3 =	srdreg.scid;
	s1 =	stileid.u32  }
0x4: {  	s13 =	simm.s32 $0x400;
	s14 =	simm.s32 $0x1;
	s15 =	simm.s32 $0x8000  }
0x5: {  	s16 =	simm.s32 $0x18000;
	s17 =	simm.s32 $0x18400;
	s18 =	simm.s32 $0x18480  }
0x6: {  	s19 =	simm.s32 $0x19480;
	s20 =	simm.s32 $0x10000;
	s21 =	simm.s32 $0x2  }
0x7: {  	s22 =	simm.s32 $0x0;
	[smem:$0x7FF] =	sst s2;
	s3 =	sand.u32 $0x1, s3  }
0x8: {  	s5 =	sshll.u32 s1, $0xF;
	s4 =	ssub.s32 $0x2, s3;
	s3 =	sshll.u32 s3, $0x6  }
0x9: {  	s0 =	sadd.s32 $0x600, s0;
	s6 =	sshrl.u32 s4, $0x1;
	s8 =	sor.u32 s3, s5  }
0xa: {  	_ =	strace $0x80000047;
	s11 =	ssub.s32 s4, s6;
	s3 =	sadd.s32 s0, s8  }
0xb: {  	v0 =	vlaneseq.u32;
	s7 =	sor.u32 $0x10, s8;
	s5 =	sadd.s32 s10, s8;
	s9 =	sor.u32 $0x20, s8  }
0xc: {  	v3 =	vmul.u32 $0xFFFFFFFF, v0;
	s12 =	sor.u32 $0x30, s8;
	s4 =	sadd.s32 s0, s7;
	s6 =	sadd.s32 s0, s9  }
0xd: {  	v1 =	vimm.s32 $0x0;
	s7 =	sadd.s32 s10, s7;
	s8 =	sadd.s32 s0, s12;
	s9 =	sadd.s32 s10, s9  }
0xe: {  	v2 =	vimm.s32 $0x1;
	v4 =	vimm.f32 $1.000000000e+00;
	v3 =	vadd.s32 $0xF, v3;
	s10 =	sadd.s32 s10, s12;
	s11 =	smax.u32 s11, $0x1;
	s12 =	simm.s32 $0x80  }
.LBB2_1:
0xf: {  	[tilespmem:s2], [sflag:$0x1] =	stream.strided.gather [hbm4b:s3+s12], $0x8000, s13, s12, $0x38;
	[tilespmem:$0x19680] =	vst v63  }
0x10: {  	_ =	swait.ge [sflag:s14], $0x8000  }
0x11: {  	[sflag:s14] =	ssyncset.done $0x0  }
0x12: {  	s0 =	simm.s32 $0x18020;
	[sflag:s14] =	ssyncadd.s32 $0xFFFF8000  }
0x13: {  	[tilespmem:s15], [sflag:$0x1] =	stream.strided.gather [hbm4b:s4+s12], $0x8000, s13, s12, $0x38;
	[tilespmem:$0x19680] =	vst v63  }
0x14: {  	[tilespmem:s0+$0xFFFFFFE0] =	vst v1  }
0x15: {  	[tilespmem:s0+$0x10] =	vst v1  }
0x16: {  	s23 =	simm.s32 $0x0;
	[tilespmem:s0+$0x0] =	vst v1  }
.LBB2_2:
0x17: {  	s23 =	sadd.s32 $0x4, s23  }
0x18: {  	[tilespmem:s0+$0xFFFFFFF0] =	vst v1;
	s0 =	sadd.s32 $0x40, s0;
	p0 =	slt.u32 s23, $0x3C  }
.Ltmp0:
0x19: {  	[tilespmem:s0+$0xFFFFFFE0] =	vst v1;
	(pc) =	sbr.rel @p0 .LBB2_2-.Ltmp0, $3  }
0x1a: {  	_ =	sdelay $0x1  }
0x1b: {  	[tilespmem:s0+$0x10] =	vst v1  }
0x1c: {  	[tilespmem:s0+$0x0] =	vst v1  }
0x1d: {  	[tilespmem:s0+$0xFFFFFFF0] =	vst v1  }
0x1e: {  	[tilespmem:$0x18400] =	vst v1  }
0x1f: {  	[tilespmem:$0x18410] =	vst v1  }
0x20: {  	[tilespmem:$0x18420] =	vst v1  }
0x21: {  	s31 =	simm.s32 $0x40;
	[tilespmem:$0x18430] =	vst v1  }
0x22: {  	v5 =	vld [tilespmem:s31+$0x30]  }
0x23: {  	v6 =	vld [tilespmem:s31+$0xFFFFFFD0]  }
0x24: {  	v7 =	vld [tilespmem:s31+$0xFFFFFFE0]  }
0x25: {  	v8 =	vld [tilespmem:s31+$0xFFFFFFF0]  }
0x26: {  	v9 =	vld [tilespmem:s31+$0x0]  }
0x27: {  	v5 =	vshra.s32 v5, $0x16  }
0x28: {  	v6 =	vshra.s32 v6, $0x16;
	v5 =	vadd.s32 $0x200, v5  }
0x29: {  	v10 =	vld [tilespmem:s31+$0x10];
	v7 =	vshra.s32 v7, $0x16;
	v6 =	vadd.s32 $0x200, v6  }
0x2a: {  	v11 =	vld [tilespmem:s31+$0x20];
	v8 =	vshra.s32 v8, $0x16;
	v7 =	vadd.s32 $0x200, v7  }
0x2b: {  	v12 =	vld [tilespmem:s31+$0xFFFFFFC0];
	v9 =	vshra.s32 v9, $0x16;
	v8 =	vadd.s32 $0x200, v8  }
0x2c: {  	v9 =	vadd.s32 $0x200, v9  }
0x2d: {  	[tilespmem:v5+s16+$0x0] =	vst.idx.add.s32.msk $0xffff, v2  }
0x2e: {  	[tilespmem:v6+s16+$0x0] =	vst.idx.add.s32.msk $0xffff, v2  }
0x2f: {  	[tilespmem:v7+s16+$0x0] =	vst.idx.add.s32.msk $0xffff, v2  }
0x30: {  	v5 =	vshra.s32 v10, $0x16;
	v7 =	vshra.s32 v11, $0x16;
	v10 =	vshra.s32 v12, $0x16;
	[tilespmem:v8+s16+$0x0] =	vst.idx.add.s32.msk $0xffff, v2  }
0x31: {  	s24 =	simm.s32 $0x0;
	s25 =	simm.s32 $0xC0;
	[tilespmem:v9+s16+$0x0] =	vst.idx.add.s32.msk $0xffff, v2;
	v6 =	vadd.s32 $0x200, v5;
	v7 =	vadd.s32 $0x200, v7;
	v8 =	vadd.s32 $0x200, v10  }
.LBB2_4:
0x32: {  	v5 =	vld [tilespmem:s25+$0x30];
	s24 =	sadd.s32 $0x8, s24  }
0x33: {  	v9 =	vld [tilespmem:s25+$0xFFFFFFD0];
	p0 =	slt.u32 s24, $0x7F8  }
0x34: {  	v10 =	vld [tilespmem:s25+$0xFFFFFFE0]  }
0x35: {  	v11 =	vld [tilespmem:s25+$0xFFFFFFF0]  }
0x36: {  	v12 =	vld [tilespmem:s25+$0x0]  }
0x37: {  	v13 =	vld [tilespmem:s25+$0x10];
	v5 =	vshra.s32 v5, $0x16  }
0x38: {  	v9 =	vshra.s32 v9, $0x16;
	v14 =	vld [tilespmem:s25+$0x20];
	v5 =	vadd.s32 $0x200, v5  }
0x39: {  	v15 =	vld [tilespmem:s25+$0xFFFFFFC0];
	v9 =	vadd.s32 $0x200, v9;
	v10 =	vshra.s32 v10, $0x16  }
0x3a: {  	v10 =	vadd.s32 $0x200, v10;
	v11 =	vshra.s32 v11, $0x16;
	[tilespmem:v8+s16+$0x0] =	vst.idx.add.s32.msk $0xffff, v2  }
0x3b: {  	v11 =	vadd.s32 $0x200, v11;
	v8 =	vshra.s32 v12, $0x16;
	[tilespmem:v6+s16+$0x0] =	vst.idx.add.s32.msk $0xffff, v2  }
0x3c: {  	v12 =	vadd.s32 $0x200, v8;
	v6 =	vshra.s32 v13, $0x16;
	[tilespmem:v7+s16+$0x0] =	vst.idx.add.s32.msk $0xffff, v2  }
.Ltmp1:
0x3d: {  	s23 =	simm.s32 $0x0;
	v6 =	vadd.s32 $0x200, v6;
	v7 =	vshra.s32 v14, $0x16;
	[tilespmem:v5+s16+$0x0] =	vst.idx.add.s32.msk $0xffff, v2;
	v5 =	vimm.s32 $0x0;
	(pc) =	sbr.rel @p0 .LBB2_4-.Ltmp1, $4  }
0x3e: {  	v8 =	vshra.s32 v15, $0x16;
	[tilespmem:v9+s16+$0x0] =	vst.idx.add.s32.msk $0xffff, v2;
	v7 =	vadd.s32 $0x200, v7  }
0x3f: {  	v8 =	vadd.s32 $0x200, v8;
	[tilespmem:v10+s16+$0x0] =	vst.idx.add.s32.msk $0xffff, v2  }
0x40: {  	[tilespmem:v11+s16+$0x0] =	vst.idx.add.s32.msk $0xffff, v2  }
0x41: {  	s25 =	sadd.s32 $0x80, s25;
	[tilespmem:v12+s16+$0x0] =	vst.idx.add.s32.msk $0xffff, v2  }
0x42: {  	_ =	sdelay $0x3  }
0x43: {  	[tilespmem:v8+s16+$0x0] =	vst.idx.add.s32.msk $0xffff, v2  }
0x44: {  	[tilespmem:v6+s16+$0x0] =	vst.idx.add.s32.msk $0xffff, v2  }
0x45: {  	[tilespmem:v7+s16+$0x0] =	vst.idx.add.s32.msk $0xffff, v2;
	s0 =	simm.s32 $0x3F0  }
0x46: {  	v7 =	vld [tilespmem:s0+$0x18000];
	_ =	sdelay $0x1  }
0x47: {  	s29 =	simm.s32 $0x3E0  }
0x48: {  	v9 =	vld [tilespmem:s29+$0x18000];
	_ =	sdelay $0x1  }
0x49: {  	v6 =	vperm.xlane v7, v3  }
0x4a: {  	(xrf0) =	vadd.scan.msk.s32 $0xffff, v7  }
0x4b: {  	(xrf0) =	vadd.scan.msk.s32 $0xffff, v6  }
0x4c: {  	s30 =	simm.s32 $0x3D0;
	(xrf0) =	vadd.scan.msk.s32 $0xffff, v9  }
0x4d: {  	v8 =	vperm.xlane v9, v3;
	v9 =	vld [tilespmem:s30+$0x18000];
	_ =	sdelay $0x2  }
0x4e: {  	v11, _, _ =	vpop (xrf0)  }
0x4f: {  	(xrf0) =	vadd.scan.msk.s32 $0xffff, v8;
	v10, _, _ =	vpop (xrf0)  }
0x50: {  	(v2sf) =	vpush v11, $0xF;
	v7 =	vperm.xlane v9, v3;
	(xrf0) =	vadd.scan.msk.s32 $0xffff, v9;
	v9, _, _ =	vpop (xrf0)  }
0x51: {  	(v2sf) =	vpush v9, $0xF;
	_ =	sdelay $0x3  }
0x52: {  	s31 =	simm.s32 $0x3C0  }
0x53: {  	v12 =	vld [tilespmem:s31+$0x18000]  }
0x54: {  	(xrf0) =	vadd.scan.msk.s32 $0xffff, v7;
	_ =	sdelay $0x2  }
0x55: {  	s24 =	simm.s32 $0xEC0;
	v11, _, _ =	vpop (xrf0);
	v9 =	vimm.s32 $0x0  }
.LBB2_6:
0x56: {  	s0 =	sshra.s32 s24, $0x2;
	p0 =	sne.s32 s24, $0x0;
	s24 =	sadd.s32 $0xFFFFFFC0, s24;
	v13 =	vperm.xlane v12, v3;
	(xrf0) =	vadd.scan.msk.s32 $0xffff, v12;
	v14, _, _ =	vpop (xrf0);
	v15 =	vadd.s32 s23, v10;
	v10 =	vmov v11  }
.Ltmp2:
0x57: {  	v12 =	vld [tilespmem:s0+$0x18000];
	(v2sf) =	vpush v14, $0xF;
	vm0 =	vgt.s32 v15, $0x3FFF;
	(pc) =	sbr.rel @p0 .LBB2_6-.Ltmp2, $4  }
0x58: {  	(xrf0) =	vadd.scan.msk.s32 $0xffff, v13;
	v11, _, _ =	vpop (xrf0);
	v14 =	vsel vm0, $0x1, v1;
	v15 =	vsel vm0, $0x0, v6;
	v6 =	vmov v8  }
0x59: {  	v8 =	vmovc v7;
	v7 =	vmov v13;
	v5 =	vadd.s32 v14, v5;
	v9 =	vadd.s32 v9, v15  }
0x5a: {  	s0 =	spop (v2sf)  }
0x5b: {  	s23 =	sadd.s32 s23, s0  }
0x5c: {  	v13, _, _ =	vpop (xrf0)  }
0x5d: {  	(v2sf) =	vpush v13, $0xF;
	_ =	sdelay $0x7  }
0x5e: {  	v13 =	vperm.xlane v12, v3  }
0x5f: {  	(xrf0) =	vadd.scan.msk.s32 $0xffff, v12  }
0x60: {  	(xrf0) =	vadd.scan.msk.s32 $0xffff, v13  }
0x61: {  	v10 =	vadd.s32 s23, v10;
	s0 =	spop (v2sf)  }
0x62: {  	s0 =	sadd.s32 s23, s0  }
0x63: {  	v11 =	vadd.s32 s0, v11  }
0x64: {  	vm0 =	vgt.s32 v10, $0x3FFF;
	v10, _, _ =	vpop (xrf0);
	s28 =	spop (v2sf)  }
0x65: {  	v12 =	vsel vm0, $0x1, v1;
	v14, _, _ =	vpop (xrf0);
	s0 =	sadd.s32 s0, s28;
	s29 =	spop (v2sf)  }
0x66: {  	v5 =	vadd.s32 v12, v5;
	vm1 =	vgt.s32 v11, $0x3FFF;
	v11, _, _ =	vpop (xrf0);
	v10 =	vadd.s32 s0, v10;
	s0 =	sadd.s32 s0, s29  }
0x67: {  	v12 =	vsel vm1, $0x1, v1;
	vm2 =	vgt.s32 v10, $0x3FFF;
	v10 =	vadd.s32 s0, v11  }
0x68: {  	v5 =	vadd.s32 v12, v5;
	v11 =	vsel vm2, $0x1, v1;
	vm3 =	vgt.s32 v10, $0x3FFF  }
0x69: {  	v5 =	vadd.s32 v11, v5;
	v10 =	vsel vm3, $0x1, v1  }
0x6a: {  	v5 =	vadd.s32 v10, v5  }
0x6b: {  	(xrf0) =	vadd.scan.msk.s32 $0xffff, v5;
	_ =	sdelay $0x5  }
0x6c: {  	(v2sf) =	vpush v14, $0xF;
	v5, _, _ =	vpop (xrf0)  }
0x6d: {  	(v2sf) =	vpush v5, $0xF;
	_ =	sdelay $0x3  }
0x6e: {  	s30 =	simm.s32 $0x40  }
0x6f: {  	v14 =	vld [tilespmem:s30+$0xFFFFFFD0]  }
0x70: {  	v5 =	vld [tilespmem:s30+$0xFFFFFFF0]  }
0x71: {  	v11 =	vld [tilespmem:s30+$0x0];
	v10 =	vsel vm0, $0x0, v6  }
0x72: {  	v6 =	vld [tilespmem:s30+$0x30];
	v9 =	vadd.s32 v9, v10;
	v10 =	vsel vm1, $0x0, v8  }
0x73: {  	v7 =	vsel vm2, $0x0, v7;
	v8 =	vld [tilespmem:s30+$0xFFFFFFC0];
	v9 =	vadd.s32 v9, v10  }
0x74: {  	v7 =	vadd.s32 v9, v7;
	v9 =	vld [tilespmem:s30+$0xFFFFFFE0]  }
0x75: {  	v12 =	vshrl.u32 v5, $0x10  }
0x76: {  	v16 =	vimm.s32 $0x0;
	v10 =	vsel vm3, $0x0, v13;
	v18 =	vand.u32 $0x3F, v12;
	v12 =	vld [tilespmem:s30+$0x20]  }
0x77: {  	v26 =	vshra.s32 v14, $0x16;
	v23 =	vshra.s32 v11, $0x16;
	v7 =	vadd.s32 v7, v10  }
0x78: {  	s31 =	spop (v2sf);
	v23 =	vadd.s32 $0x200, v23;
	v15 =	vshrl.u32 v6, $0x10;
	v19 =	vshra.s32 v6, $0x16  }
0x79: {  	v17 =	vshra.s32 v8, $0x16;
	v20 =	vand.u32 $0x3F, v15;
	v21 =	vshrl.u32 v9, $0x10;
	s23 =	spop (v2sf)  }
0x7a: {  	v17 =	vadd.s32 $0x200, v17;
	v60 =	vand.u32 $0x3F, v21;
	v13 =	vshra.s32 v5, $0x16;
	s24 =	sadd.s32 $0xFFFFFFFF, s23  }
0x7b: {  	v13 =	vadd.s32 $0x200, v13;
	v27 =	vshra.s32 v12, $0x16;
	v10 =	vmov s24  }
0x7c: {  	v59 =	vshrl.u32 v12, $0x10;
	vm1 =	veq.s32 v13, v10;
	v13 =	vshrl.u32 v11, $0x10  }
0x7d: {  	vm2 =	veq.s32 v17, v10;
	v17 =	vadd.s32 $0x200, v19;
	v19 =	vand.u32 $0x3F, v13;
	v13 =	vld [tilespmem:s30+$0x10]  }
0x7e: {  	v27 =	vadd.s32 $0x200, v27;
	vm5 =	veq.s32 v23, v10;
	vm0 =	veq.s32 v17, v10  }
0x7f: {  	vm6 =	veq.s32 v27, v10;
	v15 =	vmpcnt.ones.xlane vm2;
	v24 =	vsel vm0, $0x1, v1  }
0x80: {  	v17 =	vsel vm1, $0x1, v1;
	v25 =	vsel vm2, $0x1, v1;
	(xrf0) =	vadd.scan.msk.s32 $0xffff, v24;
	v24 =	vshra.s32 v9, $0x16  }
0x81: {  	v28 =	vadd.s32 v16, v15;
	v15 =	vadd.s32 $0x200, v26;
	(xrf0) =	vadd.scan.msk.s32 $0xffff, v17;
	v17 =	vadd.s32 $0x200, v24  }
0x82: {  	vm4 =	veq.s32 v15, v10;
	vm7 =	veq.s32 v17, v10;
	v15 =	vshra.s32 v13, $0x16  }
0x83: {  	(xrf0) =	vadd.scan.msk.s32 $0xffff, v25;
	v24 =	vsel vm4, $0x1, v1;
	v25 =	vmpcnt.ones.xlane vm4;
	v15 =	vadd.s32 $0x200, v15  }
0x84: {  	v22 =	vmpcnt.ones.xlane vm1;
	v17 =	vsel vm7, $0x1, v1;
	(xrf0) =	vadd.scan.msk.s32 $0xffff, v24;
	vm3 =	veq.s32 v15, v10  }
0x85: {  	v29 =	vsel vm5, $0x1, v1;
	v24 =	vadd.s32 v28, v25;
	(xrf0) =	vadd.scan.msk.s32 $0xffff, v17;
	v25 =	vsel vm3, $0x1, v1  }
0x86: {  	v27 =	vmpcnt.ones.xlane vm6;
	v31 =	vsel vm6, $0x1, v1;
	v33 =	vmpcnt.ones.xlane vm5;
	v15, _, _ =	vpop (xrf0);
	(xrf0) =	vadd.scan.msk.s32 $0xffff, v25  }
0x87: {  	v26 =	vshrl.u32 v8, $0x10;
	v23 =	vmpcnt.ones.xlane vm7;
	v21 =	vshrl.u32 v13, $0x10;
	v17, _, _ =	vpop (xrf0);
	(xrf0) =	vadd.scan.msk.s32 $0xffff, v29  }
0x88: {  	v26 =	vand.u32 $0x3F, v26;
	v62 =	vand.u32 $0x3F, v21;
	v25 =	vshrl.u32 v14, $0x10  }
0x89: {  	[tilespmem:v18+s17+$0x0] =	vst.idx.add.s32.msk vm1, v2;
	v23 =	vadd.s32 v24, v23;
	v30 =	vmpcnt.ones.xlane vm3;
	v25 =	vand.u32 $0x3F, v25;
	v32, _, _ =	vpop (xrf0)  }
0x8a: {  	v29 =	vand.u32 $0x3F, v59;
	v17 =	vadd.s32 v17, v23;
	(xrf0) =	vadd.scan.msk.s32 $0xffff, v31;
	v18 =	vadd.s32 v32, v16;
	v61, _, _ =	vpop (xrf0)  }
0x8b: {  	[tilespmem:v20+s17+$0x0] =	vst.idx.add.s32.msk vm0, v2;
	v16 =	vmpcnt.ones.xlane vm0;
	v18 =	vadd.s32 $0xFFFFFFFF, v18;
	v20 =	vadd.s32 v61, v28;
	v63, _, _ =	vpop (xrf0)  }
0x8c: {  	[tilespmem:v19+s17+$0x0] =	vst.idx.add.s32.msk vm5, v2;
	vm8 =	vlt.s32 v18, $0xFFF;
	v21 =	vadd.s32 $0xFFFFFFFF, v20;
	v20 =	vadd.s32 v63, v24;
	v24, _, _ =	vpop (xrf0)  }
0x8d: {  	[tilespmem:v26+s17+$0x0] =	vst.idx.add.s32.msk vm2, v2;
	v19 =	vnsel vm8, $0xFFF, v18;
	v18 =	vadd.s32 $0xFFFFFFFF, v20;
	v20 =	vadd.s32 v23, v22;
	v22, _, _ =	vpop (xrf0)  }
0x8e: {  	[tilespmem:v60+s17+$0x0] =	vst.idx.add.s32.msk vm7, v2;
	vm8 =	vlt.s32 v21, $0xFFF;
	vm9 =	vlt.s32 v18, $0xFFF;
	v23 =	vadd.s32 v22, v20  }
0x8f: {  	[tilespmem:v62+s17+$0x0] =	vst.idx.add.s32.msk vm3, v2;
	v22 =	vnsel vm9, $0xFFF, v18;
	v18 =	vadd.s32 v20, v33;
	v23 =	vadd.s32 $0xFFFFFFFF, v23  }
0x90: {  	[tilespmem:v25+s17+$0x0] =	vst.idx.add.s32.msk vm4, v2;
	v20 =	vadd.s32 v24, v18;
	v18 =	vadd.s32 v18, v30;
	v24, _, _ =	vpop (xrf0);
	vm9 =	vlt.s32 v23, $0xFFF  }
0x91: {  	s25 =	simm.s32 $0xC0;
	s24 =	simm.s32 $0x0;
	[tilespmem:v29+s17+$0x0] =	vst.idx.add.s32.msk vm6, v2;
	v20 =	vadd.s32 $0xFFFFFFFF, v20;
	v24 =	vadd.s32 v24, v18;
	v18 =	vadd.s32 v18, v27  }
.LBB2_8:
0x92: {  	v25 =	vld [tilespmem:s25+$0xFFFFFFF0];
	s24 =	sadd.s32 $0x8, s24;
	v21 =	vnsel vm8, $0xFFF, v21;
	v17 =	vadd.s32 $0xFFFFFFFF, v17;
	v23 =	vnsel vm9, $0xFFF, v23  }
0x93: {  	v26 =	vld [tilespmem:s25+$0x30];
	p0 =	slt.u32 s24, $0x7F8;
	[tilespmem:v19+s18+$0x0] =	vst.idx.msk vm2, v8;
	vm2 =	vlt.s32 v17, $0xFFF  }
0x94: {  	v8 =	vld [tilespmem:s25+$0xFFFFFFC0];
	[tilespmem:v22+s18+$0x0] =	vst.idx.msk vm7, v9;
	v17 =	vnsel vm2, $0xFFF, v17;
	v9 =	vadd.s32 v15, v18  }
0x95: {  	v16 =	vadd.s32 v18, v16;
	v19 =	vadd.s32 $0xFFFFFFFF, v24;
	v15 =	vld [tilespmem:s25+$0x0];
	v22 =	vadd.s32 $0xFFFFFFFF, v9  }
0x96: {  	vm2 =	vlt.s32 v20, $0xFFF;
	vm7 =	vlt.s32 v19, $0xFFF;
	v9 =	vld [tilespmem:s25+$0xFFFFFFE0];
	vm8 =	vlt.s32 v22, $0xFFF  }
0x97: {  	v19 =	vnsel vm7, $0xFFF, v19;
	v18 =	vld [tilespmem:s25+$0xFFFFFFD0];
	v24 =	vshrl.u32 v25, $0x10;
	[tilespmem:v23+s18+$0x0] =	vst.idx.msk vm5, v11;
	v22 =	vnsel vm8, $0xFFF, v22  }
0x98: {  	v28 =	vshra.s32 v25, $0x16;
	v23 =	vand.u32 $0x3F, v24;
	v24 =	vld [tilespmem:s25+$0x20];
	v27 =	vshrl.u32 v26, $0x10;
	[tilespmem:v21+s18+$0x0] =	vst.idx.msk vm4, v14  }
0x99: {  	v21 =	vshra.s32 v26, $0x16;
	v14 =	vshra.s32 v8, $0x16;
	[tilespmem:v17+s18+$0x0] =	vst.idx.msk vm1, v5;
	v17 =	vnsel vm2, $0xFFF, v20;
	v5 =	vmovc v25  }
0x9a: {  	v20 =	vadd.s32 $0x200, v28;
	v25 =	vand.u32 $0x3F, v27;
	v29 =	vadd.s32 $0x200, v14;
	v11 =	vmovc v15  }
0x9b: {  	vm1 =	veq.s32 v20, v10;
	vm2 =	veq.s32 v29, v10;
	v27 =	vshrl.u32 v9, $0x10  }
0x9c: {  	v21 =	vadd.s32 $0x200, v21;
	v20 =	vshrl.u32 v11, $0x10;
	v15 =	vmpcnt.ones.xlane vm2;
	[tilespmem:v19+s18+$0x0] =	vst.idx.msk vm6, v12;
	v14 =	vmovc v18  }
0x9d: {  	v18 =	vmpcnt.ones.xlane vm1;
	v19 =	vand.u32 $0x3F, v20;
	[tilespmem:v22+s18+$0x0] =	vst.idx.msk vm0, v6;
	vm0 =	veq.s32 v21, v10;
	v6 =	vmovc v26  }
0x9e: {  	v20 =	vsel vm1, $0x1, v1;
	v21 =	vshra.s32 v11, $0x16;
	v12 =	vmovc v24;
	v22 =	vsel vm0, $0x1, v1;
	[tilespmem:v17+s18+$0x0] =	vst.idx.msk vm3, v13;
	v13 =	vld [tilespmem:s25+$0x10]  }
0x9f: {  	v24 =	vshra.s32 v14, $0x16;
	v17 =	vsel vm2, $0x1, v1;
	v26 =	vshra.s32 v12, $0x16;
	(xrf0) =	vadd.scan.msk.s32 $0xffff, v22  }
0xa0: {  	v21 =	vadd.s32 $0x200, v21;
	v22 =	vshra.s32 v9, $0x16;
	v26 =	vadd.s32 $0x200, v26;
	(xrf0) =	vadd.scan.msk.s32 $0xffff, v20  }
0xa1: {  	v20 =	vadd.s32 v16, v15;
	v15 =	vadd.s32 $0x200, v24;
	v22 =	vadd.s32 $0x200, v22;
	[tilespmem:v23+s17+$0x0] =	vst.idx.add.s32.msk vm1, v2  }
0xa2: {  	vm5 =	veq.s32 v21, v10;
	vm4 =	veq.s32 v15, v10;
	vm7 =	veq.s32 v22, v10  }
0xa3: {  	v21 =	vsel vm7, $0x1, v1;
	v22 =	vmpcnt.ones.xlane vm7;
	v29 =	vshra.s32 v13, $0x16;
	(xrf0) =	vadd.scan.msk.s32 $0xffff, v17  }
0xa4: {  	v23 =	vmpcnt.ones.xlane vm4;
	v17 =	vsel vm4, $0x1, v1;
	v28 =	vadd.s32 $0x200, v29;
	[tilespmem:v25+s17+$0x0] =	vst.idx.add.s32.msk vm0, v2  }
0xa5: {  	v24 =	vshrl.u32 v8, $0x10;
	v25 =	vsel vm5, $0x1, v1;
	vm3 =	veq.s32 v28, v10;
	(xrf0) =	vadd.scan.msk.s32 $0xffff, v17;
	v15, _, _ =	vpop (xrf0)  }
0xa6: {  	v23 =	vadd.s32 v20, v23;
	v17 =	vsel vm3, $0x1, v1;
	v28 =	vmpcnt.ones.xlane vm3;
	(xrf0) =	vadd.scan.msk.s32 $0xffff, v21;
	v21, _, _ =	vpop (xrf0)  }
0xa7: {  	vm6 =	veq.s32 v26, v10;
	v24 =	vand.u32 $0x3F, v24;
	v22 =	vadd.s32 v23, v22;
	(xrf0) =	vadd.scan.msk.s32 $0xffff, v17  }
0xa8: {  	v30 =	vshrl.u32 v14, $0x10;
	v29 =	vmpcnt.ones.xlane vm6;
	v17 =	vadd.s32 v21, v22;
	(xrf0) =	vadd.scan.msk.s32 $0xffff, v25  }
0xa9: {  	v21 =	vsel vm6, $0x1, v1;
	v25 =	vand.u32 $0x3F, v30;
	[tilespmem:v19+s17+$0x0] =	vst.idx.add.s32.msk vm5, v2;
	v19 =	vshrl.u32 v12, $0x10;
	v26, _, _ =	vpop (xrf0)  }
0xaa: {  	v27 =	vand.u32 $0x3F, v27;
	v26 =	vadd.s32 v26, v16;
	v30 =	vand.u32 $0x3F, v19  }
0xab: {  	v31 =	vmpcnt.ones.xlane vm5;
	v33 =	vshrl.u32 v13, $0x10;
	v16 =	vmpcnt.ones.xlane vm0;
	v32, _, _ =	vpop (xrf0);
	(xrf0) =	vadd.scan.msk.s32 $0xffff, v21  }
0xac: {  	[tilespmem:v24+s17+$0x0] =	vst.idx.add.s32.msk vm2, v2;
	v24 =	vadd.s32 $0xFFFFFFFF, v26;
	v20 =	vadd.s32 v32, v20;
	v26 =	vand.u32 $0x3F, v33;
	v19, _, _ =	vpop (xrf0)  }
0xad: {  	vm8 =	vlt.s32 v24, $0xFFF;
	v21 =	vadd.s32 $0xFFFFFFFF, v20;
	v20 =	vadd.s32 v19, v23;
	v32, _, _ =	vpop (xrf0)  }
.Ltmp3:
0xae: {  	v18 =	vadd.s32 v22, v18;
	v19 =	vnsel vm8, $0xFFF, v24;
	[tilespmem:v25+s17+$0x0] =	vst.idx.add.s32.msk vm4, v2;
	v20 =	vadd.s32 $0xFFFFFFFF, v20;
	v22, _, _ =	vpop (xrf0);
	(pc) =	sbr.rel @p0 .LBB2_8-.Ltmp3, $4  }
0xaf: {  	vm8 =	vlt.s32 v21, $0xFFF;
	[tilespmem:v27+s17+$0x0] =	vst.idx.add.s32.msk vm7, v2;
	vm9 =	vlt.s32 v20, $0xFFF;
	v23 =	vadd.s32 v22, v18  }
0xb0: {  	v18 =	vadd.s32 v18, v31;
	v22 =	vnsel vm9, $0xFFF, v20;
	v23 =	vadd.s32 $0xFFFFFFFF, v23;
	[tilespmem:v30+s17+$0x0] =	vst.idx.add.s32.msk vm6, v2  }
0xb1: {  	v20 =	vadd.s32 v32, v18;
	v18 =	vadd.s32 v18, v28;
	vm9 =	vlt.s32 v23, $0xFFF;
	v24, _, _ =	vpop (xrf0)  }
0xb2: {  	s25 =	sadd.s32 $0x80, s25;
	v20 =	vadd.s32 $0xFFFFFFFF, v20;
	[tilespmem:v26+s17+$0x0] =	vst.idx.add.s32.msk vm3, v2;
	v24 =	vadd.s32 v24, v18;
	v18 =	vadd.s32 v18, v29  }
0xb3: {  	_ =	sdelay $0x1  }
0xb4: {  	v10 =	vnsel vm8, $0xFFF, v21;
	v43 =	vnsel vm9, $0xFFF, v23  }
0xb5: {  	v17 =	vadd.s32 $0xFFFFFFFF, v17;
	v15 =	vadd.s32 v15, v18;
	vm11 =	vlt.s32 v20, $0xFFF  }
0xb6: {  	v44 =	vadd.s32 $0xFFFFFFFF, v24;
	vm14 =	vlt.s32 v17, $0xFFF;
	v47 =	vnsel vm11, $0xFFF, v20  }
0xb7: {  	[tilespmem:v19+s18+$0x0] =	vst.idx.msk vm2, v8;
	v15 =	vadd.s32 $0xFFFFFFFF, v15;
	vm15 =	vlt.s32 v44, $0xFFF;
	v17 =	vnsel vm14, $0xFFF, v17  }
0xb8: {  	[tilespmem:v22+s18+$0x0] =	vst.idx.msk vm7, v9;
	vm10 =	vlt.s32 v15, $0xFFF;
	v45 =	vnsel vm15, $0xFFF, v44  }
0xb9: {  	v46 =	vnsel vm10, $0xFFF, v15;
	[tilespmem:v43+s18+$0x0] =	vst.idx.msk vm5, v11  }
0xba: {  	[tilespmem:v10+s18+$0x0] =	vst.idx.msk vm4, v14  }
0xbb: {  	[tilespmem:v47+s18+$0x0] =	vst.idx.msk vm3, v13  }
0xbc: {  	[tilespmem:v17+s18+$0x0] =	vst.idx.msk vm1, v5  }
0xbd: {  	[tilespmem:v45+s18+$0x0] =	vst.idx.msk vm6, v12  }
0xbe: {  	[tilespmem:v46+s18+$0x0] =	vst.idx.msk vm0, v6  }
0xbf: {  	v5 =	vld [tilespmem:$0x18430];
	_ =	sdelay $0x1  }
0xc0: {  	v6 =	vld [tilespmem:$0x18420];
	_ =	sdelay $0x1  }
0xc1: {  	v8 =	vld [tilespmem:$0x18410]  }
0xc2: {  	v48 =	vperm.xlane v5, v3  }
0xc3: {  	(xrf0) =	vadd.scan.msk.s32 $0xffff, v7  }
0xc4: {  	v7 =	vperm.xlane v6, v3;
	(xrf0) =	vadd.scan.msk.s32 $0xffff, v48  }
0xc5: {  	(xrf0) =	vadd.scan.msk.s32 $0xffff, v5  }
0xc6: {  	v5 =	vperm.xlane v8, v3;
	(xrf0) =	vadd.scan.msk.s32 $0xffff, v7  }
0xc7: {  	(xrf0) =	vadd.scan.msk.s32 $0xffff, v6  }
0xc8: {  	(xrf0) =	vadd.scan.msk.s32 $0xffff, v5  }
0xc9: {  	v6, _, _ =	vpop (xrf0);
	(xrf0) =	vadd.scan.msk.s32 $0xffff, v8  }
0xca: {  	v49, _, _ =	vpop (xrf0)  }
0xcb: {  	v50, _, _ =	vpop (xrf0)  }
0xcc: {  	v51, _, _ =	vpop (xrf0)  }
0xcd: {  	(v2sf) =	vpush v6, $0xF;
	v52, _, _ =	vpop (xrf0)  }
0xce: {  	(v2sf) =	vpush v50, $0xF;
	v6, _, _ =	vpop (xrf0)  }
0xcf: {  	v54 =	vld [tilespmem:$0x18400];
	(v2sf) =	vpush v52, $0xF;
	v53, _, _ =	vpop (xrf0)  }
0xd0: {  	(v2sf) =	vpush v53, $0xF;
	_ =	sdelay $0x3  }
0xd1: {  	v12 =	vperm.xlane v54, v3  }
0xd2: {  	v55 =	vadd.s32 v18, v16  }
0xd3: {  	v13 =	vxor.u32 $0x80000000, v55;
	(xrf0) =	vadd.scan.msk.s32 $0xffff, v12  }
0xd4: {  	(xrf0) =	vmax.scan.msk.u32 $0xffff, v13;
	_ =	sdelay $0x4  }
0xd5: {  	v10 =	vbroadcast v50, $0xF;
	v60, _, _ =	vpop (xrf0);
	s0 =	spop (v2sf)  }
0xd6: {  	v61, _, _ =	vpop (xrf0);
	s28 =	spop (v2sf)  }
0xd7: {  	v56 =	vadd.s32 v10, v51;
	(v2sf) =	vpush v61, $0xF;
	s24 =	ssub.s32 $0x4000, s0;
	s25 =	spop (v2sf)  }
0xd8: {  	vm12 =	vge.s32 v49, s24;
	vm13 =	vge.s32 v56, s24;
	s0 =	sadd.s32 s28, s25;
	s29 =	spop (v2sf)  }
0xd9: {  	v57 =	vsel vm12, $0x1, v1;
	v58 =	vsel vm12, $0x0, v48;
	v6 =	vadd.s32 s0, v6;
	s0 =	sadd.s32 s0, s29  }
0xda: {  	v59 =	vsel vm13, $0x1, v1;
	vm14 =	vge.s32 v6, s24;
	v6 =	vadd.s32 s0, v60  }
0xdb: {  	v9 =	vadd.s32 v59, v57;
	v62 =	vsel vm14, $0x1, v1;
	vm15 =	vge.s32 v6, s24  }
0xdc: {  	v6 =	vsel vm13, $0x0, v7;
	v7 =	vadd.s32 v62, v9;
	v63 =	vsel vm15, $0x1, v1  }
0xdd: {  	v5 =	vsel vm14, $0x0, v5;
	v6 =	vadd.s32 v58, v6;
	v7 =	vadd.s32 v63, v7  }
0xde: {  	v5 =	vadd.s32 v6, v5;
	v6 =	vsel vm15, $0x0, v12;
	(xrf0) =	vadd.scan.msk.s32 $0xffff, v7  }
0xdf: {  	v5 =	vadd.s32 v5, v6  }
0xe0: {  	(xrf0) =	vadd.scan.msk.s32 $0xffff, v5;
	_ =	sdelay $0x3  }
0xe1: {  	v5, _, _ =	vpop (xrf0)  }
0xe2: {  	(v2sf) =	vpush v5, $0xF  }
0xe3: {  	s30 =	spop (v2sf);
	v5, _, _ =	vpop (xrf0)  }
0xe4: {  	s0 =	sxor.u32 $0x80000000, s30;
	(v2sf) =	vpush v5, $0xF  }
0xe5: {  	p0 =	slt.s32 s0, $0x1000;
	s26 =	smov.u32 s0  }
0xe6: {  	s26 =	simm.s32 @!p0 $0x1000  }
0xe7: {  	s31 =	sadd.s32 $0xF, s26  }
0xe8: {  	s28 =	sand.u32 $0xF, s31  }
0xe9: {  	p6 =	slt.s32 s0, $0xFFFFFFF2;
	s29 =	sshra.s32 s31, $0x1F;
	p1 =	sne.s32 s28, $0x0  }
0xea: {  	s30 =	sshrl.u32 s29, $0x1C;
	p0 =	por !p6, !p1  }
0xeb: {  	s25 =	simm.s32 $0x1;
	s0 =	sadd.s32 s30, s31;
	p0 =	por !p0, !p0  }
0xec: {  	s0 =	sshra.s32 s0, $0x4;
	s25 =	simm.s32 @!p0 $0x0  }
0xed: {  	s0 =	ssub.s32 s0, s25  }
0xee: {  	p0 =	slt.s32 s0, $0x1  }
.Ltmp4:
0xef: {  	_ = 	snop;
	(pc) =	sbr.rel @p0 .LBB2_10-.Ltmp4, $4  }
0xf0: {  	_ = 	snop  }
0xf1: {  	s23 =	sshll.u32 s23, $0x6;
	s31 =	spop (v2sf)  }
0xf2: {  	s23 =	sadd.s32 $0xFFFF7FC0, s23;
	s28 =	sadd.s32 $0xFFFFFFFF, s31  }
0xf3: {  	s25 =	spop (v2sf);
	s23 =	sor.u32 s23, s28  }
0xf4: {  	p1 =	sne.s32 s0, $0x1  }
.Ltmp5:
0xf5: {  	_ = 	snop;
	(pc) =	sbr.rel @!p1 .LBB2_12-.Ltmp5, $3  }
0xf6: {  	_ =	sdelay $0x1  }
0xf7: {  	s28 =	simm.s32 $0x18480  }
0xf8: {  	v6 =	vmov s23;
	v7 =	vmov s26;
	v10 =	vimm.s32 $0x0;
	s26 =	simm.s32 $0x0;
	s0 =	sadd.s32 $0xFFFFFFFF, s0;
	p0 =	por $0x0, $0x0;
	v5 =	vld [tilespmem:s28+$0x0]  }
0xf9: {  	_ =	sdelay $0x3  }
0xfa: {  	v9 =	vor.u32 s26, v0;
	v8 =	vshra.s32 v5, $0x10  }
0xfb: {  	vm1 =	vlt.s32 v9, v7;
	vm0 =	veq.s32 v8, v6  }
0xfc: {  	vm0 =	vmand vm1, vm0  }
0xfd: {  	v8 =	vsel vm0, $0x1, v1  }
0xfe: {  	(xrf0) =	vadd.scan.msk.s32 $0xffff, v8;
	_ =	sdelay $0x5  }
0xff: {  	v8, _, _ =	vpop (xrf0)  }
0x100: {  	v8 =	vadd.s32 v8, v10  }
0x101: {  	v8 =	vadd.s32 $0xFFFFFFFF, v8  }
0x102: {  	vm15 =	vlt.s32 v8, $0x1FF  }
0x103: {  	v8 =	vnsel vm15, $0x1FF, v8  }
0x104: {  	p1 =	sne.s32 s0, $0x1  }
.Ltmp6:
0x105: {  	_ = 	snop;
	(pc) =	sbr.rel @!p1 .LBB2_14-.Ltmp6, $3  }
0x106: {  	v9 =	vmpcnt.ones.xlane vm0;
	_ =	sdelay $0x1  }
0x107: {  	s29 =	simm.s32 $0x18490;
	v9 =	vadd.s32 v10, v9;
	[tilespmem:v8+s19+$0x0] =	vst.idx.msk vm0, v5  }
0x108: {  	s30 =	sadd.s32 $0xFFFFFFFF, s0;
	p0 =	por $0x1, $0x1;
	s28 =	simm.s32 $0x0;
	v8 =	vmov v9;
	v5 =	vld [tilespmem:s29+$0x0]  }
.LBB2_15:
0x109: {  	p1 =	sne.s32 s30, $0x1;
	_ =	sdelay $0x2  }
0x10a: {  	s28 =	sadd.s32 $0x10, s28  }
0x10b: {  	v11 =	vor.u32 s28, v0;
	v10 =	vshra.s32 v5, $0x10  }
0x10c: {  	vm1 =	vlt.s32 v11, v7;
	vm0 =	veq.s32 v10, v6  }
0x10d: {  	vm0 =	vmand vm1, vm0  }
0x10e: {  	v10 =	vsel vm0, $0x1, v1;
	v11 =	vmpcnt.ones.xlane vm0  }
0x10f: {  	(xrf0) =	vadd.scan.msk.s32 $0xffff, v10  }
0x110: {  	v9 =	vadd.s32 v9, v11;
	_ =	sdelay $0x4  }
0x111: {  	v10, _, _ =	vpop (xrf0)  }
0x112: {  	v10 =	vadd.s32 v10, v8;
	v8 =	vmov v9  }
0x113: {  	v10 =	vadd.s32 $0xFFFFFFFF, v10  }
0x114: {  	vm1 =	vlt.s32 v10, $0x1FF  }
0x115: {  	v10 =	vnsel vm1, $0x1FF, v10;
	_ =	sdelay $0x1  }
.Ltmp7:
0x116: {  	(pc) =	sbr.rel @p1 .LBB2_15-.Ltmp7, $3  }
0x117: {  	_ =	sdelay $0x1  }
0x118: {  	s29 =	sadd.s32 $0x10, s29;
	[tilespmem:v10+s19+$0x0] =	vst.idx.msk vm0, v5  }
0x119: {  	s30 =	sadd.s32 $0xFFFFFFFF, s30;
	v5 =	vld [tilespmem:s29+$0x0]  }
0x11a: {  	v10 =	vmov v9  }
.LBB2_17:
0x11b: {  	_ = 	snop  }
0x11c: {  	s0 =	sadd.s32 @p0 $0x10, s28  }
0x11d: {  	s26 =	smov.u32 @p0 s0  }
0x11e: {  	v11 =	vor.u32 s26, v0;
	v9 =	vshra.s32 v5, $0x10  }
0x11f: {  	vm1 =	vlt.s32 v11, v7;
	vm0 =	veq.s32 v9, v6  }
0x120: {  	vm0 =	vmand vm1, vm0  }
0x121: {  	v6 =	vsel vm0, $0x1, v1  }
0x122: {  	(xrf0) =	vadd.scan.msk.s32 $0xffff, v6;
	_ =	sdelay $0x5  }
0x123: {  	v6, _, _ =	vpop (xrf0)  }
0x124: {  	v6 =	vadd.s32 v6, v8  }
0x125: {  	v6 =	vadd.s32 $0xFFFFFFFF, v6  }
0x126: {  	vm15 =	vlt.s32 v6, $0x1FF  }
0x127: {  	v6 =	vnsel vm15, $0x1FF, v6  }
.Ltmp8:
0x128: {  	_ = 	snop;
	(pc) =	sbr.rel .LBB2_18-.Ltmp8, $3  }
0x129: {  	v7 =	vmpcnt.ones.xlane vm0;
	_ =	sdelay $0x1  }
0x12a: {  	v7 =	vadd.s32 v10, v7  }
0x12b: {  	[tilespmem:v6+s19+$0x0] =	vst.idx.msk vm0, v5;
	v5 =	vxor.u32 $0x80000000, v7  }
.LBB2_10:
0x12c: {  	v5 =	vimm.s32 $0x80000000  }
.LBB2_18:
0x12d: {  	(xrf0) =	vmax.scan.msk.u32 $0xffff, v5;
	_ =	sdelay $0x5  }
0x12e: {  	v5, _, _ =	vpop (xrf0)  }
0x12f: {  	(v2sf) =	vpush v5, $0xF;
	_ =	sdelay $0xe  }
0x130: {  	s0 =	spop (v2sf)  }
0x131: {  	s0 =	sxor.u32 $0x80000000, s0  }
0x132: {  	p0 =	slt.s32 s0, $0x200  }
0x133: {  	p1 =	slt.s32 s0, $0xFFFFFFF2;
	s0 =	simm.s32 @!p0 $0x200  }
0x134: {  	s26 =	sadd.s32 $0xF, s0  }
0x135: {  	s28 =	sand.u32 $0xF, s26  }
0x136: {  	p6 =	sne.s32 s28, $0x0;
	s28 =	sshra.s32 s26, $0x1F  }
.Ltmp9:
0x137: {  	s28 =	sshrl.u32 s28, $0x1C;
	p0 =	por !p1, !p6;
	(pc) =	sbr.rel .LBB2_19-.Ltmp9, $4  }
0x138: {  	s26 =	sadd.s32 s28, s26;
	p0 =	por !p0, !p0;
	s28 =	simm.s32 $0x1  }
0x139: {  	s26 =	sshra.s32 s26, $0x4;
	s28 =	simm.s32 @!p0 $0x0  }
0x13a: {  	s24 =	ssub.s32 s24, s25;
	s23 =	sshll.u32 s23, $0x10;
	s25 =	ssub.s32 s26, s28  }
0x13b: {  	s29 =	simm.s32 $0x0;
	v5 =	vmov s0;
	s28 =	simm.s32 $0x0;
	p0 =	slt.s32 s25, $0x1  }
.LBB2_20:
0x13c: {  	v6 =	vimm.s32 $0x0  }
.LBB2_24:
0x13d: {  	(xrf0) =	vadd.scan.msk.s32 $0xffff, v6;
	_ =	sdelay $0x5  }
0x13e: {  	v6, _, _ =	vpop (xrf0)  }
0x13f: {  	(v2sf) =	vpush v6, $0xF;
	_ =	sdelay $0xe  }
0x140: {  	s0 =	spop (v2sf)  }
0x141: {  	s29 =	sadd.s32 $0x1, s29;
	p1 =	slt.s32 s0, s24  }
0x142: {  	s26 =	smov.u32 @p1 s28;
	p1 =	sne.s32 s29, $0x10  }
.Ltmp10:
0x143: {  	_ = 	snop;
	(pc) =	sbr.rel @!p1 .LBB2_25-.Ltmp10, $2  }
0x144: {  	_ =	sdelay $0x2  }
0x145: {  	s28 =	smov.u32 s26  }
.LBB2_19:
.Ltmp11:
0x146: {  	(pc) =	sbr.rel @p0 .LBB2_20-.Ltmp11, $3  }
0x147: {  	_ =	sdelay $0x1  }
0x148: {  	s0 =	sshrl.u32 s15, s29  }
0x149: {  	s26 =	sor.u32 s0, s28  }
0x14a: {  	s0 =	simm.s32 $0x19480  }
0x14b: {  	p1 =	sne.s32 s25, $0x1;
	v8 =	vld [tilespmem:s0+$0x0]  }
.Ltmp12:
0x14c: {  	_ = 	snop;
	(pc) =	sbr.rel @!p1 .LBB2_23-.Ltmp12, $4  }
0x14d: {  	_ = 	snop  }
0x14e: {  	s30 =	simm.s32 $0x0;
	s0 =	sor.u32 s23, s26  }
0x14f: {  	v9 =	vor.u32 s30, v0;
	v7 =	vmov s0  }
0x150: {  	v6 =	vimm.s32 $0x0;
	s31 =	sadd.s32 $0xFFFFFFFF, s25;
	vm0 =	vlt.s32 v9, v5;
	s0 =	simm.s32 $0x19490;
	vm1 =	vge.s32 v8, v7  }
.LBB2_22:
0x151: {  	v8 =	vld [tilespmem:s0+$0x0];
	p1 =	sne.s32 s31, $0x1;
	s31 =	sadd.s32 $0xFFFFFFFF, s31;
	vm0 =	vmand vm0, vm1  }
.Ltmp13:
0x152: {  	v9 =	vsel vm0, $0x1, v1;
	(pc) =	sbr.rel @p1 .LBB2_22-.Ltmp13, $4  }
0x153: {  	v6 =	vadd.s32 v9, v6  }
0x154: {  	s30 =	sadd.s32 $0x10, s30  }
0x155: {  	v9 =	vor.u32 s30, v0  }
0x156: {  	s0 =	sadd.s32 $0x10, s0;
	vm0 =	vlt.s32 v9, v5;
	vm1 =	vge.s32 v8, v7  }
.LBB2_23:
.Ltmp14:
0x157: {  	(pc) =	sbr.rel .LBB2_24-.Ltmp14, $4  }
0x158: {  	_ = 	snop  }
0x159: {  	vm0 =	vmand vm0, vm1  }
0x15a: {  	v7 =	vsel vm0, $0x1, v1  }
0x15b: {  	v6 =	vadd.s32 v7, v6  }
.LBB2_25:
0x15c: {  	s0 =	simm.s32 $0x40  }
0x15d: {  	v8 =	vld [tilespmem:s0+$0x30]  }
0x15e: {  	v10 =	vld [tilespmem:s0+$0xFFFFFFD0]  }
0x15f: {  	v12 =	vld [tilespmem:s0+$0xFFFFFFE0]  }
0x160: {  	s23 =	sor.u32 s23, s26;
	v9 =	vld [tilespmem:s0+$0xFFFFFFF0]  }
0x161: {  	v5 =	vmov s23;
	v7 =	vld [tilespmem:s0+$0x0]  }
0x162: {  	v6 =	vld [tilespmem:s0+$0x10];
	vm0 =	vlt.s32 v8, v5  }
0x163: {  	s23 =	simm.s32 $0x10040;
	vm1 =	vlt.s32 v10, v5;
	v8 =	vld [tilespmem:s0+$0x20];
	v13 =	vsel vm0, $0x0, v4  }
0x164: {  	s24 =	simm.s32 $0x0;
	s25 =	simm.s32 $0xC0;
	v10 =	vld [tilespmem:s0+$0xFFFFFFC0];
	v11 =	vsel vm1, $0x0, v4;
	vm0 =	vlt.s32 v12, v5;
	[tilespmem:s23+$0x30] =	vst v13  }
.LBB2_26:
0x165: {  	v12 =	vld [tilespmem:s25+$0x30];
	s24 =	sadd.s32 $0x8, s24;
	[tilespmem:s23+$0xFFFFFFD0] =	vst v11;
	v11 =	vsel vm0, $0x0, v4;
	vm0 =	vlt.s32 v9, v5  }
0x166: {  	v13 =	vld [tilespmem:s25+$0xFFFFFFD0];
	p0 =	slt.u32 s24, $0x7F8;
	[tilespmem:s23+$0xFFFFFFE0] =	vst v11;
	v9 =	vsel vm0, $0x0, v4;
	vm0 =	vlt.s32 v7, v5  }
0x167: {  	v14 =	vld [tilespmem:s25+$0xFFFFFFE0];
	[tilespmem:s23+$0xFFFFFFF0] =	vst v9;
	v7 =	vsel vm0, $0x0, v4;
	vm0 =	vlt.s32 v6, v5  }
.Ltmp15:
0x168: {  	v9 =	vld [tilespmem:s25+$0xFFFFFFF0];
	[tilespmem:s23+$0x0] =	vst v7;
	v6 =	vsel vm0, $0x0, v4;
	vm0 =	vlt.s32 v8, v5;
	(pc) =	sbr.rel @p0 .LBB2_26-.Ltmp15, $4  }
0x169: {  	v7 =	vld [tilespmem:s25+$0x0];
	vm1 =	vlt.s32 v10, v5;
	[tilespmem:s23+$0x10] =	vst v6;
	v8 =	vsel vm0, $0x0, v4  }
0x16a: {  	v6 =	vld [tilespmem:s25+$0x10];
	vm0 =	vlt.s32 v12, v5;
	v10 =	vsel vm1, $0x0, v4;
	[tilespmem:s23+$0x20] =	vst v8  }
0x16b: {  	vm1 =	vlt.s32 v13, v5;
	v8 =	vld [tilespmem:s25+$0x20];
	v12 =	vsel vm0, $0x0, v4;
	[tilespmem:s23+$0xFFFFFFC0] =	vst v10;
	s23 =	sadd.s32 $0x80, s23  }
0x16c: {  	v10 =	vld [tilespmem:s25+$0xFFFFFFC0];
	v11 =	vsel vm1, $0x0, v4;
	vm0 =	vlt.s32 v14, v5;
	[tilespmem:s23+$0x30] =	vst v12;
	s25 =	sadd.s32 $0x80, s25  }
0x16d: {  	[tilespmem:s23+$0xFFFFFFD0] =	vst v11;
	v63 =	vsel vm0, $0x0, v4;
	vm12 =	vlt.s32 v9, v5  }
0x16e: {  	[tilespmem:s23+$0xFFFFFFE0] =	vst v63;
	v9 =	vsel vm12, $0x0, v4;
	vm13 =	vlt.s32 v7, v5  }
0x16f: {  	[tilespmem:s23+$0xFFFFFFF0] =	vst v9;
	v7 =	vsel vm13, $0x0, v4;
	vm14 =	vlt.s32 v6, v5  }
0x170: {  	[tilespmem:s23+$0x0] =	vst v7;
	v6 =	vsel vm14, $0x0, v4;
	vm15 =	vlt.s32 v8, v5  }
0x171: {  	vm1 =	vlt.s32 v10, v5;
	[tilespmem:s23+$0x10] =	vst v6;
	v5 =	vsel vm15, $0x0, v4  }
0x172: {  	v6 =	vsel vm1, $0x0, v4;
	[tilespmem:s23+$0x20] =	vst v5  }
0x173: {  	[tilespmem:s23+$0xFFFFFFC0] =	vst v6  }
0x174: {  	[hbm4b:s5+s12] =	stream.strided.scatter [tilespmem:s20], [sflag:$0x2], $0x8000, s13, s12, $0x38;
	[tilespmem:$0x19680] =	vst v63  }
0x175: {  	_ =	swait.ge [sflag:s14], $0x8000  }
0x176: {  	[sflag:s14] =	ssyncset.done $0x0  }
0x177: {  	s0 =	simm.s32 $0x18020;
	[sflag:s14] =	ssyncadd.s32 $0xFFFF8000  }
0x178: {  	[tilespmem:s2], [sflag:$0x1] =	stream.strided.gather [hbm4b:s6+s12], $0x8000, s13, s12, $0x38;
	[tilespmem:$0x19680] =	vst v63  }
0x179: {  	[tilespmem:s0+$0xFFFFFFE0] =	vst v1  }
0x17a: {  	[tilespmem:s0+$0x10] =	vst v1  }
0x17b: {  	s23 =	simm.s32 $0x0;
	[tilespmem:s0+$0x0] =	vst v1  }
.LBB2_28:
0x17c: {  	s23 =	sadd.s32 $0x4, s23  }
0x17d: {  	[tilespmem:s0+$0xFFFFFFF0] =	vst v1;
	s0 =	sadd.s32 $0x40, s0;
	p0 =	slt.u32 s23, $0x3C  }
.Ltmp16:
0x17e: {  	[tilespmem:s0+$0xFFFFFFE0] =	vst v1;
	(pc) =	sbr.rel @p0 .LBB2_28-.Ltmp16, $3  }
0x17f: {  	_ =	sdelay $0x1  }
0x180: {  	[tilespmem:s0+$0x10] =	vst v1  }
0x181: {  	[tilespmem:s0+$0x0] =	vst v1  }
0x182: {  	[tilespmem:s0+$0xFFFFFFF0] =	vst v1  }
0x183: {  	[tilespmem:$0x18400] =	vst v1  }
0x184: {  	[tilespmem:$0x18410] =	vst v1  }
0x185: {  	[tilespmem:$0x18420] =	vst v1  }
0x186: {  	s31 =	simm.s32 $0x8040;
	[tilespmem:$0x18430] =	vst v1  }
0x187: {  	v5 =	vld [tilespmem:s31+$0x30]  }
0x188: {  	v6 =	vld [tilespmem:s31+$0xFFFFFFD0]  }
0x189: {  	v7 =	vld [tilespmem:s31+$0xFFFFFFE0]  }
0x18a: {  	v8 =	vld [tilespmem:s31+$0xFFFFFFF0]  }
0x18b: {  	v9 =	vld [tilespmem:s31+$0x0]  }
0x18c: {  	v5 =	vshra.s32 v5, $0x16  }
0x18d: {  	v6 =	vshra.s32 v6, $0x16;
	v5 =	vadd.s32 $0x200, v5  }
0x18e: {  	v10 =	vld [tilespmem:s31+$0x10];
	v7 =	vshra.s32 v7, $0x16;
	v6 =	vadd.s32 $0x200, v6  }
0x18f: {  	v11 =	vld [tilespmem:s31+$0x20];
	v8 =	vshra.s32 v8, $0x16;
	v7 =	vadd.s32 $0x200, v7  }
0x190: {  	v12 =	vld [tilespmem:s31+$0xFFFFFFC0];
	v9 =	vshra.s32 v9, $0x16;
	v8 =	vadd.s32 $0x200, v8  }
0x191: {  	v9 =	vadd.s32 $0x200, v9  }
0x192: {  	[tilespmem:v5+s16+$0x0] =	vst.idx.add.s32.msk $0xffff, v2  }
0x193: {  	[tilespmem:v6+s16+$0x0] =	vst.idx.add.s32.msk $0xffff, v2  }
0x194: {  	[tilespmem:v7+s16+$0x0] =	vst.idx.add.s32.msk $0xffff, v2  }
0x195: {  	v5 =	vshra.s32 v10, $0x16;
	v7 =	vshra.s32 v11, $0x16;
	v10 =	vshra.s32 v12, $0x16;
	[tilespmem:v8+s16+$0x0] =	vst.idx.add.s32.msk $0xffff, v2  }
0x196: {  	s24 =	simm.s32 $0x0;
	s25 =	simm.s32 $0x80C0;
	[tilespmem:v9+s16+$0x0] =	vst.idx.add.s32.msk $0xffff, v2;
	v6 =	vadd.s32 $0x200, v5;
	v7 =	vadd.s32 $0x200, v7;
	v8 =	vadd.s32 $0x200, v10  }
.LBB2_30:
0x197: {  	v5 =	vld [tilespmem:s25+$0x30];
	s24 =	sadd.s32 $0x8, s24  }
0x198: {  	v9 =	vld [tilespmem:s25+$0xFFFFFFD0];
	p0 =	slt.u32 s24, $0x7F8  }
0x199: {  	v10 =	vld [tilespmem:s25+$0xFFFFFFE0]  }
0x19a: {  	v11 =	vld [tilespmem:s25+$0xFFFFFFF0]  }
0x19b: {  	v12 =	vld [tilespmem:s25+$0x0]  }
0x19c: {  	v13 =	vld [tilespmem:s25+$0x10];
	v5 =	vshra.s32 v5, $0x16  }
0x19d: {  	v9 =	vshra.s32 v9, $0x16;
	v14 =	vld [tilespmem:s25+$0x20];
	v5 =	vadd.s32 $0x200, v5  }
0x19e: {  	v15 =	vld [tilespmem:s25+$0xFFFFFFC0];
	v9 =	vadd.s32 $0x200, v9;
	v10 =	vshra.s32 v10, $0x16  }
0x19f: {  	v10 =	vadd.s32 $0x200, v10;
	v11 =	vshra.s32 v11, $0x16;
	[tilespmem:v8+s16+$0x0] =	vst.idx.add.s32.msk $0xffff, v2  }
0x1a0: {  	v11 =	vadd.s32 $0x200, v11;
	v8 =	vshra.s32 v12, $0x16;
	[tilespmem:v6+s16+$0x0] =	vst.idx.add.s32.msk $0xffff, v2  }
0x1a1: {  	v12 =	vadd.s32 $0x200, v8;
	v6 =	vshra.s32 v13, $0x16;
	[tilespmem:v7+s16+$0x0] =	vst.idx.add.s32.msk $0xffff, v2  }
.Ltmp17:
0x1a2: {  	s23 =	simm.s32 $0x0;
	v6 =	vadd.s32 $0x200, v6;
	v7 =	vshra.s32 v14, $0x16;
	[tilespmem:v5+s16+$0x0] =	vst.idx.add.s32.msk $0xffff, v2;
	v5 =	vimm.s32 $0x0;
	(pc) =	sbr.rel @p0 .LBB2_30-.Ltmp17, $4  }
0x1a3: {  	v8 =	vshra.s32 v15, $0x16;
	[tilespmem:v9+s16+$0x0] =	vst.idx.add.s32.msk $0xffff, v2;
	v7 =	vadd.s32 $0x200, v7  }
0x1a4: {  	v8 =	vadd.s32 $0x200, v8;
	[tilespmem:v10+s16+$0x0] =	vst.idx.add.s32.msk $0xffff, v2  }
0x1a5: {  	[tilespmem:v11+s16+$0x0] =	vst.idx.add.s32.msk $0xffff, v2  }
0x1a6: {  	s25 =	sadd.s32 $0x80, s25;
	[tilespmem:v12+s16+$0x0] =	vst.idx.add.s32.msk $0xffff, v2  }
0x1a7: {  	_ =	sdelay $0x3  }
0x1a8: {  	[tilespmem:v8+s16+$0x0] =	vst.idx.add.s32.msk $0xffff, v2  }
0x1a9: {  	[tilespmem:v6+s16+$0x0] =	vst.idx.add.s32.msk $0xffff, v2  }
0x1aa: {  	[tilespmem:v7+s16+$0x0] =	vst.idx.add.s32.msk $0xffff, v2;
	s0 =	simm.s32 $0x3F0  }
0x1ab: {  	v7 =	vld [tilespmem:s0+$0x18000];
	_ =	sdelay $0x1  }
0x1ac: {  	s29 =	simm.s32 $0x3E0  }
0x1ad: {  	v9 =	vld [tilespmem:s29+$0x18000];
	_ =	sdelay $0x1  }
0x1ae: {  	v6 =	vperm.xlane v7, v3  }
0x1af: {  	(xrf0) =	vadd.scan.msk.s32 $0xffff, v7  }
0x1b0: {  	(xrf0) =	vadd.scan.msk.s32 $0xffff, v6  }
0x1b1: {  	s30 =	simm.s32 $0x3D0;
	(xrf0) =	vadd.scan.msk.s32 $0xffff, v9  }
0x1b2: {  	v8 =	vperm.xlane v9, v3;
	v9 =	vld [tilespmem:s30+$0x18000];
	_ =	sdelay $0x2  }
0x1b3: {  	v11, _, _ =	vpop (xrf0)  }
0x1b4: {  	(xrf0) =	vadd.scan.msk.s32 $0xffff, v8;
	v10, _, _ =	vpop (xrf0)  }
0x1b5: {  	(v2sf) =	vpush v11, $0xF;
	v7 =	vperm.xlane v9, v3;
	(xrf0) =	vadd.scan.msk.s32 $0xffff, v9;
	v9, _, _ =	vpop (xrf0)  }
0x1b6: {  	(v2sf) =	vpush v9, $0xF;
	_ =	sdelay $0x3  }
0x1b7: {  	s31 =	simm.s32 $0x3C0  }
0x1b8: {  	v12 =	vld [tilespmem:s31+$0x18000]  }
0x1b9: {  	(xrf0) =	vadd.scan.msk.s32 $0xffff, v7;
	_ =	sdelay $0x2  }
0x1ba: {  	s24 =	simm.s32 $0xEC0;
	v11, _, _ =	vpop (xrf0);
	v9 =	vimm.s32 $0x0  }
.LBB2_32:
0x1bb: {  	s0 =	sshra.s32 s24, $0x2;
	p0 =	sne.s32 s24, $0x0;
	s24 =	sadd.s32 $0xFFFFFFC0, s24;
	v13 =	vperm.xlane v12, v3;
	(xrf0) =	vadd.scan.msk.s32 $0xffff, v12;
	v14, _, _ =	vpop (xrf0);
	v15 =	vadd.s32 s23, v10;
	v10 =	vmov v11  }
.Ltmp18:
0x1bc: {  	v12 =	vld [tilespmem:s0+$0x18000];
	(v2sf) =	vpush v14, $0xF;
	vm0 =	vgt.s32 v15, $0x3FFF;
	(pc) =	sbr.rel @p0 .LBB2_32-.Ltmp18, $4  }
0x1bd: {  	(xrf0) =	vadd.scan.msk.s32 $0xffff, v13;
	v11, _, _ =	vpop (xrf0);
	v14 =	vsel vm0, $0x1, v1;
	v15 =	vsel vm0, $0x0, v6;
	v6 =	vmov v8  }
0x1be: {  	v8 =	vmovc v7;
	v7 =	vmov v13;
	v5 =	vadd.s32 v14, v5;
	v9 =	vadd.s32 v9, v15  }
0x1bf: {  	s0 =	spop (v2sf)  }
0x1c0: {  	s23 =	sadd.s32 s23, s0  }
0x1c1: {  	v13, _, _ =	vpop (xrf0)  }
0x1c2: {  	(v2sf) =	vpush v13, $0xF;
	_ =	sdelay $0x7  }
0x1c3: {  	v13 =	vperm.xlane v12, v3  }
0x1c4: {  	(xrf0) =	vadd.scan.msk.s32 $0xffff, v12  }
0x1c5: {  	(xrf0) =	vadd.scan.msk.s32 $0xffff, v13  }
0x1c6: {  	v10 =	vadd.s32 s23, v10;
	s0 =	spop (v2sf)  }
0x1c7: {  	s0 =	sadd.s32 s23, s0  }
0x1c8: {  	v11 =	vadd.s32 s0, v11  }
0x1c9: {  	vm0 =	vgt.s32 v10, $0x3FFF;
	v10, _, _ =	vpop (xrf0);
	s28 =	spop (v2sf)  }
0x1ca: {  	v12 =	vsel vm0, $0x1, v1;
	v14, _, _ =	vpop (xrf0);
	s0 =	sadd.s32 s0, s28;
	s29 =	spop (v2sf)  }
0x1cb: {  	v5 =	vadd.s32 v12, v5;
	vm1 =	vgt.s32 v11, $0x3FFF;
	v11, _, _ =	vpop (xrf0);
	v10 =	vadd.s32 s0, v10;
	s0 =	sadd.s32 s0, s29  }
0x1cc: {  	v12 =	vsel vm1, $0x1, v1;
	vm2 =	vgt.s32 v10, $0x3FFF;
	v10 =	vadd.s32 s0, v11  }
0x1cd: {  	v5 =	vadd.s32 v12, v5;
	v11 =	vsel vm2, $0x1, v1;
	vm3 =	vgt.s32 v10, $0x3FFF  }
0x1ce: {  	v5 =	vadd.s32 v11, v5;
	v10 =	vsel vm3, $0x1, v1  }
0x1cf: {  	v5 =	vadd.s32 v10, v5  }
0x1d0: {  	(xrf0) =	vadd.scan.msk.s32 $0xffff, v5;
	_ =	sdelay $0x5  }
0x1d1: {  	(v2sf) =	vpush v14, $0xF;
	v5, _, _ =	vpop (xrf0)  }
0x1d2: {  	(v2sf) =	vpush v5, $0xF;
	_ =	sdelay $0x3  }
0x1d3: {  	s30 =	simm.s32 $0x8040  }
0x1d4: {  	v14 =	vld [tilespmem:s30+$0xFFFFFFD0]  }
0x1d5: {  	v5 =	vld [tilespmem:s30+$0xFFFFFFF0]  }
0x1d6: {  	v11 =	vld [tilespmem:s30+$0x0];
	v10 =	vsel vm0, $0x0, v6  }
0x1d7: {  	v6 =	vld [tilespmem:s30+$0x30];
	v9 =	vadd.s32 v9, v10;
	v10 =	vsel vm1, $0x0, v8  }
0x1d8: {  	v7 =	vsel vm2, $0x0, v7;
	v8 =	vld [tilespmem:s30+$0xFFFFFFC0];
	v9 =	vadd.s32 v9, v10  }
0x1d9: {  	v7 =	vadd.s32 v9, v7;
	v9 =	vld [tilespmem:s30+$0xFFFFFFE0]  }
0x1da: {  	v12 =	vshrl.u32 v5, $0x10  }
0x1db: {  	v16 =	vimm.s32 $0x0;
	v10 =	vsel vm3, $0x0, v13;
	v18 =	vand.u32 $0x3F, v12;
	v12 =	vld [tilespmem:s30+$0x20]  }
0x1dc: {  	v26 =	vshra.s32 v14, $0x16;
	v23 =	vshra.s32 v11, $0x16;
	v7 =	vadd.s32 v7, v10  }
0x1dd: {  	s31 =	spop (v2sf);
	v23 =	vadd.s32 $0x200, v23;
	v15 =	vshrl.u32 v6, $0x10;
	v19 =	vshra.s32 v6, $0x16  }
0x1de: {  	v17 =	vshra.s32 v8, $0x16;
	v20 =	vand.u32 $0x3F, v15;
	v21 =	vshrl.u32 v9, $0x10;
	s23 =	spop (v2sf)  }
0x1df: {  	v17 =	vadd.s32 $0x200, v17;
	v60 =	vand.u32 $0x3F, v21;
	v13 =	vshra.s32 v5, $0x16;
	s24 =	sadd.s32 $0xFFFFFFFF, s23  }
0x1e0: {  	v13 =	vadd.s32 $0x200, v13;
	v27 =	vshra.s32 v12, $0x16;
	v10 =	vmov s24  }
0x1e1: {  	v59 =	vshrl.u32 v12, $0x10;
	vm1 =	veq.s32 v13, v10;
	v13 =	vshrl.u32 v11, $0x10  }
0x1e2: {  	vm2 =	veq.s32 v17, v10;
	v17 =	vadd.s32 $0x200, v19;
	v19 =	vand.u32 $0x3F, v13;
	v13 =	vld [tilespmem:s30+$0x10]  }
0x1e3: {  	v27 =	vadd.s32 $0x200, v27;
	vm5 =	veq.s32 v23, v10;
	vm0 =	veq.s32 v17, v10  }
0x1e4: {  	vm6 =	veq.s32 v27, v10;
	v15 =	vmpcnt.ones.xlane vm2;
	v24 =	vsel vm0, $0x1, v1  }
0x1e5: {  	v17 =	vsel vm1, $0x1, v1;
	v25 =	vsel vm2, $0x1, v1;
	(xrf0) =	vadd.scan.msk.s32 $0xffff, v24;
	v24 =	vshra.s32 v9, $0x16  }
0x1e6: {  	v28 =	vadd.s32 v16, v15;
	v15 =	vadd.s32 $0x200, v26;
	(xrf0) =	vadd.scan.msk.s32 $0xffff, v17;
	v17 =	vadd.s32 $0x200, v24  }
0x1e7: {  	vm4 =	veq.s32 v15, v10;
	vm7 =	veq.s32 v17, v10;
	v15 =	vshra.s32 v13, $0x16  }
0x1e8: {  	(xrf0) =	vadd.scan.msk.s32 $0xffff, v25;
	v24 =	vsel vm4, $0x1, v1;
	v25 =	vmpcnt.ones.xlane vm4;
	v15 =	vadd.s32 $0x200, v15  }
0x1e9: {  	v22 =	vmpcnt.ones.xlane vm1;
	v17 =	vsel vm7, $0x1, v1;
	(xrf0) =	vadd.scan.msk.s32 $0xffff, v24;
	vm3 =	veq.s32 v15, v10  }
0x1ea: {  	v29 =	vsel vm5, $0x1, v1;
	v24 =	vadd.s32 v28, v25;
	(xrf0) =	vadd.scan.msk.s32 $0xffff, v17;
	v25 =	vsel vm3, $0x1, v1  }
0x1eb: {  	v27 =	vmpcnt.ones.xlane vm6;
	v31 =	vsel vm6, $0x1, v1;
	v33 =	vmpcnt.ones.xlane vm5;
	v15, _, _ =	vpop (xrf0);
	(xrf0) =	vadd.scan.msk.s32 $0xffff, v25  }
0x1ec: {  	v26 =	vshrl.u32 v8, $0x10;
	v23 =	vmpcnt.ones.xlane vm7;
	v21 =	vshrl.u32 v13, $0x10;
	v17, _, _ =	vpop (xrf0);
	(xrf0) =	vadd.scan.msk.s32 $0xffff, v29  }
0x1ed: {  	v26 =	vand.u32 $0x3F, v26;
	v62 =	vand.u32 $0x3F, v21;
	v25 =	vshrl.u32 v14, $0x10  }
0x1ee: {  	[tilespmem:v18+s17+$0x0] =	vst.idx.add.s32.msk vm1, v2;
	v23 =	vadd.s32 v24, v23;
	v30 =	vmpcnt.ones.xlane vm3;
	v25 =	vand.u32 $0x3F, v25;
	v32, _, _ =	vpop (xrf0)  }
0x1ef: {  	v29 =	vand.u32 $0x3F, v59;
	v17 =	vadd.s32 v17, v23;
	(xrf0) =	vadd.scan.msk.s32 $0xffff, v31;
	v18 =	vadd.s32 v32, v16;
	v61, _, _ =	vpop (xrf0)  }
0x1f0: {  	[tilespmem:v20+s17+$0x0] =	vst.idx.add.s32.msk vm0, v2;
	v16 =	vmpcnt.ones.xlane vm0;
	v18 =	vadd.s32 $0xFFFFFFFF, v18;
	v20 =	vadd.s32 v61, v28;
	v63, _, _ =	vpop (xrf0)  }
0x1f1: {  	[tilespmem:v19+s17+$0x0] =	vst.idx.add.s32.msk vm5, v2;
	vm8 =	vlt.s32 v18, $0xFFF;
	v21 =	vadd.s32 $0xFFFFFFFF, v20;
	v20 =	vadd.s32 v63, v24;
	v24, _, _ =	vpop (xrf0)  }
0x1f2: {  	[tilespmem:v26+s17+$0x0] =	vst.idx.add.s32.msk vm2, v2;
	v19 =	vnsel vm8, $0xFFF, v18;
	v18 =	vadd.s32 $0xFFFFFFFF, v20;
	v20 =	vadd.s32 v23, v22;
	v22, _, _ =	vpop (xrf0)  }
0x1f3: {  	[tilespmem:v60+s17+$0x0] =	vst.idx.add.s32.msk vm7, v2;
	vm8 =	vlt.s32 v21, $0xFFF;
	vm9 =	vlt.s32 v18, $0xFFF;
	v23 =	vadd.s32 v22, v20  }
0x1f4: {  	[tilespmem:v62+s17+$0x0] =	vst.idx.add.s32.msk vm3, v2;
	v22 =	vnsel vm9, $0xFFF, v18;
	v18 =	vadd.s32 v20, v33;
	v23 =	vadd.s32 $0xFFFFFFFF, v23  }
0x1f5: {  	[tilespmem:v25+s17+$0x0] =	vst.idx.add.s32.msk vm4, v2;
	v20 =	vadd.s32 v24, v18;
	v18 =	vadd.s32 v18, v30;
	v24, _, _ =	vpop (xrf0);
	vm9 =	vlt.s32 v23, $0xFFF  }
0x1f6: {  	s25 =	simm.s32 $0x80C0;
	s24 =	simm.s32 $0x0;
	[tilespmem:v29+s17+$0x0] =	vst.idx.add.s32.msk vm6, v2;
	v20 =	vadd.s32 $0xFFFFFFFF, v20;
	v24 =	vadd.s32 v24, v18;
	v18 =	vadd.s32 v18, v27  }
.LBB2_34:
0x1f7: {  	v25 =	vld [tilespmem:s25+$0xFFFFFFF0];
	s24 =	sadd.s32 $0x8, s24;
	v21 =	vnsel vm8, $0xFFF, v21;
	v17 =	vadd.s32 $0xFFFFFFFF, v17;
	v23 =	vnsel vm9, $0xFFF, v23  }
0x1f8: {  	v26 =	vld [tilespmem:s25+$0x30];
	p0 =	slt.u32 s24, $0x7F8;
	[tilespmem:v19+s18+$0x0] =	vst.idx.msk vm2, v8;
	vm2 =	vlt.s32 v17, $0xFFF  }
0x1f9: {  	v8 =	vld [tilespmem:s25+$0xFFFFFFC0];
	[tilespmem:v22+s18+$0x0] =	vst.idx.msk vm7, v9;
	v17 =	vnsel vm2, $0xFFF, v17;
	v9 =	vadd.s32 v15, v18  }
0x1fa: {  	v16 =	vadd.s32 v18, v16;
	v19 =	vadd.s32 $0xFFFFFFFF, v24;
	v15 =	vld [tilespmem:s25+$0x0];
	v22 =	vadd.s32 $0xFFFFFFFF, v9  }
0x1fb: {  	vm2 =	vlt.s32 v20, $0xFFF;
	vm7 =	vlt.s32 v19, $0xFFF;
	v9 =	vld [tilespmem:s25+$0xFFFFFFE0];
	vm8 =	vlt.s32 v22, $0xFFF  }
0x1fc: {  	v19 =	vnsel vm7, $0xFFF, v19;
	v18 =	vld [tilespmem:s25+$0xFFFFFFD0];
	v24 =	vshrl.u32 v25, $0x10;
	[tilespmem:v23+s18+$0x0] =	vst.idx.msk vm5, v11;
	v22 =	vnsel vm8, $0xFFF, v22  }
0x1fd: {  	v28 =	vshra.s32 v25, $0x16;
	v23 =	vand.u32 $0x3F, v24;
	v24 =	vld [tilespmem:s25+$0x20];
	v27 =	vshrl.u32 v26, $0x10;
	[tilespmem:v21+s18+$0x0] =	vst.idx.msk vm4, v14  }
0x1fe: {  	v21 =	vshra.s32 v26, $0x16;
	v14 =	vshra.s32 v8, $0x16;
	[tilespmem:v17+s18+$0x0] =	vst.idx.msk vm1, v5;
	v17 =	vnsel vm2, $0xFFF, v20;
	v5 =	vmovc v25  }
0x1ff: {  	v20 =	vadd.s32 $0x200, v28;
	v25 =	vand.u32 $0x3F, v27;
	v29 =	vadd.s32 $0x200, v14;
	v11 =	vmovc v15  }
0x200: {  	vm1 =	veq.s32 v20, v10;
	vm2 =	veq.s32 v29, v10;
	v27 =	vshrl.u32 v9, $0x10  }
0x201: {  	v21 =	vadd.s32 $0x200, v21;
	v20 =	vshrl.u32 v11, $0x10;
	v15 =	vmpcnt.ones.xlane vm2;
	[tilespmem:v19+s18+$0x0] =	vst.idx.msk vm6, v12;
	v14 =	vmovc v18  }
0x202: {  	v18 =	vmpcnt.ones.xlane vm1;
	v19 =	vand.u32 $0x3F, v20;
	[tilespmem:v22+s18+$0x0] =	vst.idx.msk vm0, v6;
	vm0 =	veq.s32 v21, v10;
	v6 =	vmovc v26  }
0x203: {  	v20 =	vsel vm1, $0x1, v1;
	v21 =	vshra.s32 v11, $0x16;
	v12 =	vmovc v24;
	v22 =	vsel vm0, $0x1, v1;
	[tilespmem:v17+s18+$0x0] =	vst.idx.msk vm3, v13;
	v13 =	vld [tilespmem:s25+$0x10]  }
0x204: {  	v24 =	vshra.s32 v14, $0x16;
	v17 =	vsel vm2, $0x1, v1;
	v26 =	vshra.s32 v12, $0x16;
	(xrf0) =	vadd.scan.msk.s32 $0xffff, v22  }
0x205: {  	v21 =	vadd.s32 $0x200, v21;
	v22 =	vshra.s32 v9, $0x16;
	v26 =	vadd.s32 $0x200, v26;
	(xrf0) =	vadd.scan.msk.s32 $0xffff, v20  }
0x206: {  	v20 =	vadd.s32 v16, v15;
	v15 =	vadd.s32 $0x200, v24;
	v22 =	vadd.s32 $0x200, v22;
	[tilespmem:v23+s17+$0x0] =	vst.idx.add.s32.msk vm1, v2  }
0x207: {  	vm5 =	veq.s32 v21, v10;
	vm4 =	veq.s32 v15, v10;
	vm7 =	veq.s32 v22, v10  }
0x208: {  	v21 =	vsel vm7, $0x1, v1;
	v22 =	vmpcnt.ones.xlane vm7;
	v29 =	vshra.s32 v13, $0x16;
	(xrf0) =	vadd.scan.msk.s32 $0xffff, v17  }
0x209: {  	v23 =	vmpcnt.ones.xlane vm4;
	v17 =	vsel vm4, $0x1, v1;
	v28 =	vadd.s32 $0x200, v29;
	[tilespmem:v25+s17+$0x0] =	vst.idx.add.s32.msk vm0, v2  }
0x20a: {  	v24 =	vshrl.u32 v8, $0x10;
	v25 =	vsel vm5, $0x1, v1;
	vm3 =	veq.s32 v28, v10;
	(xrf0) =	vadd.scan.msk.s32 $0xffff, v17;
	v15, _, _ =	vpop (xrf0)  }
0x20b: {  	v23 =	vadd.s32 v20, v23;
	v17 =	vsel vm3, $0x1, v1;
	v28 =	vmpcnt.ones.xlane vm3;
	(xrf0) =	vadd.scan.msk.s32 $0xffff, v21;
	v21, _, _ =	vpop (xrf0)  }
0x20c: {  	vm6 =	veq.s32 v26, v10;
	v24 =	vand.u32 $0x3F, v24;
	v22 =	vadd.s32 v23, v22;
	(xrf0) =	vadd.scan.msk.s32 $0xffff, v17  }
0x20d: {  	v30 =	vshrl.u32 v14, $0x10;
	v29 =	vmpcnt.ones.xlane vm6;
	v17 =	vadd.s32 v21, v22;
	(xrf0) =	vadd.scan.msk.s32 $0xffff, v25  }
0x20e: {  	v21 =	vsel vm6, $0x1, v1;
	v25 =	vand.u32 $0x3F, v30;
	[tilespmem:v19+s17+$0x0] =	vst.idx.add.s32.msk vm5, v2;
	v19 =	vshrl.u32 v12, $0x10;
	v26, _, _ =	vpop (xrf0)  }
0x20f: {  	v27 =	vand.u32 $0x3F, v27;
	v26 =	vadd.s32 v26, v16;
	v30 =	vand.u32 $0x3F, v19  }
0x210: {  	v31 =	vmpcnt.ones.xlane vm5;
	v33 =	vshrl.u32 v13, $0x10;
	v16 =	vmpcnt.ones.xlane vm0;
	v32, _, _ =	vpop (xrf0);
	(xrf0) =	vadd.scan.msk.s32 $0xffff, v21  }
0x211: {  	[tilespmem:v24+s17+$0x0] =	vst.idx.add.s32.msk vm2, v2;
	v24 =	vadd.s32 $0xFFFFFFFF, v26;
	v20 =	vadd.s32 v32, v20;
	v26 =	vand.u32 $0x3F, v33;
	v19, _, _ =	vpop (xrf0)  }
0x212: {  	vm8 =	vlt.s32 v24, $0xFFF;
	v21 =	vadd.s32 $0xFFFFFFFF, v20;
	v20 =	vadd.s32 v19, v23;
	v32, _, _ =	vpop (xrf0)  }
.Ltmp19:
0x213: {  	v18 =	vadd.s32 v22, v18;
	v19 =	vnsel vm8, $0xFFF, v24;
	[tilespmem:v25+s17+$0x0] =	vst.idx.add.s32.msk vm4, v2;
	v20 =	vadd.s32 $0xFFFFFFFF, v20;
	v22, _, _ =	vpop (xrf0);
	(pc) =	sbr.rel @p0 .LBB2_34-.Ltmp19, $4  }
0x214: {  	vm8 =	vlt.s32 v21, $0xFFF;
	[tilespmem:v27+s17+$0x0] =	vst.idx.add.s32.msk vm7, v2;
	vm9 =	vlt.s32 v20, $0xFFF;
	v23 =	vadd.s32 v22, v18  }
0x215: {  	v18 =	vadd.s32 v18, v31;
	v22 =	vnsel vm9, $0xFFF, v20;
	v23 =	vadd.s32 $0xFFFFFFFF, v23;
	[tilespmem:v30+s17+$0x0] =	vst.idx.add.s32.msk vm6, v2  }
0x216: {  	v20 =	vadd.s32 v32, v18;
	v18 =	vadd.s32 v18, v28;
	vm9 =	vlt.s32 v23, $0xFFF;
	v24, _, _ =	vpop (xrf0)  }
0x217: {  	s25 =	sadd.s32 $0x80, s25;
	v20 =	vadd.s32 $0xFFFFFFFF, v20;
	[tilespmem:v26+s17+$0x0] =	vst.idx.add.s32.msk vm3, v2;
	v24 =	vadd.s32 v24, v18;
	v18 =	vadd.s32 v18, v29  }
0x218: {  	_ =	sdelay $0x1  }
0x219: {  	v10 =	vnsel vm8, $0xFFF, v21;
	v43 =	vnsel vm9, $0xFFF, v23  }
0x21a: {  	v17 =	vadd.s32 $0xFFFFFFFF, v17;
	v15 =	vadd.s32 v15, v18;
	vm11 =	vlt.s32 v20, $0xFFF  }
0x21b: {  	v44 =	vadd.s32 $0xFFFFFFFF, v24;
	vm14 =	vlt.s32 v17, $0xFFF;
	v47 =	vnsel vm11, $0xFFF, v20  }
0x21c: {  	[tilespmem:v19+s18+$0x0] =	vst.idx.msk vm2, v8;
	v15 =	vadd.s32 $0xFFFFFFFF, v15;
	vm15 =	vlt.s32 v44, $0xFFF;
	v17 =	vnsel vm14, $0xFFF, v17  }
0x21d: {  	[tilespmem:v22+s18+$0x0] =	vst.idx.msk vm7, v9;
	vm10 =	vlt.s32 v15, $0xFFF;
	v45 =	vnsel vm15, $0xFFF, v44  }
0x21e: {  	v46 =	vnsel vm10, $0xFFF, v15;
	[tilespmem:v43+s18+$0x0] =	vst.idx.msk vm5, v11  }
0x21f: {  	[tilespmem:v10+s18+$0x0] =	vst.idx.msk vm4, v14  }
0x220: {  	[tilespmem:v47+s18+$0x0] =	vst.idx.msk vm3, v13  }
0x221: {  	[tilespmem:v17+s18+$0x0] =	vst.idx.msk vm1, v5  }
0x222: {  	[tilespmem:v45+s18+$0x0] =	vst.idx.msk vm6, v12  }
0x223: {  	[tilespmem:v46+s18+$0x0] =	vst.idx.msk vm0, v6  }
0x224: {  	v5 =	vld [tilespmem:$0x18430];
	_ =	sdelay $0x1  }
0x225: {  	v6 =	vld [tilespmem:$0x18420];
	_ =	sdelay $0x1  }
0x226: {  	v8 =	vld [tilespmem:$0x18410]  }
0x227: {  	v48 =	vperm.xlane v5, v3  }
0x228: {  	(xrf0) =	vadd.scan.msk.s32 $0xffff, v7  }
0x229: {  	v7 =	vperm.xlane v6, v3;
	(xrf0) =	vadd.scan.msk.s32 $0xffff, v48  }
0x22a: {  	(xrf0) =	vadd.scan.msk.s32 $0xffff, v5  }
0x22b: {  	v5 =	vperm.xlane v8, v3;
	(xrf0) =	vadd.scan.msk.s32 $0xffff, v7  }
0x22c: {  	(xrf0) =	vadd.scan.msk.s32 $0xffff, v6  }
0x22d: {  	(xrf0) =	vadd.scan.msk.s32 $0xffff, v5  }
0x22e: {  	v6, _, _ =	vpop (xrf0);
	(xrf0) =	vadd.scan.msk.s32 $0xffff, v8  }
0x22f: {  	v49, _, _ =	vpop (xrf0)  }
0x230: {  	v50, _, _ =	vpop (xrf0)  }
0x231: {  	v51, _, _ =	vpop (xrf0)  }
0x232: {  	(v2sf) =	vpush v6, $0xF;
	v52, _, _ =	vpop (xrf0)  }
0x233: {  	(v2sf) =	vpush v50, $0xF;
	v6, _, _ =	vpop (xrf0)  }
0x234: {  	v54 =	vld [tilespmem:$0x18400];
	(v2sf) =	vpush v52, $0xF;
	v53, _, _ =	vpop (xrf0)  }
0x235: {  	(v2sf) =	vpush v53, $0xF;
	_ =	sdelay $0x3  }
0x236: {  	v12 =	vperm.xlane v54, v3  }
0x237: {  	v55 =	vadd.s32 v18, v16  }
0x238: {  	v13 =	vxor.u32 $0x80000000, v55;
	(xrf0) =	vadd.scan.msk.s32 $0xffff, v12  }
0x239: {  	(xrf0) =	vmax.scan.msk.u32 $0xffff, v13;
	_ =	sdelay $0x4  }
0x23a: {  	v10 =	vbroadcast v50, $0xF;
	v60, _, _ =	vpop (xrf0);
	s0 =	spop (v2sf)  }
0x23b: {  	v61, _, _ =	vpop (xrf0);
	s28 =	spop (v2sf)  }
0x23c: {  	v56 =	vadd.s32 v10, v51;
	(v2sf) =	vpush v61, $0xF;
	s24 =	ssub.s32 $0x4000, s0;
	s25 =	spop (v2sf)  }
0x23d: {  	vm12 =	vge.s32 v49, s24;
	vm13 =	vge.s32 v56, s24;
	s0 =	sadd.s32 s28, s25;
	s29 =	spop (v2sf)  }
0x23e: {  	v57 =	vsel vm12, $0x1, v1;
	v58 =	vsel vm12, $0x0, v48;
	v6 =	vadd.s32 s0, v6;
	s0 =	sadd.s32 s0, s29  }
0x23f: {  	v59 =	vsel vm13, $0x1, v1;
	vm14 =	vge.s32 v6, s24;
	v6 =	vadd.s32 s0, v60  }
0x240: {  	v9 =	vadd.s32 v59, v57;
	v62 =	vsel vm14, $0x1, v1;
	vm15 =	vge.s32 v6, s24  }
0x241: {  	v6 =	vsel vm13, $0x0, v7;
	v7 =	vadd.s32 v62, v9;
	v63 =	vsel vm15, $0x1, v1  }
0x242: {  	v5 =	vsel vm14, $0x0, v5;
	v6 =	vadd.s32 v58, v6;
	v7 =	vadd.s32 v63, v7  }
0x243: {  	v5 =	vadd.s32 v6, v5;
	v6 =	vsel vm15, $0x0, v12;
	(xrf0) =	vadd.scan.msk.s32 $0xffff, v7  }
0x244: {  	v5 =	vadd.s32 v5, v6  }
0x245: {  	(xrf0) =	vadd.scan.msk.s32 $0xffff, v5;
	_ =	sdelay $0x3  }
0x246: {  	v5, _, _ =	vpop (xrf0)  }
0x247: {  	(v2sf) =	vpush v5, $0xF  }
0x248: {  	s30 =	spop (v2sf);
	v5, _, _ =	vpop (xrf0)  }
0x249: {  	s0 =	sxor.u32 $0x80000000, s30;
	(v2sf) =	vpush v5, $0xF  }
0x24a: {  	p0 =	slt.s32 s0, $0x1000;
	s26 =	smov.u32 s0  }
0x24b: {  	s26 =	simm.s32 @!p0 $0x1000  }
0x24c: {  	s31 =	sadd.s32 $0xF, s26  }
0x24d: {  	s28 =	sand.u32 $0xF, s31  }
0x24e: {  	p6 =	slt.s32 s0, $0xFFFFFFF2;
	s29 =	sshra.s32 s31, $0x1F;
	p1 =	sne.s32 s28, $0x0  }
0x24f: {  	s30 =	sshrl.u32 s29, $0x1C;
	p0 =	por !p6, !p1  }
0x250: {  	s25 =	simm.s32 $0x1;
	s0 =	sadd.s32 s30, s31;
	p0 =	por !p0, !p0  }
0x251: {  	s0 =	sshra.s32 s0, $0x4;
	s25 =	simm.s32 @!p0 $0x0  }
0x252: {  	s0 =	ssub.s32 s0, s25  }
0x253: {  	p0 =	slt.s32 s0, $0x1  }
.Ltmp20:
0x254: {  	_ = 	snop;
	(pc) =	sbr.rel @p0 .LBB2_36-.Ltmp20, $4  }
0x255: {  	_ = 	snop  }
0x256: {  	s23 =	sshll.u32 s23, $0x6;
	s31 =	spop (v2sf)  }
0x257: {  	s23 =	sadd.s32 $0xFFFF7FC0, s23;
	s28 =	sadd.s32 $0xFFFFFFFF, s31  }
0x258: {  	s25 =	spop (v2sf);
	s23 =	sor.u32 s23, s28  }
0x259: {  	p1 =	sne.s32 s0, $0x1  }
.Ltmp21:
0x25a: {  	_ = 	snop;
	(pc) =	sbr.rel @!p1 .LBB2_38-.Ltmp21, $3  }
0x25b: {  	_ =	sdelay $0x1  }
0x25c: {  	s28 =	simm.s32 $0x18480  }
0x25d: {  	v6 =	vmov s23;
	v7 =	vmov s26;
	v10 =	vimm.s32 $0x0;
	s26 =	simm.s32 $0x0;
	s0 =	sadd.s32 $0xFFFFFFFF, s0;
	p0 =	por $0x0, $0x0;
	v5 =	vld [tilespmem:s28+$0x0]  }
0x25e: {  	_ =	sdelay $0x3  }
0x25f: {  	v9 =	vor.u32 s26, v0;
	v8 =	vshra.s32 v5, $0x10  }
0x260: {  	vm1 =	vlt.s32 v9, v7;
	vm0 =	veq.s32 v8, v6  }
0x261: {  	vm0 =	vmand vm1, vm0  }
0x262: {  	v8 =	vsel vm0, $0x1, v1  }
0x263: {  	(xrf0) =	vadd.scan.msk.s32 $0xffff, v8;
	_ =	sdelay $0x5  }
0x264: {  	v8, _, _ =	vpop (xrf0)  }
0x265: {  	v8 =	vadd.s32 v8, v10  }
0x266: {  	v8 =	vadd.s32 $0xFFFFFFFF, v8  }
0x267: {  	vm15 =	vlt.s32 v8, $0x1FF  }
0x268: {  	v8 =	vnsel vm15, $0x1FF, v8  }
0x269: {  	p1 =	sne.s32 s0, $0x1  }
.Ltmp22:
0x26a: {  	_ = 	snop;
	(pc) =	sbr.rel @!p1 .LBB2_40-.Ltmp22, $3  }
0x26b: {  	v9 =	vmpcnt.ones.xlane vm0;
	_ =	sdelay $0x1  }
0x26c: {  	s29 =	simm.s32 $0x18490;
	v9 =	vadd.s32 v10, v9;
	[tilespmem:v8+s19+$0x0] =	vst.idx.msk vm0, v5  }
0x26d: {  	s30 =	sadd.s32 $0xFFFFFFFF, s0;
	p0 =	por $0x1, $0x1;
	s28 =	simm.s32 $0x0;
	v8 =	vmov v9;
	v5 =	vld [tilespmem:s29+$0x0]  }
.LBB2_41:
0x26e: {  	p1 =	sne.s32 s30, $0x1;
	_ =	sdelay $0x2  }
0x26f: {  	s28 =	sadd.s32 $0x10, s28  }
0x270: {  	v11 =	vor.u32 s28, v0;
	v10 =	vshra.s32 v5, $0x10  }
0x271: {  	vm1 =	vlt.s32 v11, v7;
	vm0 =	veq.s32 v10, v6  }
0x272: {  	vm0 =	vmand vm1, vm0  }
0x273: {  	v10 =	vsel vm0, $0x1, v1;
	v11 =	vmpcnt.ones.xlane vm0  }
0x274: {  	(xrf0) =	vadd.scan.msk.s32 $0xffff, v10  }
0x275: {  	v9 =	vadd.s32 v9, v11;
	_ =	sdelay $0x4  }
0x276: {  	v10, _, _ =	vpop (xrf0)  }
0x277: {  	v10 =	vadd.s32 v10, v8;
	v8 =	vmov v9  }
0x278: {  	v10 =	vadd.s32 $0xFFFFFFFF, v10  }
0x279: {  	vm1 =	vlt.s32 v10, $0x1FF  }
0x27a: {  	v10 =	vnsel vm1, $0x1FF, v10;
	_ =	sdelay $0x1  }
.Ltmp23:
0x27b: {  	(pc) =	sbr.rel @p1 .LBB2_41-.Ltmp23, $3  }
0x27c: {  	_ =	sdelay $0x1  }
0x27d: {  	s29 =	sadd.s32 $0x10, s29;
	[tilespmem:v10+s19+$0x0] =	vst.idx.msk vm0, v5  }
0x27e: {  	s30 =	sadd.s32 $0xFFFFFFFF, s30;
	v5 =	vld [tilespmem:s29+$0x0]  }
0x27f: {  	v10 =	vmov v9  }
.LBB2_43:
0x280: {  	_ = 	snop  }
0x281: {  	s0 =	sadd.s32 @p0 $0x10, s28  }
0x282: {  	s26 =	smov.u32 @p0 s0  }
0x283: {  	v11 =	vor.u32 s26, v0;
	v9 =	vshra.s32 v5, $0x10  }
0x284: {  	vm1 =	vlt.s32 v11, v7;
	vm0 =	veq.s32 v9, v6  }
0x285: {  	vm0 =	vmand vm1, vm0  }
0x286: {  	v6 =	vsel vm0, $0x1, v1  }
0x287: {  	(xrf0) =	vadd.scan.msk.s32 $0xffff, v6;
	_ =	sdelay $0x5  }
0x288: {  	v6, _, _ =	vpop (xrf0)  }
0x289: {  	v6 =	vadd.s32 v6, v8  }
0x28a: {  	v6 =	vadd.s32 $0xFFFFFFFF, v6  }
0x28b: {  	vm15 =	vlt.s32 v6, $0x1FF  }
0x28c: {  	v6 =	vnsel vm15, $0x1FF, v6  }
.Ltmp24:
0x28d: {  	_ = 	snop;
	(pc) =	sbr.rel .LBB2_44-.Ltmp24, $3  }
0x28e: {  	v7 =	vmpcnt.ones.xlane vm0;
	_ =	sdelay $0x1  }
0x28f: {  	v7 =	vadd.s32 v10, v7  }
0x290: {  	[tilespmem:v6+s19+$0x0] =	vst.idx.msk vm0, v5;
	v5 =	vxor.u32 $0x80000000, v7  }
.LBB2_36:
0x291: {  	v5 =	vimm.s32 $0x80000000  }
.LBB2_44:
0x292: {  	(xrf0) =	vmax.scan.msk.u32 $0xffff, v5;
	_ =	sdelay $0x5  }
0x293: {  	v5, _, _ =	vpop (xrf0)  }
0x294: {  	(v2sf) =	vpush v5, $0xF;
	_ =	sdelay $0xe  }
0x295: {  	s0 =	spop (v2sf)  }
0x296: {  	s0 =	sxor.u32 $0x80000000, s0  }
0x297: {  	p0 =	slt.s32 s0, $0x200  }
0x298: {  	p1 =	slt.s32 s0, $0xFFFFFFF2;
	s0 =	simm.s32 @!p0 $0x200  }
0x299: {  	s26 =	sadd.s32 $0xF, s0  }
0x29a: {  	s28 =	sand.u32 $0xF, s26  }
0x29b: {  	p6 =	sne.s32 s28, $0x0;
	s28 =	sshra.s32 s26, $0x1F  }
.Ltmp25:
0x29c: {  	s28 =	sshrl.u32 s28, $0x1C;
	p0 =	por !p1, !p6;
	(pc) =	sbr.rel .LBB2_45-.Ltmp25, $4  }
0x29d: {  	s26 =	sadd.s32 s28, s26;
	p0 =	por !p0, !p0;
	s28 =	simm.s32 $0x1  }
0x29e: {  	s26 =	sshra.s32 s26, $0x4;
	s28 =	simm.s32 @!p0 $0x0  }
0x29f: {  	s24 =	ssub.s32 s24, s25;
	s23 =	sshll.u32 s23, $0x10;
	s26 =	ssub.s32 s26, s28  }
0x2a0: {  	s29 =	simm.s32 $0x0;
	v5 =	vmov s0;
	s28 =	simm.s32 $0x0;
	p0 =	slt.s32 s26, $0x1  }
.LBB2_46:
0x2a1: {  	v6 =	vimm.s32 $0x0  }
.LBB2_50:
0x2a2: {  	(xrf0) =	vadd.scan.msk.s32 $0xffff, v6;
	_ =	sdelay $0x5  }
0x2a3: {  	v6, _, _ =	vpop (xrf0)  }
0x2a4: {  	(v2sf) =	vpush v6, $0xF;
	_ =	sdelay $0xe  }
0x2a5: {  	s0 =	spop (v2sf)  }
0x2a6: {  	s29 =	sadd.s32 $0x1, s29;
	p1 =	slt.s32 s0, s24  }
0x2a7: {  	s25 =	smov.u32 @p1 s28;
	p1 =	sne.s32 s29, $0x10  }
.Ltmp26:
0x2a8: {  	_ = 	snop;
	(pc) =	sbr.rel @!p1 .LBB2_51-.Ltmp26, $2  }
0x2a9: {  	_ =	sdelay $0x2  }
0x2aa: {  	s28 =	smov.u32 s25  }
.LBB2_45:
.Ltmp27:
0x2ab: {  	(pc) =	sbr.rel @p0 .LBB2_46-.Ltmp27, $3  }
0x2ac: {  	_ =	sdelay $0x1  }
0x2ad: {  	s0 =	sshrl.u32 s15, s29  }
0x2ae: {  	s25 =	sor.u32 s0, s28  }
0x2af: {  	s0 =	simm.s32 $0x19480  }
0x2b0: {  	p1 =	sne.s32 s26, $0x1;
	v8 =	vld [tilespmem:s0+$0x0]  }
.Ltmp28:
0x2b1: {  	_ = 	snop;
	(pc) =	sbr.rel @!p1 .LBB2_49-.Ltmp28, $4  }
0x2b2: {  	_ = 	snop  }
0x2b3: {  	s30 =	simm.s32 $0x0;
	s0 =	sor.u32 s23, s25  }
0x2b4: {  	v9 =	vor.u32 s30, v0;
	v7 =	vmov s0  }
0x2b5: {  	v6 =	vimm.s32 $0x0;
	s31 =	sadd.s32 $0xFFFFFFFF, s26;
	vm0 =	vlt.s32 v9, v5;
	s0 =	simm.s32 $0x19490;
	vm1 =	vge.s32 v8, v7  }
.LBB2_48:
0x2b6: {  	v8 =	vld [tilespmem:s0+$0x0];
	p1 =	sne.s32 s31, $0x1;
	s31 =	sadd.s32 $0xFFFFFFFF, s31;
	vm0 =	vmand vm0, vm1  }
.Ltmp29:
0x2b7: {  	v9 =	vsel vm0, $0x1, v1;
	(pc) =	sbr.rel @p1 .LBB2_48-.Ltmp29, $4  }
0x2b8: {  	v6 =	vadd.s32 v9, v6  }
0x2b9: {  	s30 =	sadd.s32 $0x10, s30  }
0x2ba: {  	v9 =	vor.u32 s30, v0  }
0x2bb: {  	s0 =	sadd.s32 $0x10, s0;
	vm0 =	vlt.s32 v9, v5;
	vm1 =	vge.s32 v8, v7  }
.LBB2_49:
.Ltmp30:
0x2bc: {  	(pc) =	sbr.rel .LBB2_50-.Ltmp30, $4  }
0x2bd: {  	_ = 	snop  }
0x2be: {  	vm0 =	vmand vm0, vm1  }
0x2bf: {  	v7 =	vsel vm0, $0x1, v1  }
0x2c0: {  	v6 =	vadd.s32 v7, v6  }
.LBB2_51:
0x2c1: {  	_ =	swait.ge [sflag:s21], $0x8000  }
0x2c2: {  	[sflag:s21] =	ssyncset.done $0x0  }
0x2c3: {  	s0 =	simm.s32 $0x8040;
	[sflag:s21] =	ssyncadd.s32 $0xFFFF8000  }
0x2c4: {  	v8 =	vld [tilespmem:s0+$0x30]  }
0x2c5: {  	v10 =	vld [tilespmem:s0+$0xFFFFFFD0]  }
0x2c6: {  	v12 =	vld [tilespmem:s0+$0xFFFFFFE0]  }
0x2c7: {  	s23 =	sor.u32 s23, s25;
	v9 =	vld [tilespmem:s0+$0xFFFFFFF0]  }
0x2c8: {  	v5 =	vmov s23;
	v7 =	vld [tilespmem:s0+$0x0]  }
0x2c9: {  	v6 =	vld [tilespmem:s0+$0x10];
	vm0 =	vlt.s32 v8, v5  }
0x2ca: {  	s23 =	simm.s32 $0x10040;
	vm1 =	vlt.s32 v10, v5;
	v8 =	vld [tilespmem:s0+$0x20];
	v13 =	vsel vm0, $0x0, v4  }
0x2cb: {  	s24 =	simm.s32 $0x0;
	s25 =	simm.s32 $0x80C0;
	v10 =	vld [tilespmem:s0+$0xFFFFFFC0];
	v11 =	vsel vm1, $0x0, v4;
	vm0 =	vlt.s32 v12, v5;
	[tilespmem:s23+$0x30] =	vst v13  }
.LBB2_52:
0x2cc: {  	v12 =	vld [tilespmem:s25+$0x30];
	s24 =	sadd.s32 $0x8, s24;
	[tilespmem:s23+$0xFFFFFFD0] =	vst v11;
	v11 =	vsel vm0, $0x0, v4;
	vm0 =	vlt.s32 v9, v5  }
0x2cd: {  	v13 =	vld [tilespmem:s25+$0xFFFFFFD0];
	p0 =	slt.u32 s24, $0x7F8;
	[tilespmem:s23+$0xFFFFFFE0] =	vst v11;
	v9 =	vsel vm0, $0x0, v4;
	vm0 =	vlt.s32 v7, v5  }
0x2ce: {  	v14 =	vld [tilespmem:s25+$0xFFFFFFE0];
	[tilespmem:s23+$0xFFFFFFF0] =	vst v9;
	v7 =	vsel vm0, $0x0, v4;
	vm0 =	vlt.s32 v6, v5  }
.Ltmp31:
0x2cf: {  	v9 =	vld [tilespmem:s25+$0xFFFFFFF0];
	[tilespmem:s23+$0x0] =	vst v7;
	v6 =	vsel vm0, $0x0, v4;
	vm0 =	vlt.s32 v8, v5;
	(pc) =	sbr.rel @p0 .LBB2_52-.Ltmp31, $4  }
0x2d0: {  	v7 =	vld [tilespmem:s25+$0x0];
	vm1 =	vlt.s32 v10, v5;
	[tilespmem:s23+$0x10] =	vst v6;
	v8 =	vsel vm0, $0x0, v4  }
0x2d1: {  	v6 =	vld [tilespmem:s25+$0x10];
	vm0 =	vlt.s32 v12, v5;
	v10 =	vsel vm1, $0x0, v4;
	[tilespmem:s23+$0x20] =	vst v8  }
0x2d2: {  	vm1 =	vlt.s32 v13, v5;
	v8 =	vld [tilespmem:s25+$0x20];
	v12 =	vsel vm0, $0x0, v4;
	[tilespmem:s23+$0xFFFFFFC0] =	vst v10;
	s23 =	sadd.s32 $0x80, s23  }
0x2d3: {  	v10 =	vld [tilespmem:s25+$0xFFFFFFC0];
	v11 =	vsel vm1, $0x0, v4;
	vm0 =	vlt.s32 v14, v5;
	[tilespmem:s23+$0x30] =	vst v12;
	s25 =	sadd.s32 $0x80, s25  }
0x2d4: {  	[tilespmem:s23+$0xFFFFFFD0] =	vst v11;
	v63 =	vsel vm0, $0x0, v4;
	vm12 =	vlt.s32 v9, v5  }
0x2d5: {  	[tilespmem:s23+$0xFFFFFFE0] =	vst v63;
	v9 =	vsel vm12, $0x0, v4;
	vm13 =	vlt.s32 v7, v5  }
0x2d6: {  	[tilespmem:s23+$0xFFFFFFF0] =	vst v9;
	v7 =	vsel vm13, $0x0, v4;
	vm14 =	vlt.s32 v6, v5  }
0x2d7: {  	[tilespmem:s23+$0x0] =	vst v7;
	v6 =	vsel vm14, $0x0, v4;
	vm15 =	vlt.s32 v8, v5  }
0x2d8: {  	vm1 =	vlt.s32 v10, v5;
	[tilespmem:s23+$0x10] =	vst v6;
	v5 =	vsel vm15, $0x0, v4  }
0x2d9: {  	v6 =	vsel vm1, $0x0, v4;
	[tilespmem:s23+$0x20] =	vst v5  }
0x2da: {  	[tilespmem:s23+$0xFFFFFFC0] =	vst v6  }
0x2db: {  	[hbm4b:s7+s12] =	stream.strided.scatter [tilespmem:s20], [sflag:$0x2], $0x8000, s13, s12, $0x38;
	[tilespmem:$0x19680] =	vst v63  }
0x2dc: {  	_ =	swait.ge [sflag:s14], $0x8000  }
0x2dd: {  	[sflag:s14] =	ssyncset.done $0x0  }
0x2de: {  	s0 =	simm.s32 $0x18020;
	[sflag:s14] =	ssyncadd.s32 $0xFFFF8000  }
0x2df: {  	[tilespmem:s15], [sflag:$0x1] =	stream.strided.gather [hbm4b:s8+s12], $0x8000, s13, s12, $0x38;
	[tilespmem:$0x19680] =	vst v63  }
0x2e0: {  	[tilespmem:s0+$0xFFFFFFE0] =	vst v1  }
0x2e1: {  	[tilespmem:s0+$0x10] =	vst v1  }
0x2e2: {  	s23 =	simm.s32 $0x0;
	[tilespmem:s0+$0x0] =	vst v1  }
.LBB2_54:
0x2e3: {  	s23 =	sadd.s32 $0x4, s23  }
0x2e4: {  	[tilespmem:s0+$0xFFFFFFF0] =	vst v1;
	s0 =	sadd.s32 $0x40, s0;
	p0 =	slt.u32 s23, $0x3C  }
.Ltmp32:
0x2e5: {  	[tilespmem:s0+$0xFFFFFFE0] =	vst v1;
	(pc) =	sbr.rel @p0 .LBB2_54-.Ltmp32, $3  }
0x2e6: {  	_ =	sdelay $0x1  }
0x2e7: {  	[tilespmem:s0+$0x10] =	vst v1  }
0x2e8: {  	[tilespmem:s0+$0x0] =	vst v1  }
0x2e9: {  	[tilespmem:s0+$0xFFFFFFF0] =	vst v1  }
0x2ea: {  	[tilespmem:$0x18400] =	vst v1  }
0x2eb: {  	[tilespmem:$0x18410] =	vst v1  }
0x2ec: {  	[tilespmem:$0x18420] =	vst v1  }
0x2ed: {  	s31 =	simm.s32 $0x40;
	[tilespmem:$0x18430] =	vst v1  }
0x2ee: {  	v5 =	vld [tilespmem:s31+$0x30]  }
0x2ef: {  	v6 =	vld [tilespmem:s31+$0xFFFFFFD0]  }
0x2f0: {  	v7 =	vld [tilespmem:s31+$0xFFFFFFE0]  }
0x2f1: {  	v8 =	vld [tilespmem:s31+$0xFFFFFFF0]  }
0x2f2: {  	v9 =	vld [tilespmem:s31+$0x0]  }
0x2f3: {  	v5 =	vshra.s32 v5, $0x16  }
0x2f4: {  	v6 =	vshra.s32 v6, $0x16;
	v5 =	vadd.s32 $0x200, v5  }
0x2f5: {  	v10 =	vld [tilespmem:s31+$0x10];
	v7 =	vshra.s32 v7, $0x16;
	v6 =	vadd.s32 $0x200, v6  }
0x2f6: {  	v11 =	vld [tilespmem:s31+$0x20];
	v8 =	vshra.s32 v8, $0x16;
	v7 =	vadd.s32 $0x200, v7  }
0x2f7: {  	v12 =	vld [tilespmem:s31+$0xFFFFFFC0];
	v9 =	vshra.s32 v9, $0x16;
	v8 =	vadd.s32 $0x200, v8  }
0x2f8: {  	v9 =	vadd.s32 $0x200, v9  }
0x2f9: {  	[tilespmem:v5+s16+$0x0] =	vst.idx.add.s32.msk $0xffff, v2  }
0x2fa: {  	[tilespmem:v6+s16+$0x0] =	vst.idx.add.s32.msk $0xffff, v2  }
0x2fb: {  	[tilespmem:v7+s16+$0x0] =	vst.idx.add.s32.msk $0xffff, v2  }
0x2fc: {  	v5 =	vshra.s32 v10, $0x16;
	v7 =	vshra.s32 v11, $0x16;
	v10 =	vshra.s32 v12, $0x16;
	[tilespmem:v8+s16+$0x0] =	vst.idx.add.s32.msk $0xffff, v2  }
0x2fd: {  	s24 =	simm.s32 $0x0;
	s25 =	simm.s32 $0xC0;
	[tilespmem:v9+s16+$0x0] =	vst.idx.add.s32.msk $0xffff, v2;
	v6 =	vadd.s32 $0x200, v5;
	v7 =	vadd.s32 $0x200, v7;
	v8 =	vadd.s32 $0x200, v10  }
.LBB2_56:
0x2fe: {  	v5 =	vld [tilespmem:s25+$0x30];
	s24 =	sadd.s32 $0x8, s24  }
0x2ff: {  	v9 =	vld [tilespmem:s25+$0xFFFFFFD0];
	p0 =	slt.u32 s24, $0x7F8  }
0x300: {  	v10 =	vld [tilespmem:s25+$0xFFFFFFE0]  }
0x301: {  	v11 =	vld [tilespmem:s25+$0xFFFFFFF0]  }
0x302: {  	v12 =	vld [tilespmem:s25+$0x0]  }
0x303: {  	v13 =	vld [tilespmem:s25+$0x10];
	v5 =	vshra.s32 v5, $0x16  }
0x304: {  	v9 =	vshra.s32 v9, $0x16;
	v14 =	vld [tilespmem:s25+$0x20];
	v5 =	vadd.s32 $0x200, v5  }
0x305: {  	v15 =	vld [tilespmem:s25+$0xFFFFFFC0];
	v9 =	vadd.s32 $0x200, v9;
	v10 =	vshra.s32 v10, $0x16  }
0x306: {  	v10 =	vadd.s32 $0x200, v10;
	v11 =	vshra.s32 v11, $0x16;
	[tilespmem:v8+s16+$0x0] =	vst.idx.add.s32.msk $0xffff, v2  }
0x307: {  	v11 =	vadd.s32 $0x200, v11;
	v8 =	vshra.s32 v12, $0x16;
	[tilespmem:v6+s16+$0x0] =	vst.idx.add.s32.msk $0xffff, v2  }
0x308: {  	v12 =	vadd.s32 $0x200, v8;
	v6 =	vshra.s32 v13, $0x16;
	[tilespmem:v7+s16+$0x0] =	vst.idx.add.s32.msk $0xffff, v2  }
.Ltmp33:
0x309: {  	s23 =	simm.s32 $0x0;
	v6 =	vadd.s32 $0x200, v6;
	v7 =	vshra.s32 v14, $0x16;
	[tilespmem:v5+s16+$0x0] =	vst.idx.add.s32.msk $0xffff, v2;
	v5 =	vimm.s32 $0x0;
	(pc) =	sbr.rel @p0 .LBB2_56-.Ltmp33, $4  }
0x30a: {  	v8 =	vshra.s32 v15, $0x16;
	[tilespmem:v9+s16+$0x0] =	vst.idx.add.s32.msk $0xffff, v2;
	v7 =	vadd.s32 $0x200, v7  }
0x30b: {  	v8 =	vadd.s32 $0x200, v8;
	[tilespmem:v10+s16+$0x0] =	vst.idx.add.s32.msk $0xffff, v2  }
0x30c: {  	[tilespmem:v11+s16+$0x0] =	vst.idx.add.s32.msk $0xffff, v2  }
0x30d: {  	s25 =	sadd.s32 $0x80, s25;
	[tilespmem:v12+s16+$0x0] =	vst.idx.add.s32.msk $0xffff, v2  }
0x30e: {  	_ =	sdelay $0x3  }
0x30f: {  	[tilespmem:v8+s16+$0x0] =	vst.idx.add.s32.msk $0xffff, v2  }
0x310: {  	[tilespmem:v6+s16+$0x0] =	vst.idx.add.s32.msk $0xffff, v2  }
0x311: {  	[tilespmem:v7+s16+$0x0] =	vst.idx.add.s32.msk $0xffff, v2;
	s0 =	simm.s32 $0x3F0  }
0x312: {  	v7 =	vld [tilespmem:s0+$0x18000];
	_ =	sdelay $0x1  }
0x313: {  	s29 =	simm.s32 $0x3E0  }
0x314: {  	v9 =	vld [tilespmem:s29+$0x18000];
	_ =	sdelay $0x1  }
0x315: {  	v6 =	vperm.xlane v7, v3  }
0x316: {  	(xrf0) =	vadd.scan.msk.s32 $0xffff, v7  }
0x317: {  	(xrf0) =	vadd.scan.msk.s32 $0xffff, v6  }
0x318: {  	s30 =	simm.s32 $0x3D0;
	(xrf0) =	vadd.scan.msk.s32 $0xffff, v9  }
0x319: {  	v8 =	vperm.xlane v9, v3;
	v9 =	vld [tilespmem:s30+$0x18000];
	_ =	sdelay $0x2  }
0x31a: {  	v11, _, _ =	vpop (xrf0)  }
0x31b: {  	(xrf0) =	vadd.scan.msk.s32 $0xffff, v8;
	v10, _, _ =	vpop (xrf0)  }
0x31c: {  	(v2sf) =	vpush v11, $0xF;
	v7 =	vperm.xlane v9, v3;
	(xrf0) =	vadd.scan.msk.s32 $0xffff, v9;
	v9, _, _ =	vpop (xrf0)  }
0x31d: {  	(v2sf) =	vpush v9, $0xF;
	_ =	sdelay $0x3  }
0x31e: {  	s31 =	simm.s32 $0x3C0  }
0x31f: {  	v12 =	vld [tilespmem:s31+$0x18000]  }
0x320: {  	(xrf0) =	vadd.scan.msk.s32 $0xffff, v7;
	_ =	sdelay $0x2  }
0x321: {  	s24 =	simm.s32 $0xEC0;
	v11, _, _ =	vpop (xrf0);
	v9 =	vimm.s32 $0x0  }
.LBB2_58:
0x322: {  	s0 =	sshra.s32 s24, $0x2;
	p0 =	sne.s32 s24, $0x0;
	s24 =	sadd.s32 $0xFFFFFFC0, s24;
	v13 =	vperm.xlane v12, v3;
	(xrf0) =	vadd.scan.msk.s32 $0xffff, v12;
	v14, _, _ =	vpop (xrf0);
	v15 =	vadd.s32 s23, v10;
	v10 =	vmov v11  }
.Ltmp34:
0x323: {  	v12 =	vld [tilespmem:s0+$0x18000];
	(v2sf) =	vpush v14, $0xF;
	vm0 =	vgt.s32 v15, $0x3FFF;
	(pc) =	sbr.rel @p0 .LBB2_58-.Ltmp34, $4  }
0x324: {  	(xrf0) =	vadd.scan.msk.s32 $0xffff, v13;
	v11, _, _ =	vpop (xrf0);
	v14 =	vsel vm0, $0x1, v1;
	v15 =	vsel vm0, $0x0, v6;
	v6 =	vmov v8  }
0x325: {  	v8 =	vmovc v7;
	v7 =	vmov v13;
	v5 =	vadd.s32 v14, v5;
	v9 =	vadd.s32 v9, v15  }
0x326: {  	s0 =	spop (v2sf)  }
0x327: {  	s23 =	sadd.s32 s23, s0  }
0x328: {  	v13, _, _ =	vpop (xrf0)  }
0x329: {  	(v2sf) =	vpush v13, $0xF;
	_ =	sdelay $0x7  }
0x32a: {  	v13 =	vperm.xlane v12, v3  }
0x32b: {  	(xrf0) =	vadd.scan.msk.s32 $0xffff, v12  }
0x32c: {  	(xrf0) =	vadd.scan.msk.s32 $0xffff, v13  }
0x32d: {  	v10 =	vadd.s32 s23, v10;
	s0 =	spop (v2sf)  }
0x32e: {  	s0 =	sadd.s32 s23, s0  }
0x32f: {  	v11 =	vadd.s32 s0, v11  }
0x330: {  	vm0 =	vgt.s32 v10, $0x3FFF;
	v10, _, _ =	vpop (xrf0);
	s28 =	spop (v2sf)  }
0x331: {  	v12 =	vsel vm0, $0x1, v1;
	v14, _, _ =	vpop (xrf0);
	s0 =	sadd.s32 s0, s28;
	s29 =	spop (v2sf)  }
0x332: {  	v5 =	vadd.s32 v12, v5;
	vm1 =	vgt.s32 v11, $0x3FFF;
	v11, _, _ =	vpop (xrf0);
	v10 =	vadd.s32 s0, v10;
	s0 =	sadd.s32 s0, s29  }
0x333: {  	v12 =	vsel vm1, $0x1, v1;
	vm2 =	vgt.s32 v10, $0x3FFF;
	v10 =	vadd.s32 s0, v11  }
0x334: {  	v5 =	vadd.s32 v12, v5;
	v11 =	vsel vm2, $0x1, v1;
	vm3 =	vgt.s32 v10, $0x3FFF  }
0x335: {  	v5 =	vadd.s32 v11, v5;
	v10 =	vsel vm3, $0x1, v1  }
0x336: {  	v5 =	vadd.s32 v10, v5  }
0x337: {  	(xrf0) =	vadd.scan.msk.s32 $0xffff, v5;
	_ =	sdelay $0x5  }
0x338: {  	(v2sf) =	vpush v14, $0xF;
	v5, _, _ =	vpop (xrf0)  }
0x339: {  	(v2sf) =	vpush v5, $0xF;
	_ =	sdelay $0x3  }
0x33a: {  	s30 =	simm.s32 $0x40  }
0x33b: {  	v14 =	vld [tilespmem:s30+$0xFFFFFFD0]  }
0x33c: {  	v5 =	vld [tilespmem:s30+$0xFFFFFFF0]  }
0x33d: {  	v11 =	vld [tilespmem:s30+$0x0];
	v10 =	vsel vm0, $0x0, v6  }
0x33e: {  	v6 =	vld [tilespmem:s30+$0x30];
	v9 =	vadd.s32 v9, v10;
	v10 =	vsel vm1, $0x0, v8  }
0x33f: {  	v7 =	vsel vm2, $0x0, v7;
	v8 =	vld [tilespmem:s30+$0xFFFFFFC0];
	v9 =	vadd.s32 v9, v10  }
0x340: {  	v7 =	vadd.s32 v9, v7;
	v9 =	vld [tilespmem:s30+$0xFFFFFFE0]  }
0x341: {  	v12 =	vshrl.u32 v5, $0x10  }
0x342: {  	v16 =	vimm.s32 $0x0;
	v10 =	vsel vm3, $0x0, v13;
	v18 =	vand.u32 $0x3F, v12;
	v12 =	vld [tilespmem:s30+$0x20]  }
0x343: {  	v26 =	vshra.s32 v14, $0x16;
	v23 =	vshra.s32 v11, $0x16;
	v7 =	vadd.s32 v7, v10  }
0x344: {  	s31 =	spop (v2sf);
	v23 =	vadd.s32 $0x200, v23;
	v15 =	vshrl.u32 v6, $0x10;
	v19 =	vshra.s32 v6, $0x16  }
0x345: {  	v17 =	vshra.s32 v8, $0x16;
	v20 =	vand.u32 $0x3F, v15;
	v21 =	vshrl.u32 v9, $0x10;
	s23 =	spop (v2sf)  }
0x346: {  	v17 =	vadd.s32 $0x200, v17;
	v60 =	vand.u32 $0x3F, v21;
	v13 =	vshra.s32 v5, $0x16;
	s24 =	sadd.s32 $0xFFFFFFFF, s23  }
0x347: {  	v13 =	vadd.s32 $0x200, v13;
	v27 =	vshra.s32 v12, $0x16;
	v10 =	vmov s24  }
0x348: {  	v59 =	vshrl.u32 v12, $0x10;
	vm1 =	veq.s32 v13, v10;
	v13 =	vshrl.u32 v11, $0x10  }
0x349: {  	vm2 =	veq.s32 v17, v10;
	v17 =	vadd.s32 $0x200, v19;
	v19 =	vand.u32 $0x3F, v13;
	v13 =	vld [tilespmem:s30+$0x10]  }
0x34a: {  	v27 =	vadd.s32 $0x200, v27;
	vm5 =	veq.s32 v23, v10;
	vm0 =	veq.s32 v17, v10  }
0x34b: {  	vm6 =	veq.s32 v27, v10;
	v15 =	vmpcnt.ones.xlane vm2;
	v24 =	vsel vm0, $0x1, v1  }
0x34c: {  	v17 =	vsel vm1, $0x1, v1;
	v25 =	vsel vm2, $0x1, v1;
	(xrf0) =	vadd.scan.msk.s32 $0xffff, v24;
	v24 =	vshra.s32 v9, $0x16  }
0x34d: {  	v28 =	vadd.s32 v16, v15;
	v15 =	vadd.s32 $0x200, v26;
	(xrf0) =	vadd.scan.msk.s32 $0xffff, v17;
	v17 =	vadd.s32 $0x200, v24  }
0x34e: {  	vm4 =	veq.s32 v15, v10;
	vm7 =	veq.s32 v17, v10;
	v15 =	vshra.s32 v13, $0x16  }
0x34f: {  	(xrf0) =	vadd.scan.msk.s32 $0xffff, v25;
	v24 =	vsel vm4, $0x1, v1;
	v25 =	vmpcnt.ones.xlane vm4;
	v15 =	vadd.s32 $0x200, v15  }
0x350: {  	v22 =	vmpcnt.ones.xlane vm1;
	v17 =	vsel vm7, $0x1, v1;
	(xrf0) =	vadd.scan.msk.s32 $0xffff, v24;
	vm3 =	veq.s32 v15, v10  }
0x351: {  	v29 =	vsel vm5, $0x1, v1;
	v24 =	vadd.s32 v28, v25;
	(xrf0) =	vadd.scan.msk.s32 $0xffff, v17;
	v25 =	vsel vm3, $0x1, v1  }
0x352: {  	v27 =	vmpcnt.ones.xlane vm6;
	v31 =	vsel vm6, $0x1, v1;
	v33 =	vmpcnt.ones.xlane vm5;
	v15, _, _ =	vpop (xrf0);
	(xrf0) =	vadd.scan.msk.s32 $0xffff, v25  }
0x353: {  	v26 =	vshrl.u32 v8, $0x10;
	v23 =	vmpcnt.ones.xlane vm7;
	v21 =	vshrl.u32 v13, $0x10;
	v17, _, _ =	vpop (xrf0);
	(xrf0) =	vadd.scan.msk.s32 $0xffff, v29  }
0x354: {  	v26 =	vand.u32 $0x3F, v26;
	v62 =	vand.u32 $0x3F, v21;
	v25 =	vshrl.u32 v14, $0x10  }
0x355: {  	[tilespmem:v18+s17+$0x0] =	vst.idx.add.s32.msk vm1, v2;
	v23 =	vadd.s32 v24, v23;
	v30 =	vmpcnt.ones.xlane vm3;
	v25 =	vand.u32 $0x3F, v25;
	v32, _, _ =	vpop (xrf0)  }
0x356: {  	v29 =	vand.u32 $0x3F, v59;
	v17 =	vadd.s32 v17, v23;
	(xrf0) =	vadd.scan.msk.s32 $0xffff, v31;
	v18 =	vadd.s32 v32, v16;
	v61, _, _ =	vpop (xrf0)  }
0x357: {  	[tilespmem:v20+s17+$0x0] =	vst.idx.add.s32.msk vm0, v2;
	v16 =	vmpcnt.ones.xlane vm0;
	v18 =	vadd.s32 $0xFFFFFFFF, v18;
	v20 =	vadd.s32 v61, v28;
	v63, _, _ =	vpop (xrf0)  }
0x358: {  	[tilespmem:v19+s17+$0x0] =	vst.idx.add.s32.msk vm5, v2;
	vm8 =	vlt.s32 v18, $0xFFF;
	v21 =	vadd.s32 $0xFFFFFFFF, v20;
	v20 =	vadd.s32 v63, v24;
	v24, _, _ =	vpop (xrf0)  }
0x359: {  	[tilespmem:v26+s17+$0x0] =	vst.idx.add.s32.msk vm2, v2;
	v19 =	vnsel vm8, $0xFFF, v18;
	v18 =	vadd.s32 $0xFFFFFFFF, v20;
	v20 =	vadd.s32 v23, v22;
	v22, _, _ =	vpop (xrf0)  }
0x35a: {  	[tilespmem:v60+s17+$0x0] =	vst.idx.add.s32.msk vm7, v2;
	vm8 =	vlt.s32 v21, $0xFFF;
	vm9 =	vlt.s32 v18, $0xFFF;
	v23 =	vadd.s32 v22, v20  }
0x35b: {  	[tilespmem:v62+s17+$0x0] =	vst.idx.add.s32.msk vm3, v2;
	v22 =	vnsel vm9, $0xFFF, v18;
	v18 =	vadd.s32 v20, v33;
	v23 =	vadd.s32 $0xFFFFFFFF, v23  }
0x35c: {  	[tilespmem:v25+s17+$0x0] =	vst.idx.add.s32.msk vm4, v2;
	v20 =	vadd.s32 v24, v18;
	v18 =	vadd.s32 v18, v30;
	v24, _, _ =	vpop (xrf0);
	vm9 =	vlt.s32 v23, $0xFFF  }
0x35d: {  	s25 =	simm.s32 $0xC0;
	s24 =	simm.s32 $0x0;
	[tilespmem:v29+s17+$0x0] =	vst.idx.add.s32.msk vm6, v2;
	v20 =	vadd.s32 $0xFFFFFFFF, v20;
	v24 =	vadd.s32 v24, v18;
	v18 =	vadd.s32 v18, v27  }
.LBB2_60:
0x35e: {  	v25 =	vld [tilespmem:s25+$0xFFFFFFF0];
	s24 =	sadd.s32 $0x8, s24;
	v21 =	vnsel vm8, $0xFFF, v21;
	v17 =	vadd.s32 $0xFFFFFFFF, v17;
	v23 =	vnsel vm9, $0xFFF, v23  }
0x35f: {  	v26 =	vld [tilespmem:s25+$0x30];
	p0 =	slt.u32 s24, $0x7F8;
	[tilespmem:v19+s18+$0x0] =	vst.idx.msk vm2, v8;
	vm2 =	vlt.s32 v17, $0xFFF  }
0x360: {  	v8 =	vld [tilespmem:s25+$0xFFFFFFC0];
	[tilespmem:v22+s18+$0x0] =	vst.idx.msk vm7, v9;
	v17 =	vnsel vm2, $0xFFF, v17;
	v9 =	vadd.s32 v15, v18  }
0x361: {  	v16 =	vadd.s32 v18, v16;
	v19 =	vadd.s32 $0xFFFFFFFF, v24;
	v15 =	vld [tilespmem:s25+$0x0];
	v22 =	vadd.s32 $0xFFFFFFFF, v9  }
0x362: {  	vm2 =	vlt.s32 v20, $0xFFF;
	vm7 =	vlt.s32 v19, $0xFFF;
	v9 =	vld [tilespmem:s25+$0xFFFFFFE0];
	vm8 =	vlt.s32 v22, $0xFFF  }
0x363: {  	v19 =	vnsel vm7, $0xFFF, v19;
	v18 =	vld [tilespmem:s25+$0xFFFFFFD0];
	v24 =	vshrl.u32 v25, $0x10;
	[tilespmem:v23+s18+$0x0] =	vst.idx.msk vm5, v11;
	v22 =	vnsel vm8, $0xFFF, v22  }
0x364: {  	v28 =	vshra.s32 v25, $0x16;
	v23 =	vand.u32 $0x3F, v24;
	v24 =	vld [tilespmem:s25+$0x20];
	v27 =	vshrl.u32 v26, $0x10;
	[tilespmem:v21+s18+$0x0] =	vst.idx.msk vm4, v14  }
0x365: {  	v21 =	vshra.s32 v26, $0x16;
	v14 =	vshra.s32 v8, $0x16;
	[tilespmem:v17+s18+$0x0] =	vst.idx.msk vm1, v5;
	v17 =	vnsel vm2, $0xFFF, v20;
	v5 =	vmovc v25  }
0x366: {  	v20 =	vadd.s32 $0x200, v28;
	v25 =	vand.u32 $0x3F, v27;
	v29 =	vadd.s32 $0x200, v14;
	v11 =	vmovc v15  }
0x367: {  	vm1 =	veq.s32 v20, v10;
	vm2 =	veq.s32 v29, v10;
	v27 =	vshrl.u32 v9, $0x10  }
0x368: {  	v21 =	vadd.s32 $0x200, v21;
	v20 =	vshrl.u32 v11, $0x10;
	v15 =	vmpcnt.ones.xlane vm2;
	[tilespmem:v19+s18+$0x0] =	vst.idx.msk vm6, v12;
	v14 =	vmovc v18  }
0x369: {  	v18 =	vmpcnt.ones.xlane vm1;
	v19 =	vand.u32 $0x3F, v20;
	[tilespmem:v22+s18+$0x0] =	vst.idx.msk vm0, v6;
	vm0 =	veq.s32 v21, v10;
	v6 =	vmovc v26  }
0x36a: {  	v20 =	vsel vm1, $0x1, v1;
	v21 =	vshra.s32 v11, $0x16;
	v12 =	vmovc v24;
	v22 =	vsel vm0, $0x1, v1;
	[tilespmem:v17+s18+$0x0] =	vst.idx.msk vm3, v13;
	v13 =	vld [tilespmem:s25+$0x10]  }
0x36b: {  	v24 =	vshra.s32 v14, $0x16;
	v17 =	vsel vm2, $0x1, v1;
	v26 =	vshra.s32 v12, $0x16;
	(xrf0) =	vadd.scan.msk.s32 $0xffff, v22  }
0x36c: {  	v21 =	vadd.s32 $0x200, v21;
	v22 =	vshra.s32 v9, $0x16;
	v26 =	vadd.s32 $0x200, v26;
	(xrf0) =	vadd.scan.msk.s32 $0xffff, v20  }
0x36d: {  	v20 =	vadd.s32 v16, v15;
	v15 =	vadd.s32 $0x200, v24;
	v22 =	vadd.s32 $0x200, v22;
	[tilespmem:v23+s17+$0x0] =	vst.idx.add.s32.msk vm1, v2  }
0x36e: {  	vm5 =	veq.s32 v21, v10;
	vm4 =	veq.s32 v15, v10;
	vm7 =	veq.s32 v22, v10  }
0x36f: {  	v21 =	vsel vm7, $0x1, v1;
	v22 =	vmpcnt.ones.xlane vm7;
	v29 =	vshra.s32 v13, $0x16;
	(xrf0) =	vadd.scan.msk.s32 $0xffff, v17  }
0x370: {  	v23 =	vmpcnt.ones.xlane vm4;
	v17 =	vsel vm4, $0x1, v1;
	v28 =	vadd.s32 $0x200, v29;
	[tilespmem:v25+s17+$0x0] =	vst.idx.add.s32.msk vm0, v2  }
0x371: {  	v24 =	vshrl.u32 v8, $0x10;
	v25 =	vsel vm5, $0x1, v1;
	vm3 =	veq.s32 v28, v10;
	(xrf0) =	vadd.scan.msk.s32 $0xffff, v17;
	v15, _, _ =	vpop (xrf0)  }
0x372: {  	v23 =	vadd.s32 v20, v23;
	v17 =	vsel vm3, $0x1, v1;
	v28 =	vmpcnt.ones.xlane vm3;
	(xrf0) =	vadd.scan.msk.s32 $0xffff, v21;
	v21, _, _ =	vpop (xrf0)  }
0x373: {  	vm6 =	veq.s32 v26, v10;
	v24 =	vand.u32 $0x3F, v24;
	v22 =	vadd.s32 v23, v22;
	(xrf0) =	vadd.scan.msk.s32 $0xffff, v17  }
0x374: {  	v30 =	vshrl.u32 v14, $0x10;
	v29 =	vmpcnt.ones.xlane vm6;
	v17 =	vadd.s32 v21, v22;
	(xrf0) =	vadd.scan.msk.s32 $0xffff, v25  }
0x375: {  	v21 =	vsel vm6, $0x1, v1;
	v25 =	vand.u32 $0x3F, v30;
	[tilespmem:v19+s17+$0x0] =	vst.idx.add.s32.msk vm5, v2;
	v19 =	vshrl.u32 v12, $0x10;
	v26, _, _ =	vpop (xrf0)  }
0x376: {  	v27 =	vand.u32 $0x3F, v27;
	v26 =	vadd.s32 v26, v16;
	v30 =	vand.u32 $0x3F, v19  }
0x377: {  	v31 =	vmpcnt.ones.xlane vm5;
	v33 =	vshrl.u32 v13, $0x10;
	v16 =	vmpcnt.ones.xlane vm0;
	v32, _, _ =	vpop (xrf0);
	(xrf0) =	vadd.scan.msk.s32 $0xffff, v21  }
0x378: {  	[tilespmem:v24+s17+$0x0] =	vst.idx.add.s32.msk vm2, v2;
	v24 =	vadd.s32 $0xFFFFFFFF, v26;
	v20 =	vadd.s32 v32, v20;
	v26 =	vand.u32 $0x3F, v33;
	v19, _, _ =	vpop (xrf0)  }
0x379: {  	vm8 =	vlt.s32 v24, $0xFFF;
	v21 =	vadd.s32 $0xFFFFFFFF, v20;
	v20 =	vadd.s32 v19, v23;
	v32, _, _ =	vpop (xrf0)  }
.Ltmp35:
0x37a: {  	v18 =	vadd.s32 v22, v18;
	v19 =	vnsel vm8, $0xFFF, v24;
	[tilespmem:v25+s17+$0x0] =	vst.idx.add.s32.msk vm4, v2;
	v20 =	vadd.s32 $0xFFFFFFFF, v20;
	v22, _, _ =	vpop (xrf0);
	(pc) =	sbr.rel @p0 .LBB2_60-.Ltmp35, $4  }
0x37b: {  	vm8 =	vlt.s32 v21, $0xFFF;
	[tilespmem:v27+s17+$0x0] =	vst.idx.add.s32.msk vm7, v2;
	vm9 =	vlt.s32 v20, $0xFFF;
	v23 =	vadd.s32 v22, v18  }
0x37c: {  	v18 =	vadd.s32 v18, v31;
	v22 =	vnsel vm9, $0xFFF, v20;
	v23 =	vadd.s32 $0xFFFFFFFF, v23;
	[tilespmem:v30+s17+$0x0] =	vst.idx.add.s32.msk vm6, v2  }
0x37d: {  	v20 =	vadd.s32 v32, v18;
	v18 =	vadd.s32 v18, v28;
	vm9 =	vlt.s32 v23, $0xFFF;
	v24, _, _ =	vpop (xrf0)  }
0x37e: {  	s25 =	sadd.s32 $0x80, s25;
	v20 =	vadd.s32 $0xFFFFFFFF, v20;
	[tilespmem:v26+s17+$0x0] =	vst.idx.add.s32.msk vm3, v2;
	v24 =	vadd.s32 v24, v18;
	v18 =	vadd.s32 v18, v29  }
0x37f: {  	_ =	sdelay $0x1  }
0x380: {  	v10 =	vnsel vm8, $0xFFF, v21;
	v43 =	vnsel vm9, $0xFFF, v23  }
0x381: {  	v17 =	vadd.s32 $0xFFFFFFFF, v17;
	v15 =	vadd.s32 v15, v18;
	vm11 =	vlt.s32 v20, $0xFFF  }
0x382: {  	v44 =	vadd.s32 $0xFFFFFFFF, v24;
	vm14 =	vlt.s32 v17, $0xFFF;
	v47 =	vnsel vm11, $0xFFF, v20  }
0x383: {  	[tilespmem:v19+s18+$0x0] =	vst.idx.msk vm2, v8;
	v15 =	vadd.s32 $0xFFFFFFFF, v15;
	vm15 =	vlt.s32 v44, $0xFFF;
	v17 =	vnsel vm14, $0xFFF, v17  }
0x384: {  	[tilespmem:v22+s18+$0x0] =	vst.idx.msk vm7, v9;
	vm10 =	vlt.s32 v15, $0xFFF;
	v45 =	vnsel vm15, $0xFFF, v44  }
0x385: {  	v46 =	vnsel vm10, $0xFFF, v15;
	[tilespmem:v43+s18+$0x0] =	vst.idx.msk vm5, v11  }
0x386: {  	[tilespmem:v10+s18+$0x0] =	vst.idx.msk vm4, v14  }
0x387: {  	[tilespmem:v47+s18+$0x0] =	vst.idx.msk vm3, v13  }
0x388: {  	[tilespmem:v17+s18+$0x0] =	vst.idx.msk vm1, v5  }
0x389: {  	[tilespmem:v45+s18+$0x0] =	vst.idx.msk vm6, v12  }
0x38a: {  	[tilespmem:v46+s18+$0x0] =	vst.idx.msk vm0, v6  }
0x38b: {  	v5 =	vld [tilespmem:$0x18430];
	_ =	sdelay $0x1  }
0x38c: {  	v6 =	vld [tilespmem:$0x18420];
	_ =	sdelay $0x1  }
0x38d: {  	v8 =	vld [tilespmem:$0x18410]  }
0x38e: {  	v48 =	vperm.xlane v5, v3  }
0x38f: {  	(xrf0) =	vadd.scan.msk.s32 $0xffff, v7  }
0x390: {  	v7 =	vperm.xlane v6, v3;
	(xrf0) =	vadd.scan.msk.s32 $0xffff, v48  }
0x391: {  	(xrf0) =	vadd.scan.msk.s32 $0xffff, v5  }
0x392: {  	v5 =	vperm.xlane v8, v3;
	(xrf0) =	vadd.scan.msk.s32 $0xffff, v7  }
0x393: {  	(xrf0) =	vadd.scan.msk.s32 $0xffff, v6  }
0x394: {  	(xrf0) =	vadd.scan.msk.s32 $0xffff, v5  }
0x395: {  	v6, _, _ =	vpop (xrf0);
	(xrf0) =	vadd.scan.msk.s32 $0xffff, v8  }
0x396: {  	v49, _, _ =	vpop (xrf0)  }
0x397: {  	v50, _, _ =	vpop (xrf0)  }
0x398: {  	v51, _, _ =	vpop (xrf0)  }
0x399: {  	(v2sf) =	vpush v6, $0xF;
	v52, _, _ =	vpop (xrf0)  }
0x39a: {  	(v2sf) =	vpush v50, $0xF;
	v6, _, _ =	vpop (xrf0)  }
0x39b: {  	v54 =	vld [tilespmem:$0x18400];
	(v2sf) =	vpush v52, $0xF;
	v53, _, _ =	vpop (xrf0)  }
0x39c: {  	(v2sf) =	vpush v53, $0xF;
	_ =	sdelay $0x3  }
0x39d: {  	v12 =	vperm.xlane v54, v3  }
0x39e: {  	v55 =	vadd.s32 v18, v16  }
0x39f: {  	v13 =	vxor.u32 $0x80000000, v55;
	(xrf0) =	vadd.scan.msk.s32 $0xffff, v12  }
0x3a0: {  	(xrf0) =	vmax.scan.msk.u32 $0xffff, v13;
	_ =	sdelay $0x4  }
0x3a1: {  	v10 =	vbroadcast v50, $0xF;
	v60, _, _ =	vpop (xrf0);
	s0 =	spop (v2sf)  }
0x3a2: {  	v61, _, _ =	vpop (xrf0);
	s28 =	spop (v2sf)  }
0x3a3: {  	v56 =	vadd.s32 v10, v51;
	(v2sf) =	vpush v61, $0xF;
	s24 =	ssub.s32 $0x4000, s0;
	s25 =	spop (v2sf)  }
0x3a4: {  	vm12 =	vge.s32 v49, s24;
	vm13 =	vge.s32 v56, s24;
	s0 =	sadd.s32 s28, s25;
	s29 =	spop (v2sf)  }
0x3a5: {  	v57 =	vsel vm12, $0x1, v1;
	v58 =	vsel vm12, $0x0, v48;
	v6 =	vadd.s32 s0, v6;
	s0 =	sadd.s32 s0, s29  }
0x3a6: {  	v59 =	vsel vm13, $0x1, v1;
	vm14 =	vge.s32 v6, s24;
	v6 =	vadd.s32 s0, v60  }
0x3a7: {  	v9 =	vadd.s32 v59, v57;
	v62 =	vsel vm14, $0x1, v1;
	vm15 =	vge.s32 v6, s24  }
0x3a8: {  	v6 =	vsel vm13, $0x0, v7;
	v7 =	vadd.s32 v62, v9;
	v63 =	vsel vm15, $0x1, v1  }
0x3a9: {  	v5 =	vsel vm14, $0x0, v5;
	v6 =	vadd.s32 v58, v6;
	v7 =	vadd.s32 v63, v7  }
0x3aa: {  	v5 =	vadd.s32 v6, v5;
	v6 =	vsel vm15, $0x0, v12;
	(xrf0) =	vadd.scan.msk.s32 $0xffff, v7  }
0x3ab: {  	v5 =	vadd.s32 v5, v6  }
0x3ac: {  	(xrf0) =	vadd.scan.msk.s32 $0xffff, v5;
	_ =	sdelay $0x3  }
0x3ad: {  	v5, _, _ =	vpop (xrf0)  }
0x3ae: {  	(v2sf) =	vpush v5, $0xF  }
0x3af: {  	s30 =	spop (v2sf);
	v5, _, _ =	vpop (xrf0)  }
0x3b0: {  	s0 =	sxor.u32 $0x80000000, s30;
	(v2sf) =	vpush v5, $0xF  }
0x3b1: {  	p0 =	slt.s32 s0, $0x1000;
	s26 =	smov.u32 s0  }
0x3b2: {  	s26 =	simm.s32 @!p0 $0x1000  }
0x3b3: {  	s31 =	sadd.s32 $0xF, s26  }
0x3b4: {  	s28 =	sand.u32 $0xF, s31  }
0x3b5: {  	p6 =	slt.s32 s0, $0xFFFFFFF2;
	s29 =	sshra.s32 s31, $0x1F;
	p1 =	sne.s32 s28, $0x0  }
0x3b6: {  	s30 =	sshrl.u32 s29, $0x1C;
	p0 =	por !p6, !p1  }
0x3b7: {  	s25 =	simm.s32 $0x1;
	s0 =	sadd.s32 s30, s31;
	p0 =	por !p0, !p0  }
0x3b8: {  	s0 =	sshra.s32 s0, $0x4;
	s25 =	simm.s32 @!p0 $0x0  }
0x3b9: {  	s0 =	ssub.s32 s0, s25  }
0x3ba: {  	p0 =	slt.s32 s0, $0x1  }
.Ltmp36:
0x3bb: {  	_ = 	snop;
	(pc) =	sbr.rel @p0 .LBB2_62-.Ltmp36, $4  }
0x3bc: {  	_ = 	snop  }
0x3bd: {  	s23 =	sshll.u32 s23, $0x6;
	s31 =	spop (v2sf)  }
0x3be: {  	s23 =	sadd.s32 $0xFFFF7FC0, s23;
	s28 =	sadd.s32 $0xFFFFFFFF, s31  }
0x3bf: {  	s25 =	spop (v2sf);
	s23 =	sor.u32 s23, s28  }
0x3c0: {  	p1 =	sne.s32 s0, $0x1  }
.Ltmp37:
0x3c1: {  	_ = 	snop;
	(pc) =	sbr.rel @!p1 .LBB2_64-.Ltmp37, $3  }
0x3c2: {  	_ =	sdelay $0x1  }
0x3c3: {  	s28 =	simm.s32 $0x18480  }
0x3c4: {  	v6 =	vmov s23;
	v7 =	vmov s26;
	v10 =	vimm.s32 $0x0;
	s26 =	simm.s32 $0x0;
	s0 =	sadd.s32 $0xFFFFFFFF, s0;
	p0 =	por $0x0, $0x0;
	v5 =	vld [tilespmem:s28+$0x0]  }
0x3c5: {  	_ =	sdelay $0x3  }
0x3c6: {  	v9 =	vor.u32 s26, v0;
	v8 =	vshra.s32 v5, $0x10  }
0x3c7: {  	vm1 =	vlt.s32 v9, v7;
	vm0 =	veq.s32 v8, v6  }
0x3c8: {  	vm0 =	vmand vm1, vm0  }
0x3c9: {  	v8 =	vsel vm0, $0x1, v1  }
0x3ca: {  	(xrf0) =	vadd.scan.msk.s32 $0xffff, v8;
	_ =	sdelay $0x5  }
0x3cb: {  	v8, _, _ =	vpop (xrf0)  }
0x3cc: {  	v8 =	vadd.s32 v8, v10  }
0x3cd: {  	v8 =	vadd.s32 $0xFFFFFFFF, v8  }
0x3ce: {  	vm15 =	vlt.s32 v8, $0x1FF  }
0x3cf: {  	v8 =	vnsel vm15, $0x1FF, v8  }
0x3d0: {  	p1 =	sne.s32 s0, $0x1  }
.Ltmp38:
0x3d1: {  	_ = 	snop;
	(pc) =	sbr.rel @!p1 .LBB2_66-.Ltmp38, $3  }
0x3d2: {  	v9 =	vmpcnt.ones.xlane vm0;
	_ =	sdelay $0x1  }
0x3d3: {  	s29 =	simm.s32 $0x18490;
	v9 =	vadd.s32 v10, v9;
	[tilespmem:v8+s19+$0x0] =	vst.idx.msk vm0, v5  }
0x3d4: {  	s30 =	sadd.s32 $0xFFFFFFFF, s0;
	p0 =	por $0x1, $0x1;
	s28 =	simm.s32 $0x0;
	v8 =	vmov v9;
	v5 =	vld [tilespmem:s29+$0x0]  }
.LBB2_67:
0x3d5: {  	p1 =	sne.s32 s30, $0x1;
	_ =	sdelay $0x2  }
0x3d6: {  	s28 =	sadd.s32 $0x10, s28  }
0x3d7: {  	v11 =	vor.u32 s28, v0;
	v10 =	vshra.s32 v5, $0x10  }
0x3d8: {  	vm1 =	vlt.s32 v11, v7;
	vm0 =	veq.s32 v10, v6  }
0x3d9: {  	vm0 =	vmand vm1, vm0  }
0x3da: {  	v10 =	vsel vm0, $0x1, v1;
	v11 =	vmpcnt.ones.xlane vm0  }
0x3db: {  	(xrf0) =	vadd.scan.msk.s32 $0xffff, v10  }
0x3dc: {  	v9 =	vadd.s32 v9, v11;
	_ =	sdelay $0x4  }
0x3dd: {  	v10, _, _ =	vpop (xrf0)  }
0x3de: {  	v10 =	vadd.s32 v10, v8;
	v8 =	vmov v9  }
0x3df: {  	v10 =	vadd.s32 $0xFFFFFFFF, v10  }
0x3e0: {  	vm1 =	vlt.s32 v10, $0x1FF  }
0x3e1: {  	v10 =	vnsel vm1, $0x1FF, v10;
	_ =	sdelay $0x1  }
.Ltmp39:
0x3e2: {  	(pc) =	sbr.rel @p1 .LBB2_67-.Ltmp39, $3  }
0x3e3: {  	_ =	sdelay $0x1  }
0x3e4: {  	s29 =	sadd.s32 $0x10, s29;
	[tilespmem:v10+s19+$0x0] =	vst.idx.msk vm0, v5  }
0x3e5: {  	s30 =	sadd.s32 $0xFFFFFFFF, s30;
	v5 =	vld [tilespmem:s29+$0x0]  }
0x3e6: {  	v10 =	vmov v9  }
.LBB2_69:
0x3e7: {  	_ = 	snop  }
0x3e8: {  	s0 =	sadd.s32 @p0 $0x10, s28  }
0x3e9: {  	s26 =	smov.u32 @p0 s0  }
0x3ea: {  	v11 =	vor.u32 s26, v0;
	v9 =	vshra.s32 v5, $0x10  }
0x3eb: {  	vm1 =	vlt.s32 v11, v7;
	vm0 =	veq.s32 v9, v6  }
0x3ec: {  	vm0 =	vmand vm1, vm0  }
0x3ed: {  	v6 =	vsel vm0, $0x1, v1  }
0x3ee: {  	(xrf0) =	vadd.scan.msk.s32 $0xffff, v6;
	_ =	sdelay $0x5  }
0x3ef: {  	v6, _, _ =	vpop (xrf0)  }
0x3f0: {  	v6 =	vadd.s32 v6, v8  }
0x3f1: {  	v6 =	vadd.s32 $0xFFFFFFFF, v6  }
0x3f2: {  	vm15 =	vlt.s32 v6, $0x1FF  }
0x3f3: {  	v6 =	vnsel vm15, $0x1FF, v6  }
.Ltmp40:
0x3f4: {  	_ = 	snop;
	(pc) =	sbr.rel .LBB2_70-.Ltmp40, $3  }
0x3f5: {  	v7 =	vmpcnt.ones.xlane vm0;
	_ =	sdelay $0x1  }
0x3f6: {  	v7 =	vadd.s32 v10, v7  }
0x3f7: {  	[tilespmem:v6+s19+$0x0] =	vst.idx.msk vm0, v5;
	v5 =	vxor.u32 $0x80000000, v7  }
.LBB2_62:
0x3f8: {  	v5 =	vimm.s32 $0x80000000  }
.LBB2_70:
0x3f9: {  	(xrf0) =	vmax.scan.msk.u32 $0xffff, v5;
	_ =	sdelay $0x5  }
0x3fa: {  	v5, _, _ =	vpop (xrf0)  }
0x3fb: {  	(v2sf) =	vpush v5, $0xF;
	_ =	sdelay $0xe  }
0x3fc: {  	s0 =	spop (v2sf)  }
0x3fd: {  	s0 =	sxor.u32 $0x80000000, s0  }
0x3fe: {  	p0 =	slt.s32 s0, $0x200  }
0x3ff: {  	p1 =	slt.s32 s0, $0xFFFFFFF2;
	s0 =	simm.s32 @!p0 $0x200  }
0x400: {  	s26 =	sadd.s32 $0xF, s0  }
0x401: {  	s28 =	sand.u32 $0xF, s26  }
0x402: {  	p6 =	sne.s32 s28, $0x0;
	s28 =	sshra.s32 s26, $0x1F  }
.Ltmp41:
0x403: {  	s28 =	sshrl.u32 s28, $0x1C;
	p0 =	por !p1, !p6;
	(pc) =	sbr.rel .LBB2_71-.Ltmp41, $4  }
0x404: {  	s26 =	sadd.s32 s28, s26;
	p0 =	por !p0, !p0;
	s28 =	simm.s32 $0x1  }
0x405: {  	s26 =	sshra.s32 s26, $0x4;
	s28 =	simm.s32 @!p0 $0x0  }
0x406: {  	s24 =	ssub.s32 s24, s25;
	s23 =	sshll.u32 s23, $0x10;
	s26 =	ssub.s32 s26, s28  }
0x407: {  	s29 =	simm.s32 $0x0;
	v5 =	vmov s0;
	s28 =	simm.s32 $0x0;
	p0 =	slt.s32 s26, $0x1  }
.LBB2_72:
0x408: {  	v6 =	vimm.s32 $0x0  }
.LBB2_76:
0x409: {  	(xrf0) =	vadd.scan.msk.s32 $0xffff, v6;
	_ =	sdelay $0x5  }
0x40a: {  	v6, _, _ =	vpop (xrf0)  }
0x40b: {  	(v2sf) =	vpush v6, $0xF;
	_ =	sdelay $0xe  }
0x40c: {  	s0 =	spop (v2sf)  }
0x40d: {  	s29 =	sadd.s32 $0x1, s29;
	p1 =	slt.s32 s0, s24  }
0x40e: {  	s25 =	smov.u32 @p1 s28;
	p1 =	sne.s32 s29, $0x10  }
.Ltmp42:
0x40f: {  	_ = 	snop;
	(pc) =	sbr.rel @!p1 .LBB2_77-.Ltmp42, $2  }
0x410: {  	_ =	sdelay $0x2  }
0x411: {  	s28 =	smov.u32 s25  }
.LBB2_71:
.Ltmp43:
0x412: {  	(pc) =	sbr.rel @p0 .LBB2_72-.Ltmp43, $3  }
0x413: {  	_ =	sdelay $0x1  }
0x414: {  	s0 =	sshrl.u32 s15, s29  }
0x415: {  	s25 =	sor.u32 s0, s28  }
0x416: {  	s0 =	simm.s32 $0x19480  }
0x417: {  	p1 =	sne.s32 s26, $0x1;
	v8 =	vld [tilespmem:s0+$0x0]  }
.Ltmp44:
0x418: {  	_ = 	snop;
	(pc) =	sbr.rel @!p1 .LBB2_75-.Ltmp44, $4  }
0x419: {  	_ = 	snop  }
0x41a: {  	s30 =	simm.s32 $0x0;
	s0 =	sor.u32 s23, s25  }
0x41b: {  	v9 =	vor.u32 s30, v0;
	v7 =	vmov s0  }
0x41c: {  	v6 =	vimm.s32 $0x0;
	s31 =	sadd.s32 $0xFFFFFFFF, s26;
	vm0 =	vlt.s32 v9, v5;
	s0 =	simm.s32 $0x19490;
	vm1 =	vge.s32 v8, v7  }
.LBB2_74:
0x41d: {  	v8 =	vld [tilespmem:s0+$0x0];
	p1 =	sne.s32 s31, $0x1;
	s31 =	sadd.s32 $0xFFFFFFFF, s31;
	vm0 =	vmand vm0, vm1  }
.Ltmp45:
0x41e: {  	v9 =	vsel vm0, $0x1, v1;
	(pc) =	sbr.rel @p1 .LBB2_74-.Ltmp45, $4  }
0x41f: {  	v6 =	vadd.s32 v9, v6  }
0x420: {  	s30 =	sadd.s32 $0x10, s30  }
0x421: {  	v9 =	vor.u32 s30, v0  }
0x422: {  	s0 =	sadd.s32 $0x10, s0;
	vm0 =	vlt.s32 v9, v5;
	vm1 =	vge.s32 v8, v7  }
.LBB2_75:
.Ltmp46:
0x423: {  	(pc) =	sbr.rel .LBB2_76-.Ltmp46, $4  }
0x424: {  	_ = 	snop  }
0x425: {  	vm0 =	vmand vm0, vm1  }
0x426: {  	v7 =	vsel vm0, $0x1, v1  }
0x427: {  	v6 =	vadd.s32 v7, v6  }
.LBB2_77:
0x428: {  	_ =	swait.ge [sflag:s21], $0x8000  }
0x429: {  	[sflag:s21] =	ssyncset.done $0x0  }
0x42a: {  	s0 =	simm.s32 $0x40;
	[sflag:s21] =	ssyncadd.s32 $0xFFFF8000  }
0x42b: {  	v8 =	vld [tilespmem:s0+$0x30]  }
0x42c: {  	v10 =	vld [tilespmem:s0+$0xFFFFFFD0]  }
0x42d: {  	v12 =	vld [tilespmem:s0+$0xFFFFFFE0]  }
0x42e: {  	s23 =	sor.u32 s23, s25;
	v9 =	vld [tilespmem:s0+$0xFFFFFFF0]  }
0x42f: {  	v5 =	vmov s23;
	v7 =	vld [tilespmem:s0+$0x0]  }
0x430: {  	v6 =	vld [tilespmem:s0+$0x10];
	vm0 =	vlt.s32 v8, v5  }
0x431: {  	s23 =	simm.s32 $0x10040;
	vm1 =	vlt.s32 v10, v5;
	v8 =	vld [tilespmem:s0+$0x20];
	v13 =	vsel vm0, $0x0, v4  }
0x432: {  	s24 =	simm.s32 $0x0;
	s25 =	simm.s32 $0xC0;
	v10 =	vld [tilespmem:s0+$0xFFFFFFC0];
	v11 =	vsel vm1, $0x0, v4;
	vm0 =	vlt.s32 v12, v5;
	[tilespmem:s23+$0x30] =	vst v13  }
.LBB2_78:
0x433: {  	v12 =	vld [tilespmem:s25+$0x30];
	s24 =	sadd.s32 $0x8, s24;
	[tilespmem:s23+$0xFFFFFFD0] =	vst v11;
	v11 =	vsel vm0, $0x0, v4;
	vm0 =	vlt.s32 v9, v5  }
0x434: {  	v13 =	vld [tilespmem:s25+$0xFFFFFFD0];
	p0 =	slt.u32 s24, $0x7F8;
	[tilespmem:s23+$0xFFFFFFE0] =	vst v11;
	v9 =	vsel vm0, $0x0, v4;
	vm0 =	vlt.s32 v7, v5  }
0x435: {  	v14 =	vld [tilespmem:s25+$0xFFFFFFE0];
	[tilespmem:s23+$0xFFFFFFF0] =	vst v9;
	v7 =	vsel vm0, $0x0, v4;
	vm0 =	vlt.s32 v6, v5  }
.Ltmp47:
0x436: {  	v9 =	vld [tilespmem:s25+$0xFFFFFFF0];
	[tilespmem:s23+$0x0] =	vst v7;
	v6 =	vsel vm0, $0x0, v4;
	vm0 =	vlt.s32 v8, v5;
	(pc) =	sbr.rel @p0 .LBB2_78-.Ltmp47, $4  }
0x437: {  	v7 =	vld [tilespmem:s25+$0x0];
	vm1 =	vlt.s32 v10, v5;
	[tilespmem:s23+$0x10] =	vst v6;
	v8 =	vsel vm0, $0x0, v4  }
0x438: {  	v6 =	vld [tilespmem:s25+$0x10];
	vm0 =	vlt.s32 v12, v5;
	v10 =	vsel vm1, $0x0, v4;
	[tilespmem:s23+$0x20] =	vst v8  }
0x439: {  	vm1 =	vlt.s32 v13, v5;
	v8 =	vld [tilespmem:s25+$0x20];
	v12 =	vsel vm0, $0x0, v4;
	[tilespmem:s23+$0xFFFFFFC0] =	vst v10;
	s23 =	sadd.s32 $0x80, s23  }
0x43a: {  	v10 =	vld [tilespmem:s25+$0xFFFFFFC0];
	v11 =	vsel vm1, $0x0, v4;
	vm0 =	vlt.s32 v14, v5;
	[tilespmem:s23+$0x30] =	vst v12;
	s25 =	sadd.s32 $0x80, s25  }
0x43b: {  	[tilespmem:s23+$0xFFFFFFD0] =	vst v11;
	v63 =	vsel vm0, $0x0, v4;
	vm12 =	vlt.s32 v9, v5  }
0x43c: {  	[tilespmem:s23+$0xFFFFFFE0] =	vst v63;
	v9 =	vsel vm12, $0x0, v4;
	vm13 =	vlt.s32 v7, v5  }
0x43d: {  	[tilespmem:s23+$0xFFFFFFF0] =	vst v9;
	v7 =	vsel vm13, $0x0, v4;
	vm14 =	vlt.s32 v6, v5  }
0x43e: {  	[tilespmem:s23+$0x0] =	vst v7;
	v6 =	vsel vm14, $0x0, v4;
	vm15 =	vlt.s32 v8, v5  }
0x43f: {  	vm1 =	vlt.s32 v10, v5;
	[tilespmem:s23+$0x10] =	vst v6;
	v5 =	vsel vm15, $0x0, v4  }
0x440: {  	v6 =	vsel vm1, $0x0, v4;
	[tilespmem:s23+$0x20] =	vst v5  }
0x441: {  	[tilespmem:s23+$0xFFFFFFC0] =	vst v6  }
0x442: {  	[hbm4b:s9+s12] =	stream.strided.scatter [tilespmem:s20], [sflag:$0x2], $0x8000, s13, s12, $0x38;
	[tilespmem:$0x19680] =	vst v63  }
0x443: {  	_ =	swait.ge [sflag:s14], $0x8000  }
0x444: {  	[sflag:s14] =	ssyncset.done $0x0  }
0x445: {  	s0 =	simm.s32 $0x18020;
	[sflag:s14] =	ssyncadd.s32 $0xFFFF8000  }
0x446: {  	[tilespmem:s0+$0xFFFFFFE0] =	vst v1  }
0x447: {  	[tilespmem:s0+$0x10] =	vst v1  }
0x448: {  	s23 =	simm.s32 $0x0;
	[tilespmem:s0+$0x0] =	vst v1  }
.LBB2_80:
0x449: {  	s23 =	sadd.s32 $0x4, s23  }
0x44a: {  	[tilespmem:s0+$0xFFFFFFF0] =	vst v1;
	s0 =	sadd.s32 $0x40, s0;
	p0 =	slt.u32 s23, $0x3C  }
.Ltmp48:
0x44b: {  	[tilespmem:s0+$0xFFFFFFE0] =	vst v1;
	(pc) =	sbr.rel @p0 .LBB2_80-.Ltmp48, $3  }
0x44c: {  	_ =	sdelay $0x1  }
0x44d: {  	[tilespmem:s0+$0x10] =	vst v1  }
0x44e: {  	[tilespmem:s0+$0x0] =	vst v1  }
0x44f: {  	[tilespmem:s0+$0xFFFFFFF0] =	vst v1  }
0x450: {  	[tilespmem:$0x18400] =	vst v1  }
0x451: {  	[tilespmem:$0x18410] =	vst v1  }
0x452: {  	[tilespmem:$0x18420] =	vst v1  }
0x453: {  	s31 =	simm.s32 $0x8040;
	[tilespmem:$0x18430] =	vst v1  }
0x454: {  	v5 =	vld [tilespmem:s31+$0x30]  }
0x455: {  	v6 =	vld [tilespmem:s31+$0xFFFFFFD0]  }
0x456: {  	v7 =	vld [tilespmem:s31+$0xFFFFFFE0]  }
0x457: {  	v8 =	vld [tilespmem:s31+$0xFFFFFFF0]  }
0x458: {  	v9 =	vld [tilespmem:s31+$0x0]  }
0x459: {  	v5 =	vshra.s32 v5, $0x16  }
0x45a: {  	v6 =	vshra.s32 v6, $0x16;
	v5 =	vadd.s32 $0x200, v5  }
0x45b: {  	v10 =	vld [tilespmem:s31+$0x10];
	v7 =	vshra.s32 v7, $0x16;
	v6 =	vadd.s32 $0x200, v6  }
0x45c: {  	v11 =	vld [tilespmem:s31+$0x20];
	v8 =	vshra.s32 v8, $0x16;
	v7 =	vadd.s32 $0x200, v7  }
0x45d: {  	v12 =	vld [tilespmem:s31+$0xFFFFFFC0];
	v9 =	vshra.s32 v9, $0x16;
	v8 =	vadd.s32 $0x200, v8  }
0x45e: {  	v9 =	vadd.s32 $0x200, v9  }
0x45f: {  	[tilespmem:v5+s16+$0x0] =	vst.idx.add.s32.msk $0xffff, v2  }
0x460: {  	[tilespmem:v6+s16+$0x0] =	vst.idx.add.s32.msk $0xffff, v2  }
0x461: {  	[tilespmem:v7+s16+$0x0] =	vst.idx.add.s32.msk $0xffff, v2  }
0x462: {  	v5 =	vshra.s32 v10, $0x16;
	v7 =	vshra.s32 v11, $0x16;
	v10 =	vshra.s32 v12, $0x16;
	[tilespmem:v8+s16+$0x0] =	vst.idx.add.s32.msk $0xffff, v2  }
0x463: {  	s24 =	simm.s32 $0x0;
	s25 =	simm.s32 $0x80C0;
	[tilespmem:v9+s16+$0x0] =	vst.idx.add.s32.msk $0xffff, v2;
	v6 =	vadd.s32 $0x200, v5;
	v7 =	vadd.s32 $0x200, v7;
	v8 =	vadd.s32 $0x200, v10  }
.LBB2_82:
0x464: {  	v5 =	vld [tilespmem:s25+$0x30];
	s24 =	sadd.s32 $0x8, s24  }
0x465: {  	v9 =	vld [tilespmem:s25+$0xFFFFFFD0];
	p0 =	slt.u32 s24, $0x7F8  }
0x466: {  	v10 =	vld [tilespmem:s25+$0xFFFFFFE0]  }
0x467: {  	v11 =	vld [tilespmem:s25+$0xFFFFFFF0]  }
0x468: {  	v12 =	vld [tilespmem:s25+$0x0]  }
0x469: {  	v13 =	vld [tilespmem:s25+$0x10];
	v5 =	vshra.s32 v5, $0x16  }
0x46a: {  	v9 =	vshra.s32 v9, $0x16;
	v14 =	vld [tilespmem:s25+$0x20];
	v5 =	vadd.s32 $0x200, v5  }
0x46b: {  	v15 =	vld [tilespmem:s25+$0xFFFFFFC0];
	v9 =	vadd.s32 $0x200, v9;
	v10 =	vshra.s32 v10, $0x16  }
0x46c: {  	v10 =	vadd.s32 $0x200, v10;
	v11 =	vshra.s32 v11, $0x16;
	[tilespmem:v8+s16+$0x0] =	vst.idx.add.s32.msk $0xffff, v2  }
0x46d: {  	v11 =	vadd.s32 $0x200, v11;
	v8 =	vshra.s32 v12, $0x16;
	[tilespmem:v6+s16+$0x0] =	vst.idx.add.s32.msk $0xffff, v2  }
0x46e: {  	v12 =	vadd.s32 $0x200, v8;
	v6 =	vshra.s32 v13, $0x16;
	[tilespmem:v7+s16+$0x0] =	vst.idx.add.s32.msk $0xffff, v2  }
.Ltmp49:
0x46f: {  	s23 =	simm.s32 $0x0;
	v6 =	vadd.s32 $0x200, v6;
	v7 =	vshra.s32 v14, $0x16;
	[tilespmem:v5+s16+$0x0] =	vst.idx.add.s32.msk $0xffff, v2;
	v5 =	vimm.s32 $0x0;
	(pc) =	sbr.rel @p0 .LBB2_82-.Ltmp49, $4  }
0x470: {  	v8 =	vshra.s32 v15, $0x16;
	[tilespmem:v9+s16+$0x0] =	vst.idx.add.s32.msk $0xffff, v2;
	v7 =	vadd.s32 $0x200, v7  }
0x471: {  	v8 =	vadd.s32 $0x200, v8;
	[tilespmem:v10+s16+$0x0] =	vst.idx.add.s32.msk $0xffff, v2  }
0x472: {  	[tilespmem:v11+s16+$0x0] =	vst.idx.add.s32.msk $0xffff, v2  }
0x473: {  	s25 =	sadd.s32 $0x80, s25;
	[tilespmem:v12+s16+$0x0] =	vst.idx.add.s32.msk $0xffff, v2  }
0x474: {  	_ =	sdelay $0x3  }
0x475: {  	[tilespmem:v8+s16+$0x0] =	vst.idx.add.s32.msk $0xffff, v2  }
0x476: {  	[tilespmem:v6+s16+$0x0] =	vst.idx.add.s32.msk $0xffff, v2  }
0x477: {  	[tilespmem:v7+s16+$0x0] =	vst.idx.add.s32.msk $0xffff, v2;
	s0 =	simm.s32 $0x3F0  }
0x478: {  	v7 =	vld [tilespmem:s0+$0x18000];
	_ =	sdelay $0x1  }
0x479: {  	s29 =	simm.s32 $0x3E0  }
0x47a: {  	v9 =	vld [tilespmem:s29+$0x18000];
	_ =	sdelay $0x1  }
0x47b: {  	v6 =	vperm.xlane v7, v3  }
0x47c: {  	(xrf0) =	vadd.scan.msk.s32 $0xffff, v7  }
0x47d: {  	(xrf0) =	vadd.scan.msk.s32 $0xffff, v6  }
0x47e: {  	s30 =	simm.s32 $0x3D0;
	(xrf0) =	vadd.scan.msk.s32 $0xffff, v9  }
0x47f: {  	v8 =	vperm.xlane v9, v3;
	v9 =	vld [tilespmem:s30+$0x18000];
	_ =	sdelay $0x2  }
0x480: {  	v11, _, _ =	vpop (xrf0)  }
0x481: {  	(xrf0) =	vadd.scan.msk.s32 $0xffff, v8;
	v10, _, _ =	vpop (xrf0)  }
0x482: {  	(v2sf) =	vpush v11, $0xF;
	v7 =	vperm.xlane v9, v3;
	(xrf0) =	vadd.scan.msk.s32 $0xffff, v9;
	v9, _, _ =	vpop (xrf0)  }
0x483: {  	(v2sf) =	vpush v9, $0xF;
	_ =	sdelay $0x3  }
0x484: {  	s31 =	simm.s32 $0x3C0  }
0x485: {  	v12 =	vld [tilespmem:s31+$0x18000]  }
0x486: {  	(xrf0) =	vadd.scan.msk.s32 $0xffff, v7;
	_ =	sdelay $0x2  }
0x487: {  	s24 =	simm.s32 $0xEC0;
	v11, _, _ =	vpop (xrf0);
	v9 =	vimm.s32 $0x0  }
.LBB2_84:
0x488: {  	s0 =	sshra.s32 s24, $0x2;
	p0 =	sne.s32 s24, $0x0;
	s24 =	sadd.s32 $0xFFFFFFC0, s24;
	v13 =	vperm.xlane v12, v3;
	(xrf0) =	vadd.scan.msk.s32 $0xffff, v12;
	v14, _, _ =	vpop (xrf0);
	v15 =	vadd.s32 s23, v10;
	v10 =	vmov v11  }
.Ltmp50:
0x489: {  	v12 =	vld [tilespmem:s0+$0x18000];
	(v2sf) =	vpush v14, $0xF;
	vm0 =	vgt.s32 v15, $0x3FFF;
	(pc) =	sbr.rel @p0 .LBB2_84-.Ltmp50, $4  }
0x48a: {  	(xrf0) =	vadd.scan.msk.s32 $0xffff, v13;
	v11, _, _ =	vpop (xrf0);
	v14 =	vsel vm0, $0x1, v1;
	v15 =	vsel vm0, $0x0, v6;
	v6 =	vmov v8  }
0x48b: {  	v8 =	vmovc v7;
	v7 =	vmov v13;
	v5 =	vadd.s32 v14, v5;
	v9 =	vadd.s32 v9, v15  }
0x48c: {  	s0 =	spop (v2sf)  }
0x48d: {  	s23 =	sadd.s32 s23, s0  }
0x48e: {  	v13, _, _ =	vpop (xrf0)  }
0x48f: {  	(v2sf) =	vpush v13, $0xF;
	_ =	sdelay $0x7  }
0x490: {  	v13 =	vperm.xlane v12, v3  }
0x491: {  	(xrf0) =	vadd.scan.msk.s32 $0xffff, v12  }
0x492: {  	(xrf0) =	vadd.scan.msk.s32 $0xffff, v13  }
0x493: {  	v10 =	vadd.s32 s23, v10;
	s0 =	spop (v2sf)  }
0x494: {  	s0 =	sadd.s32 s23, s0  }
0x495: {  	v11 =	vadd.s32 s0, v11  }
0x496: {  	vm0 =	vgt.s32 v10, $0x3FFF;
	v10, _, _ =	vpop (xrf0);
	s28 =	spop (v2sf)  }
0x497: {  	v12 =	vsel vm0, $0x1, v1;
	v14, _, _ =	vpop (xrf0);
	s0 =	sadd.s32 s0, s28;
	s29 =	spop (v2sf)  }
0x498: {  	v5 =	vadd.s32 v12, v5;
	vm1 =	vgt.s32 v11, $0x3FFF;
	v11, _, _ =	vpop (xrf0);
	v10 =	vadd.s32 s0, v10;
	s0 =	sadd.s32 s0, s29  }
0x499: {  	v12 =	vsel vm1, $0x1, v1;
	vm2 =	vgt.s32 v10, $0x3FFF;
	v10 =	vadd.s32 s0, v11  }
0x49a: {  	v5 =	vadd.s32 v12, v5;
	v11 =	vsel vm2, $0x1, v1;
	vm3 =	vgt.s32 v10, $0x3FFF  }
0x49b: {  	v5 =	vadd.s32 v11, v5;
	v10 =	vsel vm3, $0x1, v1  }
0x49c: {  	v5 =	vadd.s32 v10, v5  }
0x49d: {  	(xrf0) =	vadd.scan.msk.s32 $0xffff, v5;
	_ =	sdelay $0x5  }
0x49e: {  	(v2sf) =	vpush v14, $0xF;
	v5, _, _ =	vpop (xrf0)  }
0x49f: {  	(v2sf) =	vpush v5, $0xF;
	_ =	sdelay $0x3  }
0x4a0: {  	s30 =	simm.s32 $0x8040  }
0x4a1: {  	v14 =	vld [tilespmem:s30+$0xFFFFFFD0]  }
0x4a2: {  	v5 =	vld [tilespmem:s30+$0xFFFFFFF0]  }
0x4a3: {  	v11 =	vld [tilespmem:s30+$0x0];
	v10 =	vsel vm0, $0x0, v6  }
0x4a4: {  	v6 =	vld [tilespmem:s30+$0x30];
	v9 =	vadd.s32 v9, v10;
	v10 =	vsel vm1, $0x0, v8  }
0x4a5: {  	v7 =	vsel vm2, $0x0, v7;
	v8 =	vld [tilespmem:s30+$0xFFFFFFC0];
	v9 =	vadd.s32 v9, v10  }
0x4a6: {  	v7 =	vadd.s32 v9, v7;
	v9 =	vld [tilespmem:s30+$0xFFFFFFE0]  }
0x4a7: {  	v12 =	vshrl.u32 v5, $0x10  }
0x4a8: {  	v16 =	vimm.s32 $0x0;
	v10 =	vsel vm3, $0x0, v13;
	v18 =	vand.u32 $0x3F, v12;
	v12 =	vld [tilespmem:s30+$0x20]  }
0x4a9: {  	v26 =	vshra.s32 v14, $0x16;
	v23 =	vshra.s32 v11, $0x16;
	v7 =	vadd.s32 v7, v10  }
0x4aa: {  	s31 =	spop (v2sf);
	v23 =	vadd.s32 $0x200, v23;
	v15 =	vshrl.u32 v6, $0x10;
	v19 =	vshra.s32 v6, $0x16  }
0x4ab: {  	v17 =	vshra.s32 v8, $0x16;
	v20 =	vand.u32 $0x3F, v15;
	v21 =	vshrl.u32 v9, $0x10;
	s23 =	spop (v2sf)  }
0x4ac: {  	v17 =	vadd.s32 $0x200, v17;
	v60 =	vand.u32 $0x3F, v21;
	v13 =	vshra.s32 v5, $0x16;
	s24 =	sadd.s32 $0xFFFFFFFF, s23  }
0x4ad: {  	v13 =	vadd.s32 $0x200, v13;
	v27 =	vshra.s32 v12, $0x16;
	v10 =	vmov s24  }
0x4ae: {  	v59 =	vshrl.u32 v12, $0x10;
	vm1 =	veq.s32 v13, v10;
	v13 =	vshrl.u32 v11, $0x10  }
0x4af: {  	vm2 =	veq.s32 v17, v10;
	v17 =	vadd.s32 $0x200, v19;
	v19 =	vand.u32 $0x3F, v13;
	v13 =	vld [tilespmem:s30+$0x10]  }
0x4b0: {  	v27 =	vadd.s32 $0x200, v27;
	vm5 =	veq.s32 v23, v10;
	vm0 =	veq.s32 v17, v10  }
0x4b1: {  	vm6 =	veq.s32 v27, v10;
	v15 =	vmpcnt.ones.xlane vm2;
	v24 =	vsel vm0, $0x1, v1  }
0x4b2: {  	v17 =	vsel vm1, $0x1, v1;
	v25 =	vsel vm2, $0x1, v1;
	(xrf0) =	vadd.scan.msk.s32 $0xffff, v24;
	v24 =	vshra.s32 v9, $0x16  }
0x4b3: {  	v28 =	vadd.s32 v16, v15;
	v15 =	vadd.s32 $0x200, v26;
	(xrf0) =	vadd.scan.msk.s32 $0xffff, v17;
	v17 =	vadd.s32 $0x200, v24  }
0x4b4: {  	vm4 =	veq.s32 v15, v10;
	vm7 =	veq.s32 v17, v10;
	v15 =	vshra.s32 v13, $0x16  }
0x4b5: {  	(xrf0) =	vadd.scan.msk.s32 $0xffff, v25;
	v24 =	vsel vm4, $0x1, v1;
	v25 =	vmpcnt.ones.xlane vm4;
	v15 =	vadd.s32 $0x200, v15  }
0x4b6: {  	v22 =	vmpcnt.ones.xlane vm1;
	v17 =	vsel vm7, $0x1, v1;
	(xrf0) =	vadd.scan.msk.s32 $0xffff, v24;
	vm3 =	veq.s32 v15, v10  }
0x4b7: {  	v29 =	vsel vm5, $0x1, v1;
	v24 =	vadd.s32 v28, v25;
	(xrf0) =	vadd.scan.msk.s32 $0xffff, v17;
	v25 =	vsel vm3, $0x1, v1  }
0x4b8: {  	v27 =	vmpcnt.ones.xlane vm6;
	v31 =	vsel vm6, $0x1, v1;
	v33 =	vmpcnt.ones.xlane vm5;
	v15, _, _ =	vpop (xrf0);
	(xrf0) =	vadd.scan.msk.s32 $0xffff, v25  }
0x4b9: {  	v26 =	vshrl.u32 v8, $0x10;
	v23 =	vmpcnt.ones.xlane vm7;
	v21 =	vshrl.u32 v13, $0x10;
	v17, _, _ =	vpop (xrf0);
	(xrf0) =	vadd.scan.msk.s32 $0xffff, v29  }
0x4ba: {  	v26 =	vand.u32 $0x3F, v26;
	v62 =	vand.u32 $0x3F, v21;
	v25 =	vshrl.u32 v14, $0x10  }
0x4bb: {  	[tilespmem:v18+s17+$0x0] =	vst.idx.add.s32.msk vm1, v2;
	v23 =	vadd.s32 v24, v23;
	v30 =	vmpcnt.ones.xlane vm3;
	v25 =	vand.u32 $0x3F, v25;
	v32, _, _ =	vpop (xrf0)  }
0x4bc: {  	v29 =	vand.u32 $0x3F, v59;
	v17 =	vadd.s32 v17, v23;
	(xrf0) =	vadd.scan.msk.s32 $0xffff, v31;
	v18 =	vadd.s32 v32, v16;
	v61, _, _ =	vpop (xrf0)  }
0x4bd: {  	[tilespmem:v20+s17+$0x0] =	vst.idx.add.s32.msk vm0, v2;
	v16 =	vmpcnt.ones.xlane vm0;
	v18 =	vadd.s32 $0xFFFFFFFF, v18;
	v20 =	vadd.s32 v61, v28;
	v63, _, _ =	vpop (xrf0)  }
0x4be: {  	[tilespmem:v19+s17+$0x0] =	vst.idx.add.s32.msk vm5, v2;
	vm8 =	vlt.s32 v18, $0xFFF;
	v21 =	vadd.s32 $0xFFFFFFFF, v20;
	v20 =	vadd.s32 v63, v24;
	v24, _, _ =	vpop (xrf0)  }
0x4bf: {  	[tilespmem:v26+s17+$0x0] =	vst.idx.add.s32.msk vm2, v2;
	v19 =	vnsel vm8, $0xFFF, v18;
	v18 =	vadd.s32 $0xFFFFFFFF, v20;
	v20 =	vadd.s32 v23, v22;
	v22, _, _ =	vpop (xrf0)  }
0x4c0: {  	[tilespmem:v60+s17+$0x0] =	vst.idx.add.s32.msk vm7, v2;
	vm8 =	vlt.s32 v21, $0xFFF;
	vm9 =	vlt.s32 v18, $0xFFF;
	v23 =	vadd.s32 v22, v20  }
0x4c1: {  	[tilespmem:v62+s17+$0x0] =	vst.idx.add.s32.msk vm3, v2;
	v22 =	vnsel vm9, $0xFFF, v18;
	v18 =	vadd.s32 v20, v33;
	v23 =	vadd.s32 $0xFFFFFFFF, v23  }
0x4c2: {  	[tilespmem:v25+s17+$0x0] =	vst.idx.add.s32.msk vm4, v2;
	v20 =	vadd.s32 v24, v18;
	v18 =	vadd.s32 v18, v30;
	v24, _, _ =	vpop (xrf0);
	vm9 =	vlt.s32 v23, $0xFFF  }
0x4c3: {  	s25 =	simm.s32 $0x80C0;
	s24 =	simm.s32 $0x0;
	[tilespmem:v29+s17+$0x0] =	vst.idx.add.s32.msk vm6, v2;
	v20 =	vadd.s32 $0xFFFFFFFF, v20;
	v24 =	vadd.s32 v24, v18;
	v18 =	vadd.s32 v18, v27  }
.LBB2_86:
0x4c4: {  	v25 =	vld [tilespmem:s25+$0xFFFFFFF0];
	s24 =	sadd.s32 $0x8, s24;
	v21 =	vnsel vm8, $0xFFF, v21;
	v17 =	vadd.s32 $0xFFFFFFFF, v17;
	v23 =	vnsel vm9, $0xFFF, v23  }
0x4c5: {  	v26 =	vld [tilespmem:s25+$0x30];
	p0 =	slt.u32 s24, $0x7F8;
	[tilespmem:v19+s18+$0x0] =	vst.idx.msk vm2, v8;
	vm2 =	vlt.s32 v17, $0xFFF  }
0x4c6: {  	v8 =	vld [tilespmem:s25+$0xFFFFFFC0];
	[tilespmem:v22+s18+$0x0] =	vst.idx.msk vm7, v9;
	v17 =	vnsel vm2, $0xFFF, v17;
	v9 =	vadd.s32 v15, v18  }
0x4c7: {  	v16 =	vadd.s32 v18, v16;
	v19 =	vadd.s32 $0xFFFFFFFF, v24;
	v15 =	vld [tilespmem:s25+$0x0];
	v22 =	vadd.s32 $0xFFFFFFFF, v9  }
0x4c8: {  	vm2 =	vlt.s32 v20, $0xFFF;
	vm7 =	vlt.s32 v19, $0xFFF;
	v9 =	vld [tilespmem:s25+$0xFFFFFFE0];
	vm8 =	vlt.s32 v22, $0xFFF  }
0x4c9: {  	v19 =	vnsel vm7, $0xFFF, v19;
	v18 =	vld [tilespmem:s25+$0xFFFFFFD0];
	v24 =	vshrl.u32 v25, $0x10;
	[tilespmem:v23+s18+$0x0] =	vst.idx.msk vm5, v11;
	v22 =	vnsel vm8, $0xFFF, v22  }
0x4ca: {  	v28 =	vshra.s32 v25, $0x16;
	v23 =	vand.u32 $0x3F, v24;
	v24 =	vld [tilespmem:s25+$0x20];
	v27 =	vshrl.u32 v26, $0x10;
	[tilespmem:v21+s18+$0x0] =	vst.idx.msk vm4, v14  }
0x4cb: {  	v21 =	vshra.s32 v26, $0x16;
	v14 =	vshra.s32 v8, $0x16;
	[tilespmem:v17+s18+$0x0] =	vst.idx.msk vm1, v5;
	v17 =	vnsel vm2, $0xFFF, v20;
	v5 =	vmovc v25  }
0x4cc: {  	v20 =	vadd.s32 $0x200, v28;
	v25 =	vand.u32 $0x3F, v27;
	v29 =	vadd.s32 $0x200, v14;
	v11 =	vmovc v15  }
0x4cd: {  	vm1 =	veq.s32 v20, v10;
	vm2 =	veq.s32 v29, v10;
	v27 =	vshrl.u32 v9, $0x10  }
0x4ce: {  	v21 =	vadd.s32 $0x200, v21;
	v20 =	vshrl.u32 v11, $0x10;
	v15 =	vmpcnt.ones.xlane vm2;
	[tilespmem:v19+s18+$0x0] =	vst.idx.msk vm6, v12;
	v14 =	vmovc v18  }
0x4cf: {  	v18 =	vmpcnt.ones.xlane vm1;
	v19 =	vand.u32 $0x3F, v20;
	[tilespmem:v22+s18+$0x0] =	vst.idx.msk vm0, v6;
	vm0 =	veq.s32 v21, v10;
	v6 =	vmovc v26  }
0x4d0: {  	v20 =	vsel vm1, $0x1, v1;
	v21 =	vshra.s32 v11, $0x16;
	v12 =	vmovc v24;
	v22 =	vsel vm0, $0x1, v1;
	[tilespmem:v17+s18+$0x0] =	vst.idx.msk vm3, v13;
	v13 =	vld [tilespmem:s25+$0x10]  }
0x4d1: {  	v24 =	vshra.s32 v14, $0x16;
	v17 =	vsel vm2, $0x1, v1;
	v26 =	vshra.s32 v12, $0x16;
	(xrf0) =	vadd.scan.msk.s32 $0xffff, v22  }
0x4d2: {  	v21 =	vadd.s32 $0x200, v21;
	v22 =	vshra.s32 v9, $0x16;
	v26 =	vadd.s32 $0x200, v26;
	(xrf0) =	vadd.scan.msk.s32 $0xffff, v20  }
0x4d3: {  	v20 =	vadd.s32 v16, v15;
	v15 =	vadd.s32 $0x200, v24;
	v22 =	vadd.s32 $0x200, v22;
	[tilespmem:v23+s17+$0x0] =	vst.idx.add.s32.msk vm1, v2  }
0x4d4: {  	vm5 =	veq.s32 v21, v10;
	vm4 =	veq.s32 v15, v10;
	vm7 =	veq.s32 v22, v10  }
0x4d5: {  	v21 =	vsel vm7, $0x1, v1;
	v22 =	vmpcnt.ones.xlane vm7;
	v29 =	vshra.s32 v13, $0x16;
	(xrf0) =	vadd.scan.msk.s32 $0xffff, v17  }
0x4d6: {  	v23 =	vmpcnt.ones.xlane vm4;
	v17 =	vsel vm4, $0x1, v1;
	v28 =	vadd.s32 $0x200, v29;
	[tilespmem:v25+s17+$0x0] =	vst.idx.add.s32.msk vm0, v2  }
0x4d7: {  	v24 =	vshrl.u32 v8, $0x10;
	v25 =	vsel vm5, $0x1, v1;
	vm3 =	veq.s32 v28, v10;
	(xrf0) =	vadd.scan.msk.s32 $0xffff, v17;
	v15, _, _ =	vpop (xrf0)  }
0x4d8: {  	v23 =	vadd.s32 v20, v23;
	v17 =	vsel vm3, $0x1, v1;
	v28 =	vmpcnt.ones.xlane vm3;
	(xrf0) =	vadd.scan.msk.s32 $0xffff, v21;
	v21, _, _ =	vpop (xrf0)  }
0x4d9: {  	vm6 =	veq.s32 v26, v10;
	v24 =	vand.u32 $0x3F, v24;
	v22 =	vadd.s32 v23, v22;
	(xrf0) =	vadd.scan.msk.s32 $0xffff, v17  }
0x4da: {  	v30 =	vshrl.u32 v14, $0x10;
	v29 =	vmpcnt.ones.xlane vm6;
	v17 =	vadd.s32 v21, v22;
	(xrf0) =	vadd.scan.msk.s32 $0xffff, v25  }
0x4db: {  	v21 =	vsel vm6, $0x1, v1;
	v25 =	vand.u32 $0x3F, v30;
	[tilespmem:v19+s17+$0x0] =	vst.idx.add.s32.msk vm5, v2;
	v19 =	vshrl.u32 v12, $0x10;
	v26, _, _ =	vpop (xrf0)  }
0x4dc: {  	v27 =	vand.u32 $0x3F, v27;
	v26 =	vadd.s32 v26, v16;
	v30 =	vand.u32 $0x3F, v19  }
0x4dd: {  	v31 =	vmpcnt.ones.xlane vm5;
	v33 =	vshrl.u32 v13, $0x10;
	v16 =	vmpcnt.ones.xlane vm0;
	v32, _, _ =	vpop (xrf0);
	(xrf0) =	vadd.scan.msk.s32 $0xffff, v21  }
0x4de: {  	[tilespmem:v24+s17+$0x0] =	vst.idx.add.s32.msk vm2, v2;
	v24 =	vadd.s32 $0xFFFFFFFF, v26;
	v20 =	vadd.s32 v32, v20;
	v26 =	vand.u32 $0x3F, v33;
	v19, _, _ =	vpop (xrf0)  }
0x4df: {  	vm8 =	vlt.s32 v24, $0xFFF;
	v21 =	vadd.s32 $0xFFFFFFFF, v20;
	v20 =	vadd.s32 v19, v23;
	v32, _, _ =	vpop (xrf0)  }
.Ltmp51:
0x4e0: {  	v18 =	vadd.s32 v22, v18;
	v19 =	vnsel vm8, $0xFFF, v24;
	[tilespmem:v25+s17+$0x0] =	vst.idx.add.s32.msk vm4, v2;
	v20 =	vadd.s32 $0xFFFFFFFF, v20;
	v22, _, _ =	vpop (xrf0);
	(pc) =	sbr.rel @p0 .LBB2_86-.Ltmp51, $4  }
0x4e1: {  	vm8 =	vlt.s32 v21, $0xFFF;
	[tilespmem:v27+s17+$0x0] =	vst.idx.add.s32.msk vm7, v2;
	vm9 =	vlt.s32 v20, $0xFFF;
	v23 =	vadd.s32 v22, v18  }
0x4e2: {  	v18 =	vadd.s32 v18, v31;
	v22 =	vnsel vm9, $0xFFF, v20;
	v23 =	vadd.s32 $0xFFFFFFFF, v23;
	[tilespmem:v30+s17+$0x0] =	vst.idx.add.s32.msk vm6, v2  }
0x4e3: {  	v20 =	vadd.s32 v32, v18;
	v18 =	vadd.s32 v18, v28;
	vm9 =	vlt.s32 v23, $0xFFF;
	v24, _, _ =	vpop (xrf0)  }
0x4e4: {  	s25 =	sadd.s32 $0x80, s25;
	v20 =	vadd.s32 $0xFFFFFFFF, v20;
	[tilespmem:v26+s17+$0x0] =	vst.idx.add.s32.msk vm3, v2;
	v24 =	vadd.s32 v24, v18;
	v18 =	vadd.s32 v18, v29  }
0x4e5: {  	_ =	sdelay $0x1  }
0x4e6: {  	v10 =	vnsel vm8, $0xFFF, v21;
	v43 =	vnsel vm9, $0xFFF, v23  }
0x4e7: {  	v17 =	vadd.s32 $0xFFFFFFFF, v17;
	v15 =	vadd.s32 v15, v18;
	vm11 =	vlt.s32 v20, $0xFFF  }
0x4e8: {  	v44 =	vadd.s32 $0xFFFFFFFF, v24;
	vm14 =	vlt.s32 v17, $0xFFF;
	v47 =	vnsel vm11, $0xFFF, v20  }
0x4e9: {  	[tilespmem:v19+s18+$0x0] =	vst.idx.msk vm2, v8;
	v15 =	vadd.s32 $0xFFFFFFFF, v15;
	vm15 =	vlt.s32 v44, $0xFFF;
	v17 =	vnsel vm14, $0xFFF, v17  }
0x4ea: {  	[tilespmem:v22+s18+$0x0] =	vst.idx.msk vm7, v9;
	vm10 =	vlt.s32 v15, $0xFFF;
	v45 =	vnsel vm15, $0xFFF, v44  }
0x4eb: {  	v46 =	vnsel vm10, $0xFFF, v15;
	[tilespmem:v43+s18+$0x0] =	vst.idx.msk vm5, v11  }
0x4ec: {  	[tilespmem:v10+s18+$0x0] =	vst.idx.msk vm4, v14  }
0x4ed: {  	[tilespmem:v47+s18+$0x0] =	vst.idx.msk vm3, v13  }
0x4ee: {  	[tilespmem:v17+s18+$0x0] =	vst.idx.msk vm1, v5  }
0x4ef: {  	[tilespmem:v45+s18+$0x0] =	vst.idx.msk vm6, v12  }
0x4f0: {  	[tilespmem:v46+s18+$0x0] =	vst.idx.msk vm0, v6  }
0x4f1: {  	v5 =	vld [tilespmem:$0x18430];
	_ =	sdelay $0x1  }
0x4f2: {  	v6 =	vld [tilespmem:$0x18420];
	_ =	sdelay $0x1  }
0x4f3: {  	v8 =	vld [tilespmem:$0x18410]  }
0x4f4: {  	v48 =	vperm.xlane v5, v3  }
0x4f5: {  	(xrf0) =	vadd.scan.msk.s32 $0xffff, v7  }
0x4f6: {  	v7 =	vperm.xlane v6, v3;
	(xrf0) =	vadd.scan.msk.s32 $0xffff, v48  }
0x4f7: {  	(xrf0) =	vadd.scan.msk.s32 $0xffff, v5  }
0x4f8: {  	v5 =	vperm.xlane v8, v3;
	(xrf0) =	vadd.scan.msk.s32 $0xffff, v7  }
0x4f9: {  	(xrf0) =	vadd.scan.msk.s32 $0xffff, v6  }
0x4fa: {  	(xrf0) =	vadd.scan.msk.s32 $0xffff, v5  }
0x4fb: {  	v6, _, _ =	vpop (xrf0);
	(xrf0) =	vadd.scan.msk.s32 $0xffff, v8  }
0x4fc: {  	v49, _, _ =	vpop (xrf0)  }
0x4fd: {  	v50, _, _ =	vpop (xrf0)  }
0x4fe: {  	v51, _, _ =	vpop (xrf0)  }
0x4ff: {  	(v2sf) =	vpush v6, $0xF;
	v52, _, _ =	vpop (xrf0)  }
0x500: {  	(v2sf) =	vpush v50, $0xF;
	v6, _, _ =	vpop (xrf0)  }
0x501: {  	v54 =	vld [tilespmem:$0x18400];
	(v2sf) =	vpush v52, $0xF;
	v53, _, _ =	vpop (xrf0)  }
0x502: {  	(v2sf) =	vpush v53, $0xF;
	_ =	sdelay $0x3  }
0x503: {  	v12 =	vperm.xlane v54, v3  }
0x504: {  	v55 =	vadd.s32 v18, v16  }
0x505: {  	v13 =	vxor.u32 $0x80000000, v55;
	(xrf0) =	vadd.scan.msk.s32 $0xffff, v12  }
0x506: {  	(xrf0) =	vmax.scan.msk.u32 $0xffff, v13;
	_ =	sdelay $0x4  }
0x507: {  	v10 =	vbroadcast v50, $0xF;
	v60, _, _ =	vpop (xrf0);
	s0 =	spop (v2sf)  }
0x508: {  	v61, _, _ =	vpop (xrf0);
	s28 =	spop (v2sf)  }
0x509: {  	v56 =	vadd.s32 v10, v51;
	(v2sf) =	vpush v61, $0xF;
	s24 =	ssub.s32 $0x4000, s0;
	s25 =	spop (v2sf)  }
0x50a: {  	vm12 =	vge.s32 v49, s24;
	vm13 =	vge.s32 v56, s24;
	s0 =	sadd.s32 s28, s25;
	s29 =	spop (v2sf)  }
0x50b: {  	v57 =	vsel vm12, $0x1, v1;
	v58 =	vsel vm12, $0x0, v48;
	v6 =	vadd.s32 s0, v6;
	s0 =	sadd.s32 s0, s29  }
0x50c: {  	v59 =	vsel vm13, $0x1, v1;
	vm14 =	vge.s32 v6, s24;
	v6 =	vadd.s32 s0, v60  }
0x50d: {  	v9 =	vadd.s32 v59, v57;
	v62 =	vsel vm14, $0x1, v1;
	vm15 =	vge.s32 v6, s24  }
0x50e: {  	v6 =	vsel vm13, $0x0, v7;
	v7 =	vadd.s32 v62, v9;
	v63 =	vsel vm15, $0x1, v1  }
0x50f: {  	v5 =	vsel vm14, $0x0, v5;
	v6 =	vadd.s32 v58, v6;
	v7 =	vadd.s32 v63, v7  }
0x510: {  	v5 =	vadd.s32 v6, v5;
	v6 =	vsel vm15, $0x0, v12;
	(xrf0) =	vadd.scan.msk.s32 $0xffff, v7  }
0x511: {  	v5 =	vadd.s32 v5, v6  }
0x512: {  	(xrf0) =	vadd.scan.msk.s32 $0xffff, v5;
	_ =	sdelay $0x3  }
0x513: {  	v5, _, _ =	vpop (xrf0)  }
0x514: {  	(v2sf) =	vpush v5, $0xF  }
0x515: {  	s30 =	spop (v2sf);
	v5, _, _ =	vpop (xrf0)  }
0x516: {  	s0 =	sxor.u32 $0x80000000, s30;
	(v2sf) =	vpush v5, $0xF  }
0x517: {  	p0 =	slt.s32 s0, $0x1000;
	s26 =	smov.u32 s0  }
0x518: {  	s26 =	simm.s32 @!p0 $0x1000  }
0x519: {  	s31 =	sadd.s32 $0xF, s26  }
0x51a: {  	s28 =	sand.u32 $0xF, s31  }
0x51b: {  	p6 =	slt.s32 s0, $0xFFFFFFF2;
	s29 =	sshra.s32 s31, $0x1F;
	p1 =	sne.s32 s28, $0x0  }
0x51c: {  	s30 =	sshrl.u32 s29, $0x1C;
	p0 =	por !p6, !p1  }
0x51d: {  	s25 =	simm.s32 $0x1;
	s0 =	sadd.s32 s30, s31;
	p0 =	por !p0, !p0  }
0x51e: {  	s0 =	sshra.s32 s0, $0x4;
	s25 =	simm.s32 @!p0 $0x0  }
0x51f: {  	s0 =	ssub.s32 s0, s25  }
0x520: {  	p0 =	slt.s32 s0, $0x1  }
.Ltmp52:
0x521: {  	_ = 	snop;
	(pc) =	sbr.rel @p0 .LBB2_88-.Ltmp52, $4  }
0x522: {  	_ = 	snop  }
0x523: {  	s23 =	sshll.u32 s23, $0x6;
	s31 =	spop (v2sf)  }
0x524: {  	s23 =	sadd.s32 $0xFFFF7FC0, s23;
	s28 =	sadd.s32 $0xFFFFFFFF, s31  }
0x525: {  	s25 =	spop (v2sf);
	s23 =	sor.u32 s23, s28  }
0x526: {  	p1 =	sne.s32 s0, $0x1  }
.Ltmp53:
0x527: {  	_ = 	snop;
	(pc) =	sbr.rel @!p1 .LBB2_90-.Ltmp53, $3  }
0x528: {  	_ =	sdelay $0x1  }
0x529: {  	s28 =	simm.s32 $0x18480  }
0x52a: {  	v6 =	vmov s23;
	v7 =	vmov s26;
	v10 =	vimm.s32 $0x0;
	s26 =	simm.s32 $0x0;
	s0 =	sadd.s32 $0xFFFFFFFF, s0;
	p0 =	por $0x0, $0x0;
	v5 =	vld [tilespmem:s28+$0x0]  }
0x52b: {  	_ =	sdelay $0x3  }
0x52c: {  	v9 =	vor.u32 s26, v0;
	v8 =	vshra.s32 v5, $0x10  }
0x52d: {  	vm1 =	vlt.s32 v9, v7;
	vm0 =	veq.s32 v8, v6  }
0x52e: {  	vm0 =	vmand vm1, vm0  }
0x52f: {  	v8 =	vsel vm0, $0x1, v1  }
0x530: {  	(xrf0) =	vadd.scan.msk.s32 $0xffff, v8;
	_ =	sdelay $0x5  }
0x531: {  	v8, _, _ =	vpop (xrf0)  }
0x532: {  	v8 =	vadd.s32 v8, v10  }
0x533: {  	v8 =	vadd.s32 $0xFFFFFFFF, v8  }
0x534: {  	vm15 =	vlt.s32 v8, $0x1FF  }
0x535: {  	v8 =	vnsel vm15, $0x1FF, v8  }
0x536: {  	p1 =	sne.s32 s0, $0x1  }
.Ltmp54:
0x537: {  	_ = 	snop;
	(pc) =	sbr.rel @!p1 .LBB2_92-.Ltmp54, $3  }
0x538: {  	v9 =	vmpcnt.ones.xlane vm0;
	_ =	sdelay $0x1  }
0x539: {  	s29 =	simm.s32 $0x18490;
	v9 =	vadd.s32 v10, v9;
	[tilespmem:v8+s19+$0x0] =	vst.idx.msk vm0, v5  }
0x53a: {  	s30 =	sadd.s32 $0xFFFFFFFF, s0;
	p0 =	por $0x1, $0x1;
	s28 =	simm.s32 $0x0;
	v8 =	vmov v9;
	v5 =	vld [tilespmem:s29+$0x0]  }
.LBB2_93:
0x53b: {  	p1 =	sne.s32 s30, $0x1;
	_ =	sdelay $0x2  }
0x53c: {  	s28 =	sadd.s32 $0x10, s28  }
0x53d: {  	v11 =	vor.u32 s28, v0;
	v10 =	vshra.s32 v5, $0x10  }
0x53e: {  	vm1 =	vlt.s32 v11, v7;
	vm0 =	veq.s32 v10, v6  }
0x53f: {  	vm0 =	vmand vm1, vm0  }
0x540: {  	v10 =	vsel vm0, $0x1, v1;
	v11 =	vmpcnt.ones.xlane vm0  }
0x541: {  	(xrf0) =	vadd.scan.msk.s32 $0xffff, v10  }
0x542: {  	v9 =	vadd.s32 v9, v11;
	_ =	sdelay $0x4  }
0x543: {  	v10, _, _ =	vpop (xrf0)  }
0x544: {  	v10 =	vadd.s32 v10, v8;
	v8 =	vmov v9  }
0x545: {  	v10 =	vadd.s32 $0xFFFFFFFF, v10  }
0x546: {  	vm1 =	vlt.s32 v10, $0x1FF  }
0x547: {  	v10 =	vnsel vm1, $0x1FF, v10;
	_ =	sdelay $0x1  }
.Ltmp55:
0x548: {  	(pc) =	sbr.rel @p1 .LBB2_93-.Ltmp55, $3  }
0x549: {  	_ =	sdelay $0x1  }
0x54a: {  	s29 =	sadd.s32 $0x10, s29;
	[tilespmem:v10+s19+$0x0] =	vst.idx.msk vm0, v5  }
0x54b: {  	s30 =	sadd.s32 $0xFFFFFFFF, s30;
	v5 =	vld [tilespmem:s29+$0x0]  }
0x54c: {  	v10 =	vmov v9  }
.LBB2_95:
0x54d: {  	_ = 	snop  }
0x54e: {  	s0 =	sadd.s32 @p0 $0x10, s28  }
0x54f: {  	s26 =	smov.u32 @p0 s0  }
0x550: {  	v11 =	vor.u32 s26, v0;
	v9 =	vshra.s32 v5, $0x10  }
0x551: {  	vm1 =	vlt.s32 v11, v7;
	vm0 =	veq.s32 v9, v6  }
0x552: {  	vm0 =	vmand vm1, vm0  }
0x553: {  	v6 =	vsel vm0, $0x1, v1  }
0x554: {  	(xrf0) =	vadd.scan.msk.s32 $0xffff, v6;
	_ =	sdelay $0x5  }
0x555: {  	v6, _, _ =	vpop (xrf0)  }
0x556: {  	v6 =	vadd.s32 v6, v8  }
0x557: {  	v6 =	vadd.s32 $0xFFFFFFFF, v6  }
0x558: {  	vm15 =	vlt.s32 v6, $0x1FF  }
0x559: {  	v6 =	vnsel vm15, $0x1FF, v6  }
.Ltmp56:
0x55a: {  	_ = 	snop;
	(pc) =	sbr.rel .LBB2_96-.Ltmp56, $3  }
0x55b: {  	v7 =	vmpcnt.ones.xlane vm0;
	_ =	sdelay $0x1  }
0x55c: {  	v7 =	vadd.s32 v10, v7  }
0x55d: {  	[tilespmem:v6+s19+$0x0] =	vst.idx.msk vm0, v5;
	v5 =	vxor.u32 $0x80000000, v7  }
.LBB2_88:
0x55e: {  	v5 =	vimm.s32 $0x80000000  }
.LBB2_96:
0x55f: {  	(xrf0) =	vmax.scan.msk.u32 $0xffff, v5;
	_ =	sdelay $0x5  }
0x560: {  	v5, _, _ =	vpop (xrf0)  }
0x561: {  	(v2sf) =	vpush v5, $0xF;
	_ =	sdelay $0xe  }
0x562: {  	s0 =	spop (v2sf)  }
0x563: {  	s0 =	sxor.u32 $0x80000000, s0  }
0x564: {  	p0 =	slt.s32 s0, $0x200  }
0x565: {  	p1 =	slt.s32 s0, $0xFFFFFFF2;
	s0 =	simm.s32 @!p0 $0x200  }
0x566: {  	s26 =	sadd.s32 $0xF, s0  }
0x567: {  	s28 =	sand.u32 $0xF, s26  }
0x568: {  	p6 =	sne.s32 s28, $0x0;
	s28 =	sshra.s32 s26, $0x1F  }
.Ltmp57:
0x569: {  	s28 =	sshrl.u32 s28, $0x1C;
	p0 =	por !p1, !p6;
	(pc) =	sbr.rel .LBB2_97-.Ltmp57, $4  }
0x56a: {  	s26 =	sadd.s32 s28, s26;
	p0 =	por !p0, !p0;
	s28 =	simm.s32 $0x1  }
0x56b: {  	s26 =	sshra.s32 s26, $0x4;
	s28 =	simm.s32 @!p0 $0x0  }
0x56c: {  	s24 =	ssub.s32 s24, s25;
	s23 =	sshll.u32 s23, $0x10;
	s26 =	ssub.s32 s26, s28  }
0x56d: {  	s29 =	simm.s32 $0x0;
	v5 =	vmov s0;
	s28 =	simm.s32 $0x0;
	p0 =	slt.s32 s26, $0x1  }
.LBB2_98:
0x56e: {  	v6 =	vimm.s32 $0x0  }
.LBB2_102:
0x56f: {  	(xrf0) =	vadd.scan.msk.s32 $0xffff, v6;
	_ =	sdelay $0x5  }
0x570: {  	v6, _, _ =	vpop (xrf0)  }
0x571: {  	(v2sf) =	vpush v6, $0xF;
	_ =	sdelay $0xe  }
0x572: {  	s0 =	spop (v2sf)  }
0x573: {  	s29 =	sadd.s32 $0x1, s29;
	p1 =	slt.s32 s0, s24  }
0x574: {  	s25 =	smov.u32 @p1 s28;
	p1 =	sne.s32 s29, $0x10  }
.Ltmp58:
0x575: {  	_ = 	snop;
	(pc) =	sbr.rel @!p1 .LBB2_103-.Ltmp58, $2  }
0x576: {  	_ =	sdelay $0x2  }
0x577: {  	s28 =	smov.u32 s25  }
.LBB2_97:
.Ltmp59:
0x578: {  	(pc) =	sbr.rel @p0 .LBB2_98-.Ltmp59, $3  }
0x579: {  	_ =	sdelay $0x1  }
0x57a: {  	s0 =	sshrl.u32 s15, s29  }
0x57b: {  	s25 =	sor.u32 s0, s28  }
0x57c: {  	s0 =	simm.s32 $0x19480  }
0x57d: {  	p1 =	sne.s32 s26, $0x1;
	v8 =	vld [tilespmem:s0+$0x0]  }
.Ltmp60:
0x57e: {  	_ = 	snop;
	(pc) =	sbr.rel @!p1 .LBB2_101-.Ltmp60, $4  }
0x57f: {  	_ = 	snop  }
0x580: {  	s30 =	simm.s32 $0x0;
	s0 =	sor.u32 s23, s25  }
0x581: {  	v9 =	vor.u32 s30, v0;
	v7 =	vmov s0  }
0x582: {  	v6 =	vimm.s32 $0x0;
	s31 =	sadd.s32 $0xFFFFFFFF, s26;
	vm0 =	vlt.s32 v9, v5;
	s0 =	simm.s32 $0x19490;
	vm1 =	vge.s32 v8, v7  }
.LBB2_100:
0x583: {  	v8 =	vld [tilespmem:s0+$0x0];
	p1 =	sne.s32 s31, $0x1;
	s31 =	sadd.s32 $0xFFFFFFFF, s31;
	vm0 =	vmand vm0, vm1  }
.Ltmp61:
0x584: {  	v9 =	vsel vm0, $0x1, v1;
	(pc) =	sbr.rel @p1 .LBB2_100-.Ltmp61, $4  }
0x585: {  	v6 =	vadd.s32 v9, v6  }
0x586: {  	s30 =	sadd.s32 $0x10, s30  }
0x587: {  	v9 =	vor.u32 s30, v0  }
0x588: {  	s0 =	sadd.s32 $0x10, s0;
	vm0 =	vlt.s32 v9, v5;
	vm1 =	vge.s32 v8, v7  }
.LBB2_101:
.Ltmp62:
0x589: {  	(pc) =	sbr.rel .LBB2_102-.Ltmp62, $4  }
0x58a: {  	_ = 	snop  }
0x58b: {  	vm0 =	vmand vm0, vm1  }
0x58c: {  	v7 =	vsel vm0, $0x1, v1  }
0x58d: {  	v6 =	vadd.s32 v7, v6  }
.LBB2_103:
0x58e: {  	_ =	swait.ge [sflag:s21], $0x8000  }
0x58f: {  	[sflag:s21] =	ssyncset.done $0x0  }
0x590: {  	s0 =	simm.s32 $0x8040;
	[sflag:s21] =	ssyncadd.s32 $0xFFFF8000  }
0x591: {  	v8 =	vld [tilespmem:s0+$0x30]  }
0x592: {  	v10 =	vld [tilespmem:s0+$0xFFFFFFD0]  }
0x593: {  	v12 =	vld [tilespmem:s0+$0xFFFFFFE0]  }
0x594: {  	s23 =	sor.u32 s23, s25;
	v9 =	vld [tilespmem:s0+$0xFFFFFFF0]  }
0x595: {  	v5 =	vmov s23;
	v7 =	vld [tilespmem:s0+$0x0]  }
0x596: {  	v6 =	vld [tilespmem:s0+$0x10];
	vm0 =	vlt.s32 v8, v5  }
0x597: {  	s23 =	simm.s32 $0x10040;
	vm1 =	vlt.s32 v10, v5;
	v8 =	vld [tilespmem:s0+$0x20];
	v13 =	vsel vm0, $0x0, v4  }
0x598: {  	s24 =	simm.s32 $0x0;
	s25 =	simm.s32 $0x80C0;
	v10 =	vld [tilespmem:s0+$0xFFFFFFC0];
	v11 =	vsel vm1, $0x0, v4;
	vm0 =	vlt.s32 v12, v5;
	[tilespmem:s23+$0x30] =	vst v13  }
.LBB2_104:
0x599: {  	v12 =	vld [tilespmem:s25+$0x30];
	s24 =	sadd.s32 $0x8, s24;
	[tilespmem:s23+$0xFFFFFFD0] =	vst v11;
	v11 =	vsel vm0, $0x0, v4;
	vm0 =	vlt.s32 v9, v5  }
0x59a: {  	v13 =	vld [tilespmem:s25+$0xFFFFFFD0];
	p0 =	slt.u32 s24, $0x7F8;
	[tilespmem:s23+$0xFFFFFFE0] =	vst v11;
	v9 =	vsel vm0, $0x0, v4;
	vm0 =	vlt.s32 v7, v5  }
0x59b: {  	v14 =	vld [tilespmem:s25+$0xFFFFFFE0];
	[tilespmem:s23+$0xFFFFFFF0] =	vst v9;
	v7 =	vsel vm0, $0x0, v4;
	vm0 =	vlt.s32 v6, v5  }
.Ltmp63:
0x59c: {  	v9 =	vld [tilespmem:s25+$0xFFFFFFF0];
	[tilespmem:s23+$0x0] =	vst v7;
	v6 =	vsel vm0, $0x0, v4;
	vm0 =	vlt.s32 v8, v5;
	(pc) =	sbr.rel @p0 .LBB2_104-.Ltmp63, $4  }
0x59d: {  	v7 =	vld [tilespmem:s25+$0x0];
	vm1 =	vlt.s32 v10, v5;
	[tilespmem:s23+$0x10] =	vst v6;
	v8 =	vsel vm0, $0x0, v4  }
0x59e: {  	v6 =	vld [tilespmem:s25+$0x10];
	vm0 =	vlt.s32 v12, v5;
	v10 =	vsel vm1, $0x0, v4;
	[tilespmem:s23+$0x20] =	vst v8  }
0x59f: {  	vm1 =	vlt.s32 v13, v5;
	v8 =	vld [tilespmem:s25+$0x20];
	v12 =	vsel vm0, $0x0, v4;
	[tilespmem:s23+$0xFFFFFFC0] =	vst v10;
	s23 =	sadd.s32 $0x80, s23  }
0x5a0: {  	v10 =	vld [tilespmem:s25+$0xFFFFFFC0];
	v11 =	vsel vm1, $0x0, v4;
	vm0 =	vlt.s32 v14, v5;
	[tilespmem:s23+$0x30] =	vst v12;
	s25 =	sadd.s32 $0x80, s25  }
0x5a1: {  	[tilespmem:s23+$0xFFFFFFD0] =	vst v11;
	v63 =	vsel vm0, $0x0, v4;
	vm12 =	vlt.s32 v9, v5  }
0x5a2: {  	[tilespmem:s23+$0xFFFFFFE0] =	vst v63;
	v9 =	vsel vm12, $0x0, v4;
	vm13 =	vlt.s32 v7, v5  }
0x5a3: {  	[tilespmem:s23+$0xFFFFFFF0] =	vst v9;
	v7 =	vsel vm13, $0x0, v4;
	vm14 =	vlt.s32 v6, v5  }
0x5a4: {  	[tilespmem:s23+$0x0] =	vst v7;
	v6 =	vsel vm14, $0x0, v4;
	vm15 =	vlt.s32 v8, v5  }
0x5a5: {  	vm1 =	vlt.s32 v10, v5;
	[tilespmem:s23+$0x10] =	vst v6;
	v5 =	vsel vm15, $0x0, v4  }
0x5a6: {  	s22 =	sadd.s32 $0x1, s22;
	v6 =	vsel vm1, $0x0, v4;
	[tilespmem:s23+$0x20] =	vst v5  }
0x5a7: {  	p0 =	sne.s32 s22, s11;
	[tilespmem:s23+$0xFFFFFFC0] =	vst v6  }
0x5a8: {  	[hbm4b:s10+s12] =	stream.strided.scatter [tilespmem:s20], [sflag:$0x2], $0x8000, s13, s12, $0x38;
	[tilespmem:$0x19680] =	vst v63  }
.Ltmp64:
0x5a9: {  	_ = 	snop;
	(pc) =	sbr.rel @p0 .LBB2_1-.Ltmp64, $4  }
.Ltmp65:
0x5aa: {  	_ = 	snop;
	(pc) =	sbr.rel @!p0 .LBB2_106-.Ltmp65, $4  }
0x5ab: {  	_ =	swait.ge [sflag:s21], $0x8000  }
0x5ac: {  	[sflag:s21] =	ssyncset.done $0x0  }
0x5ad: {  	[sflag:s21] =	ssyncadd.s32 $0xFFFF8000  }
0x5ae: {  	_ = 	snop  }
.LBB2_12:
.Ltmp66:
0x5af: {  	(pc) =	sbr.rel .LBB2_17-.Ltmp66, $2  }
0x5b0: {  	_ =	sdelay $0x2  }
0x5b1: {  	s28 =	simm.s32 $0x0;
	v8 =	vimm.s32 $0x0  }
.LBB2_38:
.Ltmp67:
0x5b2: {  	(pc) =	sbr.rel .LBB2_43-.Ltmp67, $2  }
0x5b3: {  	_ =	sdelay $0x2  }
0x5b4: {  	s28 =	simm.s32 $0x0;
	v8 =	vimm.s32 $0x0  }
.LBB2_64:
.Ltmp68:
0x5b5: {  	(pc) =	sbr.rel .LBB2_69-.Ltmp68, $2  }
0x5b6: {  	_ =	sdelay $0x2  }
0x5b7: {  	s28 =	simm.s32 $0x0;
	v8 =	vimm.s32 $0x0  }
.LBB2_90:
.Ltmp69:
0x5b8: {  	(pc) =	sbr.rel .LBB2_95-.Ltmp69, $2  }
0x5b9: {  	_ =	sdelay $0x2  }
0x5ba: {  	s28 =	simm.s32 $0x0;
	v8 =	vimm.s32 $0x0  }
.LBB2_14:
.Ltmp70:
0x5bb: {  	(pc) =	sbr.rel .LBB2_17-.Ltmp70, $2  }
0x5bc: {  	_ =	sdelay $0x2  }
0x5bd: {  	s28 =	simm.s32 $0x0;
	v10 =	vmov v9;
	v8 =	vmov v9  }
.LBB2_40:
.Ltmp71:
0x5be: {  	(pc) =	sbr.rel .LBB2_43-.Ltmp71, $2  }
0x5bf: {  	_ =	sdelay $0x2  }
0x5c0: {  	s28 =	simm.s32 $0x0;
	v10 =	vmov v9;
	v8 =	vmov v9  }
.LBB2_66:
.Ltmp72:
0x5c1: {  	(pc) =	sbr.rel .LBB2_69-.Ltmp72, $2  }
0x5c2: {  	_ =	sdelay $0x2  }
0x5c3: {  	s28 =	simm.s32 $0x0;
	v10 =	vmov v9;
	v8 =	vmov v9  }
.LBB2_92:
.Ltmp73:
0x5c4: {  	(pc) =	sbr.rel .LBB2_95-.Ltmp73, $2  }
0x5c5: {  	_ =	sdelay $0x2  }
0x5c6: {  	s28 =	simm.s32 $0x0;
	v10 =	vmov v9;
	v8 =	vmov v9  }
.LBB2_106:
0x5c7: {  	_ =	sfence.sel $0x180000  }
0x5c8: {  	[bflag:$0x0] =	sbarrier.arrive $0xFFFF  }
0x5c9: {  	_ =	strace $0x90000047  }
0x5ca: {  	[bflag:$0x2] =	sbarrier.arrive $0xFFFF  }
0x5cb: {  	p0 =	sne.s32 s1, $0x0;
	s0 =	rddreg [dreg:$0x2]  }
0x5cc: {  	s0 =	sadd.s32 @!p0 $0x100000, s0  }
0x5cd: {  	[sflag:s0] =	ssyncadd.tile.s32 @!p0 $0x1;
	_ =	shalt  }
.Lfunc_end2:
_tile_overlayer_lowered:
.L_overlay_start_2:
0x5ce: {  	(tag) =	ssettag $0x2  }
0x5cf: {  	s0 =	rddreg [dreg:$0x0];
	s2 =	stileid.u32  }
0x5d0: {  	s1 =	rddreg [dreg:$0x1];
	p0 =	sne.s32 s2, $0x0  }
0x5d1: {  	s3 =	rddreg [dreg:$0x2];
	[bflag:$0x3] =	sbarrier.arrive $0xFFFF;
	s2 =	simm.s32 @!p0 $0x1C03  }
0x5d2: {  	[timem:s3], [sflag:s2] =	dma.local @!p0 [hbm:s0], s1  }
0x5d3: {  	s0 =	simm.s32 @!p0 $0x3  }
0x5d4: {  	_ =	swait.ge @!p0 [sflag:s0], s1  }
0x5d5: {  	s1 =	ssub.s32 @!p0 $0x0, s1;
	[sflag:s0] =	ssyncset.done @!p0 $0x0  }
0x5d6: {  	[sflag:s0] =	ssyncadd.s32 @!p0 s1  }
0x5d7: {  	[bflag:$0x3] =	sbarrier.arrive $0xFFFF  }
0x5d8: {  	_ =	shalt  }

</sc_bundles>
